<compile_context>
chip_gen: v7x
topology: tpu7x:2x2x1
jax: 0.10.2.dev20260603
libtpu: 0.0.44.dev20260713+nightly
codegen_flags: <defaults>
</compile_context>

<pallas_src>
import functools

import jax
import jax.numpy as jnp
from jax import lax
from jax.experimental import pallas as pl
from jax.experimental.pallas import tpu as pltpu
from jax.experimental.pallas import tpu_sc as plsc

_NC = 2
_NS = 16
_NW = _NC * _NS
_CH = 128
_R = 8


def _ceil_to(v, m):
    return -(-v // m) * m



@functools.lru_cache(None)
def _sc_degree(n_pad, rows_per_tile):
    slice_rows = n_pad // _NS
    n_super = rows_per_tile // _R
    mesh = plsc.VectorSubcoreMesh(core_axis_name="c", subcore_axis_name="s")

    def body(dst_hbm, ones_hbm, z_hbm, out_hbm, dst_v, ones_v, acc, sem):
        c = lax.axis_index("c")
        s = lax.axis_index("s")
        pltpu.sync_copy(z_hbm, acc.at[pl.ds(s * slice_rows, slice_rows)])
        pltpu.sync_copy(ones_hbm, ones_v)
        plsc.subcore_barrier()
        base = (c * _NS + s) * rows_per_tile

        def step(i, carry):
            b = lax.rem(i, 2)
            row0 = base + i * _R

            @pl.when(i >= 2)
            def _():
                for j in range(_R):
                    pltpu.make_async_copy(
                        ones_v, acc.at[dst_v.at[b, j]], sem).wait()

            pltpu.sync_copy(dst_hbm.at[pl.ds(row0, _R)], dst_v.at[b])
            for j in range(_R):
                pltpu.async_copy(ones_v, acc.at[dst_v.at[b, j]], sem,
                                 add=True)
            return carry

        lax.fori_loop(0, n_super, step, 0)
        for slot in range(2):
            for j in range(_R):
                pltpu.make_async_copy(
                    ones_v, acc.at[dst_v.at[slot, j]], sem).wait()
        plsc.subcore_barrier()
        pltpu.sync_copy(acc.at[pl.ds(s * slice_rows, slice_rows)],
                        out_hbm.at[c, pl.ds(s * slice_rows, slice_rows)])

    return pl.kernel(
        body,
        out_type=jax.ShapeDtypeStruct((_NC, n_pad, 8), jnp.float32),
        mesh=mesh,
        compiler_params=pltpu.CompilerParams(use_tc_tiling_on_sc=False),
        scratch_types=[
            pltpu.VMEM((2, _R, _CH), jnp.int32),
            pltpu.VMEM((_CH, 8), jnp.float32),
            pltpu.VMEM_SHARED((n_pad, 8), jnp.float32),
            pltpu.SemaphoreType.DMA,
        ],
    )


@functools.lru_cache(None)
def _sc_agg(d, n_pad, rows_per_tile, edge_split, r=_R):
    slice_rows = n_pad // _NS
    n_super = rows_per_tile // r
    mesh = plsc.VectorSubcoreMesh(core_axis_name="c", subcore_axis_name="s")

    def body(ei_hbm, g_hbm, z_hbm, out_hbm,
             idx_v, rows_v, acc, gsem, ssem):
        c = lax.axis_index("c")
        s = lax.axis_index("s")
        pltpu.sync_copy(z_hbm, acc.at[pl.ds(s * slice_rows, slice_rows)])
        plsc.subcore_barrier()
        if edge_split:
            base = (c * _NS + s) * rows_per_tile
        else:
            base = s * rows_per_tile

        def step(i, carry):
            b = lax.rem(i, 2)
            row0 = base + i * r

            @pl.when(i >= 2)
            def _():
                for j in range(r):
                    pltpu.make_async_copy(
                        rows_v.at[b, j], acc.at[idx_v.at[b, j, 1]],
                        ssem).wait()

            if edge_split:
                pltpu.sync_copy(ei_hbm.at[pl.ds(row0, r)], idx_v.at[b])
            else:
                pltpu.sync_copy(ei_hbm.at[c, pl.ds(row0, r)], idx_v.at[b])
            gds = [pltpu.async_copy(g_hbm.at[idx_v.at[b, j, 0]],
                                    rows_v.at[b, j], gsem)
                   for j in range(r)]
            for dd in gds:
                dd.wait()
            for j in range(r):
                pltpu.async_copy(rows_v.at[b, j], acc.at[idx_v.at[b, j, 1]],
                                 ssem, add=True)
            return carry

        lax.fori_loop(0, n_super, step, 0)
        for slot in range(2):
            for j in range(r):
                pltpu.make_async_copy(
                    rows_v.at[slot, j], acc.at[idx_v.at[slot, j, 1]],
                    ssem).wait()
        plsc.subcore_barrier()
        pltpu.sync_copy(acc.at[pl.ds(s * slice_rows, slice_rows)],
                        out_hbm.at[c, pl.ds(s * slice_rows, slice_rows)])

    return pl.kernel(
        body,
        out_type=jax.ShapeDtypeStruct((_NC, n_pad, d), jnp.float32),
        mesh=mesh,
        compiler_params=pltpu.CompilerParams(use_tc_tiling_on_sc=False),
        scratch_types=[
            pltpu.VMEM((2, r, 2, _CH), jnp.int32),
            pltpu.VMEM((2, r, _CH, d), jnp.float32),
            pltpu.VMEM_SHARED((n_pad, d), jnp.float32),
            pltpu.SemaphoreType.DMA,
            pltpu.SemaphoreType.DMA,
        ],
    )



def _t0_body(degp_ref, x_ref, dinv_ref, g0_ref):
    deg = degp_ref[0, :, 0:1] + degp_ref[1, :, 0:1] + 1.0
    dinv = lax.rsqrt(deg)
    dinv_ref[...] = dinv
    g0 = x_ref[...] * dinv
    g0_ref[...] = jnp.concatenate(
        [g0, jnp.zeros((g0.shape[0], 6), jnp.float32)], axis=1)


@functools.lru_cache(None)
def _t0(n, n_pad, bn, interpret=False):
    return pl.pallas_call(
        _t0_body,
        grid=(n // bn,),
        in_specs=[pl.BlockSpec((2, bn, 8), lambda i: (0, i, 0)),
                  pl.BlockSpec((bn, 2), lambda i: (i, 0))],
        out_specs=[pl.BlockSpec((bn, 1), lambda i: (i, 0)),
                   pl.BlockSpec((bn, 8), lambda i: (i, 0))],
        out_shape=[jax.ShapeDtypeStruct((n, 1), jnp.float32),
                   jax.ShapeDtypeStruct((n, 8), jnp.float32)],
        interpret=interpret,
    )


def _layer_body_single(p_ref, g_ref, dinv_ref, w_ref, b_ref, out_ref):
    dinv = dinv_ref[...]
    agg = (p_ref[0] + p_ref[1] + g_ref[...]) * dinv
    h = jnp.dot(agg, w_ref[...], preferred_element_type=jnp.float32)
    h = jnp.maximum(h + b_ref[...], 0.0)
    out_ref[...] = h * dinv


def _layer_body_halves(p_ref, g_ref, dinv_ref, w_ref, b_ref, out_ref):
    dinv = dinv_ref[...]
    agg = (p_ref[0] + p_ref[1] + g_ref[...]) * dinv
    h = jnp.dot(agg, w_ref[...], preferred_element_type=jnp.float32)
    h = jnp.maximum(h + b_ref[...], 0.0)
    g = h * dinv
    half = g.shape[1] // 2
    out_ref[0] = g[:, :half]
    out_ref[1] = g[:, half:]


@functools.lru_cache(None)
def _t_layer(n, n_pad, bn, din, dout, halves, interpret=False):
    in_specs = [pl.BlockSpec((2, bn, din), lambda i: (0, i, 0)),
                pl.BlockSpec((bn, din), lambda i: (i, 0)),
                pl.BlockSpec((bn, 1), lambda i: (i, 0)),
                pl.BlockSpec((din, dout), lambda i: (0, 0)),
                pl.BlockSpec((1, dout), lambda i: (0, 0))]
    if halves:
        body = _layer_body_halves
        out_specs = pl.BlockSpec((2, bn, dout // 2), lambda i: (0, i, 0))
        out_shape = jax.ShapeDtypeStruct((2, n, dout // 2), jnp.float32)
    else:
        body = _layer_body_single
        out_specs = pl.BlockSpec((bn, dout), lambda i: (i, 0))
        out_shape = jax.ShapeDtypeStruct((n, dout), jnp.float32)
    return pl.pallas_call(
        body,
        grid=(n // bn,),
        in_specs=in_specs,
        out_specs=out_specs,
        out_shape=out_shape,
        interpret=interpret,
    )


def _t3_body(p_ref, g2_ref, dinv_ref, w_ref, b_ref, lg_ref, gn_ref,
             out_ref, *, temp):
    i = pl.program_id(0)
    dinv = dinv_ref[...]
    agg_a = (p_ref[0] + g2_ref[0]) * dinv
    agg_b = (p_ref[1] + g2_ref[1]) * dinv
    half = w_ref.shape[0] // 2
    h = (jnp.dot(agg_a, w_ref[:half], preferred_element_type=jnp.float32)
         + jnp.dot(agg_b, w_ref[half:], preferred_element_type=jnp.float32))
    h = jnp.maximum(h + b_ref[...], 0.0)
    t = (lg_ref[...] + gn_ref[...]) * (1.0 / temp)
    t = t - jnp.max(t, axis=1, keepdims=True)
    e = jnp.exp(t)
    y = e / jnp.sum(e, axis=1, keepdims=True)
    contrib = lax.dot_general(y, h, (((0,), (0,)), ((), ())),
                              preferred_element_type=jnp.float32)

    @pl.when(i == 0)
    def _():
        out_ref[...] = contrib

    @pl.when(i > 0)
    def _():
        out_ref[...] += contrib


@functools.lru_cache(None)
def _t3(n, n_pad, bn, k, dout, temp, interpret=False):
    return pl.pallas_call(
        functools.partial(_t3_body, temp=temp),
        grid=(n // bn,),
        in_specs=[pl.BlockSpec((2, bn, 16), lambda i: (0, i, 0)),
                  pl.BlockSpec((2, bn, 16), lambda i: (0, i, 0)),
                  pl.BlockSpec((bn, 1), lambda i: (i, 0)),
                  pl.BlockSpec((32, dout), lambda i: (0, 0)),
                  pl.BlockSpec((1, dout), lambda i: (0, 0)),
                  pl.BlockSpec((bn, k), lambda i: (i, 0)),
                  pl.BlockSpec((bn, k), lambda i: (i, 0))],
        out_specs=pl.BlockSpec((k, dout), lambda i: (0, 0)),
        out_shape=jax.ShapeDtypeStruct((k, dout), jnp.float32),
        interpret=interpret,
    )



def kernel(x, edge_index, logits, gumbel_noise, W1, b1, W2, b2, W3, b3):
    n = x.shape[0]
    e = edge_index.shape[1]
    k = logits.shape[1]
    bn = 2000
    temp = 0.5

    e_pad = _ceil_to(e, _NW * _R * _CH)
    n_pad = _ceil_to(n + 1, _NS * 8 * 2)
    trash = n

    src = edge_index[0]
    dst = edge_index[1]
    pad_e = e_pad - e
    src_p = jnp.concatenate([src, jnp.zeros((pad_e,), jnp.int32)])
    dst_p = jnp.concatenate([dst, jnp.full((pad_e,), trash, jnp.int32)])
    rows_idx = e_pad // _CH
    src2d = src_p.reshape(rows_idx, _CH)
    dst2d = dst_p.reshape(rows_idx, _CH)
    ei2 = jnp.stack([src2d, dst2d], axis=1)
    ei3 = jnp.stack([jnp.stack([src2d, dst2d], axis=1),
                     jnp.stack([src2d + n, dst2d], axis=1)])
    rpt_split = rows_idx // _NW
    rpt_all = rows_idx // _NS

    slice_rows = n_pad // _NS
    zeros8 = jnp.zeros((slice_rows, 8), jnp.float32)
    zeros16 = jnp.zeros((slice_rows, 16), jnp.float32)
    ones128 = jnp.ones((_CH, 8), jnp.float32)

    degp = _sc_degree(n_pad, rpt_split)(dst2d, ones128, zeros8)
    dinv, g0 = _t0(n, n_pad, bn)(degp, x)
    p1 = _sc_agg(8, n_pad, rpt_split, True)(ei2, g0, zeros8)
    w1p = jnp.concatenate([W1, jnp.zeros((6, W1.shape[1]), W1.dtype)], axis=0)
    g1 = _t_layer(n, n_pad, bn, 8, 16, False)(
        p1, g0, dinv, w1p, b1.reshape(1, -1))
    p2 = _sc_agg(16, n_pad, rpt_split, True, 4)(ei2, g1, zeros16)
    g2 = _t_layer(n, n_pad, bn, 16, 32, True)(
        p2, g1, dinv, W2, b2.reshape(1, -1))
    g2flat = g2.reshape(2 * n, 16)
    p3 = _sc_agg(16, n_pad, rpt_all, False, 4)(ei3, g2flat, zeros16)
    out = _t3(n, n_pad, bn, k, W3.shape[1], temp)(
        p3, g2, dinv, W3, b3.reshape(1, -1),
        logits, gumbel_noise)
    return out.reshape(1, -1)

# --- scband reference (transcript-rebuilt; emitter-appended) ---
"""Pipeline reference for scband-graph-net-16569983828526 (READ-ONLY COPY).

The authoritative reference and input builder live on the scoring server;
editing this copy changes nothing except your own understanding.
"""

import jax, jax.numpy as jnp
import numpy as np

N = 100000
E = 1600000
GCN_OUT = 64
K_CLUSTERS = 70
TEMP = 0.5


def setup_inputs(seed: int = 0) -> dict:
    key = jax.random.key(seed)
    ks = jax.random.split(key, 12)
    x = jax.random.normal(ks[0], (N, 2), dtype=jnp.float32)
    edge_index = jax.random.randint(ks[1], (2, E), 0, N, dtype=jnp.int32)
    logits = jax.random.normal(ks[2], (N, K_CLUSTERS), dtype=jnp.float32)
    u = jax.random.uniform(ks[3], (N, K_CLUSTERS), minval=1e-6, maxval=1.0 - 1e-6)
    gumbel_noise = -jnp.log(-jnp.log(u))
    W1 = jax.random.normal(ks[4], (2, 16), dtype=jnp.float32) * (1.0 / np.sqrt(2))
    b1 = jnp.zeros((16,), dtype=jnp.float32)
    W2 = jax.random.normal(ks[5], (16, 32), dtype=jnp.float32) * (1.0 / np.sqrt(16))
    b2 = jnp.zeros((32,), dtype=jnp.float32)
    W3 = jax.random.normal(ks[6], (32, GCN_OUT), dtype=jnp.float32) * (1.0 / np.sqrt(32))
    b3 = jnp.zeros((GCN_OUT,), dtype=jnp.float32)
    return {"x": x, "edge_index": edge_index, "logits": logits, "gumbel_noise": gumbel_noise,
            "W1": W1, "b1": b1, "W2": W2, "b2": b2, "W3": W3, "b3": b3}


def reference(x, edge_index, logits, gumbel_noise, W1, b1, W2, b2, W3, b3):
    n = x.shape[0]
    src = edge_index[0]
    dst = edge_index[1]
    loop = jnp.arange(n, dtype=src.dtype)
    src2 = jnp.concatenate([src, loop])
    dst2 = jnp.concatenate([dst, loop])
    deg = jax.ops.segment_sum(jnp.ones(src2.shape[0], dtype=x.dtype), dst2, num_segments=n)
    dinv = deg ** -0.5
    norm = dinv[src2] * dinv[dst2]

    def gcn_conv(h, W, b):
        h = h @ W
        msg = h[src2] * norm[:, None]
        agg = jax.ops.segment_sum(msg, dst2, num_segments=n)
        return agg + b

    h = jax.nn.relu(gcn_conv(x, W1, b1))
    h = jax.nn.relu(gcn_conv(h, W2, b2))
    h = jax.nn.relu(gcn_conv(h, W3, b3))
    # RelaxedOneHotCategorical rsample with temperature 0.5 (gumbel noise provided)
    y = jax.nn.softmax((logits + gumbel_noise) / TEMP, axis=-1)
    x_sampled = y.T @ h  # [70, GCN_OUT]
    return x_sampled.reshape(1, -1)

if __name__ == "__main__":
    import jax
    _d = setup_inputs()
    print(jax.jit(kernel)(*tuple(_d.values())))

</pallas_src>

<mosaic_0001>
#map = affine_map<(d0, d1) -> (0, 0)>
#map1 = affine_map<(d0, d1) -> (0, 0, 0)>
module attributes {stable_mosaic.version = 14 : i64} {
  func.func @body(%arg0: i32, %arg1: i32, %arg2: memref<12544x128xi32, #tpu.memory_space<hbm>>, %arg3: memref<128x8xf32, #tpu.memory_space<hbm>>, %arg4: memref<6256x8xf32, #tpu.memory_space<hbm>>, %arg5: memref<2x100096x8xf32, #tpu.memory_space<hbm>>, %arg6: memref<2x8x128xi32, #tpu.memory_space<vmem>>, %arg7: memref<128x8xf32, #tpu.memory_space<vmem>>, %arg8: memref<100096x8xf32, #tpu.memory_space<vmem_shared>>, %arg9: memref<!tpu.dma_semaphore, #tpu.memory_space<semaphore_mem>>) attributes {dimension_semantics = [#tpu.dimension_semantics<core_parallel>, #tpu.dimension_semantics<subcore_parallel>], iteration_bounds = array<i64: 2, 16>, scalar_prefetch = 0 : i64, scratch_operands = 4 : i64, tpu.core_type = #tpu.core_type<sc_vector_subcore>, window_params = [{transform_indices = #map}, {transform_indices = #map}, {transform_indices = #map}, {transform_indices = #map1}]} {
    %mul3A = arith.constant 6256 : i32
    %mul3A_0 = arith.muli %arg1, %mul3A : i32
    "tpu.region"() ({
      %run_scoped3A = tpu.sem_alloc : memref<!tpu.dma_semaphore, #tpu.memory_space<semaphore_mem>>
      %dma_start3A = arith.constant 0 : i32
      %dma_start3A_142 = tpu.memref_slice %arg8[%mul3A_0, %dma_start3A] : memref<100096x8xf32, #tpu.memory_space<vmem_shared>> -> memref<6256x8xf32, #tpu.memory_space<vmem_shared>>
      tpu.enqueue_dma source(%arg4 : memref<6256x8xf32, #tpu.memory_space<hbm>>) target(%dma_start3A_142 : memref<6256x8xf32, #tpu.memory_space<vmem_shared>>) target_semaphore(%run_scoped3A : memref<!tpu.dma_semaphore, #tpu.memory_space<semaphore_mem>>)
      %dma_wait3A_143 = arith.constant 0 : i32
      %dma_wait3A_144 = tpu.memref_slice %arg8[%mul3A_0, %dma_wait3A_143] : memref<100096x8xf32, #tpu.memory_space<vmem_shared>> -> memref<6256x8xf32, #tpu.memory_space<vmem_shared>>
      tpu.wait_dma2 semaphore(%run_scoped3A : memref<!tpu.dma_semaphore, #tpu.memory_space<semaphore_mem>>) src(%arg4 : memref<6256x8xf32, #tpu.memory_space<hbm>>) dst(%dma_wait3A_144 : memref<6256x8xf32, #tpu.memory_space<vmem_shared>>)
      tpu.yield
    }) : () -> ()
    "tpu.region"() ({
      %run_scoped3A = tpu.sem_alloc : memref<!tpu.dma_semaphore, #tpu.memory_space<semaphore_mem>>
      tpu.enqueue_dma source(%arg3 : memref<128x8xf32, #tpu.memory_space<hbm>>) target(%arg7 : memref<128x8xf32, #tpu.memory_space<vmem>>) target_semaphore(%run_scoped3A : memref<!tpu.dma_semaphore, #tpu.memory_space<semaphore_mem>>)
      tpu.wait_dma2 semaphore(%run_scoped3A : memref<!tpu.dma_semaphore, #tpu.memory_space<semaphore_mem>>) src(%arg3 : memref<128x8xf32, #tpu.memory_space<hbm>>) dst(%arg7 : memref<128x8xf32, #tpu.memory_space<vmem>>)
      tpu.yield
    }) : () -> ()
    %barrier3A = arith.constant 0 : index
    tpu.barrier barrier_id(%barrier3A)
    %mul3A_1 = arith.constant 16 : i32
    %mul3A_2 = arith.muli %arg0, %mul3A_1 : i32
    %add3A = arith.addi %mul3A_2, %arg1 : i32
    %mul3A_3 = arith.constant 392 : i32
    %mul3A_4 = arith.muli %add3A, %mul3A_3 : i32
    %scan3A = arith.constant 0 : i32
    %scan3A_5 = arith.constant 0 : i32
    %scan3A_6 = arith.constant 49 : i32
    %scan3A_7 = arith.addi %scan3A_5, %scan3A_6 : i32
    %scan3A_8 = arith.constant 1 : i32
    scf.for %scan3A_142 = %scan3A_5 to %scan3A_7 step %scan3A_8  : i32 {
      %rem3A = arith.constant 2 : i32
      %rem3A_143 = arith.remsi %scan3A_142, %rem3A : i32
      %mul3A_144 = arith.constant 8 : i32
      %mul3A_145 = arith.muli %scan3A_142, %mul3A_144 : i32
      %add3A_146 = arith.addi %mul3A_4, %mul3A_145 : i32
      %ge3A = arith.constant 2 : i32
      %ge3A_147 = arith.cmpi sge, %scan3A_142, %ge3A : i32
      %convert_element_type3A = arith.extui %ge3A_147 : i1 to i32
      %cond3A = arith.constant 0 : i32
      %cond3A_148 = arith.cmpi ne, %convert_element_type3A, %cond3A : i32
      scf.if %cond3A_148 {
        %dma_wait3A_204 = arith.constant 0 : i32
        %dma_wait3A_205 = arith.constant 0 : i32
        %dma_wait3A_206 = tpu.memref_slice %arg6[%rem3A_143, %dma_wait3A_204, %dma_wait3A_205] : memref<2x8x128xi32, #tpu.memory_space<vmem>> -> memref<1x1x128xi32, #tpu.memory_space<vmem>>
        %dma_wait3A_207 = tpu.memref_squeeze %dma_wait3A_206 : memref<1x1x128xi32, #tpu.memory_space<vmem>> -> memref<128xi32, #tpu.memory_space<vmem>>
        %dma_wait3A_208 = arith.constant 0 : i32
        %dma_wait3A_209 = arith.constant 0 : i32
        %dma_wait3A_210 = tpu.memref_slice %arg8[%dma_wait3A_208, %dma_wait3A_209] : memref<100096x8xf32, #tpu.memory_space<vmem_shared>> -> memref<100096x8xf32, #tpu.memory_space<vmem_shared>>
        tpu.wait_indirect_dma semaphore(%arg9 : memref<!tpu.dma_semaphore, #tpu.memory_space<semaphore_mem>>) src(%arg7 : memref<128x8xf32, #tpu.memory_space<vmem>>) dst(%dma_wait3A_210 : memref<100096x8xf32, #tpu.memory_space<vmem_shared>>)
        %dma_wait3A_211 = arith.constant 1 : i32
        %dma_wait3A_212 = arith.constant 0 : i32
        %dma_wait3A_213 = tpu.memref_slice %arg6[%rem3A_143, %dma_wait3A_211, %dma_wait3A_212] : memref<2x8x128xi32, #tpu.memory_space<vmem>> -> memref<1x1x128xi32, #tpu.memory_space<vmem>>
        %dma_wait3A_214 = tpu.memref_squeeze %dma_wait3A_213 : memref<1x1x128xi32, #tpu.memory_space<vmem>> -> memref<128xi32, #tpu.memory_space<vmem>>
        %dma_wait3A_215 = arith.constant 0 : i32
        %dma_wait3A_216 = arith.constant 0 : i32
        %dma_wait3A_217 = tpu.memref_slice %arg8[%dma_wait3A_215, %dma_wait3A_216] : memref<100096x8xf32, #tpu.memory_space<vmem_shared>> -> memref<100096x8xf32, #tpu.memory_space<vmem_shared>>
        tpu.wait_indirect_dma semaphore(%arg9 : memref<!tpu.dma_semaphore, #tpu.memory_space<semaphore_mem>>) src(%arg7 : memref<128x8xf32, #tpu.memory_space<vmem>>) dst(%dma_wait3A_217 : memref<100096x8xf32, #tpu.memory_space<vmem_shared>>)
        %dma_wait3A_218 = arith.constant 2 : i32
        %dma_wait3A_219 = arith.constant 0 : i32
        %dma_wait3A_220 = tpu.memref_slice %arg6[%rem3A_143, %dma_wait3A_218, %dma_wait3A_219] : memref<2x8x128xi32, #tpu.memory_space<vmem>> -> memref<1x1x128xi32, #tpu.memory_space<vmem>>
        %dma_wait3A_221 = tpu.memref_squeeze %dma_wait3A_220 : memref<1x1x128xi32, #tpu.memory_space<vmem>> -> memref<128xi32, #tpu.memory_space<vmem>>
        %dma_wait3A_222 = arith.constant 0 : i32
        %dma_wait3A_223 = arith.constant 0 : i32
        %dma_wait3A_224 = tpu.memref_slice %arg8[%dma_wait3A_222, %dma_wait3A_223] : memref<100096x8xf32, #tpu.memory_space<vmem_shared>> -> memref<100096x8xf32, #tpu.memory_space<vmem_shared>>
        tpu.wait_indirect_dma semaphore(%arg9 : memref<!tpu.dma_semaphore, #tpu.memory_space<semaphore_mem>>) src(%arg7 : memref<128x8xf32, #tpu.memory_space<vmem>>) dst(%dma_wait3A_224 : memref<100096x8xf32, #tpu.memory_space<vmem_shared>>)
        %dma_wait3A_225 = arith.constant 3 : i32
        %dma_wait3A_226 = arith.constant 0 : i32
        %dma_wait3A_227 = tpu.memref_slice %arg6[%rem3A_143, %dma_wait3A_225, %dma_wait3A_226] : memref<2x8x128xi32, #tpu.memory_space<vmem>> -> memref<1x1x128xi32, #tpu.memory_space<vmem>>
        %dma_wait3A_228 = tpu.memref_squeeze %dma_wait3A_227 : memref<1x1x128xi32, #tpu.memory_space<vmem>> -> memref<128xi32, #tpu.memory_space<vmem>>
        %dma_wait3A_229 = arith.constant 0 : i32
        %dma_wait3A_230 = arith.constant 0 : i32
        %dma_wait3A_231 = tpu.memref_slice %arg8[%dma_wait3A_229, %dma_wait3A_230] : memref<100096x8xf32, #tpu.memory_space<vmem_shared>> -> memref<100096x8xf32, #tpu.memory_space<vmem_shared>>
        tpu.wait_indirect_dma semaphore(%arg9 : memref<!tpu.dma_semaphore, #tpu.memory_space<semaphore_mem>>) src(%arg7 : memref<128x8xf32, #tpu.memory_space<vmem>>) dst(%dma_wait3A_231 : memref<100096x8xf32, #tpu.memory_space<vmem_shared>>)
        %dma_wait3A_232 = arith.constant 4 : i32
        %dma_wait3A_233 = arith.constant 0 : i32
        %dma_wait3A_234 = tpu.memref_slice %arg6[%rem3A_143, %dma_wait3A_232, %dma_wait3A_233] : memref<2x8x128xi32, #tpu.memory_space<vmem>> -> memref<1x1x128xi32, #tpu.memory_space<vmem>>
        %dma_wait3A_235 = tpu.memref_squeeze %dma_wait3A_234 : memref<1x1x128xi32, #tpu.memory_space<vmem>> -> memref<128xi32, #tpu.memory_space<vmem>>
        %dma_wait3A_236 = arith.constant 0 : i32
        %dma_wait3A_237 = arith.constant 0 : i32
        %dma_wait3A_238 = tpu.memref_slice %arg8[%dma_wait3A_236, %dma_wait3A_237] : memref<100096x8xf32, #tpu.memory_space<vmem_shared>> -> memref<100096x8xf32, #tpu.memory_space<vmem_shared>>
        tpu.wait_indirect_dma semaphore(%arg9 : memref<!tpu.dma_semaphore, #tpu.memory_space<semaphore_mem>>) src(%arg7 : memref<128x8xf32, #tpu.memory_space<vmem>>) dst(%dma_wait3A_238 : memref<100096x8xf32, #tpu.memory_space<vmem_shared>>)
        %dma_wait3A_239 = arith.constant 5 : i32
        %dma_wait3A_240 = arith.constant 0 : i32
        %dma_wait3A_241 = tpu.memref_slice %arg6[%rem3A_143, %dma_wait3A_239, %dma_wait3A_240] : memref<2x8x128xi32, #tpu.memory_space<vmem>> -> memref<1x1x128xi32, #tpu.memory_space<vmem>>
        %dma_wait3A_242 = tpu.memref_squeeze %dma_wait3A_241 : memref<1x1x128xi32, #tpu.memory_space<vmem>> -> memref<128xi32, #tpu.memory_space<vmem>>
        %dma_wait3A_243 = arith.constant 0 : i32
        %dma_wait3A_244 = arith.constant 0 : i32
        %dma_wait3A_245 = tpu.memref_slice %arg8[%dma_wait3A_243, %dma_wait3A_244] : memref<100096x8xf32, #tpu.memory_space<vmem_shared>> -> memref<100096x8xf32, #tpu.memory_space<vmem_shared>>
        tpu.wait_indirect_dma semaphore(%arg9 : memref<!tpu.dma_semaphore, #tpu.memory_space<semaphore_mem>>) src(%arg7 : memref<128x8xf32, #tpu.memory_space<vmem>>) dst(%dma_wait3A_245 : memref<100096x8xf32, #tpu.memory_space<vmem_shared>>)
        %dma_wait3A_246 = arith.constant 6 : i32
        %dma_wait3A_247 = arith.constant 0 : i32
        %dma_wait3A_248 = tpu.memref_slice %arg6[%rem3A_143, %dma_wait3A_246, %dma_wait3A_247] : memref<2x8x128xi32, #tpu.memory_space<vmem>> -> memref<1x1x128xi32, #tpu.memory_space<vmem>>
        %dma_wait3A_249 = tpu.memref_squeeze %dma_wait3A_248 : memref<1x1x128xi32, #tpu.memory_space<vmem>> -> memref<128xi32, #tpu.memory_space<vmem>>
        %dma_wait3A_250 = arith.constant 0 : i32
        %dma_wait3A_251 = arith.constant 0 : i32
        %dma_wait3A_252 = tpu.memref_slice %arg8[%dma_wait3A_250, %dma_wait3A_251] : memref<100096x8xf32, #tpu.memory_space<vmem_shared>> -> memref<100096x8xf32, #tpu.memory_space<vmem_shared>>
        tpu.wait_indirect_dma semaphore(%arg9 : memref<!tpu.dma_semaphore, #tpu.memory_space<semaphore_mem>>) src(%arg7 : memref<128x8xf32, #tpu.memory_space<vmem>>) dst(%dma_wait3A_252 : memref<100096x8xf32, #tpu.memory_space<vmem_shared>>)
        %dma_wait3A_253 = arith.constant 7 : i32
        %dma_wait3A_254 = arith.constant 0 : i32
        %dma_wait3A_255 = tpu.memref_slice %arg6[%rem3A_143, %dma_wait3A_253, %dma_wait3A_254] : memref<2x8x128xi32, #tpu.memory_space<vmem>> -> memref<1x1x128xi32, #tpu.memory_space<vmem>>
        %dma_wait3A_256 = tpu.memref_squeeze %dma_wait3A_255 : memref<1x1x128xi32, #tpu.memory_space<vmem>> -> memref<128xi32, #tpu.memory_space<vmem>>
        %dma_wait3A_257 = arith.constant 0 : i32
        %dma_wait3A_258 = arith.constant 0 : i32
        %dma_wait3A_259 = tpu.memref_slice %arg8[%dma_wait3A_257, %dma_wait3A_258] : memref<100096x8xf32, #tpu.memory_space<vmem_shared>> -> memref<100096x8xf32, #tpu.memory_space<vmem_shared>>
        tpu.wait_indirect_dma semaphore(%arg9 : memref<!tpu.dma_semaphore, #tpu.memory_space<semaphore_mem>>) src(%arg7 : memref<128x8xf32, #tpu.memory_space<vmem>>) dst(%dma_wait3A_259 : memref<100096x8xf32, #tpu.memory_space<vmem_shared>>)
      } else {
      }
      "tpu.region"() ({
        %run_scoped3A = tpu.sem_alloc : memref<!tpu.dma_semaphore, #tpu.memory_space<semaphore_mem>>
        %dma_start3A_204 = arith.constant 0 : i32
        %dma_start3A_205 = arith.constant 0 : i32
        %dma_start3A_206 = tpu.memref_slice %arg6[%rem3A_143, %dma_start3A_204, %dma_start3A_205] : memref<2x8x128xi32, #tpu.memory_space<vmem>> -> memref<1x8x128xi32, #tpu.memory_space<vmem>>
        %dma_start3A_207 = tpu.memref_squeeze %dma_start3A_206 : memref<1x8x128xi32, #tpu.memory_space<vmem>> -> memref<8x128xi32, #tpu.memory_space<vmem>>
        %dma_start3A_208 = arith.constant 0 : i32
        %dma_start3A_209 = tpu.memref_slice %arg2[%add3A_146, %dma_start3A_208] : memref<12544x128xi32, #tpu.memory_space<hbm>> -> memref<8x128xi32, #tpu.memory_space<hbm>>
        %dma_start3A_210 = arith.constant 0 : i32
        %dma_start3A_211 = arith.constant 0 : i32
        %dma_start3A_212 = tpu.memref_slice %arg6[%rem3A_143, %dma_start3A_210, %dma_start3A_211] : memref<2x8x128xi32, #tpu.memory_space<vmem>> -> memref<1x8x128xi32, #tpu.memory_space<vmem>>
        %dma_start3A_213 = tpu.memref_squeeze %dma_start3A_212 : memref<1x8x128xi32, #tpu.memory_space<vmem>> -> memref<8x128xi32, #tpu.memory_space<vmem>>
        %dma_start3A_214 = arith.constant 0 : i32
        %dma_start3A_215 = tpu.memref_slice %arg2[%add3A_146, %dma_start3A_214] : memref<12544x128xi32, #tpu.memory_space<hbm>> -> memref<8x128xi32, #tpu.memory_space<hbm>>
        tpu.enqueue_dma source(%dma_start3A_215 : memref<8x128xi32, #tpu.memory_space<hbm>>) target(%dma_start3A_213 : memref<8x128xi32, #tpu.memory_space<vmem>>) target_semaphore(%run_scoped3A : memref<!tpu.dma_semaphore, #tpu.memory_space<semaphore_mem>>)
        %dma_wait3A_216 = arith.constant 0 : i32
        %dma_wait3A_217 = arith.constant 0 : i32
        %dma_wait3A_218 = tpu.memref_slice %arg6[%rem3A_143, %dma_wait3A_216, %dma_wait3A_217] : memref<2x8x128xi32, #tpu.memory_space<vmem>> -> memref<1x8x128xi32, #tpu.memory_space<vmem>>
        %dma_wait3A_219 = tpu.memref_squeeze %dma_wait3A_218 : memref<1x8x128xi32, #tpu.memory_space<vmem>> -> memref<8x128xi32, #tpu.memory_space<vmem>>
        %dma_wait3A_220 = arith.constant 0 : i32
        %dma_wait3A_221 = tpu.memref_slice %arg2[%add3A_146, %dma_wait3A_220] : memref<12544x128xi32, #tpu.memory_space<hbm>> -> memref<8x128xi32, #tpu.memory_space<hbm>>
        %dma_wait3A_222 = arith.constant 0 : i32
        %dma_wait3A_223 = arith.constant 0 : i32
        %dma_wait3A_224 = tpu.memref_slice %arg6[%rem3A_143, %dma_wait3A_222, %dma_wait3A_223] : memref<2x8x128xi32, #tpu.memory_space<vmem>> -> memref<1x8x128xi32, #tpu.memory_space<vmem>>
        %dma_wait3A_225 = tpu.memref_squeeze %dma_wait3A_224 : memref<1x8x128xi32, #tpu.memory_space<vmem>> -> memref<8x128xi32, #tpu.memory_space<vmem>>
        %dma_wait3A_226 = arith.constant 0 : i32
        %dma_wait3A_227 = tpu.memref_slice %arg2[%add3A_146, %dma_wait3A_226] : memref<12544x128xi32, #tpu.memory_space<hbm>> -> memref<8x128xi32, #tpu.memory_space<hbm>>
        tpu.wait_dma2 semaphore(%run_scoped3A : memref<!tpu.dma_semaphore, #tpu.memory_space<semaphore_mem>>) src(%dma_wait3A_227 : memref<8x128xi32, #tpu.memory_space<hbm>>) dst(%dma_wait3A_225 : memref<8x128xi32, #tpu.memory_space<vmem>>)
        tpu.yield
      }) : () -> ()
      %dma_start3A = arith.constant 0 : i32
      %dma_start3A_149 = arith.constant 0 : i32
      %dma_start3A_150 = tpu.memref_slice %arg6[%rem3A_143, %dma_start3A, %dma_start3A_149] : memref<2x8x128xi32, #tpu.memory_space<vmem>> -> memref<1x1x128xi32, #tpu.memory_space<vmem>>
      %dma_start3A_151 = tpu.memref_squeeze %dma_start3A_150 : memref<1x1x128xi32, #tpu.memory_space<vmem>> -> memref<128xi32, #tpu.memory_space<vmem>>
      %dma_start3A_152 = arith.constant 0 : i32
      %dma_start3A_153 = arith.constant 0 : i32
      %dma_start3A_154 = tpu.memref_slice %arg8[%dma_start3A_152, %dma_start3A_153] : memref<100096x8xf32, #tpu.memory_space<vmem_shared>> -> memref<100096x8xf32, #tpu.memory_space<vmem_shared>>
      tpu.enqueue_indirect_dma source(%arg7 : memref<128x8xf32, #tpu.memory_space<vmem>>) target(%dma_start3A_154 : memref<100096x8xf32, #tpu.memory_space<vmem_shared>>) offsets(%dma_start3A_151 : memref<128xi32, #tpu.memory_space<vmem>>) semaphore(%arg9 : memref<!tpu.dma_semaphore, #tpu.memory_space<semaphore_mem>>) {add = true}
      %dma_start3A_155 = arith.constant 1 : i32
      %dma_start3A_156 = arith.constant 0 : i32
      %dma_start3A_157 = tpu.memref_slice %arg6[%rem3A_143, %dma_start3A_155, %dma_start3A_156] : memref<2x8x128xi32, #tpu.memory_space<vmem>> -> memref<1x1x128xi32, #tpu.memory_space<vmem>>
      %dma_start3A_158 = tpu.memref_squeeze %dma_start3A_157 : memref<1x1x128xi32, #tpu.memory_space<vmem>> -> memref<128xi32, #tpu.memory_space<vmem>>
      %dma_start3A_159 = arith.constant 0 : i32
      %dma_start3A_160 = arith.constant 0 : i32
      %dma_start3A_161 = tpu.memref_slice %arg8[%dma_start3A_159, %dma_start3A_160] : memref<100096x8xf32, #tpu.memory_space<vmem_shared>> -> memref<100096x8xf32, #tpu.memory_space<vmem_shared>>
      tpu.enqueue_indirect_dma source(%arg7 : memref<128x8xf32, #tpu.memory_space<vmem>>) target(%dma_start3A_161 : memref<100096x8xf32, #tpu.memory_space<vmem_shared>>) offsets(%dma_start3A_158 : memref<128xi32, #tpu.memory_space<vmem>>) semaphore(%arg9 : memref<!tpu.dma_semaphore, #tpu.memory_space<semaphore_mem>>) {add = true}
      %dma_start3A_162 = arith.constant 2 : i32
      %dma_start3A_163 = arith.constant 0 : i32
      %dma_start3A_164 = tpu.memref_slice %arg6[%rem3A_143, %dma_start3A_162, %dma_start3A_163] : memref<2x8x128xi32, #tpu.memory_space<vmem>> -> memref<1x1x128xi32, #tpu.memory_space<vmem>>
      %dma_start3A_165 = tpu.memref_squeeze %dma_start3A_164 : memref<1x1x128xi32, #tpu.memory_space<vmem>> -> memref<128xi32, #tpu.memory_space<vmem>>
      %dma_start3A_166 = arith.constant 0 : i32
      %dma_start3A_167 = arith.constant 0 : i32
      %dma_start3A_168 = tpu.memref_slice %arg8[%dma_start3A_166, %dma_start3A_167] : memref<100096x8xf32, #tpu.memory_space<vmem_shared>> -> memref<100096x8xf32, #tpu.memory_space<vmem_shared>>
      tpu.enqueue_indirect_dma source(%arg7 : memref<128x8xf32, #tpu.memory_space<vmem>>) target(%dma_start3A_168 : memref<100096x8xf32, #tpu.memory_space<vmem_shared>>) offsets(%dma_start3A_165 : memref<128xi32, #tpu.memory_space<vmem>>) semaphore(%arg9 : memref<!tpu.dma_semaphore, #tpu.memory_space<semaphore_mem>>) {add = true}
      %dma_start3A_169 = arith.constant 3 : i32
      %dma_start3A_170 = arith.constant 0 : i32
      %dma_start3A_171 = tpu.memref_slice %arg6[%rem3A_143, %dma_start3A_169, %dma_start3A_170] : memref<2x8x128xi32, #tpu.memory_space<vmem>> -> memref<1x1x128xi32, #tpu.memory_space<vmem>>
      %dma_start3A_172 = tpu.memref_squeeze %dma_start3A_171 : memref<1x1x128xi32, #tpu.memory_space<vmem>> -> memref<128xi32, #tpu.memory_space<vmem>>
      %dma_start3A_173 = arith.constant 0 : i32
      %dma_start3A_174 = arith.constant 0 : i32
      %dma_start3A_175 = tpu.memref_slice %arg8[%dma_start3A_173, %dma_start3A_174] : memref<100096x8xf32, #tpu.memory_space<vmem_shared>> -> memref<100096x8xf32, #tpu.memory_space<vmem_shared>>
      tpu.enqueue_indirect_dma source(%arg7 : memref<128x8xf32, #tpu.memory_space<vmem>>) target(%dma_start3A_175 : memref<100096x8xf32, #tpu.memory_space<vmem_shared>>) offsets(%dma_start3A_172 : memref<128xi32, #tpu.memory_space<vmem>>) semaphore(%arg9 : memref<!tpu.dma_semaphore, #tpu.memory_space<semaphore_mem>>) {add = true}
      %dma_start3A_176 = arith.constant 4 : i32
      %dma_start3A_177 = arith.constant 0 : i32
      %dma_start3A_178 = tpu.memref_slice %arg6[%rem3A_143, %dma_start3A_176, %dma_start3A_177] : memref<2x8x128xi32, #tpu.memory_space<vmem>> -> memref<1x1x128xi32, #tpu.memory_space<vmem>>
      %dma_start3A_179 = tpu.memref_squeeze %dma_start3A_178 : memref<1x1x128xi32, #tpu.memory_space<vmem>> -> memref<128xi32, #tpu.memory_space<vmem>>
      %dma_start3A_180 = arith.constant 0 : i32
      %dma_start3A_181 = arith.constant 0 : i32
      %dma_start3A_182 = tpu.memref_slice %arg8[%dma_start3A_180, %dma_start3A_181] : memref<100096x8xf32, #tpu.memory_space<vmem_shared>> -> memref<100096x8xf32, #tpu.memory_space<vmem_shared>>
      tpu.enqueue_indirect_dma source(%arg7 : memref<128x8xf32, #tpu.memory_space<vmem>>) target(%dma_start3A_182 : memref<100096x8xf32, #tpu.memory_space<vmem_shared>>) offsets(%dma_start3A_179 : memref<128xi32, #tpu.memory_space<vmem>>) semaphore(%arg9 : memref<!tpu.dma_semaphore, #tpu.memory_space<semaphore_mem>>) {add = true}
      %dma_start3A_183 = arith.constant 5 : i32
      %dma_start3A_184 = arith.constant 0 : i32
      %dma_start3A_185 = tpu.memref_slice %arg6[%rem3A_143, %dma_start3A_183, %dma_start3A_184] : memref<2x8x128xi32, #tpu.memory_space<vmem>> -> memref<1x1x128xi32, #tpu.memory_space<vmem>>
      %dma_start3A_186 = tpu.memref_squeeze %dma_start3A_185 : memref<1x1x128xi32, #tpu.memory_space<vmem>> -> memref<128xi32, #tpu.memory_space<vmem>>
      %dma_start3A_187 = arith.constant 0 : i32
      %dma_start3A_188 = arith.constant 0 : i32
      %dma_start3A_189 = tpu.memref_slice %arg8[%dma_start3A_187, %dma_start3A_188] : memref<100096x8xf32, #tpu.memory_space<vmem_shared>> -> memref<100096x8xf32, #tpu.memory_space<vmem_shared>>
      tpu.enqueue_indirect_dma source(%arg7 : memref<128x8xf32, #tpu.memory_space<vmem>>) target(%dma_start3A_189 : memref<100096x8xf32, #tpu.memory_space<vmem_shared>>) offsets(%dma_start3A_186 : memref<128xi32, #tpu.memory_space<vmem>>) semaphore(%arg9 : memref<!tpu.dma_semaphore, #tpu.memory_space<semaphore_mem>>) {add = true}
      %dma_start3A_190 = arith.constant 6 : i32
      %dma_start3A_191 = arith.constant 0 : i32
      %dma_start3A_192 = tpu.memref_slice %arg6[%rem3A_143, %dma_start3A_190, %dma_start3A_191] : memref<2x8x128xi32, #tpu.memory_space<vmem>> -> memref<1x1x128xi32, #tpu.memory_space<vmem>>
      %dma_start3A_193 = tpu.memref_squeeze %dma_start3A_192 : memref<1x1x128xi32, #tpu.memory_space<vmem>> -> memref<128xi32, #tpu.memory_space<vmem>>
      %dma_start3A_194 = arith.constant 0 : i32
      %dma_start3A_195 = arith.constant 0 : i32
      %dma_start3A_196 = tpu.memref_slice %arg8[%dma_start3A_194, %dma_start3A_195] : memref<100096x8xf32, #tpu.memory_space<vmem_shared>> -> memref<100096x8xf32, #tpu.memory_space<vmem_shared>>
      tpu.enqueue_indirect_dma source(%arg7 : memref<128x8xf32, #tpu.memory_space<vmem>>) target(%dma_start3A_196 : memref<100096x8xf32, #tpu.memory_space<vmem_shared>>) offsets(%dma_start3A_193 : memref<128xi32, #tpu.memory_space<vmem>>) semaphore(%arg9 : memref<!tpu.dma_semaphore, #tpu.memory_space<semaphore_mem>>) {add = true}
      %dma_start3A_197 = arith.constant 7 : i32
      %dma_start3A_198 = arith.constant 0 : i32
      %dma_start3A_199 = tpu.memref_slice %arg6[%rem3A_143, %dma_start3A_197, %dma_start3A_198] : memref<2x8x128xi32, #tpu.memory_space<vmem>> -> memref<1x1x128xi32, #tpu.memory_space<vmem>>
      %dma_start3A_200 = tpu.memref_squeeze %dma_start3A_199 : memref<1x1x128xi32, #tpu.memory_space<vmem>> -> memref<128xi32, #tpu.memory_space<vmem>>
      %dma_start3A_201 = arith.constant 0 : i32
      %dma_start3A_202 = arith.constant 0 : i32
      %dma_start3A_203 = tpu.memref_slice %arg8[%dma_start3A_201, %dma_start3A_202] : memref<100096x8xf32, #tpu.memory_space<vmem_shared>> -> memref<100096x8xf32, #tpu.memory_space<vmem_shared>>
      tpu.enqueue_indirect_dma source(%arg7 : memref<128x8xf32, #tpu.memory_space<vmem>>) target(%dma_start3A_203 : memref<100096x8xf32, #tpu.memory_space<vmem_shared>>) offsets(%dma_start3A_200 : memref<128xi32, #tpu.memory_space<vmem>>) semaphore(%arg9 : memref<!tpu.dma_semaphore, #tpu.memory_space<semaphore_mem>>) {add = true}
    }
    %scan3A_9 = arith.constant 49 : i32
    %dma_wait3A = arith.constant 0 : i32
    %dma_wait3A_10 = arith.constant 0 : i32
    %dma_wait3A_11 = arith.constant 0 : i32
    %dma_wait3A_12 = tpu.memref_slice %arg6[%dma_wait3A, %dma_wait3A_10, %dma_wait3A_11] : memref<2x8x128xi32, #tpu.memory_space<vmem>> -> memref<1x1x128xi32, #tpu.memory_space<vmem>>
    %dma_wait3A_13 = tpu.memref_squeeze %dma_wait3A_12 : memref<1x1x128xi32, #tpu.memory_space<vmem>> -> memref<128xi32, #tpu.memory_space<vmem>>
    %dma_wait3A_14 = arith.constant 0 : i32
    %dma_wait3A_15 = arith.constant 0 : i32
    %dma_wait3A_16 = tpu.memref_slice %arg8[%dma_wait3A_14, %dma_wait3A_15] : memref<100096x8xf32, #tpu.memory_space<vmem_shared>> -> memref<100096x8xf32, #tpu.memory_space<vmem_shared>>
    tpu.wait_indirect_dma semaphore(%arg9 : memref<!tpu.dma_semaphore, #tpu.memory_space<semaphore_mem>>) src(%arg7 : memref<128x8xf32, #tpu.memory_space<vmem>>) dst(%dma_wait3A_16 : memref<100096x8xf32, #tpu.memory_space<vmem_shared>>)
    %dma_wait3A_17 = arith.constant 0 : i32
    %dma_wait3A_18 = arith.constant 1 : i32
    %dma_wait3A_19 = arith.constant 0 : i32
    %dma_wait3A_20 = tpu.memref_slice %arg6[%dma_wait3A_17, %dma_wait3A_18, %dma_wait3A_19] : memref<2x8x128xi32, #tpu.memory_space<vmem>> -> memref<1x1x128xi32, #tpu.memory_space<vmem>>
    %dma_wait3A_21 = tpu.memref_squeeze %dma_wait3A_20 : memref<1x1x128xi32, #tpu.memory_space<vmem>> -> memref<128xi32, #tpu.memory_space<vmem>>
    %dma_wait3A_22 = arith.constant 0 : i32
    %dma_wait3A_23 = arith.constant 0 : i32
    %dma_wait3A_24 = tpu.memref_slice %arg8[%dma_wait3A_22, %dma_wait3A_23] : memref<100096x8xf32, #tpu.memory_space<vmem_shared>> -> memref<100096x8xf32, #tpu.memory_space<vmem_shared>>
    tpu.wait_indirect_dma semaphore(%arg9 : memref<!tpu.dma_semaphore, #tpu.memory_space<semaphore_mem>>) src(%arg7 : memref<128x8xf32, #tpu.memory_space<vmem>>) dst(%dma_wait3A_24 : memref<100096x8xf32, #tpu.memory_space<vmem_shared>>)
    %dma_wait3A_25 = arith.constant 0 : i32
    %dma_wait3A_26 = arith.constant 2 : i32
    %dma_wait3A_27 = arith.constant 0 : i32
    %dma_wait3A_28 = tpu.memref_slice %arg6[%dma_wait3A_25, %dma_wait3A_26, %dma_wait3A_27] : memref<2x8x128xi32, #tpu.memory_space<vmem>> -> memref<1x1x128xi32, #tpu.memory_space<vmem>>
    %dma_wait3A_29 = tpu.memref_squeeze %dma_wait3A_28 : memref<1x1x128xi32, #tpu.memory_space<vmem>> -> memref<128xi32, #tpu.memory_space<vmem>>
    %dma_wait3A_30 = arith.constant 0 : i32
    %dma_wait3A_31 = arith.constant 0 : i32
    %dma_wait3A_32 = tpu.memref_slice %arg8[%dma_wait3A_30, %dma_wait3A_31] : memref<100096x8xf32, #tpu.memory_space<vmem_shared>> -> memref<100096x8xf32, #tpu.memory_space<vmem_shared>>
    tpu.wait_indirect_dma semaphore(%arg9 : memref<!tpu.dma_semaphore, #tpu.memory_space<semaphore_mem>>) src(%arg7 : memref<128x8xf32, #tpu.memory_space<vmem>>) dst(%dma_wait3A_32 : memref<100096x8xf32, #tpu.memory_space<vmem_shared>>)
    %dma_wait3A_33 = arith.constant 0 : i32
    %dma_wait3A_34 = arith.constant 3 : i32
    %dma_wait3A_35 = arith.constant 0 : i32
    %dma_wait3A_36 = tpu.memref_slice %arg6[%dma_wait3A_33, %dma_wait3A_34, %dma_wait3A_35] : memref<2x8x128xi32, #tpu.memory_space<vmem>> -> memref<1x1x128xi32, #tpu.memory_space<vmem>>
    %dma_wait3A_37 = tpu.memref_squeeze %dma_wait3A_36 : memref<1x1x128xi32, #tpu.memory_space<vmem>> -> memref<128xi32, #tpu.memory_space<vmem>>
    %dma_wait3A_38 = arith.constant 0 : i32
    %dma_wait3A_39 = arith.constant 0 : i32
    %dma_wait3A_40 = tpu.memref_slice %arg8[%dma_wait3A_38, %dma_wait3A_39] : memref<100096x8xf32, #tpu.memory_space<vmem_shared>> -> memref<100096x8xf32, #tpu.memory_space<vmem_shared>>
    tpu.wait_indirect_dma semaphore(%arg9 : memref<!tpu.dma_semaphore, #tpu.memory_space<semaphore_mem>>) src(%arg7 : memref<128x8xf32, #tpu.memory_space<vmem>>) dst(%dma_wait3A_40 : memref<100096x8xf32, #tpu.memory_space<vmem_shared>>)
    %dma_wait3A_41 = arith.constant 0 : i32
    %dma_wait3A_42 = arith.constant 4 : i32
    %dma_wait3A_43 = arith.constant 0 : i32
    %dma_wait3A_44 = tpu.memref_slice %arg6[%dma_wait3A_41, %dma_wait3A_42, %dma_wait3A_43] : memref<2x8x128xi32, #tpu.memory_space<vmem>> -> memref<1x1x128xi32, #tpu.memory_space<vmem>>
    %dma_wait3A_45 = tpu.memref_squeeze %dma_wait3A_44 : memref<1x1x128xi32, #tpu.memory_space<vmem>> -> memref<128xi32, #tpu.memory_space<vmem>>
    %dma_wait3A_46 = arith.constant 0 : i32
    %dma_wait3A_47 = arith.constant 0 : i32
    %dma_wait3A_48 = tpu.memref_slice %arg8[%dma_wait3A_46, %dma_wait3A_47] : memref<100096x8xf32, #tpu.memory_space<vmem_shared>> -> memref<100096x8xf32, #tpu.memory_space<vmem_shared>>
    tpu.wait_indirect_dma semaphore(%arg9 : memref<!tpu.dma_semaphore, #tpu.memory_space<semaphore_mem>>) src(%arg7 : memref<128x8xf32, #tpu.memory_space<vmem>>) dst(%dma_wait3A_48 : memref<100096x8xf32, #tpu.memory_space<vmem_shared>>)
    %dma_wait3A_49 = arith.constant 0 : i32
    %dma_wait3A_50 = arith.constant 5 : i32
    %dma_wait3A_51 = arith.constant 0 : i32
    %dma_wait3A_52 = tpu.memref_slice %arg6[%dma_wait3A_49, %dma_wait3A_50, %dma_wait3A_51] : memref<2x8x128xi32, #tpu.memory_space<vmem>> -> memref<1x1x128xi32, #tpu.memory_space<vmem>>
    %dma_wait3A_53 = tpu.memref_squeeze %dma_wait3A_52 : memref<1x1x128xi32, #tpu.memory_space<vmem>> -> memref<128xi32, #tpu.memory_space<vmem>>
    %dma_wait3A_54 = arith.constant 0 : i32
    %dma_wait3A_55 = arith.constant 0 : i32
    %dma_wait3A_56 = tpu.memref_slice %arg8[%dma_wait3A_54, %dma_wait3A_55] : memref<100096x8xf32, #tpu.memory_space<vmem_shared>> -> memref<100096x8xf32, #tpu.memory_space<vmem_shared>>
    tpu.wait_indirect_dma semaphore(%arg9 : memref<!tpu.dma_semaphore, #tpu.memory_space<semaphore_mem>>) src(%arg7 : memref<128x8xf32, #tpu.memory_space<vmem>>) dst(%dma_wait3A_56 : memref<100096x8xf32, #tpu.memory_space<vmem_shared>>)
    %dma_wait3A_57 = arith.constant 0 : i32
    %dma_wait3A_58 = arith.constant 6 : i32
    %dma_wait3A_59 = arith.constant 0 : i32
    %dma_wait3A_60 = tpu.memref_slice %arg6[%dma_wait3A_57, %dma_wait3A_58, %dma_wait3A_59] : memref<2x8x128xi32, #tpu.memory_space<vmem>> -> memref<1x1x128xi32, #tpu.memory_space<vmem>>
    %dma_wait3A_61 = tpu.memref_squeeze %dma_wait3A_60 : memref<1x1x128xi32, #tpu.memory_space<vmem>> -> memref<128xi32, #tpu.memory_space<vmem>>
    %dma_wait3A_62 = arith.constant 0 : i32
    %dma_wait3A_63 = arith.constant 0 : i32
    %dma_wait3A_64 = tpu.memref_slice %arg8[%dma_wait3A_62, %dma_wait3A_63] : memref<100096x8xf32, #tpu.memory_space<vmem_shared>> -> memref<100096x8xf32, #tpu.memory_space<vmem_shared>>
    tpu.wait_indirect_dma semaphore(%arg9 : memref<!tpu.dma_semaphore, #tpu.memory_space<semaphore_mem>>) src(%arg7 : memref<128x8xf32, #tpu.memory_space<vmem>>) dst(%dma_wait3A_64 : memref<100096x8xf32, #tpu.memory_space<vmem_shared>>)
    %dma_wait3A_65 = arith.constant 0 : i32
    %dma_wait3A_66 = arith.constant 7 : i32
    %dma_wait3A_67 = arith.constant 0 : i32
    %dma_wait3A_68 = tpu.memref_slice %arg6[%dma_wait3A_65, %dma_wait3A_66, %dma_wait3A_67] : memref<2x8x128xi32, #tpu.memory_space<vmem>> -> memref<1x1x128xi32, #tpu.memory_space<vmem>>
    %dma_wait3A_69 = tpu.memref_squeeze %dma_wait3A_68 : memref<1x1x128xi32, #tpu.memory_space<vmem>> -> memref<128xi32, #tpu.memory_space<vmem>>
    %dma_wait3A_70 = arith.constant 0 : i32
    %dma_wait3A_71 = arith.constant 0 : i32
    %dma_wait3A_72 = tpu.memref_slice %arg8[%dma_wait3A_70, %dma_wait3A_71] : memref<100096x8xf32, #tpu.memory_space<vmem_shared>> -> memref<100096x8xf32, #tpu.memory_space<vmem_shared>>
    tpu.wait_indirect_dma semaphore(%arg9 : memref<!tpu.dma_semaphore, #tpu.memory_space<semaphore_mem>>) src(%arg7 : memref<128x8xf32, #tpu.memory_space<vmem>>) dst(%dma_wait3A_72 : memref<100096x8xf32, #tpu.memory_space<vmem_shared>>)
    %dma_wait3A_73 = arith.constant 1 : i32
    %dma_wait3A_74 = arith.constant 0 : i32
    %dma_wait3A_75 = arith.constant 0 : i32
    %dma_wait3A_76 = tpu.memref_slice %arg6[%dma_wait3A_73, %dma_wait3A_74, %dma_wait3A_75] : memref<2x8x128xi32, #tpu.memory_space<vmem>> -> memref<1x1x128xi32, #tpu.memory_space<vmem>>
    %dma_wait3A_77 = tpu.memref_squeeze %dma_wait3A_76 : memref<1x1x128xi32, #tpu.memory_space<vmem>> -> memref<128xi32, #tpu.memory_space<vmem>>
    %dma_wait3A_78 = arith.constant 0 : i32
    %dma_wait3A_79 = arith.constant 0 : i32
    %dma_wait3A_80 = tpu.memref_slice %arg8[%dma_wait3A_78, %dma_wait3A_79] : memref<100096x8xf32, #tpu.memory_space<vmem_shared>> -> memref<100096x8xf32, #tpu.memory_space<vmem_shared>>
    tpu.wait_indirect_dma semaphore(%arg9 : memref<!tpu.dma_semaphore, #tpu.memory_space<semaphore_mem>>) src(%arg7 : memref<128x8xf32, #tpu.memory_space<vmem>>) dst(%dma_wait3A_80 : memref<100096x8xf32, #tpu.memory_space<vmem_shared>>)
    %dma_wait3A_81 = arith.constant 1 : i32
    %dma_wait3A_82 = arith.constant 1 : i32
    %dma_wait3A_83 = arith.constant 0 : i32
    %dma_wait3A_84 = tpu.memref_slice %arg6[%dma_wait3A_81, %dma_wait3A_82, %dma_wait3A_83] : memref<2x8x128xi32, #tpu.memory_space<vmem>> -> memref<1x1x128xi32, #tpu.memory_space<vmem>>
    %dma_wait3A_85 = tpu.memref_squeeze %dma_wait3A_84 : memref<1x1x128xi32, #tpu.memory_space<vmem>> -> memref<128xi32, #tpu.memory_space<vmem>>
    %dma_wait3A_86 = arith.constant 0 : i32
    %dma_wait3A_87 = arith.constant 0 : i32
    %dma_wait3A_88 = tpu.memref_slice %arg8[%dma_wait3A_86, %dma_wait3A_87] : memref<100096x8xf32, #tpu.memory_space<vmem_shared>> -> memref<100096x8xf32, #tpu.memory_space<vmem_shared>>
    tpu.wait_indirect_dma semaphore(%arg9 : memref<!tpu.dma_semaphore, #tpu.memory_space<semaphore_mem>>) src(%arg7 : memref<128x8xf32, #tpu.memory_space<vmem>>) dst(%dma_wait3A_88 : memref<100096x8xf32, #tpu.memory_space<vmem_shared>>)
    %dma_wait3A_89 = arith.constant 1 : i32
    %dma_wait3A_90 = arith.constant 2 : i32
    %dma_wait3A_91 = arith.constant 0 : i32
    %dma_wait3A_92 = tpu.memref_slice %arg6[%dma_wait3A_89, %dma_wait3A_90, %dma_wait3A_91] : memref<2x8x128xi32, #tpu.memory_space<vmem>> -> memref<1x1x128xi32, #tpu.memory_space<vmem>>
    %dma_wait3A_93 = tpu.memref_squeeze %dma_wait3A_92 : memref<1x1x128xi32, #tpu.memory_space<vmem>> -> memref<128xi32, #tpu.memory_space<vmem>>
    %dma_wait3A_94 = arith.constant 0 : i32
    %dma_wait3A_95 = arith.constant 0 : i32
    %dma_wait3A_96 = tpu.memref_slice %arg8[%dma_wait3A_94, %dma_wait3A_95] : memref<100096x8xf32, #tpu.memory_space<vmem_shared>> -> memref<100096x8xf32, #tpu.memory_space<vmem_shared>>
    tpu.wait_indirect_dma semaphore(%arg9 : memref<!tpu.dma_semaphore, #tpu.memory_space<semaphore_mem>>) src(%arg7 : memref<128x8xf32, #tpu.memory_space<vmem>>) dst(%dma_wait3A_96 : memref<100096x8xf32, #tpu.memory_space<vmem_shared>>)
    %dma_wait3A_97 = arith.constant 1 : i32
    %dma_wait3A_98 = arith.constant 3 : i32
    %dma_wait3A_99 = arith.constant 0 : i32
    %dma_wait3A_100 = tpu.memref_slice %arg6[%dma_wait3A_97, %dma_wait3A_98, %dma_wait3A_99] : memref<2x8x128xi32, #tpu.memory_space<vmem>> -> memref<1x1x128xi32, #tpu.memory_space<vmem>>
    %dma_wait3A_101 = tpu.memref_squeeze %dma_wait3A_100 : memref<1x1x128xi32, #tpu.memory_space<vmem>> -> memref<128xi32, #tpu.memory_space<vmem>>
    %dma_wait3A_102 = arith.constant 0 : i32
    %dma_wait3A_103 = arith.constant 0 : i32
    %dma_wait3A_104 = tpu.memref_slice %arg8[%dma_wait3A_102, %dma_wait3A_103] : memref<100096x8xf32, #tpu.memory_space<vmem_shared>> -> memref<100096x8xf32, #tpu.memory_space<vmem_shared>>
    tpu.wait_indirect_dma semaphore(%arg9 : memref<!tpu.dma_semaphore, #tpu.memory_space<semaphore_mem>>) src(%arg7 : memref<128x8xf32, #tpu.memory_space<vmem>>) dst(%dma_wait3A_104 : memref<100096x8xf32, #tpu.memory_space<vmem_shared>>)
    %dma_wait3A_105 = arith.constant 1 : i32
    %dma_wait3A_106 = arith.constant 4 : i32
    %dma_wait3A_107 = arith.constant 0 : i32
    %dma_wait3A_108 = tpu.memref_slice %arg6[%dma_wait3A_105, %dma_wait3A_106, %dma_wait3A_107] : memref<2x8x128xi32, #tpu.memory_space<vmem>> -> memref<1x1x128xi32, #tpu.memory_space<vmem>>
    %dma_wait3A_109 = tpu.memref_squeeze %dma_wait3A_108 : memref<1x1x128xi32, #tpu.memory_space<vmem>> -> memref<128xi32, #tpu.memory_space<vmem>>
    %dma_wait3A_110 = arith.constant 0 : i32
    %dma_wait3A_111 = arith.constant 0 : i32
    %dma_wait3A_112 = tpu.memref_slice %arg8[%dma_wait3A_110, %dma_wait3A_111] : memref<100096x8xf32, #tpu.memory_space<vmem_shared>> -> memref<100096x8xf32, #tpu.memory_space<vmem_shared>>
    tpu.wait_indirect_dma semaphore(%arg9 : memref<!tpu.dma_semaphore, #tpu.memory_space<semaphore_mem>>) src(%arg7 : memref<128x8xf32, #tpu.memory_space<vmem>>) dst(%dma_wait3A_112 : memref<100096x8xf32, #tpu.memory_space<vmem_shared>>)
    %dma_wait3A_113 = arith.constant 1 : i32
    %dma_wait3A_114 = arith.constant 5 : i32
    %dma_wait3A_115 = arith.constant 0 : i32
    %dma_wait3A_116 = tpu.memref_slice %arg6[%dma_wait3A_113, %dma_wait3A_114, %dma_wait3A_115] : memref<2x8x128xi32, #tpu.memory_space<vmem>> -> memref<1x1x128xi32, #tpu.memory_space<vmem>>
    %dma_wait3A_117 = tpu.memref_squeeze %dma_wait3A_116 : memref<1x1x128xi32, #tpu.memory_space<vmem>> -> memref<128xi32, #tpu.memory_space<vmem>>
    %dma_wait3A_118 = arith.constant 0 : i32
    %dma_wait3A_119 = arith.constant 0 : i32
    %dma_wait3A_120 = tpu.memref_slice %arg8[%dma_wait3A_118, %dma_wait3A_119] : memref<100096x8xf32, #tpu.memory_space<vmem_shared>> -> memref<100096x8xf32, #tpu.memory_space<vmem_shared>>
    tpu.wait_indirect_dma semaphore(%arg9 : memref<!tpu.dma_semaphore, #tpu.memory_space<semaphore_mem>>) src(%arg7 : memref<128x8xf32, #tpu.memory_space<vmem>>) dst(%dma_wait3A_120 : memref<100096x8xf32, #tpu.memory_space<vmem_shared>>)
    %dma_wait3A_121 = arith.constant 1 : i32
    %dma_wait3A_122 = arith.constant 6 : i32
    %dma_wait3A_123 = arith.constant 0 : i32
    %dma_wait3A_124 = tpu.memref_slice %arg6[%dma_wait3A_121, %dma_wait3A_122, %dma_wait3A_123] : memref<2x8x128xi32, #tpu.memory_space<vmem>> -> memref<1x1x128xi32, #tpu.memory_space<vmem>>
    %dma_wait3A_125 = tpu.memref_squeeze %dma_wait3A_124 : memref<1x1x128xi32, #tpu.memory_space<vmem>> -> memref<128xi32, #tpu.memory_space<vmem>>
    %dma_wait3A_126 = arith.constant 0 : i32
    %dma_wait3A_127 = arith.constant 0 : i32
    %dma_wait3A_128 = tpu.memref_slice %arg8[%dma_wait3A_126, %dma_wait3A_127] : memref<100096x8xf32, #tpu.memory_space<vmem_shared>> -> memref<100096x8xf32, #tpu.memory_space<vmem_shared>>
    tpu.wait_indirect_dma semaphore(%arg9 : memref<!tpu.dma_semaphore, #tpu.memory_space<semaphore_mem>>) src(%arg7 : memref<128x8xf32, #tpu.memory_space<vmem>>) dst(%dma_wait3A_128 : memref<100096x8xf32, #tpu.memory_space<vmem_shared>>)
    %dma_wait3A_129 = arith.constant 1 : i32
    %dma_wait3A_130 = arith.constant 7 : i32
    %dma_wait3A_131 = arith.constant 0 : i32
    %dma_wait3A_132 = tpu.memref_slice %arg6[%dma_wait3A_129, %dma_wait3A_130, %dma_wait3A_131] : memref<2x8x128xi32, #tpu.memory_space<vmem>> -> memref<1x1x128xi32, #tpu.memory_space<vmem>>
    %dma_wait3A_133 = tpu.memref_squeeze %dma_wait3A_132 : memref<1x1x128xi32, #tpu.memory_space<vmem>> -> memref<128xi32, #tpu.memory_space<vmem>>
    %dma_wait3A_134 = arith.constant 0 : i32
    %dma_wait3A_135 = arith.constant 0 : i32
    %dma_wait3A_136 = tpu.memref_slice %arg8[%dma_wait3A_134, %dma_wait3A_135] : memref<100096x8xf32, #tpu.memory_space<vmem_shared>> -> memref<100096x8xf32, #tpu.memory_space<vmem_shared>>
    tpu.wait_indirect_dma semaphore(%arg9 : memref<!tpu.dma_semaphore, #tpu.memory_space<semaphore_mem>>) src(%arg7 : memref<128x8xf32, #tpu.memory_space<vmem>>) dst(%dma_wait3A_136 : memref<100096x8xf32, #tpu.memory_space<vmem_shared>>)
    %barrier3A_137 = arith.constant 0 : index
    tpu.barrier barrier_id(%barrier3A_137)
    %mul3A_138 = arith.constant 6256 : i32
    %mul3A_139 = arith.muli %arg1, %mul3A_138 : i32
    %mul3A_140 = arith.constant 6256 : i32
    %mul3A_141 = arith.muli %arg1, %mul3A_140 : i32
    "tpu.region"() ({
      %run_scoped3A = tpu.sem_alloc : memref<!tpu.dma_semaphore, #tpu.memory_space<semaphore_mem>>
      %dma_start3A = arith.constant 0 : i32
      %dma_start3A_142 = tpu.memref_slice %arg5[%arg0, %mul3A_141, %dma_start3A] : memref<2x100096x8xf32, #tpu.memory_space<hbm>> -> memref<1x6256x8xf32, #tpu.memory_space<hbm>>
      %dma_start3A_143 = tpu.memref_squeeze %dma_start3A_142 : memref<1x6256x8xf32, #tpu.memory_space<hbm>> -> memref<6256x8xf32, #tpu.memory_space<hbm>>
      %dma_start3A_144 = arith.constant 0 : i32
      %dma_start3A_145 = tpu.memref_slice %arg8[%mul3A_139, %dma_start3A_144] : memref<100096x8xf32, #tpu.memory_space<vmem_shared>> -> memref<6256x8xf32, #tpu.memory_space<vmem_shared>>
      tpu.enqueue_dma source(%dma_start3A_145 : memref<6256x8xf32, #tpu.memory_space<vmem_shared>>) target(%dma_start3A_143 : memref<6256x8xf32, #tpu.memory_space<hbm>>) target_semaphore(%run_scoped3A : memref<!tpu.dma_semaphore, #tpu.memory_space<semaphore_mem>>)
      %dma_wait3A_146 = arith.constant 0 : i32
      %dma_wait3A_147 = tpu.memref_slice %arg5[%arg0, %mul3A_141, %dma_wait3A_146] : memref<2x100096x8xf32, #tpu.memory_space<hbm>> -> memref<1x6256x8xf32, #tpu.memory_space<hbm>>
      %dma_wait3A_148 = tpu.memref_squeeze %dma_wait3A_147 : memref<1x6256x8xf32, #tpu.memory_space<hbm>> -> memref<6256x8xf32, #tpu.memory_space<hbm>>
      %dma_wait3A_149 = arith.constant 0 : i32
      %dma_wait3A_150 = tpu.memref_slice %arg8[%mul3A_139, %dma_wait3A_149] : memref<100096x8xf32, #tpu.memory_space<vmem_shared>> -> memref<6256x8xf32, #tpu.memory_space<vmem_shared>>
      tpu.wait_dma2 semaphore(%run_scoped3A : memref<!tpu.dma_semaphore, #tpu.memory_space<semaphore_mem>>) src(%dma_wait3A_150 : memref<6256x8xf32, #tpu.memory_space<vmem_shared>>) dst(%dma_wait3A_148 : memref<6256x8xf32, #tpu.memory_space<hbm>>)
      tpu.yield
    }) : () -> ()
    return
  }
}

#map = affine_map<(d0, d1) -> (0, 0, 0)>
#map1 = affine_map<(d0, d1) -> (0, 0)>
module attributes {stable_mosaic.version = 14 : i64} {
  func.func @body(%arg0: i32, %arg1: i32, %arg2: memref<12544x2x128xi32, #tpu.memory_space<hbm>>, %arg3: memref<100000x8xf32, #tpu.memory_space<hbm>>, %arg4: memref<6256x8xf32, #tpu.memory_space<hbm>>, %arg5: memref<2x100096x8xf32, #tpu.memory_space<hbm>>, %arg6: memref<2x8x2x128xi32, #tpu.memory_space<vmem>>, %arg7: memref<2x8x128x8xf32, #tpu.memory_space<vmem>>, %arg8: memref<100096x8xf32, #tpu.memory_space<vmem_shared>>, %arg9: memref<!tpu.dma_semaphore, #tpu.memory_space<semaphore_mem>>, %arg10: memref<!tpu.dma_semaphore, #tpu.memory_space<semaphore_mem>>) attributes {dimension_semantics = [#tpu.dimension_semantics<core_parallel>, #tpu.dimension_semantics<subcore_parallel>], iteration_bounds = array<i64: 2, 16>, scalar_prefetch = 0 : i64, scratch_operands = 5 : i64, tpu.core_type = #tpu.core_type<sc_vector_subcore>, window_params = [{transform_indices = #map}, {transform_indices = #map1}, {transform_indices = #map1}, {transform_indices = #map}]} {
    %mul3A = arith.constant 6256 : i32
    %mul3A_0 = arith.muli %arg1, %mul3A : i32
    "tpu.region"() ({
      %run_scoped3A = tpu.sem_alloc : memref<!tpu.dma_semaphore, #tpu.memory_space<semaphore_mem>>
      %dma_start3A = arith.constant 0 : i32
      %dma_start3A_254 = tpu.memref_slice %arg8[%mul3A_0, %dma_start3A] : memref<100096x8xf32, #tpu.memory_space<vmem_shared>> -> memref<6256x8xf32, #tpu.memory_space<vmem_shared>>
      tpu.enqueue_dma source(%arg4 : memref<6256x8xf32, #tpu.memory_space<hbm>>) target(%dma_start3A_254 : memref<6256x8xf32, #tpu.memory_space<vmem_shared>>) target_semaphore(%run_scoped3A : memref<!tpu.dma_semaphore, #tpu.memory_space<semaphore_mem>>)
      %dma_wait3A_255 = arith.constant 0 : i32
      %dma_wait3A_256 = tpu.memref_slice %arg8[%mul3A_0, %dma_wait3A_255] : memref<100096x8xf32, #tpu.memory_space<vmem_shared>> -> memref<6256x8xf32, #tpu.memory_space<vmem_shared>>
      tpu.wait_dma2 semaphore(%run_scoped3A : memref<!tpu.dma_semaphore, #tpu.memory_space<semaphore_mem>>) src(%arg4 : memref<6256x8xf32, #tpu.memory_space<hbm>>) dst(%dma_wait3A_256 : memref<6256x8xf32, #tpu.memory_space<vmem_shared>>)
      tpu.yield
    }) : () -> ()
    %barrier3A = arith.constant 0 : index
    tpu.barrier barrier_id(%barrier3A)
    %mul3A_1 = arith.constant 16 : i32
    %mul3A_2 = arith.muli %arg0, %mul3A_1 : i32
    %add3A = arith.addi %mul3A_2, %arg1 : i32
    %mul3A_3 = arith.constant 392 : i32
    %mul3A_4 = arith.muli %add3A, %mul3A_3 : i32
    %scan3A = arith.constant 0 : i32
    %scan3A_5 = arith.constant 0 : i32
    %scan3A_6 = arith.constant 49 : i32
    %scan3A_7 = arith.addi %scan3A_5, %scan3A_6 : i32
    %scan3A_8 = arith.constant 1 : i32
    scf.for %scan3A_254 = %scan3A_5 to %scan3A_7 step %scan3A_8  : i32 {
      %rem3A = arith.constant 2 : i32
      %rem3A_255 = arith.remsi %scan3A_254, %rem3A : i32
      %mul3A_256 = arith.constant 8 : i32
      %mul3A_257 = arith.muli %scan3A_254, %mul3A_256 : i32
      %add3A_258 = arith.addi %mul3A_4, %mul3A_257 : i32
      %ge3A = arith.constant 2 : i32
      %ge3A_259 = arith.cmpi sge, %scan3A_254, %ge3A : i32
      %convert_element_type3A = arith.extui %ge3A_259 : i1 to i32
      %cond3A = arith.constant 0 : i32
      %cond3A_260 = arith.cmpi ne, %convert_element_type3A, %cond3A : i32
      scf.if %cond3A_260 {
        %dma_wait3A_572 = arith.constant 0 : i32
        %dma_wait3A_573 = arith.constant 0 : i32
        %dma_wait3A_574 = arith.constant 1 : i32
        %dma_wait3A_575 = arith.constant 0 : i32
        %dma_wait3A_576 = arith.constant 0 : i32
        %dma_wait3A_577 = tpu.memref_slice %arg7[%rem3A_255, %dma_wait3A_572, %dma_wait3A_575, %dma_wait3A_576] : memref<2x8x128x8xf32, #tpu.memory_space<vmem>> -> memref<1x1x128x8xf32, #tpu.memory_space<vmem>>
        %dma_wait3A_578 = tpu.memref_squeeze %dma_wait3A_577 : memref<1x1x128x8xf32, #tpu.memory_space<vmem>> -> memref<128x8xf32, #tpu.memory_space<vmem>>
        %dma_wait3A_579 = arith.constant 0 : i32
        %dma_wait3A_580 = tpu.memref_slice %arg6[%rem3A_255, %dma_wait3A_573, %dma_wait3A_574, %dma_wait3A_579] : memref<2x8x2x128xi32, #tpu.memory_space<vmem>> -> memref<1x1x1x128xi32, #tpu.memory_space<vmem>>
        %dma_wait3A_581 = tpu.memref_squeeze %dma_wait3A_580 : memref<1x1x1x128xi32, #tpu.memory_space<vmem>> -> memref<128xi32, #tpu.memory_space<vmem>>
        %dma_wait3A_582 = arith.constant 0 : i32
        %dma_wait3A_583 = arith.constant 0 : i32
        %dma_wait3A_584 = tpu.memref_slice %arg8[%dma_wait3A_582, %dma_wait3A_583] : memref<100096x8xf32, #tpu.memory_space<vmem_shared>> -> memref<100096x8xf32, #tpu.memory_space<vmem_shared>>
        tpu.wait_indirect_dma semaphore(%arg10 : memref<!tpu.dma_semaphore, #tpu.memory_space<semaphore_mem>>) src(%dma_wait3A_578 : memref<128x8xf32, #tpu.memory_space<vmem>>) dst(%dma_wait3A_584 : memref<100096x8xf32, #tpu.memory_space<vmem_shared>>)
        %dma_wait3A_585 = arith.constant 1 : i32
        %dma_wait3A_586 = arith.constant 1 : i32
        %dma_wait3A_587 = arith.constant 1 : i32
        %dma_wait3A_588 = arith.constant 0 : i32
        %dma_wait3A_589 = arith.constant 0 : i32
        %dma_wait3A_590 = tpu.memref_slice %arg7[%rem3A_255, %dma_wait3A_585, %dma_wait3A_588, %dma_wait3A_589] : memref<2x8x128x8xf32, #tpu.memory_space<vmem>> -> memref<1x1x128x8xf32, #tpu.memory_space<vmem>>
        %dma_wait3A_591 = tpu.memref_squeeze %dma_wait3A_590 : memref<1x1x128x8xf32, #tpu.memory_space<vmem>> -> memref<128x8xf32, #tpu.memory_space<vmem>>
        %dma_wait3A_592 = arith.constant 0 : i32
        %dma_wait3A_593 = tpu.memref_slice %arg6[%rem3A_255, %dma_wait3A_586, %dma_wait3A_587, %dma_wait3A_592] : memref<2x8x2x128xi32, #tpu.memory_space<vmem>> -> memref<1x1x1x128xi32, #tpu.memory_space<vmem>>
        %dma_wait3A_594 = tpu.memref_squeeze %dma_wait3A_593 : memref<1x1x1x128xi32, #tpu.memory_space<vmem>> -> memref<128xi32, #tpu.memory_space<vmem>>
        %dma_wait3A_595 = arith.constant 0 : i32
        %dma_wait3A_596 = arith.constant 0 : i32
        %dma_wait3A_597 = tpu.memref_slice %arg8[%dma_wait3A_595, %dma_wait3A_596] : memref<100096x8xf32, #tpu.memory_space<vmem_shared>> -> memref<100096x8xf32, #tpu.memory_space<vmem_shared>>
        tpu.wait_indirect_dma semaphore(%arg10 : memref<!tpu.dma_semaphore, #tpu.memory_space<semaphore_mem>>) src(%dma_wait3A_591 : memref<128x8xf32, #tpu.memory_space<vmem>>) dst(%dma_wait3A_597 : memref<100096x8xf32, #tpu.memory_space<vmem_shared>>)
        %dma_wait3A_598 = arith.constant 2 : i32
        %dma_wait3A_599 = arith.constant 2 : i32
        %dma_wait3A_600 = arith.constant 1 : i32
        %dma_wait3A_601 = arith.constant 0 : i32
        %dma_wait3A_602 = arith.constant 0 : i32
        %dma_wait3A_603 = tpu.memref_slice %arg7[%rem3A_255, %dma_wait3A_598, %dma_wait3A_601, %dma_wait3A_602] : memref<2x8x128x8xf32, #tpu.memory_space<vmem>> -> memref<1x1x128x8xf32, #tpu.memory_space<vmem>>
        %dma_wait3A_604 = tpu.memref_squeeze %dma_wait3A_603 : memref<1x1x128x8xf32, #tpu.memory_space<vmem>> -> memref<128x8xf32, #tpu.memory_space<vmem>>
        %dma_wait3A_605 = arith.constant 0 : i32
        %dma_wait3A_606 = tpu.memref_slice %arg6[%rem3A_255, %dma_wait3A_599, %dma_wait3A_600, %dma_wait3A_605] : memref<2x8x2x128xi32, #tpu.memory_space<vmem>> -> memref<1x1x1x128xi32, #tpu.memory_space<vmem>>
        %dma_wait3A_607 = tpu.memref_squeeze %dma_wait3A_606 : memref<1x1x1x128xi32, #tpu.memory_space<vmem>> -> memref<128xi32, #tpu.memory_space<vmem>>
        %dma_wait3A_608 = arith.constant 0 : i32
        %dma_wait3A_609 = arith.constant 0 : i32
        %dma_wait3A_610 = tpu.memref_slice %arg8[%dma_wait3A_608, %dma_wait3A_609] : memref<100096x8xf32, #tpu.memory_space<vmem_shared>> -> memref<100096x8xf32, #tpu.memory_space<vmem_shared>>
        tpu.wait_indirect_dma semaphore(%arg10 : memref<!tpu.dma_semaphore, #tpu.memory_space<semaphore_mem>>) src(%dma_wait3A_604 : memref<128x8xf32, #tpu.memory_space<vmem>>) dst(%dma_wait3A_610 : memref<100096x8xf32, #tpu.memory_space<vmem_shared>>)
        %dma_wait3A_611 = arith.constant 3 : i32
        %dma_wait3A_612 = arith.constant 3 : i32
        %dma_wait3A_613 = arith.constant 1 : i32
        %dma_wait3A_614 = arith.constant 0 : i32
        %dma_wait3A_615 = arith.constant 0 : i32
        %dma_wait3A_616 = tpu.memref_slice %arg7[%rem3A_255, %dma_wait3A_611, %dma_wait3A_614, %dma_wait3A_615] : memref<2x8x128x8xf32, #tpu.memory_space<vmem>> -> memref<1x1x128x8xf32, #tpu.memory_space<vmem>>
        %dma_wait3A_617 = tpu.memref_squeeze %dma_wait3A_616 : memref<1x1x128x8xf32, #tpu.memory_space<vmem>> -> memref<128x8xf32, #tpu.memory_space<vmem>>
        %dma_wait3A_618 = arith.constant 0 : i32
        %dma_wait3A_619 = tpu.memref_slice %arg6[%rem3A_255, %dma_wait3A_612, %dma_wait3A_613, %dma_wait3A_618] : memref<2x8x2x128xi32, #tpu.memory_space<vmem>> -> memref<1x1x1x128xi32, #tpu.memory_space<vmem>>
        %dma_wait3A_620 = tpu.memref_squeeze %dma_wait3A_619 : memref<1x1x1x128xi32, #tpu.memory_space<vmem>> -> memref<128xi32, #tpu.memory_space<vmem>>
        %dma_wait3A_621 = arith.constant 0 : i32
        %dma_wait3A_622 = arith.constant 0 : i32
        %dma_wait3A_623 = tpu.memref_slice %arg8[%dma_wait3A_621, %dma_wait3A_622] : memref<100096x8xf32, #tpu.memory_space<vmem_shared>> -> memref<100096x8xf32, #tpu.memory_space<vmem_shared>>
        tpu.wait_indirect_dma semaphore(%arg10 : memref<!tpu.dma_semaphore, #tpu.memory_space<semaphore_mem>>) src(%dma_wait3A_617 : memref<128x8xf32, #tpu.memory_space<vmem>>) dst(%dma_wait3A_623 : memref<100096x8xf32, #tpu.memory_space<vmem_shared>>)
        %dma_wait3A_624 = arith.constant 4 : i32
        %dma_wait3A_625 = arith.constant 4 : i32
        %dma_wait3A_626 = arith.constant 1 : i32
        %dma_wait3A_627 = arith.constant 0 : i32
        %dma_wait3A_628 = arith.constant 0 : i32
        %dma_wait3A_629 = tpu.memref_slice %arg7[%rem3A_255, %dma_wait3A_624, %dma_wait3A_627, %dma_wait3A_628] : memref<2x8x128x8xf32, #tpu.memory_space<vmem>> -> memref<1x1x128x8xf32, #tpu.memory_space<vmem>>
        %dma_wait3A_630 = tpu.memref_squeeze %dma_wait3A_629 : memref<1x1x128x8xf32, #tpu.memory_space<vmem>> -> memref<128x8xf32, #tpu.memory_space<vmem>>
        %dma_wait3A_631 = arith.constant 0 : i32
        %dma_wait3A_632 = tpu.memref_slice %arg6[%rem3A_255, %dma_wait3A_625, %dma_wait3A_626, %dma_wait3A_631] : memref<2x8x2x128xi32, #tpu.memory_space<vmem>> -> memref<1x1x1x128xi32, #tpu.memory_space<vmem>>
        %dma_wait3A_633 = tpu.memref_squeeze %dma_wait3A_632 : memref<1x1x1x128xi32, #tpu.memory_space<vmem>> -> memref<128xi32, #tpu.memory_space<vmem>>
        %dma_wait3A_634 = arith.constant 0 : i32
        %dma_wait3A_635 = arith.constant 0 : i32
        %dma_wait3A_636 = tpu.memref_slice %arg8[%dma_wait3A_634, %dma_wait3A_635] : memref<100096x8xf32, #tpu.memory_space<vmem_shared>> -> memref<100096x8xf32, #tpu.memory_space<vmem_shared>>
        tpu.wait_indirect_dma semaphore(%arg10 : memref<!tpu.dma_semaphore, #tpu.memory_space<semaphore_mem>>) src(%dma_wait3A_630 : memref<128x8xf32, #tpu.memory_space<vmem>>) dst(%dma_wait3A_636 : memref<100096x8xf32, #tpu.memory_space<vmem_shared>>)
        %dma_wait3A_637 = arith.constant 5 : i32
        %dma_wait3A_638 = arith.constant 5 : i32
        %dma_wait3A_639 = arith.constant 1 : i32
        %dma_wait3A_640 = arith.constant 0 : i32
        %dma_wait3A_641 = arith.constant 0 : i32
        %dma_wait3A_642 = tpu.memref_slice %arg7[%rem3A_255, %dma_wait3A_637, %dma_wait3A_640, %dma_wait3A_641] : memref<2x8x128x8xf32, #tpu.memory_space<vmem>> -> memref<1x1x128x8xf32, #tpu.memory_space<vmem>>
        %dma_wait3A_643 = tpu.memref_squeeze %dma_wait3A_642 : memref<1x1x128x8xf32, #tpu.memory_space<vmem>> -> memref<128x8xf32, #tpu.memory_space<vmem>>
        %dma_wait3A_644 = arith.constant 0 : i32
        %dma_wait3A_645 = tpu.memref_slice %arg6[%rem3A_255, %dma_wait3A_638, %dma_wait3A_639, %dma_wait3A_644] : memref<2x8x2x128xi32, #tpu.memory_space<vmem>> -> memref<1x1x1x128xi32, #tpu.memory_space<vmem>>
        %dma_wait3A_646 = tpu.memref_squeeze %dma_wait3A_645 : memref<1x1x1x128xi32, #tpu.memory_space<vmem>> -> memref<128xi32, #tpu.memory_space<vmem>>
        %dma_wait3A_647 = arith.constant 0 : i32
        %dma_wait3A_648 = arith.constant 0 : i32
        %dma_wait3A_649 = tpu.memref_slice %arg8[%dma_wait3A_647, %dma_wait3A_648] : memref<100096x8xf32, #tpu.memory_space<vmem_shared>> -> memref<100096x8xf32, #tpu.memory_space<vmem_shared>>
        tpu.wait_indirect_dma semaphore(%arg10 : memref<!tpu.dma_semaphore, #tpu.memory_space<semaphore_mem>>) src(%dma_wait3A_643 : memref<128x8xf32, #tpu.memory_space<vmem>>) dst(%dma_wait3A_649 : memref<100096x8xf32, #tpu.memory_space<vmem_shared>>)
        %dma_wait3A_650 = arith.constant 6 : i32
        %dma_wait3A_651 = arith.constant 6 : i32
        %dma_wait3A_652 = arith.constant 1 : i32
        %dma_wait3A_653 = arith.constant 0 : i32
        %dma_wait3A_654 = arith.constant 0 : i32
        %dma_wait3A_655 = tpu.memref_slice %arg7[%rem3A_255, %dma_wait3A_650, %dma_wait3A_653, %dma_wait3A_654] : memref<2x8x128x8xf32, #tpu.memory_space<vmem>> -> memref<1x1x128x8xf32, #tpu.memory_space<vmem>>
        %dma_wait3A_656 = tpu.memref_squeeze %dma_wait3A_655 : memref<1x1x128x8xf32, #tpu.memory_space<vmem>> -> memref<128x8xf32, #tpu.memory_space<vmem>>
        %dma_wait3A_657 = arith.constant 0 : i32
        %dma_wait3A_658 = tpu.memref_slice %arg6[%rem3A_255, %dma_wait3A_651, %dma_wait3A_652, %dma_wait3A_657] : memref<2x8x2x128xi32, #tpu.memory_space<vmem>> -> memref<1x1x1x128xi32, #tpu.memory_space<vmem>>
        %dma_wait3A_659 = tpu.memref_squeeze %dma_wait3A_658 : memref<1x1x1x128xi32, #tpu.memory_space<vmem>> -> memref<128xi32, #tpu.memory_space<vmem>>
        %dma_wait3A_660 = arith.constant 0 : i32
        %dma_wait3A_661 = arith.constant 0 : i32
        %dma_wait3A_662 = tpu.memref_slice %arg8[%dma_wait3A_660, %dma_wait3A_661] : memref<100096x8xf32, #tpu.memory_space<vmem_shared>> -> memref<100096x8xf32, #tpu.memory_space<vmem_shared>>
        tpu.wait_indirect_dma semaphore(%arg10 : memref<!tpu.dma_semaphore, #tpu.memory_space<semaphore_mem>>) src(%dma_wait3A_656 : memref<128x8xf32, #tpu.memory_space<vmem>>) dst(%dma_wait3A_662 : memref<100096x8xf32, #tpu.memory_space<vmem_shared>>)
        %dma_wait3A_663 = arith.constant 7 : i32
        %dma_wait3A_664 = arith.constant 7 : i32
        %dma_wait3A_665 = arith.constant 1 : i32
        %dma_wait3A_666 = arith.constant 0 : i32
        %dma_wait3A_667 = arith.constant 0 : i32
        %dma_wait3A_668 = tpu.memref_slice %arg7[%rem3A_255, %dma_wait3A_663, %dma_wait3A_666, %dma_wait3A_667] : memref<2x8x128x8xf32, #tpu.memory_space<vmem>> -> memref<1x1x128x8xf32, #tpu.memory_space<vmem>>
        %dma_wait3A_669 = tpu.memref_squeeze %dma_wait3A_668 : memref<1x1x128x8xf32, #tpu.memory_space<vmem>> -> memref<128x8xf32, #tpu.memory_space<vmem>>
        %dma_wait3A_670 = arith.constant 0 : i32
        %dma_wait3A_671 = tpu.memref_slice %arg6[%rem3A_255, %dma_wait3A_664, %dma_wait3A_665, %dma_wait3A_670] : memref<2x8x2x128xi32, #tpu.memory_space<vmem>> -> memref<1x1x1x128xi32, #tpu.memory_space<vmem>>
        %dma_wait3A_672 = tpu.memref_squeeze %dma_wait3A_671 : memref<1x1x1x128xi32, #tpu.memory_space<vmem>> -> memref<128xi32, #tpu.memory_space<vmem>>
        %dma_wait3A_673 = arith.constant 0 : i32
        %dma_wait3A_674 = arith.constant 0 : i32
        %dma_wait3A_675 = tpu.memref_slice %arg8[%dma_wait3A_673, %dma_wait3A_674] : memref<100096x8xf32, #tpu.memory_space<vmem_shared>> -> memref<100096x8xf32, #tpu.memory_space<vmem_shared>>
        tpu.wait_indirect_dma semaphore(%arg10 : memref<!tpu.dma_semaphore, #tpu.memory_space<semaphore_mem>>) src(%dma_wait3A_669 : memref<128x8xf32, #tpu.memory_space<vmem>>) dst(%dma_wait3A_675 : memref<100096x8xf32, #tpu.memory_space<vmem_shared>>)
      } else {
      }
      "tpu.region"() ({
        %run_scoped3A = tpu.sem_alloc : memref<!tpu.dma_semaphore, #tpu.memory_space<semaphore_mem>>
        %dma_start3A_572 = arith.constant 0 : i32
        %dma_start3A_573 = arith.constant 0 : i32
        %dma_start3A_574 = arith.constant 0 : i32
        %dma_start3A_575 = tpu.memref_slice %arg6[%rem3A_255, %dma_start3A_572, %dma_start3A_573, %dma_start3A_574] : memref<2x8x2x128xi32, #tpu.memory_space<vmem>> -> memref<1x8x2x128xi32, #tpu.memory_space<vmem>>
        %dma_start3A_576 = tpu.memref_squeeze %dma_start3A_575 : memref<1x8x2x128xi32, #tpu.memory_space<vmem>> -> memref<8x2x128xi32, #tpu.memory_space<vmem>>
        %dma_start3A_577 = arith.constant 0 : i32
        %dma_start3A_578 = arith.constant 0 : i32
        %dma_start3A_579 = tpu.memref_slice %arg2[%add3A_258, %dma_start3A_577, %dma_start3A_578] : memref<12544x2x128xi32, #tpu.memory_space<hbm>> -> memref<8x2x128xi32, #tpu.memory_space<hbm>>
        %dma_start3A_580 = arith.constant 0 : i32
        %dma_start3A_581 = arith.constant 0 : i32
        %dma_start3A_582 = arith.constant 0 : i32
        %dma_start3A_583 = tpu.memref_slice %arg6[%rem3A_255, %dma_start3A_580, %dma_start3A_581, %dma_start3A_582] : memref<2x8x2x128xi32, #tpu.memory_space<vmem>> -> memref<1x8x2x128xi32, #tpu.memory_space<vmem>>
        %dma_start3A_584 = tpu.memref_squeeze %dma_start3A_583 : memref<1x8x2x128xi32, #tpu.memory_space<vmem>> -> memref<8x2x128xi32, #tpu.memory_space<vmem>>
        %dma_start3A_585 = arith.constant 0 : i32
        %dma_start3A_586 = arith.constant 0 : i32
        %dma_start3A_587 = tpu.memref_slice %arg2[%add3A_258, %dma_start3A_585, %dma_start3A_586] : memref<12544x2x128xi32, #tpu.memory_space<hbm>> -> memref<8x2x128xi32, #tpu.memory_space<hbm>>
        tpu.enqueue_dma source(%dma_start3A_587 : memref<8x2x128xi32, #tpu.memory_space<hbm>>) target(%dma_start3A_584 : memref<8x2x128xi32, #tpu.memory_space<vmem>>) target_semaphore(%run_scoped3A : memref<!tpu.dma_semaphore, #tpu.memory_space<semaphore_mem>>)
        %dma_wait3A_588 = arith.constant 0 : i32
        %dma_wait3A_589 = arith.constant 0 : i32
        %dma_wait3A_590 = arith.constant 0 : i32
        %dma_wait3A_591 = tpu.memref_slice %arg6[%rem3A_255, %dma_wait3A_588, %dma_wait3A_589, %dma_wait3A_590] : memref<2x8x2x128xi32, #tpu.memory_space<vmem>> -> memref<1x8x2x128xi32, #tpu.memory_space<vmem>>
        %dma_wait3A_592 = tpu.memref_squeeze %dma_wait3A_591 : memref<1x8x2x128xi32, #tpu.memory_space<vmem>> -> memref<8x2x128xi32, #tpu.memory_space<vmem>>
        %dma_wait3A_593 = arith.constant 0 : i32
        %dma_wait3A_594 = arith.constant 0 : i32
        %dma_wait3A_595 = tpu.memref_slice %arg2[%add3A_258, %dma_wait3A_593, %dma_wait3A_594] : memref<12544x2x128xi32, #tpu.memory_space<hbm>> -> memref<8x2x128xi32, #tpu.memory_space<hbm>>
        %dma_wait3A_596 = arith.constant 0 : i32
        %dma_wait3A_597 = arith.constant 0 : i32
        %dma_wait3A_598 = arith.constant 0 : i32
        %dma_wait3A_599 = tpu.memref_slice %arg6[%rem3A_255, %dma_wait3A_596, %dma_wait3A_597, %dma_wait3A_598] : memref<2x8x2x128xi32, #tpu.memory_space<vmem>> -> memref<1x8x2x128xi32, #tpu.memory_space<vmem>>
        %dma_wait3A_600 = tpu.memref_squeeze %dma_wait3A_599 : memref<1x8x2x128xi32, #tpu.memory_space<vmem>> -> memref<8x2x128xi32, #tpu.memory_space<vmem>>
        %dma_wait3A_601 = arith.constant 0 : i32
        %dma_wait3A_602 = arith.constant 0 : i32
        %dma_wait3A_603 = tpu.memref_slice %arg2[%add3A_258, %dma_wait3A_601, %dma_wait3A_602] : memref<12544x2x128xi32, #tpu.memory_space<hbm>> -> memref<8x2x128xi32, #tpu.memory_space<hbm>>
        tpu.wait_dma2 semaphore(%run_scoped3A : memref<!tpu.dma_semaphore, #tpu.memory_space<semaphore_mem>>) src(%dma_wait3A_603 : memref<8x2x128xi32, #tpu.memory_space<hbm>>) dst(%dma_wait3A_600 : memref<8x2x128xi32, #tpu.memory_space<vmem>>)
        tpu.yield
      }) : () -> ()
      %dma_start3A = arith.constant 0 : i32
      %dma_start3A_261 = arith.constant 0 : i32
      %dma_start3A_262 = arith.constant 0 : i32
      %dma_start3A_263 = arith.constant 0 : i32
      %dma_start3A_264 = arith.constant 0 : i32
      %dma_start3A_265 = tpu.memref_slice %arg7[%rem3A_255, %dma_start3A_262, %dma_start3A_263, %dma_start3A_264] : memref<2x8x128x8xf32, #tpu.memory_space<vmem>> -> memref<1x1x128x8xf32, #tpu.memory_space<vmem>>
      %dma_start3A_266 = tpu.memref_squeeze %dma_start3A_265 : memref<1x1x128x8xf32, #tpu.memory_space<vmem>> -> memref<128x8xf32, #tpu.memory_space<vmem>>
      %dma_start3A_267 = arith.constant 0 : i32
      %dma_start3A_268 = tpu.memref_slice %arg6[%rem3A_255, %dma_start3A, %dma_start3A_261, %dma_start3A_267] : memref<2x8x2x128xi32, #tpu.memory_space<vmem>> -> memref<1x1x1x128xi32, #tpu.memory_space<vmem>>
      %dma_start3A_269 = tpu.memref_squeeze %dma_start3A_268 : memref<1x1x1x128xi32, #tpu.memory_space<vmem>> -> memref<128xi32, #tpu.memory_space<vmem>>
      %dma_start3A_270 = arith.constant 0 : i32
      %dma_start3A_271 = arith.constant 0 : i32
      %dma_start3A_272 = tpu.memref_slice %arg3[%dma_start3A_270, %dma_start3A_271] : memref<100000x8xf32, #tpu.memory_space<hbm>> -> memref<100000x8xf32, #tpu.memory_space<hbm>>
      tpu.enqueue_indirect_dma source(%dma_start3A_272 : memref<100000x8xf32, #tpu.memory_space<hbm>>) target(%dma_start3A_266 : memref<128x8xf32, #tpu.memory_space<vmem>>) offsets(%dma_start3A_269 : memref<128xi32, #tpu.memory_space<vmem>>) semaphore(%arg9 : memref<!tpu.dma_semaphore, #tpu.memory_space<semaphore_mem>>)
      %dma_start3A_273 = arith.constant 1 : i32
      %dma_start3A_274 = arith.constant 0 : i32
      %dma_start3A_275 = arith.constant 1 : i32
      %dma_start3A_276 = arith.constant 0 : i32
      %dma_start3A_277 = arith.constant 0 : i32
      %dma_start3A_278 = tpu.memref_slice %arg7[%rem3A_255, %dma_start3A_275, %dma_start3A_276, %dma_start3A_277] : memref<2x8x128x8xf32, #tpu.memory_space<vmem>> -> memref<1x1x128x8xf32, #tpu.memory_space<vmem>>
      %dma_start3A_279 = tpu.memref_squeeze %dma_start3A_278 : memref<1x1x128x8xf32, #tpu.memory_space<vmem>> -> memref<128x8xf32, #tpu.memory_space<vmem>>
      %dma_start3A_280 = arith.constant 0 : i32
      %dma_start3A_281 = tpu.memref_slice %arg6[%rem3A_255, %dma_start3A_273, %dma_start3A_274, %dma_start3A_280] : memref<2x8x2x128xi32, #tpu.memory_space<vmem>> -> memref<1x1x1x128xi32, #tpu.memory_space<vmem>>
      %dma_start3A_282 = tpu.memref_squeeze %dma_start3A_281 : memref<1x1x1x128xi32, #tpu.memory_space<vmem>> -> memref<128xi32, #tpu.memory_space<vmem>>
      %dma_start3A_283 = arith.constant 0 : i32
      %dma_start3A_284 = arith.constant 0 : i32
      %dma_start3A_285 = tpu.memref_slice %arg3[%dma_start3A_283, %dma_start3A_284] : memref<100000x8xf32, #tpu.memory_space<hbm>> -> memref<100000x8xf32, #tpu.memory_space<hbm>>
      tpu.enqueue_indirect_dma source(%dma_start3A_285 : memref<100000x8xf32, #tpu.memory_space<hbm>>) target(%dma_start3A_279 : memref<128x8xf32, #tpu.memory_space<vmem>>) offsets(%dma_start3A_282 : memref<128xi32, #tpu.memory_space<vmem>>) semaphore(%arg9 : memref<!tpu.dma_semaphore, #tpu.memory_space<semaphore_mem>>)
      %dma_start3A_286 = arith.constant 2 : i32
      %dma_start3A_287 = arith.constant 0 : i32
      %dma_start3A_288 = arith.constant 2 : i32
      %dma_start3A_289 = arith.constant 0 : i32
      %dma_start3A_290 = arith.constant 0 : i32
      %dma_start3A_291 = tpu.memref_slice %arg7[%rem3A_255, %dma_start3A_288, %dma_start3A_289, %dma_start3A_290] : memref<2x8x128x8xf32, #tpu.memory_space<vmem>> -> memref<1x1x128x8xf32, #tpu.memory_space<vmem>>
      %dma_start3A_292 = tpu.memref_squeeze %dma_start3A_291 : memref<1x1x128x8xf32, #tpu.memory_space<vmem>> -> memref<128x8xf32, #tpu.memory_space<vmem>>
      %dma_start3A_293 = arith.constant 0 : i32
      %dma_start3A_294 = tpu.memref_slice %arg6[%rem3A_255, %dma_start3A_286, %dma_start3A_287, %dma_start3A_293] : memref<2x8x2x128xi32, #tpu.memory_space<vmem>> -> memref<1x1x1x128xi32, #tpu.memory_space<vmem>>
      %dma_start3A_295 = tpu.memref_squeeze %dma_start3A_294 : memref<1x1x1x128xi32, #tpu.memory_space<vmem>> -> memref<128xi32, #tpu.memory_space<vmem>>
      %dma_start3A_296 = arith.constant 0 : i32
      %dma_start3A_297 = arith.constant 0 : i32
      %dma_start3A_298 = tpu.memref_slice %arg3[%dma_start3A_296, %dma_start3A_297] : memref<100000x8xf32, #tpu.memory_space<hbm>> -> memref<100000x8xf32, #tpu.memory_space<hbm>>
      tpu.enqueue_indirect_dma source(%dma_start3A_298 : memref<100000x8xf32, #tpu.memory_space<hbm>>) target(%dma_start3A_292 : memref<128x8xf32, #tpu.memory_space<vmem>>) offsets(%dma_start3A_295 : memref<128xi32, #tpu.memory_space<vmem>>) semaphore(%arg9 : memref<!tpu.dma_semaphore, #tpu.memory_space<semaphore_mem>>)
      %dma_start3A_299 = arith.constant 3 : i32
      %dma_start3A_300 = arith.constant 0 : i32
      %dma_start3A_301 = arith.constant 3 : i32
      %dma_start3A_302 = arith.constant 0 : i32
      %dma_start3A_303 = arith.constant 0 : i32
      %dma_start3A_304 = tpu.memref_slice %arg7[%rem3A_255, %dma_start3A_301, %dma_start3A_302, %dma_start3A_303] : memref<2x8x128x8xf32, #tpu.memory_space<vmem>> -> memref<1x1x128x8xf32, #tpu.memory_space<vmem>>
      %dma_start3A_305 = tpu.memref_squeeze %dma_start3A_304 : memref<1x1x128x8xf32, #tpu.memory_space<vmem>> -> memref<128x8xf32, #tpu.memory_space<vmem>>
      %dma_start3A_306 = arith.constant 0 : i32
      %dma_start3A_307 = tpu.memref_slice %arg6[%rem3A_255, %dma_start3A_299, %dma_start3A_300, %dma_start3A_306] : memref<2x8x2x128xi32, #tpu.memory_space<vmem>> -> memref<1x1x1x128xi32, #tpu.memory_space<vmem>>
      %dma_start3A_308 = tpu.memref_squeeze %dma_start3A_307 : memref<1x1x1x128xi32, #tpu.memory_space<vmem>> -> memref<128xi32, #tpu.memory_space<vmem>>
      %dma_start3A_309 = arith.constant 0 : i32
      %dma_start3A_310 = arith.constant 0 : i32
      %dma_start3A_311 = tpu.memref_slice %arg3[%dma_start3A_309, %dma_start3A_310] : memref<100000x8xf32, #tpu.memory_space<hbm>> -> memref<100000x8xf32, #tpu.memory_space<hbm>>
      tpu.enqueue_indirect_dma source(%dma_start3A_311 : memref<100000x8xf32, #tpu.memory_space<hbm>>) target(%dma_start3A_305 : memref<128x8xf32, #tpu.memory_space<vmem>>) offsets(%dma_start3A_308 : memref<128xi32, #tpu.memory_space<vmem>>) semaphore(%arg9 : memref<!tpu.dma_semaphore, #tpu.memory_space<semaphore_mem>>)
      %dma_start3A_312 = arith.constant 4 : i32
      %dma_start3A_313 = arith.constant 0 : i32
      %dma_start3A_314 = arith.constant 4 : i32
      %dma_start3A_315 = arith.constant 0 : i32
      %dma_start3A_316 = arith.constant 0 : i32
      %dma_start3A_317 = tpu.memref_slice %arg7[%rem3A_255, %dma_start3A_314, %dma_start3A_315, %dma_start3A_316] : memref<2x8x128x8xf32, #tpu.memory_space<vmem>> -> memref<1x1x128x8xf32, #tpu.memory_space<vmem>>
      %dma_start3A_318 = tpu.memref_squeeze %dma_start3A_317 : memref<1x1x128x8xf32, #tpu.memory_space<vmem>> -> memref<128x8xf32, #tpu.memory_space<vmem>>
      %dma_start3A_319 = arith.constant 0 : i32
      %dma_start3A_320 = tpu.memref_slice %arg6[%rem3A_255, %dma_start3A_312, %dma_start3A_313, %dma_start3A_319] : memref<2x8x2x128xi32, #tpu.memory_space<vmem>> -> memref<1x1x1x128xi32, #tpu.memory_space<vmem>>
      %dma_start3A_321 = tpu.memref_squeeze %dma_start3A_320 : memref<1x1x1x128xi32, #tpu.memory_space<vmem>> -> memref<128xi32, #tpu.memory_space<vmem>>
      %dma_start3A_322 = arith.constant 0 : i32
      %dma_start3A_323 = arith.constant 0 : i32
      %dma_start3A_324 = tpu.memref_slice %arg3[%dma_start3A_322, %dma_start3A_323] : memref<100000x8xf32, #tpu.memory_space<hbm>> -> memref<100000x8xf32, #tpu.memory_space<hbm>>
      tpu.enqueue_indirect_dma source(%dma_start3A_324 : memref<100000x8xf32, #tpu.memory_space<hbm>>) target(%dma_start3A_318 : memref<128x8xf32, #tpu.memory_space<vmem>>) offsets(%dma_start3A_321 : memref<128xi32, #tpu.memory_space<vmem>>) semaphore(%arg9 : memref<!tpu.dma_semaphore, #tpu.memory_space<semaphore_mem>>)
      %dma_start3A_325 = arith.constant 5 : i32
      %dma_start3A_326 = arith.constant 0 : i32
      %dma_start3A_327 = arith.constant 5 : i32
      %dma_start3A_328 = arith.constant 0 : i32
      %dma_start3A_329 = arith.constant 0 : i32
      %dma_start3A_330 = tpu.memref_slice %arg7[%rem3A_255, %dma_start3A_327, %dma_start3A_328, %dma_start3A_329] : memref<2x8x128x8xf32, #tpu.memory_space<vmem>> -> memref<1x1x128x8xf32, #tpu.memory_space<vmem>>
      %dma_start3A_331 = tpu.memref_squeeze %dma_start3A_330 : memref<1x1x128x8xf32, #tpu.memory_space<vmem>> -> memref<128x8xf32, #tpu.memory_space<vmem>>
      %dma_start3A_332 = arith.constant 0 : i32
      %dma_start3A_333 = tpu.memref_slice %arg6[%rem3A_255, %dma_start3A_325, %dma_start3A_326, %dma_start3A_332] : memref<2x8x2x128xi32, #tpu.memory_space<vmem>> -> memref<1x1x1x128xi32, #tpu.memory_space<vmem>>
      %dma_start3A_334 = tpu.memref_squeeze %dma_start3A_333 : memref<1x1x1x128xi32, #tpu.memory_space<vmem>> -> memref<128xi32, #tpu.memory_space<vmem>>
      %dma_start3A_335 = arith.constant 0 : i32
      %dma_start3A_336 = arith.constant 0 : i32
      %dma_start3A_337 = tpu.memref_slice %arg3[%dma_start3A_335, %dma_start3A_336] : memref<100000x8xf32, #tpu.memory_space<hbm>> -> memref<100000x8xf32, #tpu.memory_space<hbm>>
      tpu.enqueue_indirect_dma source(%dma_start3A_337 : memref<100000x8xf32, #tpu.memory_space<hbm>>) target(%dma_start3A_331 : memref<128x8xf32, #tpu.memory_space<vmem>>) offsets(%dma_start3A_334 : memref<128xi32, #tpu.memory_space<vmem>>) semaphore(%arg9 : memref<!tpu.dma_semaphore, #tpu.memory_space<semaphore_mem>>)
      %dma_start3A_338 = arith.constant 6 : i32
      %dma_start3A_339 = arith.constant 0 : i32
      %dma_start3A_340 = arith.constant 6 : i32
      %dma_start3A_341 = arith.constant 0 : i32
      %dma_start3A_342 = arith.constant 0 : i32
      %dma_start3A_343 = tpu.memref_slice %arg7[%rem3A_255, %dma_start3A_340, %dma_start3A_341, %dma_start3A_342] : memref<2x8x128x8xf32, #tpu.memory_space<vmem>> -> memref<1x1x128x8xf32, #tpu.memory_space<vmem>>
      %dma_start3A_344 = tpu.memref_squeeze %dma_start3A_343 : memref<1x1x128x8xf32, #tpu.memory_space<vmem>> -> memref<128x8xf32, #tpu.memory_space<vmem>>
      %dma_start3A_345 = arith.constant 0 : i32
      %dma_start3A_346 = tpu.memref_slice %arg6[%rem3A_255, %dma_start3A_338, %dma_start3A_339, %dma_start3A_345] : memref<2x8x2x128xi32, #tpu.memory_space<vmem>> -> memref<1x1x1x128xi32, #tpu.memory_space<vmem>>
      %dma_start3A_347 = tpu.memref_squeeze %dma_start3A_346 : memref<1x1x1x128xi32, #tpu.memory_space<vmem>> -> memref<128xi32, #tpu.memory_space<vmem>>
      %dma_start3A_348 = arith.constant 0 : i32
      %dma_start3A_349 = arith.constant 0 : i32
      %dma_start3A_350 = tpu.memref_slice %arg3[%dma_start3A_348, %dma_start3A_349] : memref<100000x8xf32, #tpu.memory_space<hbm>> -> memref<100000x8xf32, #tpu.memory_space<hbm>>
      tpu.enqueue_indirect_dma source(%dma_start3A_350 : memref<100000x8xf32, #tpu.memory_space<hbm>>) target(%dma_start3A_344 : memref<128x8xf32, #tpu.memory_space<vmem>>) offsets(%dma_start3A_347 : memref<128xi32, #tpu.memory_space<vmem>>) semaphore(%arg9 : memref<!tpu.dma_semaphore, #tpu.memory_space<semaphore_mem>>)
      %dma_start3A_351 = arith.constant 7 : i32
      %dma_start3A_352 = arith.constant 0 : i32
      %dma_start3A_353 = arith.constant 7 : i32
      %dma_start3A_354 = arith.constant 0 : i32
      %dma_start3A_355 = arith.constant 0 : i32
      %dma_start3A_356 = tpu.memref_slice %arg7[%rem3A_255, %dma_start3A_353, %dma_start3A_354, %dma_start3A_355] : memref<2x8x128x8xf32, #tpu.memory_space<vmem>> -> memref<1x1x128x8xf32, #tpu.memory_space<vmem>>
      %dma_start3A_357 = tpu.memref_squeeze %dma_start3A_356 : memref<1x1x128x8xf32, #tpu.memory_space<vmem>> -> memref<128x8xf32, #tpu.memory_space<vmem>>
      %dma_start3A_358 = arith.constant 0 : i32
      %dma_start3A_359 = tpu.memref_slice %arg6[%rem3A_255, %dma_start3A_351, %dma_start3A_352, %dma_start3A_358] : memref<2x8x2x128xi32, #tpu.memory_space<vmem>> -> memref<1x1x1x128xi32, #tpu.memory_space<vmem>>
      %dma_start3A_360 = tpu.memref_squeeze %dma_start3A_359 : memref<1x1x1x128xi32, #tpu.memory_space<vmem>> -> memref<128xi32, #tpu.memory_space<vmem>>
      %dma_start3A_361 = arith.constant 0 : i32
      %dma_start3A_362 = arith.constant 0 : i32
      %dma_start3A_363 = tpu.memref_slice %arg3[%dma_start3A_361, %dma_start3A_362] : memref<100000x8xf32, #tpu.memory_space<hbm>> -> memref<100000x8xf32, #tpu.memory_space<hbm>>
      tpu.enqueue_indirect_dma source(%dma_start3A_363 : memref<100000x8xf32, #tpu.memory_space<hbm>>) target(%dma_start3A_357 : memref<128x8xf32, #tpu.memory_space<vmem>>) offsets(%dma_start3A_360 : memref<128xi32, #tpu.memory_space<vmem>>) semaphore(%arg9 : memref<!tpu.dma_semaphore, #tpu.memory_space<semaphore_mem>>)
      %dma_wait3A_364 = arith.constant 0 : i32
      %dma_wait3A_365 = arith.constant 0 : i32
      %dma_wait3A_366 = arith.constant 0 : i32
      %dma_wait3A_367 = arith.constant 0 : i32
      %dma_wait3A_368 = arith.constant 0 : i32
      %dma_wait3A_369 = tpu.memref_slice %arg7[%rem3A_255, %dma_wait3A_366, %dma_wait3A_367, %dma_wait3A_368] : memref<2x8x128x8xf32, #tpu.memory_space<vmem>> -> memref<1x1x128x8xf32, #tpu.memory_space<vmem>>
      %dma_wait3A_370 = tpu.memref_squeeze %dma_wait3A_369 : memref<1x1x128x8xf32, #tpu.memory_space<vmem>> -> memref<128x8xf32, #tpu.memory_space<vmem>>
      %dma_wait3A_371 = arith.constant 0 : i32
      %dma_wait3A_372 = tpu.memref_slice %arg6[%rem3A_255, %dma_wait3A_364, %dma_wait3A_365, %dma_wait3A_371] : memref<2x8x2x128xi32, #tpu.memory_space<vmem>> -> memref<1x1x1x128xi32, #tpu.memory_space<vmem>>
      %dma_wait3A_373 = tpu.memref_squeeze %dma_wait3A_372 : memref<1x1x1x128xi32, #tpu.memory_space<vmem>> -> memref<128xi32, #tpu.memory_space<vmem>>
      %dma_wait3A_374 = arith.constant 0 : i32
      %dma_wait3A_375 = arith.constant 0 : i32
      %dma_wait3A_376 = tpu.memref_slice %arg3[%dma_wait3A_374, %dma_wait3A_375] : memref<100000x8xf32, #tpu.memory_space<hbm>> -> memref<100000x8xf32, #tpu.memory_space<hbm>>
      tpu.wait_indirect_dma semaphore(%arg9 : memref<!tpu.dma_semaphore, #tpu.memory_space<semaphore_mem>>) src(%dma_wait3A_376 : memref<100000x8xf32, #tpu.memory_space<hbm>>) dst(%dma_wait3A_370 : memref<128x8xf32, #tpu.memory_space<vmem>>)
      %dma_wait3A_377 = arith.constant 1 : i32
      %dma_wait3A_378 = arith.constant 0 : i32
      %dma_wait3A_379 = arith.constant 1 : i32
      %dma_wait3A_380 = arith.constant 0 : i32
      %dma_wait3A_381 = arith.constant 0 : i32
      %dma_wait3A_382 = tpu.memref_slice %arg7[%rem3A_255, %dma_wait3A_379, %dma_wait3A_380, %dma_wait3A_381] : memref<2x8x128x8xf32, #tpu.memory_space<vmem>> -> memref<1x1x128x8xf32, #tpu.memory_space<vmem>>
      %dma_wait3A_383 = tpu.memref_squeeze %dma_wait3A_382 : memref<1x1x128x8xf32, #tpu.memory_space<vmem>> -> memref<128x8xf32, #tpu.memory_space<vmem>>
      %dma_wait3A_384 = arith.constant 0 : i32
      %dma_wait3A_385 = tpu.memref_slice %arg6[%rem3A_255, %dma_wait3A_377, %dma_wait3A_378, %dma_wait3A_384] : memref<2x8x2x128xi32, #tpu.memory_space<vmem>> -> memref<1x1x1x128xi32, #tpu.memory_space<vmem>>
      %dma_wait3A_386 = tpu.memref_squeeze %dma_wait3A_385 : memref<1x1x1x128xi32, #tpu.memory_space<vmem>> -> memref<128xi32, #tpu.memory_space<vmem>>
      %dma_wait3A_387 = arith.constant 0 : i32
      %dma_wait3A_388 = arith.constant 0 : i32
      %dma_wait3A_389 = tpu.memref_slice %arg3[%dma_wait3A_387, %dma_wait3A_388] : memref<100000x8xf32, #tpu.memory_space<hbm>> -> memref<100000x8xf32, #tpu.memory_space<hbm>>
      tpu.wait_indirect_dma semaphore(%arg9 : memref<!tpu.dma_semaphore, #tpu.memory_space<semaphore_mem>>) src(%dma_wait3A_389 : memref<100000x8xf32, #tpu.memory_space<hbm>>) dst(%dma_wait3A_383 : memref<128x8xf32, #tpu.memory_space<vmem>>)
      %dma_wait3A_390 = arith.constant 2 : i32
      %dma_wait3A_391 = arith.constant 0 : i32
      %dma_wait3A_392 = arith.constant 2 : i32
      %dma_wait3A_393 = arith.constant 0 : i32
      %dma_wait3A_394 = arith.constant 0 : i32
      %dma_wait3A_395 = tpu.memref_slice %arg7[%rem3A_255, %dma_wait3A_392, %dma_wait3A_393, %dma_wait3A_394] : memref<2x8x128x8xf32, #tpu.memory_space<vmem>> -> memref<1x1x128x8xf32, #tpu.memory_space<vmem>>
      %dma_wait3A_396 = tpu.memref_squeeze %dma_wait3A_395 : memref<1x1x128x8xf32, #tpu.memory_space<vmem>> -> memref<128x8xf32, #tpu.memory_space<vmem>>
      %dma_wait3A_397 = arith.constant 0 : i32
      %dma_wait3A_398 = tpu.memref_slice %arg6[%rem3A_255, %dma_wait3A_390, %dma_wait3A_391, %dma_wait3A_397] : memref<2x8x2x128xi32, #tpu.memory_space<vmem>> -> memref<1x1x1x128xi32, #tpu.memory_space<vmem>>
      %dma_wait3A_399 = tpu.memref_squeeze %dma_wait3A_398 : memref<1x1x1x128xi32, #tpu.memory_space<vmem>> -> memref<128xi32, #tpu.memory_space<vmem>>
      %dma_wait3A_400 = arith.constant 0 : i32
      %dma_wait3A_401 = arith.constant 0 : i32
      %dma_wait3A_402 = tpu.memref_slice %arg3[%dma_wait3A_400, %dma_wait3A_401] : memref<100000x8xf32, #tpu.memory_space<hbm>> -> memref<100000x8xf32, #tpu.memory_space<hbm>>
      tpu.wait_indirect_dma semaphore(%arg9 : memref<!tpu.dma_semaphore, #tpu.memory_space<semaphore_mem>>) src(%dma_wait3A_402 : memref<100000x8xf32, #tpu.memory_space<hbm>>) dst(%dma_wait3A_396 : memref<128x8xf32, #tpu.memory_space<vmem>>)
      %dma_wait3A_403 = arith.constant 3 : i32
      %dma_wait3A_404 = arith.constant 0 : i32
      %dma_wait3A_405 = arith.constant 3 : i32
      %dma_wait3A_406 = arith.constant 0 : i32
      %dma_wait3A_407 = arith.constant 0 : i32
      %dma_wait3A_408 = tpu.memref_slice %arg7[%rem3A_255, %dma_wait3A_405, %dma_wait3A_406, %dma_wait3A_407] : memref<2x8x128x8xf32, #tpu.memory_space<vmem>> -> memref<1x1x128x8xf32, #tpu.memory_space<vmem>>
      %dma_wait3A_409 = tpu.memref_squeeze %dma_wait3A_408 : memref<1x1x128x8xf32, #tpu.memory_space<vmem>> -> memref<128x8xf32, #tpu.memory_space<vmem>>
      %dma_wait3A_410 = arith.constant 0 : i32
      %dma_wait3A_411 = tpu.memref_slice %arg6[%rem3A_255, %dma_wait3A_403, %dma_wait3A_404, %dma_wait3A_410] : memref<2x8x2x128xi32, #tpu.memory_space<vmem>> -> memref<1x1x1x128xi32, #tpu.memory_space<vmem>>
      %dma_wait3A_412 = tpu.memref_squeeze %dma_wait3A_411 : memref<1x1x1x128xi32, #tpu.memory_space<vmem>> -> memref<128xi32, #tpu.memory_space<vmem>>
      %dma_wait3A_413 = arith.constant 0 : i32
      %dma_wait3A_414 = arith.constant 0 : i32
      %dma_wait3A_415 = tpu.memref_slice %arg3[%dma_wait3A_413, %dma_wait3A_414] : memref<100000x8xf32, #tpu.memory_space<hbm>> -> memref<100000x8xf32, #tpu.memory_space<hbm>>
      tpu.wait_indirect_dma semaphore(%arg9 : memref<!tpu.dma_semaphore, #tpu.memory_space<semaphore_mem>>) src(%dma_wait3A_415 : memref<100000x8xf32, #tpu.memory_space<hbm>>) dst(%dma_wait3A_409 : memref<128x8xf32, #tpu.memory_space<vmem>>)
      %dma_wait3A_416 = arith.constant 4 : i32
      %dma_wait3A_417 = arith.constant 0 : i32
      %dma_wait3A_418 = arith.constant 4 : i32
      %dma_wait3A_419 = arith.constant 0 : i32
      %dma_wait3A_420 = arith.constant 0 : i32
      %dma_wait3A_421 = tpu.memref_slice %arg7[%rem3A_255, %dma_wait3A_418, %dma_wait3A_419, %dma_wait3A_420] : memref<2x8x128x8xf32, #tpu.memory_space<vmem>> -> memref<1x1x128x8xf32, #tpu.memory_space<vmem>>
      %dma_wait3A_422 = tpu.memref_squeeze %dma_wait3A_421 : memref<1x1x128x8xf32, #tpu.memory_space<vmem>> -> memref<128x8xf32, #tpu.memory_space<vmem>>
      %dma_wait3A_423 = arith.constant 0 : i32
      %dma_wait3A_424 = tpu.memref_slice %arg6[%rem3A_255, %dma_wait3A_416, %dma_wait3A_417, %dma_wait3A_423] : memref<2x8x2x128xi32, #tpu.memory_space<vmem>> -> memref<1x1x1x128xi32, #tpu.memory_space<vmem>>
      %dma_wait3A_425 = tpu.memref_squeeze %dma_wait3A_424 : memref<1x1x1x128xi32, #tpu.memory_space<vmem>> -> memref<128xi32, #tpu.memory_space<vmem>>
      %dma_wait3A_426 = arith.constant 0 : i32
      %dma_wait3A_427 = arith.constant 0 : i32
      %dma_wait3A_428 = tpu.memref_slice %arg3[%dma_wait3A_426, %dma_wait3A_427] : memref<100000x8xf32, #tpu.memory_space<hbm>> -> memref<100000x8xf32, #tpu.memory_space<hbm>>
      tpu.wait_indirect_dma semaphore(%arg9 : memref<!tpu.dma_semaphore, #tpu.memory_space<semaphore_mem>>) src(%dma_wait3A_428 : memref<100000x8xf32, #tpu.memory_space<hbm>>) dst(%dma_wait3A_422 : memref<128x8xf32, #tpu.memory_space<vmem>>)
      %dma_wait3A_429 = arith.constant 5 : i32
      %dma_wait3A_430 = arith.constant 0 : i32
      %dma_wait3A_431 = arith.constant 5 : i32
      %dma_wait3A_432 = arith.constant 0 : i32
      %dma_wait3A_433 = arith.constant 0 : i32
      %dma_wait3A_434 = tpu.memref_slice %arg7[%rem3A_255, %dma_wait3A_431, %dma_wait3A_432, %dma_wait3A_433] : memref<2x8x128x8xf32, #tpu.memory_space<vmem>> -> memref<1x1x128x8xf32, #tpu.memory_space<vmem>>
      %dma_wait3A_435 = tpu.memref_squeeze %dma_wait3A_434 : memref<1x1x128x8xf32, #tpu.memory_space<vmem>> -> memref<128x8xf32, #tpu.memory_space<vmem>>
      %dma_wait3A_436 = arith.constant 0 : i32
      %dma_wait3A_437 = tpu.memref_slice %arg6[%rem3A_255, %dma_wait3A_429, %dma_wait3A_430, %dma_wait3A_436] : memref<2x8x2x128xi32, #tpu.memory_space<vmem>> -> memref<1x1x1x128xi32, #tpu.memory_space<vmem>>
      %dma_wait3A_438 = tpu.memref_squeeze %dma_wait3A_437 : memref<1x1x1x128xi32, #tpu.memory_space<vmem>> -> memref<128xi32, #tpu.memory_space<vmem>>
      %dma_wait3A_439 = arith.constant 0 : i32
      %dma_wait3A_440 = arith.constant 0 : i32
      %dma_wait3A_441 = tpu.memref_slice %arg3[%dma_wait3A_439, %dma_wait3A_440] : memref<100000x8xf32, #tpu.memory_space<hbm>> -> memref<100000x8xf32, #tpu.memory_space<hbm>>
      tpu.wait_indirect_dma semaphore(%arg9 : memref<!tpu.dma_semaphore, #tpu.memory_space<semaphore_mem>>) src(%dma_wait3A_441 : memref<100000x8xf32, #tpu.memory_space<hbm>>) dst(%dma_wait3A_435 : memref<128x8xf32, #tpu.memory_space<vmem>>)
      %dma_wait3A_442 = arith.constant 6 : i32
      %dma_wait3A_443 = arith.constant 0 : i32
      %dma_wait3A_444 = arith.constant 6 : i32
      %dma_wait3A_445 = arith.constant 0 : i32
      %dma_wait3A_446 = arith.constant 0 : i32
      %dma_wait3A_447 = tpu.memref_slice %arg7[%rem3A_255, %dma_wait3A_444, %dma_wait3A_445, %dma_wait3A_446] : memref<2x8x128x8xf32, #tpu.memory_space<vmem>> -> memref<1x1x128x8xf32, #tpu.memory_space<vmem>>
      %dma_wait3A_448 = tpu.memref_squeeze %dma_wait3A_447 : memref<1x1x128x8xf32, #tpu.memory_space<vmem>> -> memref<128x8xf32, #tpu.memory_space<vmem>>
      %dma_wait3A_449 = arith.constant 0 : i32
      %dma_wait3A_450 = tpu.memref_slice %arg6[%rem3A_255, %dma_wait3A_442, %dma_wait3A_443, %dma_wait3A_449] : memref<2x8x2x128xi32, #tpu.memory_space<vmem>> -> memref<1x1x1x128xi32, #tpu.memory_space<vmem>>
      %dma_wait3A_451 = tpu.memref_squeeze %dma_wait3A_450 : memref<1x1x1x128xi32, #tpu.memory_space<vmem>> -> memref<128xi32, #tpu.memory_space<vmem>>
      %dma_wait3A_452 = arith.constant 0 : i32
      %dma_wait3A_453 = arith.constant 0 : i32
      %dma_wait3A_454 = tpu.memref_slice %arg3[%dma_wait3A_452, %dma_wait3A_453] : memref<100000x8xf32, #tpu.memory_space<hbm>> -> memref<100000x8xf32, #tpu.memory_space<hbm>>
      tpu.wait_indirect_dma semaphore(%arg9 : memref<!tpu.dma_semaphore, #tpu.memory_space<semaphore_mem>>) src(%dma_wait3A_454 : memref<100000x8xf32, #tpu.memory_space<hbm>>) dst(%dma_wait3A_448 : memref<128x8xf32, #tpu.memory_space<vmem>>)
      %dma_wait3A_455 = arith.constant 7 : i32
      %dma_wait3A_456 = arith.constant 0 : i32
      %dma_wait3A_457 = arith.constant 7 : i32
      %dma_wait3A_458 = arith.constant 0 : i32
      %dma_wait3A_459 = arith.constant 0 : i32
      %dma_wait3A_460 = tpu.memref_slice %arg7[%rem3A_255, %dma_wait3A_457, %dma_wait3A_458, %dma_wait3A_459] : memref<2x8x128x8xf32, #tpu.memory_space<vmem>> -> memref<1x1x128x8xf32, #tpu.memory_space<vmem>>
      %dma_wait3A_461 = tpu.memref_squeeze %dma_wait3A_460 : memref<1x1x128x8xf32, #tpu.memory_space<vmem>> -> memref<128x8xf32, #tpu.memory_space<vmem>>
      %dma_wait3A_462 = arith.constant 0 : i32
      %dma_wait3A_463 = tpu.memref_slice %arg6[%rem3A_255, %dma_wait3A_455, %dma_wait3A_456, %dma_wait3A_462] : memref<2x8x2x128xi32, #tpu.memory_space<vmem>> -> memref<1x1x1x128xi32, #tpu.memory_space<vmem>>
      %dma_wait3A_464 = tpu.memref_squeeze %dma_wait3A_463 : memref<1x1x1x128xi32, #tpu.memory_space<vmem>> -> memref<128xi32, #tpu.memory_space<vmem>>
      %dma_wait3A_465 = arith.constant 0 : i32
      %dma_wait3A_466 = arith.constant 0 : i32
      %dma_wait3A_467 = tpu.memref_slice %arg3[%dma_wait3A_465, %dma_wait3A_466] : memref<100000x8xf32, #tpu.memory_space<hbm>> -> memref<100000x8xf32, #tpu.memory_space<hbm>>
      tpu.wait_indirect_dma semaphore(%arg9 : memref<!tpu.dma_semaphore, #tpu.memory_space<semaphore_mem>>) src(%dma_wait3A_467 : memref<100000x8xf32, #tpu.memory_space<hbm>>) dst(%dma_wait3A_461 : memref<128x8xf32, #tpu.memory_space<vmem>>)
      %dma_start3A_468 = arith.constant 0 : i32
      %dma_start3A_469 = arith.constant 0 : i32
      %dma_start3A_470 = arith.constant 1 : i32
      %dma_start3A_471 = arith.constant 0 : i32
      %dma_start3A_472 = arith.constant 0 : i32
      %dma_start3A_473 = tpu.memref_slice %arg7[%rem3A_255, %dma_start3A_468, %dma_start3A_471, %dma_start3A_472] : memref<2x8x128x8xf32, #tpu.memory_space<vmem>> -> memref<1x1x128x8xf32, #tpu.memory_space<vmem>>
      %dma_start3A_474 = tpu.memref_squeeze %dma_start3A_473 : memref<1x1x128x8xf32, #tpu.memory_space<vmem>> -> memref<128x8xf32, #tpu.memory_space<vmem>>
      %dma_start3A_475 = arith.constant 0 : i32
      %dma_start3A_476 = tpu.memref_slice %arg6[%rem3A_255, %dma_start3A_469, %dma_start3A_470, %dma_start3A_475] : memref<2x8x2x128xi32, #tpu.memory_space<vmem>> -> memref<1x1x1x128xi32, #tpu.memory_space<vmem>>
      %dma_start3A_477 = tpu.memref_squeeze %dma_start3A_476 : memref<1x1x1x128xi32, #tpu.memory_space<vmem>> -> memref<128xi32, #tpu.memory_space<vmem>>
      %dma_start3A_478 = arith.constant 0 : i32
      %dma_start3A_479 = arith.constant 0 : i32
      %dma_start3A_480 = tpu.memref_slice %arg8[%dma_start3A_478, %dma_start3A_479] : memref<100096x8xf32, #tpu.memory_space<vmem_shared>> -> memref<100096x8xf32, #tpu.memory_space<vmem_shared>>
      tpu.enqueue_indirect_dma source(%dma_start3A_474 : memref<128x8xf32, #tpu.memory_space<vmem>>) target(%dma_start3A_480 : memref<100096x8xf32, #tpu.memory_space<vmem_shared>>) offsets(%dma_start3A_477 : memref<128xi32, #tpu.memory_space<vmem>>) semaphore(%arg10 : memref<!tpu.dma_semaphore, #tpu.memory_space<semaphore_mem>>) {add = true}
      %dma_start3A_481 = arith.constant 1 : i32
      %dma_start3A_482 = arith.constant 1 : i32
      %dma_start3A_483 = arith.constant 1 : i32
      %dma_start3A_484 = arith.constant 0 : i32
      %dma_start3A_485 = arith.constant 0 : i32
      %dma_start3A_486 = tpu.memref_slice %arg7[%rem3A_255, %dma_start3A_481, %dma_start3A_484, %dma_start3A_485] : memref<2x8x128x8xf32, #tpu.memory_space<vmem>> -> memref<1x1x128x8xf32, #tpu.memory_space<vmem>>
      %dma_start3A_487 = tpu.memref_squeeze %dma_start3A_486 : memref<1x1x128x8xf32, #tpu.memory_space<vmem>> -> memref<128x8xf32, #tpu.memory_space<vmem>>
      %dma_start3A_488 = arith.constant 0 : i32
      %dma_start3A_489 = tpu.memref_slice %arg6[%rem3A_255, %dma_start3A_482, %dma_start3A_483, %dma_start3A_488] : memref<2x8x2x128xi32, #tpu.memory_space<vmem>> -> memref<1x1x1x128xi32, #tpu.memory_space<vmem>>
      %dma_start3A_490 = tpu.memref_squeeze %dma_start3A_489 : memref<1x1x1x128xi32, #tpu.memory_space<vmem>> -> memref<128xi32, #tpu.memory_space<vmem>>
      %dma_start3A_491 = arith.constant 0 : i32
      %dma_start3A_492 = arith.constant 0 : i32
      %dma_start3A_493 = tpu.memref_slice %arg8[%dma_start3A_491, %dma_start3A_492] : memref<100096x8xf32, #tpu.memory_space<vmem_shared>> -> memref<100096x8xf32, #tpu.memory_space<vmem_shared>>
      tpu.enqueue_indirect_dma source(%dma_start3A_487 : memref<128x8xf32, #tpu.memory_space<vmem>>) target(%dma_start3A_493 : memref<100096x8xf32, #tpu.memory_space<vmem_shared>>) offsets(%dma_start3A_490 : memref<128xi32, #tpu.memory_space<vmem>>) semaphore(%arg10 : memref<!tpu.dma_semaphore, #tpu.memory_space<semaphore_mem>>) {add = true}
      %dma_start3A_494 = arith.constant 2 : i32
      %dma_start3A_495 = arith.constant 2 : i32
      %dma_start3A_496 = arith.constant 1 : i32
      %dma_start3A_497 = arith.constant 0 : i32
      %dma_start3A_498 = arith.constant 0 : i32
      %dma_start3A_499 = tpu.memref_slice %arg7[%rem3A_255, %dma_start3A_494, %dma_start3A_497, %dma_start3A_498] : memref<2x8x128x8xf32, #tpu.memory_space<vmem>> -> memref<1x1x128x8xf32, #tpu.memory_space<vmem>>
      %dma_start3A_500 = tpu.memref_squeeze %dma_start3A_499 : memref<1x1x128x8xf32, #tpu.memory_space<vmem>> -> memref<128x8xf32, #tpu.memory_space<vmem>>
      %dma_start3A_501 = arith.constant 0 : i32
      %dma_start3A_502 = tpu.memref_slice %arg6[%rem3A_255, %dma_start3A_495, %dma_start3A_496, %dma_start3A_501] : memref<2x8x2x128xi32, #tpu.memory_space<vmem>> -> memref<1x1x1x128xi32, #tpu.memory_space<vmem>>
      %dma_start3A_503 = tpu.memref_squeeze %dma_start3A_502 : memref<1x1x1x128xi32, #tpu.memory_space<vmem>> -> memref<128xi32, #tpu.memory_space<vmem>>
      %dma_start3A_504 = arith.constant 0 : i32
      %dma_start3A_505 = arith.constant 0 : i32
      %dma_start3A_506 = tpu.memref_slice %arg8[%dma_start3A_504, %dma_start3A_505] : memref<100096x8xf32, #tpu.memory_space<vmem_shared>> -> memref<100096x8xf32, #tpu.memory_space<vmem_shared>>
      tpu.enqueue_indirect_dma source(%dma_start3A_500 : memref<128x8xf32, #tpu.memory_space<vmem>>) target(%dma_start3A_506 : memref<100096x8xf32, #tpu.memory_space<vmem_shared>>) offsets(%dma_start3A_503 : memref<128xi32, #tpu.memory_space<vmem>>) semaphore(%arg10 : memref<!tpu.dma_semaphore, #tpu.memory_space<semaphore_mem>>) {add = true}
      %dma_start3A_507 = arith.constant 3 : i32
      %dma_start3A_508 = arith.constant 3 : i32
      %dma_start3A_509 = arith.constant 1 : i32
      %dma_start3A_510 = arith.constant 0 : i32
      %dma_start3A_511 = arith.constant 0 : i32
      %dma_start3A_512 = tpu.memref_slice %arg7[%rem3A_255, %dma_start3A_507, %dma_start3A_510, %dma_start3A_511] : memref<2x8x128x8xf32, #tpu.memory_space<vmem>> -> memref<1x1x128x8xf32, #tpu.memory_space<vmem>>
      %dma_start3A_513 = tpu.memref_squeeze %dma_start3A_512 : memref<1x1x128x8xf32, #tpu.memory_space<vmem>> -> memref<128x8xf32, #tpu.memory_space<vmem>>
      %dma_start3A_514 = arith.constant 0 : i32
      %dma_start3A_515 = tpu.memref_slice %arg6[%rem3A_255, %dma_start3A_508, %dma_start3A_509, %dma_start3A_514] : memref<2x8x2x128xi32, #tpu.memory_space<vmem>> -> memref<1x1x1x128xi32, #tpu.memory_space<vmem>>
      %dma_start3A_516 = tpu.memref_squeeze %dma_start3A_515 : memref<1x1x1x128xi32, #tpu.memory_space<vmem>> -> memref<128xi32, #tpu.memory_space<vmem>>
      %dma_start3A_517 = arith.constant 0 : i32
      %dma_start3A_518 = arith.constant 0 : i32
      %dma_start3A_519 = tpu.memref_slice %arg8[%dma_start3A_517, %dma_start3A_518] : memref<100096x8xf32, #tpu.memory_space<vmem_shared>> -> memref<100096x8xf32, #tpu.memory_space<vmem_shared>>
      tpu.enqueue_indirect_dma source(%dma_start3A_513 : memref<128x8xf32, #tpu.memory_space<vmem>>) target(%dma_start3A_519 : memref<100096x8xf32, #tpu.memory_space<vmem_shared>>) offsets(%dma_start3A_516 : memref<128xi32, #tpu.memory_space<vmem>>) semaphore(%arg10 : memref<!tpu.dma_semaphore, #tpu.memory_space<semaphore_mem>>) {add = true}
      %dma_start3A_520 = arith.constant 4 : i32
      %dma_start3A_521 = arith.constant 4 : i32
      %dma_start3A_522 = arith.constant 1 : i32
      %dma_start3A_523 = arith.constant 0 : i32
      %dma_start3A_524 = arith.constant 0 : i32
      %dma_start3A_525 = tpu.memref_slice %arg7[%rem3A_255, %dma_start3A_520, %dma_start3A_523, %dma_start3A_524] : memref<2x8x128x8xf32, #tpu.memory_space<vmem>> -> memref<1x1x128x8xf32, #tpu.memory_space<vmem>>
      %dma_start3A_526 = tpu.memref_squeeze %dma_start3A_525 : memref<1x1x128x8xf32, #tpu.memory_space<vmem>> -> memref<128x8xf32, #tpu.memory_space<vmem>>
      %dma_start3A_527 = arith.constant 0 : i32
      %dma_start3A_528 = tpu.memref_slice %arg6[%rem3A_255, %dma_start3A_521, %dma_start3A_522, %dma_start3A_527] : memref<2x8x2x128xi32, #tpu.memory_space<vmem>> -> memref<1x1x1x128xi32, #tpu.memory_space<vmem>>
      %dma_start3A_529 = tpu.memref_squeeze %dma_start3A_528 : memref<1x1x1x128xi32, #tpu.memory_space<vmem>> -> memref<128xi32, #tpu.memory_space<vmem>>
      %dma_start3A_530 = arith.constant 0 : i32
      %dma_start3A_531 = arith.constant 0 : i32
      %dma_start3A_532 = tpu.memref_slice %arg8[%dma_start3A_530, %dma_start3A_531] : memref<100096x8xf32, #tpu.memory_space<vmem_shared>> -> memref<100096x8xf32, #tpu.memory_space<vmem_shared>>
      tpu.enqueue_indirect_dma source(%dma_start3A_526 : memref<128x8xf32, #tpu.memory_space<vmem>>) target(%dma_start3A_532 : memref<100096x8xf32, #tpu.memory_space<vmem_shared>>) offsets(%dma_start3A_529 : memref<128xi32, #tpu.memory_space<vmem>>) semaphore(%arg10 : memref<!tpu.dma_semaphore, #tpu.memory_space<semaphore_mem>>) {add = true}
      %dma_start3A_533 = arith.constant 5 : i32
      %dma_start3A_534 = arith.constant 5 : i32
      %dma_start3A_535 = arith.constant 1 : i32
      %dma_start3A_536 = arith.constant 0 : i32
      %dma_start3A_537 = arith.constant 0 : i32
      %dma_start3A_538 = tpu.memref_slice %arg7[%rem3A_255, %dma_start3A_533, %dma_start3A_536, %dma_start3A_537] : memref<2x8x128x8xf32, #tpu.memory_space<vmem>> -> memref<1x1x128x8xf32, #tpu.memory_space<vmem>>
      %dma_start3A_539 = tpu.memref_squeeze %dma_start3A_538 : memref<1x1x128x8xf32, #tpu.memory_space<vmem>> -> memref<128x8xf32, #tpu.memory_space<vmem>>
      %dma_start3A_540 = arith.constant 0 : i32
      %dma_start3A_541 = tpu.memref_slice %arg6[%rem3A_255, %dma_start3A_534, %dma_start3A_535, %dma_start3A_540] : memref<2x8x2x128xi32, #tpu.memory_space<vmem>> -> memref<1x1x1x128xi32, #tpu.memory_space<vmem>>
      %dma_start3A_542 = tpu.memref_squeeze %dma_start3A_541 : memref<1x1x1x128xi32, #tpu.memory_space<vmem>> -> memref<128xi32, #tpu.memory_space<vmem>>
      %dma_start3A_543 = arith.constant 0 : i32
      %dma_start3A_544 = arith.constant 0 : i32
      %dma_start3A_545 = tpu.memref_slice %arg8[%dma_start3A_543, %dma_start3A_544] : memref<100096x8xf32, #tpu.memory_space<vmem_shared>> -> memref<100096x8xf32, #tpu.memory_space<vmem_shared>>
      tpu.enqueue_indirect_dma source(%dma_start3A_539 : memref<128x8xf32, #tpu.memory_space<vmem>>) target(%dma_start3A_545 : memref<100096x8xf32, #tpu.memory_space<vmem_shared>>) offsets(%dma_start3A_542 : memref<128xi32, #tpu.memory_space<vmem>>) semaphore(%arg10 : memref<!tpu.dma_semaphore, #tpu.memory_space<semaphore_mem>>) {add = true}
      %dma_start3A_546 = arith.constant 6 : i32
      %dma_start3A_547 = arith.constant 6 : i32
      %dma_start3A_548 = arith.constant 1 : i32
      %dma_start3A_549 = arith.constant 0 : i32
      %dma_start3A_550 = arith.constant 0 : i32
      %dma_start3A_551 = tpu.memref_slice %arg7[%rem3A_255, %dma_start3A_546, %dma_start3A_549, %dma_start3A_550] : memref<2x8x128x8xf32, #tpu.memory_space<vmem>> -> memref<1x1x128x8xf32, #tpu.memory_space<vmem>>
      %dma_start3A_552 = tpu.memref_squeeze %dma_start3A_551 : memref<1x1x128x8xf32, #tpu.memory_space<vmem>> -> memref<128x8xf32, #tpu.memory_space<vmem>>
      %dma_start3A_553 = arith.constant 0 : i32
      %dma_start3A_554 = tpu.memref_slice %arg6[%rem3A_255, %dma_start3A_547, %dma_start3A_548, %dma_start3A_553] : memref<2x8x2x128xi32, #tpu.memory_space<vmem>> -> memref<1x1x1x128xi32, #tpu.memory_space<vmem>>
      %dma_start3A_555 = tpu.memref_squeeze %dma_start3A_554 : memref<1x1x1x128xi32, #tpu.memory_space<vmem>> -> memref<128xi32, #tpu.memory_space<vmem>>
      %dma_start3A_556 = arith.constant 0 : i32
      %dma_start3A_557 = arith.constant 0 : i32
      %dma_start3A_558 = tpu.memref_slice %arg8[%dma_start3A_556, %dma_start3A_557] : memref<100096x8xf32, #tpu.memory_space<vmem_shared>> -> memref<100096x8xf32, #tpu.memory_space<vmem_shared>>
      tpu.enqueue_indirect_dma source(%dma_start3A_552 : memref<128x8xf32, #tpu.memory_space<vmem>>) target(%dma_start3A_558 : memref<100096x8xf32, #tpu.memory_space<vmem_shared>>) offsets(%dma_start3A_555 : memref<128xi32, #tpu.memory_space<vmem>>) semaphore(%arg10 : memref<!tpu.dma_semaphore, #tpu.memory_space<semaphore_mem>>) {add = true}
      %dma_start3A_559 = arith.constant 7 : i32
      %dma_start3A_560 = arith.constant 7 : i32
      %dma_start3A_561 = arith.constant 1 : i32
      %dma_start3A_562 = arith.constant 0 : i32
      %dma_start3A_563 = arith.constant 0 : i32
      %dma_start3A_564 = tpu.memref_slice %arg7[%rem3A_255, %dma_start3A_559, %dma_start3A_562, %dma_start3A_563] : memref<2x8x128x8xf32, #tpu.memory_space<vmem>> -> memref<1x1x128x8xf32, #tpu.memory_space<vmem>>
      %dma_start3A_565 = tpu.memref_squeeze %dma_start3A_564 : memref<1x1x128x8xf32, #tpu.memory_space<vmem>> -> memref<128x8xf32, #tpu.memory_space<vmem>>
      %dma_start3A_566 = arith.constant 0 : i32
      %dma_start3A_567 = tpu.memref_slice %arg6[%rem3A_255, %dma_start3A_560, %dma_start3A_561, %dma_start3A_566] : memref<2x8x2x128xi32, #tpu.memory_space<vmem>> -> memref<1x1x1x128xi32, #tpu.memory_space<vmem>>
      %dma_start3A_568 = tpu.memref_squeeze %dma_start3A_567 : memref<1x1x1x128xi32, #tpu.memory_space<vmem>> -> memref<128xi32, #tpu.memory_space<vmem>>
      %dma_start3A_569 = arith.constant 0 : i32
      %dma_start3A_570 = arith.constant 0 : i32
      %dma_start3A_571 = tpu.memref_slice %arg8[%dma_start3A_569, %dma_start3A_570] : memref<100096x8xf32, #tpu.memory_space<vmem_shared>> -> memref<100096x8xf32, #tpu.memory_space<vmem_shared>>
      tpu.enqueue_indirect_dma source(%dma_start3A_565 : memref<128x8xf32, #tpu.memory_space<vmem>>) target(%dma_start3A_571 : memref<100096x8xf32, #tpu.memory_space<vmem_shared>>) offsets(%dma_start3A_568 : memref<128xi32, #tpu.memory_space<vmem>>) semaphore(%arg10 : memref<!tpu.dma_semaphore, #tpu.memory_space<semaphore_mem>>) {add = true}
    }
    %scan3A_9 = arith.constant 49 : i32
    %dma_wait3A = arith.constant 0 : i32
    %dma_wait3A_10 = arith.constant 0 : i32
    %dma_wait3A_11 = arith.constant 0 : i32
    %dma_wait3A_12 = arith.constant 0 : i32
    %dma_wait3A_13 = arith.constant 1 : i32
    %dma_wait3A_14 = arith.constant 0 : i32
    %dma_wait3A_15 = arith.constant 0 : i32
    %dma_wait3A_16 = tpu.memref_slice %arg7[%dma_wait3A, %dma_wait3A_10, %dma_wait3A_14, %dma_wait3A_15] : memref<2x8x128x8xf32, #tpu.memory_space<vmem>> -> memref<1x1x128x8xf32, #tpu.memory_space<vmem>>
    %dma_wait3A_17 = tpu.memref_squeeze %dma_wait3A_16 : memref<1x1x128x8xf32, #tpu.memory_space<vmem>> -> memref<128x8xf32, #tpu.memory_space<vmem>>
    %dma_wait3A_18 = arith.constant 0 : i32
    %dma_wait3A_19 = tpu.memref_slice %arg6[%dma_wait3A_11, %dma_wait3A_12, %dma_wait3A_13, %dma_wait3A_18] : memref<2x8x2x128xi32, #tpu.memory_space<vmem>> -> memref<1x1x1x128xi32, #tpu.memory_space<vmem>>
    %dma_wait3A_20 = tpu.memref_squeeze %dma_wait3A_19 : memref<1x1x1x128xi32, #tpu.memory_space<vmem>> -> memref<128xi32, #tpu.memory_space<vmem>>
    %dma_wait3A_21 = arith.constant 0 : i32
    %dma_wait3A_22 = arith.constant 0 : i32
    %dma_wait3A_23 = tpu.memref_slice %arg8[%dma_wait3A_21, %dma_wait3A_22] : memref<100096x8xf32, #tpu.memory_space<vmem_shared>> -> memref<100096x8xf32, #tpu.memory_space<vmem_shared>>
    tpu.wait_indirect_dma semaphore(%arg10 : memref<!tpu.dma_semaphore, #tpu.memory_space<semaphore_mem>>) src(%dma_wait3A_17 : memref<128x8xf32, #tpu.memory_space<vmem>>) dst(%dma_wait3A_23 : memref<100096x8xf32, #tpu.memory_space<vmem_shared>>)
    %dma_wait3A_24 = arith.constant 0 : i32
    %dma_wait3A_25 = arith.constant 1 : i32
    %dma_wait3A_26 = arith.constant 0 : i32
    %dma_wait3A_27 = arith.constant 1 : i32
    %dma_wait3A_28 = arith.constant 1 : i32
    %dma_wait3A_29 = arith.constant 0 : i32
    %dma_wait3A_30 = arith.constant 0 : i32
    %dma_wait3A_31 = tpu.memref_slice %arg7[%dma_wait3A_24, %dma_wait3A_25, %dma_wait3A_29, %dma_wait3A_30] : memref<2x8x128x8xf32, #tpu.memory_space<vmem>> -> memref<1x1x128x8xf32, #tpu.memory_space<vmem>>
    %dma_wait3A_32 = tpu.memref_squeeze %dma_wait3A_31 : memref<1x1x128x8xf32, #tpu.memory_space<vmem>> -> memref<128x8xf32, #tpu.memory_space<vmem>>
    %dma_wait3A_33 = arith.constant 0 : i32
    %dma_wait3A_34 = tpu.memref_slice %arg6[%dma_wait3A_26, %dma_wait3A_27, %dma_wait3A_28, %dma_wait3A_33] : memref<2x8x2x128xi32, #tpu.memory_space<vmem>> -> memref<1x1x1x128xi32, #tpu.memory_space<vmem>>
    %dma_wait3A_35 = tpu.memref_squeeze %dma_wait3A_34 : memref<1x1x1x128xi32, #tpu.memory_space<vmem>> -> memref<128xi32, #tpu.memory_space<vmem>>
    %dma_wait3A_36 = arith.constant 0 : i32
    %dma_wait3A_37 = arith.constant 0 : i32
    %dma_wait3A_38 = tpu.memref_slice %arg8[%dma_wait3A_36, %dma_wait3A_37] : memref<100096x8xf32, #tpu.memory_space<vmem_shared>> -> memref<100096x8xf32, #tpu.memory_space<vmem_shared>>
    tpu.wait_indirect_dma semaphore(%arg10 : memref<!tpu.dma_semaphore, #tpu.memory_space<semaphore_mem>>) src(%dma_wait3A_32 : memref<128x8xf32, #tpu.memory_space<vmem>>) dst(%dma_wait3A_38 : memref<100096x8xf32, #tpu.memory_space<vmem_shared>>)
    %dma_wait3A_39 = arith.constant 0 : i32
    %dma_wait3A_40 = arith.constant 2 : i32
    %dma_wait3A_41 = arith.constant 0 : i32
    %dma_wait3A_42 = arith.constant 2 : i32
    %dma_wait3A_43 = arith.constant 1 : i32
    %dma_wait3A_44 = arith.constant 0 : i32
    %dma_wait3A_45 = arith.constant 0 : i32
    %dma_wait3A_46 = tpu.memref_slice %arg7[%dma_wait3A_39, %dma_wait3A_40, %dma_wait3A_44, %dma_wait3A_45] : memref<2x8x128x8xf32, #tpu.memory_space<vmem>> -> memref<1x1x128x8xf32, #tpu.memory_space<vmem>>
    %dma_wait3A_47 = tpu.memref_squeeze %dma_wait3A_46 : memref<1x1x128x8xf32, #tpu.memory_space<vmem>> -> memref<128x8xf32, #tpu.memory_space<vmem>>
    %dma_wait3A_48 = arith.constant 0 : i32
    %dma_wait3A_49 = tpu.memref_slice %arg6[%dma_wait3A_41, %dma_wait3A_42, %dma_wait3A_43, %dma_wait3A_48] : memref<2x8x2x128xi32, #tpu.memory_space<vmem>> -> memref<1x1x1x128xi32, #tpu.memory_space<vmem>>
    %dma_wait3A_50 = tpu.memref_squeeze %dma_wait3A_49 : memref<1x1x1x128xi32, #tpu.memory_space<vmem>> -> memref<128xi32, #tpu.memory_space<vmem>>
    %dma_wait3A_51 = arith.constant 0 : i32
    %dma_wait3A_52 = arith.constant 0 : i32
    %dma_wait3A_53 = tpu.memref_slice %arg8[%dma_wait3A_51, %dma_wait3A_52] : memref<100096x8xf32, #tpu.memory_space<vmem_shared>> -> memref<100096x8xf32, #tpu.memory_space<vmem_shared>>
    tpu.wait_indirect_dma semaphore(%arg10 : memref<!tpu.dma_semaphore, #tpu.memory_space<semaphore_mem>>) src(%dma_wait3A_47 : memref<128x8xf32, #tpu.memory_space<vmem>>) dst(%dma_wait3A_53 : memref<100096x8xf32, #tpu.memory_space<vmem_shared>>)
    %dma_wait3A_54 = arith.constant 0 : i32
    %dma_wait3A_55 = arith.constant 3 : i32
    %dma_wait3A_56 = arith.constant 0 : i32
    %dma_wait3A_57 = arith.constant 3 : i32
    %dma_wait3A_58 = arith.constant 1 : i32
    %dma_wait3A_59 = arith.constant 0 : i32
    %dma_wait3A_60 = arith.constant 0 : i32
    %dma_wait3A_61 = tpu.memref_slice %arg7[%dma_wait3A_54, %dma_wait3A_55, %dma_wait3A_59, %dma_wait3A_60] : memref<2x8x128x8xf32, #tpu.memory_space<vmem>> -> memref<1x1x128x8xf32, #tpu.memory_space<vmem>>
    %dma_wait3A_62 = tpu.memref_squeeze %dma_wait3A_61 : memref<1x1x128x8xf32, #tpu.memory_space<vmem>> -> memref<128x8xf32, #tpu.memory_space<vmem>>
    %dma_wait3A_63 = arith.constant 0 : i32
    %dma_wait3A_64 = tpu.memref_slice %arg6[%dma_wait3A_56, %dma_wait3A_57, %dma_wait3A_58, %dma_wait3A_63] : memref<2x8x2x128xi32, #tpu.memory_space<vmem>> -> memref<1x1x1x128xi32, #tpu.memory_space<vmem>>
    %dma_wait3A_65 = tpu.memref_squeeze %dma_wait3A_64 : memref<1x1x1x128xi32, #tpu.memory_space<vmem>> -> memref<128xi32, #tpu.memory_space<vmem>>
    %dma_wait3A_66 = arith.constant 0 : i32
    %dma_wait3A_67 = arith.constant 0 : i32
    %dma_wait3A_68 = tpu.memref_slice %arg8[%dma_wait3A_66, %dma_wait3A_67] : memref<100096x8xf32, #tpu.memory_space<vmem_shared>> -> memref<100096x8xf32, #tpu.memory_space<vmem_shared>>
    tpu.wait_indirect_dma semaphore(%arg10 : memref<!tpu.dma_semaphore, #tpu.memory_space<semaphore_mem>>) src(%dma_wait3A_62 : memref<128x8xf32, #tpu.memory_space<vmem>>) dst(%dma_wait3A_68 : memref<100096x8xf32, #tpu.memory_space<vmem_shared>>)
    %dma_wait3A_69 = arith.constant 0 : i32
    %dma_wait3A_70 = arith.constant 4 : i32
    %dma_wait3A_71 = arith.constant 0 : i32
    %dma_wait3A_72 = arith.constant 4 : i32
    %dma_wait3A_73 = arith.constant 1 : i32
    %dma_wait3A_74 = arith.constant 0 : i32
    %dma_wait3A_75 = arith.constant 0 : i32
    %dma_wait3A_76 = tpu.memref_slice %arg7[%dma_wait3A_69, %dma_wait3A_70, %dma_wait3A_74, %dma_wait3A_75] : memref<2x8x128x8xf32, #tpu.memory_space<vmem>> -> memref<1x1x128x8xf32, #tpu.memory_space<vmem>>
    %dma_wait3A_77 = tpu.memref_squeeze %dma_wait3A_76 : memref<1x1x128x8xf32, #tpu.memory_space<vmem>> -> memref<128x8xf32, #tpu.memory_space<vmem>>
    %dma_wait3A_78 = arith.constant 0 : i32
    %dma_wait3A_79 = tpu.memref_slice %arg6[%dma_wait3A_71, %dma_wait3A_72, %dma_wait3A_73, %dma_wait3A_78] : memref<2x8x2x128xi32, #tpu.memory_space<vmem>> -> memref<1x1x1x128xi32, #tpu.memory_space<vmem>>
    %dma_wait3A_80 = tpu.memref_squeeze %dma_wait3A_79 : memref<1x1x1x128xi32, #tpu.memory_space<vmem>> -> memref<128xi32, #tpu.memory_space<vmem>>
    %dma_wait3A_81 = arith.constant 0 : i32
    %dma_wait3A_82 = arith.constant 0 : i32
    %dma_wait3A_83 = tpu.memref_slice %arg8[%dma_wait3A_81, %dma_wait3A_82] : memref<100096x8xf32, #tpu.memory_space<vmem_shared>> -> memref<100096x8xf32, #tpu.memory_space<vmem_shared>>
    tpu.wait_indirect_dma semaphore(%arg10 : memref<!tpu.dma_semaphore, #tpu.memory_space<semaphore_mem>>) src(%dma_wait3A_77 : memref<128x8xf32, #tpu.memory_space<vmem>>) dst(%dma_wait3A_83 : memref<100096x8xf32, #tpu.memory_space<vmem_shared>>)
    %dma_wait3A_84 = arith.constant 0 : i32
    %dma_wait3A_85 = arith.constant 5 : i32
    %dma_wait3A_86 = arith.constant 0 : i32
    %dma_wait3A_87 = arith.constant 5 : i32
    %dma_wait3A_88 = arith.constant 1 : i32
    %dma_wait3A_89 = arith.constant 0 : i32
    %dma_wait3A_90 = arith.constant 0 : i32
    %dma_wait3A_91 = tpu.memref_slice %arg7[%dma_wait3A_84, %dma_wait3A_85, %dma_wait3A_89, %dma_wait3A_90] : memref<2x8x128x8xf32, #tpu.memory_space<vmem>> -> memref<1x1x128x8xf32, #tpu.memory_space<vmem>>
    %dma_wait3A_92 = tpu.memref_squeeze %dma_wait3A_91 : memref<1x1x128x8xf32, #tpu.memory_space<vmem>> -> memref<128x8xf32, #tpu.memory_space<vmem>>
    %dma_wait3A_93 = arith.constant 0 : i32
    %dma_wait3A_94 = tpu.memref_slice %arg6[%dma_wait3A_86, %dma_wait3A_87, %dma_wait3A_88, %dma_wait3A_93] : memref<2x8x2x128xi32, #tpu.memory_space<vmem>> -> memref<1x1x1x128xi32, #tpu.memory_space<vmem>>
    %dma_wait3A_95 = tpu.memref_squeeze %dma_wait3A_94 : memref<1x1x1x128xi32, #tpu.memory_space<vmem>> -> memref<128xi32, #tpu.memory_space<vmem>>
    %dma_wait3A_96 = arith.constant 0 : i32
    %dma_wait3A_97 = arith.constant 0 : i32
    %dma_wait3A_98 = tpu.memref_slice %arg8[%dma_wait3A_96, %dma_wait3A_97] : memref<100096x8xf32, #tpu.memory_space<vmem_shared>> -> memref<100096x8xf32, #tpu.memory_space<vmem_shared>>
    tpu.wait_indirect_dma semaphore(%arg10 : memref<!tpu.dma_semaphore, #tpu.memory_space<semaphore_mem>>) src(%dma_wait3A_92 : memref<128x8xf32, #tpu.memory_space<vmem>>) dst(%dma_wait3A_98 : memref<100096x8xf32, #tpu.memory_space<vmem_shared>>)
    %dma_wait3A_99 = arith.constant 0 : i32
    %dma_wait3A_100 = arith.constant 6 : i32
    %dma_wait3A_101 = arith.constant 0 : i32
    %dma_wait3A_102 = arith.constant 6 : i32
    %dma_wait3A_103 = arith.constant 1 : i32
    %dma_wait3A_104 = arith.constant 0 : i32
    %dma_wait3A_105 = arith.constant 0 : i32
    %dma_wait3A_106 = tpu.memref_slice %arg7[%dma_wait3A_99, %dma_wait3A_100, %dma_wait3A_104, %dma_wait3A_105] : memref<2x8x128x8xf32, #tpu.memory_space<vmem>> -> memref<1x1x128x8xf32, #tpu.memory_space<vmem>>
    %dma_wait3A_107 = tpu.memref_squeeze %dma_wait3A_106 : memref<1x1x128x8xf32, #tpu.memory_space<vmem>> -> memref<128x8xf32, #tpu.memory_space<vmem>>
    %dma_wait3A_108 = arith.constant 0 : i32
    %dma_wait3A_109 = tpu.memref_slice %arg6[%dma_wait3A_101, %dma_wait3A_102, %dma_wait3A_103, %dma_wait3A_108] : memref<2x8x2x128xi32, #tpu.memory_space<vmem>> -> memref<1x1x1x128xi32, #tpu.memory_space<vmem>>
    %dma_wait3A_110 = tpu.memref_squeeze %dma_wait3A_109 : memref<1x1x1x128xi32, #tpu.memory_space<vmem>> -> memref<128xi32, #tpu.memory_space<vmem>>
    %dma_wait3A_111 = arith.constant 0 : i32
    %dma_wait3A_112 = arith.constant 0 : i32
    %dma_wait3A_113 = tpu.memref_slice %arg8[%dma_wait3A_111, %dma_wait3A_112] : memref<100096x8xf32, #tpu.memory_space<vmem_shared>> -> memref<100096x8xf32, #tpu.memory_space<vmem_shared>>
    tpu.wait_indirect_dma semaphore(%arg10 : memref<!tpu.dma_semaphore, #tpu.memory_space<semaphore_mem>>) src(%dma_wait3A_107 : memref<128x8xf32, #tpu.memory_space<vmem>>) dst(%dma_wait3A_113 : memref<100096x8xf32, #tpu.memory_space<vmem_shared>>)
    %dma_wait3A_114 = arith.constant 0 : i32
    %dma_wait3A_115 = arith.constant 7 : i32
    %dma_wait3A_116 = arith.constant 0 : i32
    %dma_wait3A_117 = arith.constant 7 : i32
    %dma_wait3A_118 = arith.constant 1 : i32
    %dma_wait3A_119 = arith.constant 0 : i32
    %dma_wait3A_120 = arith.constant 0 : i32
    %dma_wait3A_121 = tpu.memref_slice %arg7[%dma_wait3A_114, %dma_wait3A_115, %dma_wait3A_119, %dma_wait3A_120] : memref<2x8x128x8xf32, #tpu.memory_space<vmem>> -> memref<1x1x128x8xf32, #tpu.memory_space<vmem>>
    %dma_wait3A_122 = tpu.memref_squeeze %dma_wait3A_121 : memref<1x1x128x8xf32, #tpu.memory_space<vmem>> -> memref<128x8xf32, #tpu.memory_space<vmem>>
    %dma_wait3A_123 = arith.constant 0 : i32
    %dma_wait3A_124 = tpu.memref_slice %arg6[%dma_wait3A_116, %dma_wait3A_117, %dma_wait3A_118, %dma_wait3A_123] : memref<2x8x2x128xi32, #tpu.memory_space<vmem>> -> memref<1x1x1x128xi32, #tpu.memory_space<vmem>>
    %dma_wait3A_125 = tpu.memref_squeeze %dma_wait3A_124 : memref<1x1x1x128xi32, #tpu.memory_space<vmem>> -> memref<128xi32, #tpu.memory_space<vmem>>
    %dma_wait3A_126 = arith.constant 0 : i32
    %dma_wait3A_127 = arith.constant 0 : i32
    %dma_wait3A_128 = tpu.memref_slice %arg8[%dma_wait3A_126, %dma_wait3A_127] : memref<100096x8xf32, #tpu.memory_space<vmem_shared>> -> memref<100096x8xf32, #tpu.memory_space<vmem_shared>>
    tpu.wait_indirect_dma semaphore(%arg10 : memref<!tpu.dma_semaphore, #tpu.memory_space<semaphore_mem>>) src(%dma_wait3A_122 : memref<128x8xf32, #tpu.memory_space<vmem>>) dst(%dma_wait3A_128 : memref<100096x8xf32, #tpu.memory_space<vmem_shared>>)
    %dma_wait3A_129 = arith.constant 1 : i32
    %dma_wait3A_130 = arith.constant 0 : i32
    %dma_wait3A_131 = arith.constant 1 : i32
    %dma_wait3A_132 = arith.constant 0 : i32
    %dma_wait3A_133 = arith.constant 1 : i32
    %dma_wait3A_134 = arith.constant 0 : i32
    %dma_wait3A_135 = arith.constant 0 : i32
    %dma_wait3A_136 = tpu.memref_slice %arg7[%dma_wait3A_129, %dma_wait3A_130, %dma_wait3A_134, %dma_wait3A_135] : memref<2x8x128x8xf32, #tpu.memory_space<vmem>> -> memref<1x1x128x8xf32, #tpu.memory_space<vmem>>
    %dma_wait3A_137 = tpu.memref_squeeze %dma_wait3A_136 : memref<1x1x128x8xf32, #tpu.memory_space<vmem>> -> memref<128x8xf32, #tpu.memory_space<vmem>>
    %dma_wait3A_138 = arith.constant 0 : i32
    %dma_wait3A_139 = tpu.memref_slice %arg6[%dma_wait3A_131, %dma_wait3A_132, %dma_wait3A_133, %dma_wait3A_138] : memref<2x8x2x128xi32, #tpu.memory_space<vmem>> -> memref<1x1x1x128xi32, #tpu.memory_space<vmem>>
    %dma_wait3A_140 = tpu.memref_squeeze %dma_wait3A_139 : memref<1x1x1x128xi32, #tpu.memory_space<vmem>> -> memref<128xi32, #tpu.memory_space<vmem>>
    %dma_wait3A_141 = arith.constant 0 : i32
    %dma_wait3A_142 = arith.constant 0 : i32
    %dma_wait3A_143 = tpu.memref_slice %arg8[%dma_wait3A_141, %dma_wait3A_142] : memref<100096x8xf32, #tpu.memory_space<vmem_shared>> -> memref<100096x8xf32, #tpu.memory_space<vmem_shared>>
    tpu.wait_indirect_dma semaphore(%arg10 : memref<!tpu.dma_semaphore, #tpu.memory_space<semaphore_mem>>) src(%dma_wait3A_137 : memref<128x8xf32, #tpu.memory_space<vmem>>) dst(%dma_wait3A_143 : memref<100096x8xf32, #tpu.memory_space<vmem_shared>>)
    %dma_wait3A_144 = arith.constant 1 : i32
    %dma_wait3A_145 = arith.constant 1 : i32
    %dma_wait3A_146 = arith.constant 1 : i32
    %dma_wait3A_147 = arith.constant 1 : i32
    %dma_wait3A_148 = arith.constant 1 : i32
    %dma_wait3A_149 = arith.constant 0 : i32
    %dma_wait3A_150 = arith.constant 0 : i32
    %dma_wait3A_151 = tpu.memref_slice %arg7[%dma_wait3A_144, %dma_wait3A_145, %dma_wait3A_149, %dma_wait3A_150] : memref<2x8x128x8xf32, #tpu.memory_space<vmem>> -> memref<1x1x128x8xf32, #tpu.memory_space<vmem>>
    %dma_wait3A_152 = tpu.memref_squeeze %dma_wait3A_151 : memref<1x1x128x8xf32, #tpu.memory_space<vmem>> -> memref<128x8xf32, #tpu.memory_space<vmem>>
    %dma_wait3A_153 = arith.constant 0 : i32
    %dma_wait3A_154 = tpu.memref_slice %arg6[%dma_wait3A_146, %dma_wait3A_147, %dma_wait3A_148, %dma_wait3A_153] : memref<2x8x2x128xi32, #tpu.memory_space<vmem>> -> memref<1x1x1x128xi32, #tpu.memory_space<vmem>>
    %dma_wait3A_155 = tpu.memref_squeeze %dma_wait3A_154 : memref<1x1x1x128xi32, #tpu.memory_space<vmem>> -> memref<128xi32, #tpu.memory_space<vmem>>
    %dma_wait3A_156 = arith.constant 0 : i32
    %dma_wait3A_157 = arith.constant 0 : i32
    %dma_wait3A_158 = tpu.memref_slice %arg8[%dma_wait3A_156, %dma_wait3A_157] : memref<100096x8xf32, #tpu.memory_space<vmem_shared>> -> memref<100096x8xf32, #tpu.memory_space<vmem_shared>>
    tpu.wait_indirect_dma semaphore(%arg10 : memref<!tpu.dma_semaphore, #tpu.memory_space<semaphore_mem>>) src(%dma_wait3A_152 : memref<128x8xf32, #tpu.memory_space<vmem>>) dst(%dma_wait3A_158 : memref<100096x8xf32, #tpu.memory_space<vmem_shared>>)
    %dma_wait3A_159 = arith.constant 1 : i32
    %dma_wait3A_160 = arith.constant 2 : i32
    %dma_wait3A_161 = arith.constant 1 : i32
    %dma_wait3A_162 = arith.constant 2 : i32
    %dma_wait3A_163 = arith.constant 1 : i32
    %dma_wait3A_164 = arith.constant 0 : i32
    %dma_wait3A_165 = arith.constant 0 : i32
    %dma_wait3A_166 = tpu.memref_slice %arg7[%dma_wait3A_159, %dma_wait3A_160, %dma_wait3A_164, %dma_wait3A_165] : memref<2x8x128x8xf32, #tpu.memory_space<vmem>> -> memref<1x1x128x8xf32, #tpu.memory_space<vmem>>
    %dma_wait3A_167 = tpu.memref_squeeze %dma_wait3A_166 : memref<1x1x128x8xf32, #tpu.memory_space<vmem>> -> memref<128x8xf32, #tpu.memory_space<vmem>>
    %dma_wait3A_168 = arith.constant 0 : i32
    %dma_wait3A_169 = tpu.memref_slice %arg6[%dma_wait3A_161, %dma_wait3A_162, %dma_wait3A_163, %dma_wait3A_168] : memref<2x8x2x128xi32, #tpu.memory_space<vmem>> -> memref<1x1x1x128xi32, #tpu.memory_space<vmem>>
    %dma_wait3A_170 = tpu.memref_squeeze %dma_wait3A_169 : memref<1x1x1x128xi32, #tpu.memory_space<vmem>> -> memref<128xi32, #tpu.memory_space<vmem>>
    %dma_wait3A_171 = arith.constant 0 : i32
    %dma_wait3A_172 = arith.constant 0 : i32
    %dma_wait3A_173 = tpu.memref_slice %arg8[%dma_wait3A_171, %dma_wait3A_172] : memref<100096x8xf32, #tpu.memory_space<vmem_shared>> -> memref<100096x8xf32, #tpu.memory_space<vmem_shared>>
    tpu.wait_indirect_dma semaphore(%arg10 : memref<!tpu.dma_semaphore, #tpu.memory_space<semaphore_mem>>) src(%dma_wait3A_167 : memref<128x8xf32, #tpu.memory_space<vmem>>) dst(%dma_wait3A_173 : memref<100096x8xf32, #tpu.memory_space<vmem_shared>>)
    %dma_wait3A_174 = arith.constant 1 : i32
    %dma_wait3A_175 = arith.constant 3 : i32
    %dma_wait3A_176 = arith.constant 1 : i32
    %dma_wait3A_177 = arith.constant 3 : i32
    %dma_wait3A_178 = arith.constant 1 : i32
    %dma_wait3A_179 = arith.constant 0 : i32
    %dma_wait3A_180 = arith.constant 0 : i32
    %dma_wait3A_181 = tpu.memref_slice %arg7[%dma_wait3A_174, %dma_wait3A_175, %dma_wait3A_179, %dma_wait3A_180] : memref<2x8x128x8xf32, #tpu.memory_space<vmem>> -> memref<1x1x128x8xf32, #tpu.memory_space<vmem>>
    %dma_wait3A_182 = tpu.memref_squeeze %dma_wait3A_181 : memref<1x1x128x8xf32, #tpu.memory_space<vmem>> -> memref<128x8xf32, #tpu.memory_space<vmem>>
    %dma_wait3A_183 = arith.constant 0 : i32
    %dma_wait3A_184 = tpu.memref_slice %arg6[%dma_wait3A_176, %dma_wait3A_177, %dma_wait3A_178, %dma_wait3A_183] : memref<2x8x2x128xi32, #tpu.memory_space<vmem>> -> memref<1x1x1x128xi32, #tpu.memory_space<vmem>>
    %dma_wait3A_185 = tpu.memref_squeeze %dma_wait3A_184 : memref<1x1x1x128xi32, #tpu.memory_space<vmem>> -> memref<128xi32, #tpu.memory_space<vmem>>
    %dma_wait3A_186 = arith.constant 0 : i32
    %dma_wait3A_187 = arith.constant 0 : i32
    %dma_wait3A_188 = tpu.memref_slice %arg8[%dma_wait3A_186, %dma_wait3A_187] : memref<100096x8xf32, #tpu.memory_space<vmem_shared>> -> memref<100096x8xf32, #tpu.memory_space<vmem_shared>>
    tpu.wait_indirect_dma semaphore(%arg10 : memref<!tpu.dma_semaphore, #tpu.memory_space<semaphore_mem>>) src(%dma_wait3A_182 : memref<128x8xf32, #tpu.memory_space<vmem>>) dst(%dma_wait3A_188 : memref<100096x8xf32, #tpu.memory_space<vmem_shared>>)
    %dma_wait3A_189 = arith.constant 1 : i32
    %dma_wait3A_190 = arith.constant 4 : i32
    %dma_wait3A_191 = arith.constant 1 : i32
    %dma_wait3A_192 = arith.constant 4 : i32
    %dma_wait3A_193 = arith.constant 1 : i32
    %dma_wait3A_194 = arith.constant 0 : i32
    %dma_wait3A_195 = arith.constant 0 : i32
    %dma_wait3A_196 = tpu.memref_slice %arg7[%dma_wait3A_189, %dma_wait3A_190, %dma_wait3A_194, %dma_wait3A_195] : memref<2x8x128x8xf32, #tpu.memory_space<vmem>> -> memref<1x1x128x8xf32, #tpu.memory_space<vmem>>
    %dma_wait3A_197 = tpu.memref_squeeze %dma_wait3A_196 : memref<1x1x128x8xf32, #tpu.memory_space<vmem>> -> memref<128x8xf32, #tpu.memory_space<vmem>>
    %dma_wait3A_198 = arith.constant 0 : i32
    %dma_wait3A_199 = tpu.memref_slice %arg6[%dma_wait3A_191, %dma_wait3A_192, %dma_wait3A_193, %dma_wait3A_198] : memref<2x8x2x128xi32, #tpu.memory_space<vmem>> -> memref<1x1x1x128xi32, #tpu.memory_space<vmem>>
    %dma_wait3A_200 = tpu.memref_squeeze %dma_wait3A_199 : memref<1x1x1x128xi32, #tpu.memory_space<vmem>> -> memref<128xi32, #tpu.memory_space<vmem>>
    %dma_wait3A_201 = arith.constant 0 : i32
    %dma_wait3A_202 = arith.constant 0 : i32
    %dma_wait3A_203 = tpu.memref_slice %arg8[%dma_wait3A_201, %dma_wait3A_202] : memref<100096x8xf32, #tpu.memory_space<vmem_shared>> -> memref<100096x8xf32, #tpu.memory_space<vmem_shared>>
    tpu.wait_indirect_dma semaphore(%arg10 : memref<!tpu.dma_semaphore, #tpu.memory_space<semaphore_mem>>) src(%dma_wait3A_197 : memref<128x8xf32, #tpu.memory_space<vmem>>) dst(%dma_wait3A_203 : memref<100096x8xf32, #tpu.memory_space<vmem_shared>>)
    %dma_wait3A_204 = arith.constant 1 : i32
    %dma_wait3A_205 = arith.constant 5 : i32
    %dma_wait3A_206 = arith.constant 1 : i32
    %dma_wait3A_207 = arith.constant 5 : i32
    %dma_wait3A_208 = arith.constant 1 : i32
    %dma_wait3A_209 = arith.constant 0 : i32
    %dma_wait3A_210 = arith.constant 0 : i32
    %dma_wait3A_211 = tpu.memref_slice %arg7[%dma_wait3A_204, %dma_wait3A_205, %dma_wait3A_209, %dma_wait3A_210] : memref<2x8x128x8xf32, #tpu.memory_space<vmem>> -> memref<1x1x128x8xf32, #tpu.memory_space<vmem>>
    %dma_wait3A_212 = tpu.memref_squeeze %dma_wait3A_211 : memref<1x1x128x8xf32, #tpu.memory_space<vmem>> -> memref<128x8xf32, #tpu.memory_space<vmem>>
    %dma_wait3A_213 = arith.constant 0 : i32
    %dma_wait3A_214 = tpu.memref_slice %arg6[%dma_wait3A_206, %dma_wait3A_207, %dma_wait3A_208, %dma_wait3A_213] : memref<2x8x2x128xi32, #tpu.memory_space<vmem>> -> memref<1x1x1x128xi32, #tpu.memory_space<vmem>>
    %dma_wait3A_215 = tpu.memref_squeeze %dma_wait3A_214 : memref<1x1x1x128xi32, #tpu.memory_space<vmem>> -> memref<128xi32, #tpu.memory_space<vmem>>
    %dma_wait3A_216 = arith.constant 0 : i32
    %dma_wait3A_217 = arith.constant 0 : i32
    %dma_wait3A_218 = tpu.memref_slice %arg8[%dma_wait3A_216, %dma_wait3A_217] : memref<100096x8xf32, #tpu.memory_space<vmem_shared>> -> memref<100096x8xf32, #tpu.memory_space<vmem_shared>>
    tpu.wait_indirect_dma semaphore(%arg10 : memref<!tpu.dma_semaphore, #tpu.memory_space<semaphore_mem>>) src(%dma_wait3A_212 : memref<128x8xf32, #tpu.memory_space<vmem>>) dst(%dma_wait3A_218 : memref<100096x8xf32, #tpu.memory_space<vmem_shared>>)
    %dma_wait3A_219 = arith.constant 1 : i32
    %dma_wait3A_220 = arith.constant 6 : i32
    %dma_wait3A_221 = arith.constant 1 : i32
    %dma_wait3A_222 = arith.constant 6 : i32
    %dma_wait3A_223 = arith.constant 1 : i32
    %dma_wait3A_224 = arith.constant 0 : i32
    %dma_wait3A_225 = arith.constant 0 : i32
    %dma_wait3A_226 = tpu.memref_slice %arg7[%dma_wait3A_219, %dma_wait3A_220, %dma_wait3A_224, %dma_wait3A_225] : memref<2x8x128x8xf32, #tpu.memory_space<vmem>> -> memref<1x1x128x8xf32, #tpu.memory_space<vmem>>
    %dma_wait3A_227 = tpu.memref_squeeze %dma_wait3A_226 : memref<1x1x128x8xf32, #tpu.memory_space<vmem>> -> memref<128x8xf32, #tpu.memory_space<vmem>>
    %dma_wait3A_228 = arith.constant 0 : i32
    %dma_wait3A_229 = tpu.memref_slice %arg6[%dma_wait3A_221, %dma_wait3A_222, %dma_wait3A_223, %dma_wait3A_228] : memref<2x8x2x128xi32, #tpu.memory_space<vmem>> -> memref<1x1x1x128xi32, #tpu.memory_space<vmem>>
    %dma_wait3A_230 = tpu.memref_squeeze %dma_wait3A_229 : memref<1x1x1x128xi32, #tpu.memory_space<vmem>> -> memref<128xi32, #tpu.memory_space<vmem>>
    %dma_wait3A_231 = arith.constant 0 : i32
    %dma_wait3A_232 = arith.constant 0 : i32
    %dma_wait3A_233 = tpu.memref_slice %arg8[%dma_wait3A_231, %dma_wait3A_232] : memref<100096x8xf32, #tpu.memory_space<vmem_shared>> -> memref<100096x8xf32, #tpu.memory_space<vmem_shared>>
    tpu.wait_indirect_dma semaphore(%arg10 : memref<!tpu.dma_semaphore, #tpu.memory_space<semaphore_mem>>) src(%dma_wait3A_227 : memref<128x8xf32, #tpu.memory_space<vmem>>) dst(%dma_wait3A_233 : memref<100096x8xf32, #tpu.memory_space<vmem_shared>>)
    %dma_wait3A_234 = arith.constant 1 : i32
    %dma_wait3A_235 = arith.constant 7 : i32
    %dma_wait3A_236 = arith.constant 1 : i32
    %dma_wait3A_237 = arith.constant 7 : i32
    %dma_wait3A_238 = arith.constant 1 : i32
    %dma_wait3A_239 = arith.constant 0 : i32
    %dma_wait3A_240 = arith.constant 0 : i32
    %dma_wait3A_241 = tpu.memref_slice %arg7[%dma_wait3A_234, %dma_wait3A_235, %dma_wait3A_239, %dma_wait3A_240] : memref<2x8x128x8xf32, #tpu.memory_space<vmem>> -> memref<1x1x128x8xf32, #tpu.memory_space<vmem>>
    %dma_wait3A_242 = tpu.memref_squeeze %dma_wait3A_241 : memref<1x1x128x8xf32, #tpu.memory_space<vmem>> -> memref<128x8xf32, #tpu.memory_space<vmem>>
    %dma_wait3A_243 = arith.constant 0 : i32
    %dma_wait3A_244 = tpu.memref_slice %arg6[%dma_wait3A_236, %dma_wait3A_237, %dma_wait3A_238, %dma_wait3A_243] : memref<2x8x2x128xi32, #tpu.memory_space<vmem>> -> memref<1x1x1x128xi32, #tpu.memory_space<vmem>>
    %dma_wait3A_245 = tpu.memref_squeeze %dma_wait3A_244 : memref<1x1x1x128xi32, #tpu.memory_space<vmem>> -> memref<128xi32, #tpu.memory_space<vmem>>
    %dma_wait3A_246 = arith.constant 0 : i32
    %dma_wait3A_247 = arith.constant 0 : i32
    %dma_wait3A_248 = tpu.memref_slice %arg8[%dma_wait3A_246, %dma_wait3A_247] : memref<100096x8xf32, #tpu.memory_space<vmem_shared>> -> memref<100096x8xf32, #tpu.memory_space<vmem_shared>>
    tpu.wait_indirect_dma semaphore(%arg10 : memref<!tpu.dma_semaphore, #tpu.memory_space<semaphore_mem>>) src(%dma_wait3A_242 : memref<128x8xf32, #tpu.memory_space<vmem>>) dst(%dma_wait3A_248 : memref<100096x8xf32, #tpu.memory_space<vmem_shared>>)
    %barrier3A_249 = arith.constant 0 : index
    tpu.barrier barrier_id(%barrier3A_249)
    %mul3A_250 = arith.constant 6256 : i32
    %mul3A_251 = arith.muli %arg1, %mul3A_250 : i32
    %mul3A_252 = arith.constant 6256 : i32
    %mul3A_253 = arith.muli %arg1, %mul3A_252 : i32
    "tpu.region"() ({
      %run_scoped3A = tpu.sem_alloc : memref<!tpu.dma_semaphore, #tpu.memory_space<semaphore_mem>>
      %dma_start3A = arith.constant 0 : i32
      %dma_start3A_254 = tpu.memref_slice %arg5[%arg0, %mul3A_253, %dma_start3A] : memref<2x100096x8xf32, #tpu.memory_space<hbm>> -> memref<1x6256x8xf32, #tpu.memory_space<hbm>>
      %dma_start3A_255 = tpu.memref_squeeze %dma_start3A_254 : memref<1x6256x8xf32, #tpu.memory_space<hbm>> -> memref<6256x8xf32, #tpu.memory_space<hbm>>
      %dma_start3A_256 = arith.constant 0 : i32
      %dma_start3A_257 = tpu.memref_slice %arg8[%mul3A_251, %dma_start3A_256] : memref<100096x8xf32, #tpu.memory_space<vmem_shared>> -> memref<6256x8xf32, #tpu.memory_space<vmem_shared>>
      tpu.enqueue_dma source(%dma_start3A_257 : memref<6256x8xf32, #tpu.memory_space<vmem_shared>>) target(%dma_start3A_255 : memref<6256x8xf32, #tpu.memory_space<hbm>>) target_semaphore(%run_scoped3A : memref<!tpu.dma_semaphore, #tpu.memory_space<semaphore_mem>>)
      %dma_wait3A_258 = arith.constant 0 : i32
      %dma_wait3A_259 = tpu.memref_slice %arg5[%arg0, %mul3A_253, %dma_wait3A_258] : memref<2x100096x8xf32, #tpu.memory_space<hbm>> -> memref<1x6256x8xf32, #tpu.memory_space<hbm>>
      %dma_wait3A_260 = tpu.memref_squeeze %dma_wait3A_259 : memref<1x6256x8xf32, #tpu.memory_space<hbm>> -> memref<6256x8xf32, #tpu.memory_space<hbm>>
      %dma_wait3A_261 = arith.constant 0 : i32
      %dma_wait3A_262 = tpu.memref_slice %arg8[%mul3A_251, %dma_wait3A_261] : memref<100096x8xf32, #tpu.memory_space<vmem_shared>> -> memref<6256x8xf32, #tpu.memory_space<vmem_shared>>
      tpu.wait_dma2 semaphore(%run_scoped3A : memref<!tpu.dma_semaphore, #tpu.memory_space<semaphore_mem>>) src(%dma_wait3A_262 : memref<6256x8xf32, #tpu.memory_space<vmem_shared>>) dst(%dma_wait3A_260 : memref<6256x8xf32, #tpu.memory_space<hbm>>)
      tpu.yield
    }) : () -> ()
    return
  }
}

#map = affine_map<(d0, d1) -> (0, 0, 0, 0)>
#map1 = affine_map<(d0, d1) -> (0, 0)>
#map2 = affine_map<(d0, d1) -> (0, 0, 0)>
module attributes {stable_mosaic.version = 14 : i64} {
  func.func @body(%arg0: i32, %arg1: i32, %arg2: memref<2x12544x2x128xi32, #tpu.memory_space<hbm>>, %arg3: memref<200000x16xf32, #tpu.memory_space<hbm>>, %arg4: memref<6256x16xf32, #tpu.memory_space<hbm>>, %arg5: memref<2x100096x16xf32, #tpu.memory_space<hbm>>, %arg6: memref<2x4x2x128xi32, #tpu.memory_space<vmem>>, %arg7: memref<2x4x128x16xf32, #tpu.memory_space<vmem>>, %arg8: memref<100096x16xf32, #tpu.memory_space<vmem_shared>>, %arg9: memref<!tpu.dma_semaphore, #tpu.memory_space<semaphore_mem>>, %arg10: memref<!tpu.dma_semaphore, #tpu.memory_space<semaphore_mem>>) attributes {dimension_semantics = [#tpu.dimension_semantics<core_parallel>, #tpu.dimension_semantics<subcore_parallel>], iteration_bounds = array<i64: 2, 16>, scalar_prefetch = 0 : i64, scratch_operands = 5 : i64, tpu.core_type = #tpu.core_type<sc_vector_subcore>, window_params = [{transform_indices = #map}, {transform_indices = #map1}, {transform_indices = #map1}, {transform_indices = #map2}]} {
    %mul3A = arith.constant 6256 : i32
    %mul3A_0 = arith.muli %arg1, %mul3A : i32
    "tpu.region"() ({
      %run_scoped3A = tpu.sem_alloc : memref<!tpu.dma_semaphore, #tpu.memory_space<semaphore_mem>>
      %dma_start3A = arith.constant 0 : i32
      %dma_start3A_132 = tpu.memref_slice %arg8[%mul3A_0, %dma_start3A] : memref<100096x16xf32, #tpu.memory_space<vmem_shared>> -> memref<6256x16xf32, #tpu.memory_space<vmem_shared>>
      tpu.enqueue_dma source(%arg4 : memref<6256x16xf32, #tpu.memory_space<hbm>>) target(%dma_start3A_132 : memref<6256x16xf32, #tpu.memory_space<vmem_shared>>) target_semaphore(%run_scoped3A : memref<!tpu.dma_semaphore, #tpu.memory_space<semaphore_mem>>)
      %dma_wait3A_133 = arith.constant 0 : i32
      %dma_wait3A_134 = tpu.memref_slice %arg8[%mul3A_0, %dma_wait3A_133] : memref<100096x16xf32, #tpu.memory_space<vmem_shared>> -> memref<6256x16xf32, #tpu.memory_space<vmem_shared>>
      tpu.wait_dma2 semaphore(%run_scoped3A : memref<!tpu.dma_semaphore, #tpu.memory_space<semaphore_mem>>) src(%arg4 : memref<6256x16xf32, #tpu.memory_space<hbm>>) dst(%dma_wait3A_134 : memref<6256x16xf32, #tpu.memory_space<vmem_shared>>)
      tpu.yield
    }) : () -> ()
    %barrier3A = arith.constant 0 : index
    tpu.barrier barrier_id(%barrier3A)
    %mul3A_1 = arith.constant 784 : i32
    %mul3A_2 = arith.muli %arg1, %mul3A_1 : i32
    %scan3A = arith.constant 0 : i32
    %scan3A_3 = arith.constant 0 : i32
    %scan3A_4 = arith.constant 196 : i32
    %scan3A_5 = arith.addi %scan3A_3, %scan3A_4 : i32
    %scan3A_6 = arith.constant 1 : i32
    scf.for %scan3A_132 = %scan3A_3 to %scan3A_5 step %scan3A_6  : i32 {
      %rem3A = arith.constant 2 : i32
      %rem3A_133 = arith.remsi %scan3A_132, %rem3A : i32
      %mul3A_134 = arith.constant 4 : i32
      %mul3A_135 = arith.muli %scan3A_132, %mul3A_134 : i32
      %add3A = arith.addi %mul3A_2, %mul3A_135 : i32
      %ge3A = arith.constant 2 : i32
      %ge3A_136 = arith.cmpi sge, %scan3A_132, %ge3A : i32
      %convert_element_type3A = arith.extui %ge3A_136 : i1 to i32
      %cond3A = arith.constant 0 : i32
      %cond3A_137 = arith.cmpi ne, %convert_element_type3A, %cond3A : i32
      scf.if %cond3A_137 {
        %dma_wait3A_293 = arith.constant 0 : i32
        %dma_wait3A_294 = arith.constant 0 : i32
        %dma_wait3A_295 = arith.constant 1 : i32
        %dma_wait3A_296 = arith.constant 0 : i32
        %dma_wait3A_297 = arith.constant 0 : i32
        %dma_wait3A_298 = tpu.memref_slice %arg7[%rem3A_133, %dma_wait3A_293, %dma_wait3A_296, %dma_wait3A_297] : memref<2x4x128x16xf32, #tpu.memory_space<vmem>> -> memref<1x1x128x16xf32, #tpu.memory_space<vmem>>
        %dma_wait3A_299 = tpu.memref_squeeze %dma_wait3A_298 : memref<1x1x128x16xf32, #tpu.memory_space<vmem>> -> memref<128x16xf32, #tpu.memory_space<vmem>>
        %dma_wait3A_300 = arith.constant 0 : i32
        %dma_wait3A_301 = tpu.memref_slice %arg6[%rem3A_133, %dma_wait3A_294, %dma_wait3A_295, %dma_wait3A_300] : memref<2x4x2x128xi32, #tpu.memory_space<vmem>> -> memref<1x1x1x128xi32, #tpu.memory_space<vmem>>
        %dma_wait3A_302 = tpu.memref_squeeze %dma_wait3A_301 : memref<1x1x1x128xi32, #tpu.memory_space<vmem>> -> memref<128xi32, #tpu.memory_space<vmem>>
        %dma_wait3A_303 = arith.constant 0 : i32
        %dma_wait3A_304 = arith.constant 0 : i32
        %dma_wait3A_305 = tpu.memref_slice %arg8[%dma_wait3A_303, %dma_wait3A_304] : memref<100096x16xf32, #tpu.memory_space<vmem_shared>> -> memref<100096x16xf32, #tpu.memory_space<vmem_shared>>
        tpu.wait_indirect_dma semaphore(%arg10 : memref<!tpu.dma_semaphore, #tpu.memory_space<semaphore_mem>>) src(%dma_wait3A_299 : memref<128x16xf32, #tpu.memory_space<vmem>>) dst(%dma_wait3A_305 : memref<100096x16xf32, #tpu.memory_space<vmem_shared>>)
        %dma_wait3A_306 = arith.constant 1 : i32
        %dma_wait3A_307 = arith.constant 1 : i32
        %dma_wait3A_308 = arith.constant 1 : i32
        %dma_wait3A_309 = arith.constant 0 : i32
        %dma_wait3A_310 = arith.constant 0 : i32
        %dma_wait3A_311 = tpu.memref_slice %arg7[%rem3A_133, %dma_wait3A_306, %dma_wait3A_309, %dma_wait3A_310] : memref<2x4x128x16xf32, #tpu.memory_space<vmem>> -> memref<1x1x128x16xf32, #tpu.memory_space<vmem>>
        %dma_wait3A_312 = tpu.memref_squeeze %dma_wait3A_311 : memref<1x1x128x16xf32, #tpu.memory_space<vmem>> -> memref<128x16xf32, #tpu.memory_space<vmem>>
        %dma_wait3A_313 = arith.constant 0 : i32
        %dma_wait3A_314 = tpu.memref_slice %arg6[%rem3A_133, %dma_wait3A_307, %dma_wait3A_308, %dma_wait3A_313] : memref<2x4x2x128xi32, #tpu.memory_space<vmem>> -> memref<1x1x1x128xi32, #tpu.memory_space<vmem>>
        %dma_wait3A_315 = tpu.memref_squeeze %dma_wait3A_314 : memref<1x1x1x128xi32, #tpu.memory_space<vmem>> -> memref<128xi32, #tpu.memory_space<vmem>>
        %dma_wait3A_316 = arith.constant 0 : i32
        %dma_wait3A_317 = arith.constant 0 : i32
        %dma_wait3A_318 = tpu.memref_slice %arg8[%dma_wait3A_316, %dma_wait3A_317] : memref<100096x16xf32, #tpu.memory_space<vmem_shared>> -> memref<100096x16xf32, #tpu.memory_space<vmem_shared>>
        tpu.wait_indirect_dma semaphore(%arg10 : memref<!tpu.dma_semaphore, #tpu.memory_space<semaphore_mem>>) src(%dma_wait3A_312 : memref<128x16xf32, #tpu.memory_space<vmem>>) dst(%dma_wait3A_318 : memref<100096x16xf32, #tpu.memory_space<vmem_shared>>)
        %dma_wait3A_319 = arith.constant 2 : i32
        %dma_wait3A_320 = arith.constant 2 : i32
        %dma_wait3A_321 = arith.constant 1 : i32
        %dma_wait3A_322 = arith.constant 0 : i32
        %dma_wait3A_323 = arith.constant 0 : i32
        %dma_wait3A_324 = tpu.memref_slice %arg7[%rem3A_133, %dma_wait3A_319, %dma_wait3A_322, %dma_wait3A_323] : memref<2x4x128x16xf32, #tpu.memory_space<vmem>> -> memref<1x1x128x16xf32, #tpu.memory_space<vmem>>
        %dma_wait3A_325 = tpu.memref_squeeze %dma_wait3A_324 : memref<1x1x128x16xf32, #tpu.memory_space<vmem>> -> memref<128x16xf32, #tpu.memory_space<vmem>>
        %dma_wait3A_326 = arith.constant 0 : i32
        %dma_wait3A_327 = tpu.memref_slice %arg6[%rem3A_133, %dma_wait3A_320, %dma_wait3A_321, %dma_wait3A_326] : memref<2x4x2x128xi32, #tpu.memory_space<vmem>> -> memref<1x1x1x128xi32, #tpu.memory_space<vmem>>
        %dma_wait3A_328 = tpu.memref_squeeze %dma_wait3A_327 : memref<1x1x1x128xi32, #tpu.memory_space<vmem>> -> memref<128xi32, #tpu.memory_space<vmem>>
        %dma_wait3A_329 = arith.constant 0 : i32
        %dma_wait3A_330 = arith.constant 0 : i32
        %dma_wait3A_331 = tpu.memref_slice %arg8[%dma_wait3A_329, %dma_wait3A_330] : memref<100096x16xf32, #tpu.memory_space<vmem_shared>> -> memref<100096x16xf32, #tpu.memory_space<vmem_shared>>
        tpu.wait_indirect_dma semaphore(%arg10 : memref<!tpu.dma_semaphore, #tpu.memory_space<semaphore_mem>>) src(%dma_wait3A_325 : memref<128x16xf32, #tpu.memory_space<vmem>>) dst(%dma_wait3A_331 : memref<100096x16xf32, #tpu.memory_space<vmem_shared>>)
        %dma_wait3A_332 = arith.constant 3 : i32
        %dma_wait3A_333 = arith.constant 3 : i32
        %dma_wait3A_334 = arith.constant 1 : i32
        %dma_wait3A_335 = arith.constant 0 : i32
        %dma_wait3A_336 = arith.constant 0 : i32
        %dma_wait3A_337 = tpu.memref_slice %arg7[%rem3A_133, %dma_wait3A_332, %dma_wait3A_335, %dma_wait3A_336] : memref<2x4x128x16xf32, #tpu.memory_space<vmem>> -> memref<1x1x128x16xf32, #tpu.memory_space<vmem>>
        %dma_wait3A_338 = tpu.memref_squeeze %dma_wait3A_337 : memref<1x1x128x16xf32, #tpu.memory_space<vmem>> -> memref<128x16xf32, #tpu.memory_space<vmem>>
        %dma_wait3A_339 = arith.constant 0 : i32
        %dma_wait3A_340 = tpu.memref_slice %arg6[%rem3A_133, %dma_wait3A_333, %dma_wait3A_334, %dma_wait3A_339] : memref<2x4x2x128xi32, #tpu.memory_space<vmem>> -> memref<1x1x1x128xi32, #tpu.memory_space<vmem>>
        %dma_wait3A_341 = tpu.memref_squeeze %dma_wait3A_340 : memref<1x1x1x128xi32, #tpu.memory_space<vmem>> -> memref<128xi32, #tpu.memory_space<vmem>>
        %dma_wait3A_342 = arith.constant 0 : i32
        %dma_wait3A_343 = arith.constant 0 : i32
        %dma_wait3A_344 = tpu.memref_slice %arg8[%dma_wait3A_342, %dma_wait3A_343] : memref<100096x16xf32, #tpu.memory_space<vmem_shared>> -> memref<100096x16xf32, #tpu.memory_space<vmem_shared>>
        tpu.wait_indirect_dma semaphore(%arg10 : memref<!tpu.dma_semaphore, #tpu.memory_space<semaphore_mem>>) src(%dma_wait3A_338 : memref<128x16xf32, #tpu.memory_space<vmem>>) dst(%dma_wait3A_344 : memref<100096x16xf32, #tpu.memory_space<vmem_shared>>)
      } else {
      }
      "tpu.region"() ({
        %run_scoped3A = tpu.sem_alloc : memref<!tpu.dma_semaphore, #tpu.memory_space<semaphore_mem>>
        %dma_start3A_293 = arith.constant 0 : i32
        %dma_start3A_294 = arith.constant 0 : i32
        %dma_start3A_295 = arith.constant 0 : i32
        %dma_start3A_296 = tpu.memref_slice %arg6[%rem3A_133, %dma_start3A_293, %dma_start3A_294, %dma_start3A_295] : memref<2x4x2x128xi32, #tpu.memory_space<vmem>> -> memref<1x4x2x128xi32, #tpu.memory_space<vmem>>
        %dma_start3A_297 = tpu.memref_squeeze %dma_start3A_296 : memref<1x4x2x128xi32, #tpu.memory_space<vmem>> -> memref<4x2x128xi32, #tpu.memory_space<vmem>>
        %dma_start3A_298 = arith.constant 0 : i32
        %dma_start3A_299 = arith.constant 0 : i32
        %dma_start3A_300 = tpu.memref_slice %arg2[%arg0, %add3A, %dma_start3A_298, %dma_start3A_299] : memref<2x12544x2x128xi32, #tpu.memory_space<hbm>> -> memref<1x4x2x128xi32, #tpu.memory_space<hbm>>
        %dma_start3A_301 = tpu.memref_squeeze %dma_start3A_300 : memref<1x4x2x128xi32, #tpu.memory_space<hbm>> -> memref<4x2x128xi32, #tpu.memory_space<hbm>>
        %dma_start3A_302 = arith.constant 0 : i32
        %dma_start3A_303 = arith.constant 0 : i32
        %dma_start3A_304 = arith.constant 0 : i32
        %dma_start3A_305 = tpu.memref_slice %arg6[%rem3A_133, %dma_start3A_302, %dma_start3A_303, %dma_start3A_304] : memref<2x4x2x128xi32, #tpu.memory_space<vmem>> -> memref<1x4x2x128xi32, #tpu.memory_space<vmem>>
        %dma_start3A_306 = tpu.memref_squeeze %dma_start3A_305 : memref<1x4x2x128xi32, #tpu.memory_space<vmem>> -> memref<4x2x128xi32, #tpu.memory_space<vmem>>
        %dma_start3A_307 = arith.constant 0 : i32
        %dma_start3A_308 = arith.constant 0 : i32
        %dma_start3A_309 = tpu.memref_slice %arg2[%arg0, %add3A, %dma_start3A_307, %dma_start3A_308] : memref<2x12544x2x128xi32, #tpu.memory_space<hbm>> -> memref<1x4x2x128xi32, #tpu.memory_space<hbm>>
        %dma_start3A_310 = tpu.memref_squeeze %dma_start3A_309 : memref<1x4x2x128xi32, #tpu.memory_space<hbm>> -> memref<4x2x128xi32, #tpu.memory_space<hbm>>
        tpu.enqueue_dma source(%dma_start3A_310 : memref<4x2x128xi32, #tpu.memory_space<hbm>>) target(%dma_start3A_306 : memref<4x2x128xi32, #tpu.memory_space<vmem>>) target_semaphore(%run_scoped3A : memref<!tpu.dma_semaphore, #tpu.memory_space<semaphore_mem>>)
        %dma_wait3A_311 = arith.constant 0 : i32
        %dma_wait3A_312 = arith.constant 0 : i32
        %dma_wait3A_313 = arith.constant 0 : i32
        %dma_wait3A_314 = tpu.memref_slice %arg6[%rem3A_133, %dma_wait3A_311, %dma_wait3A_312, %dma_wait3A_313] : memref<2x4x2x128xi32, #tpu.memory_space<vmem>> -> memref<1x4x2x128xi32, #tpu.memory_space<vmem>>
        %dma_wait3A_315 = tpu.memref_squeeze %dma_wait3A_314 : memref<1x4x2x128xi32, #tpu.memory_space<vmem>> -> memref<4x2x128xi32, #tpu.memory_space<vmem>>
        %dma_wait3A_316 = arith.constant 0 : i32
        %dma_wait3A_317 = arith.constant 0 : i32
        %dma_wait3A_318 = tpu.memref_slice %arg2[%arg0, %add3A, %dma_wait3A_316, %dma_wait3A_317] : memref<2x12544x2x128xi32, #tpu.memory_space<hbm>> -> memref<1x4x2x128xi32, #tpu.memory_space<hbm>>
        %dma_wait3A_319 = tpu.memref_squeeze %dma_wait3A_318 : memref<1x4x2x128xi32, #tpu.memory_space<hbm>> -> memref<4x2x128xi32, #tpu.memory_space<hbm>>
        %dma_wait3A_320 = arith.constant 0 : i32
        %dma_wait3A_321 = arith.constant 0 : i32
        %dma_wait3A_322 = arith.constant 0 : i32
        %dma_wait3A_323 = tpu.memref_slice %arg6[%rem3A_133, %dma_wait3A_320, %dma_wait3A_321, %dma_wait3A_322] : memref<2x4x2x128xi32, #tpu.memory_space<vmem>> -> memref<1x4x2x128xi32, #tpu.memory_space<vmem>>
        %dma_wait3A_324 = tpu.memref_squeeze %dma_wait3A_323 : memref<1x4x2x128xi32, #tpu.memory_space<vmem>> -> memref<4x2x128xi32, #tpu.memory_space<vmem>>
        %dma_wait3A_325 = arith.constant 0 : i32
        %dma_wait3A_326 = arith.constant 0 : i32
        %dma_wait3A_327 = tpu.memref_slice %arg2[%arg0, %add3A, %dma_wait3A_325, %dma_wait3A_326] : memref<2x12544x2x128xi32, #tpu.memory_space<hbm>> -> memref<1x4x2x128xi32, #tpu.memory_space<hbm>>
        %dma_wait3A_328 = tpu.memref_squeeze %dma_wait3A_327 : memref<1x4x2x128xi32, #tpu.memory_space<hbm>> -> memref<4x2x128xi32, #tpu.memory_space<hbm>>
        tpu.wait_dma2 semaphore(%run_scoped3A : memref<!tpu.dma_semaphore, #tpu.memory_space<semaphore_mem>>) src(%dma_wait3A_328 : memref<4x2x128xi32, #tpu.memory_space<hbm>>) dst(%dma_wait3A_324 : memref<4x2x128xi32, #tpu.memory_space<vmem>>)
        tpu.yield
      }) : () -> ()
      %dma_start3A = arith.constant 0 : i32
      %dma_start3A_138 = arith.constant 0 : i32
      %dma_start3A_139 = arith.constant 0 : i32
      %dma_start3A_140 = arith.constant 0 : i32
      %dma_start3A_141 = arith.constant 0 : i32
      %dma_start3A_142 = tpu.memref_slice %arg7[%rem3A_133, %dma_start3A_139, %dma_start3A_140, %dma_start3A_141] : memref<2x4x128x16xf32, #tpu.memory_space<vmem>> -> memref<1x1x128x16xf32, #tpu.memory_space<vmem>>
      %dma_start3A_143 = tpu.memref_squeeze %dma_start3A_142 : memref<1x1x128x16xf32, #tpu.memory_space<vmem>> -> memref<128x16xf32, #tpu.memory_space<vmem>>
      %dma_start3A_144 = arith.constant 0 : i32
      %dma_start3A_145 = tpu.memref_slice %arg6[%rem3A_133, %dma_start3A, %dma_start3A_138, %dma_start3A_144] : memref<2x4x2x128xi32, #tpu.memory_space<vmem>> -> memref<1x1x1x128xi32, #tpu.memory_space<vmem>>
      %dma_start3A_146 = tpu.memref_squeeze %dma_start3A_145 : memref<1x1x1x128xi32, #tpu.memory_space<vmem>> -> memref<128xi32, #tpu.memory_space<vmem>>
      %dma_start3A_147 = arith.constant 0 : i32
      %dma_start3A_148 = arith.constant 0 : i32
      %dma_start3A_149 = tpu.memref_slice %arg3[%dma_start3A_147, %dma_start3A_148] : memref<200000x16xf32, #tpu.memory_space<hbm>> -> memref<200000x16xf32, #tpu.memory_space<hbm>>
      tpu.enqueue_indirect_dma source(%dma_start3A_149 : memref<200000x16xf32, #tpu.memory_space<hbm>>) target(%dma_start3A_143 : memref<128x16xf32, #tpu.memory_space<vmem>>) offsets(%dma_start3A_146 : memref<128xi32, #tpu.memory_space<vmem>>) semaphore(%arg9 : memref<!tpu.dma_semaphore, #tpu.memory_space<semaphore_mem>>)
      %dma_start3A_150 = arith.constant 1 : i32
      %dma_start3A_151 = arith.constant 0 : i32
      %dma_start3A_152 = arith.constant 1 : i32
      %dma_start3A_153 = arith.constant 0 : i32
      %dma_start3A_154 = arith.constant 0 : i32
      %dma_start3A_155 = tpu.memref_slice %arg7[%rem3A_133, %dma_start3A_152, %dma_start3A_153, %dma_start3A_154] : memref<2x4x128x16xf32, #tpu.memory_space<vmem>> -> memref<1x1x128x16xf32, #tpu.memory_space<vmem>>
      %dma_start3A_156 = tpu.memref_squeeze %dma_start3A_155 : memref<1x1x128x16xf32, #tpu.memory_space<vmem>> -> memref<128x16xf32, #tpu.memory_space<vmem>>
      %dma_start3A_157 = arith.constant 0 : i32
      %dma_start3A_158 = tpu.memref_slice %arg6[%rem3A_133, %dma_start3A_150, %dma_start3A_151, %dma_start3A_157] : memref<2x4x2x128xi32, #tpu.memory_space<vmem>> -> memref<1x1x1x128xi32, #tpu.memory_space<vmem>>
      %dma_start3A_159 = tpu.memref_squeeze %dma_start3A_158 : memref<1x1x1x128xi32, #tpu.memory_space<vmem>> -> memref<128xi32, #tpu.memory_space<vmem>>
      %dma_start3A_160 = arith.constant 0 : i32
      %dma_start3A_161 = arith.constant 0 : i32
      %dma_start3A_162 = tpu.memref_slice %arg3[%dma_start3A_160, %dma_start3A_161] : memref<200000x16xf32, #tpu.memory_space<hbm>> -> memref<200000x16xf32, #tpu.memory_space<hbm>>
      tpu.enqueue_indirect_dma source(%dma_start3A_162 : memref<200000x16xf32, #tpu.memory_space<hbm>>) target(%dma_start3A_156 : memref<128x16xf32, #tpu.memory_space<vmem>>) offsets(%dma_start3A_159 : memref<128xi32, #tpu.memory_space<vmem>>) semaphore(%arg9 : memref<!tpu.dma_semaphore, #tpu.memory_space<semaphore_mem>>)
      %dma_start3A_163 = arith.constant 2 : i32
      %dma_start3A_164 = arith.constant 0 : i32
      %dma_start3A_165 = arith.constant 2 : i32
      %dma_start3A_166 = arith.constant 0 : i32
      %dma_start3A_167 = arith.constant 0 : i32
      %dma_start3A_168 = tpu.memref_slice %arg7[%rem3A_133, %dma_start3A_165, %dma_start3A_166, %dma_start3A_167] : memref<2x4x128x16xf32, #tpu.memory_space<vmem>> -> memref<1x1x128x16xf32, #tpu.memory_space<vmem>>
      %dma_start3A_169 = tpu.memref_squeeze %dma_start3A_168 : memref<1x1x128x16xf32, #tpu.memory_space<vmem>> -> memref<128x16xf32, #tpu.memory_space<vmem>>
      %dma_start3A_170 = arith.constant 0 : i32
      %dma_start3A_171 = tpu.memref_slice %arg6[%rem3A_133, %dma_start3A_163, %dma_start3A_164, %dma_start3A_170] : memref<2x4x2x128xi32, #tpu.memory_space<vmem>> -> memref<1x1x1x128xi32, #tpu.memory_space<vmem>>
      %dma_start3A_172 = tpu.memref_squeeze %dma_start3A_171 : memref<1x1x1x128xi32, #tpu.memory_space<vmem>> -> memref<128xi32, #tpu.memory_space<vmem>>
      %dma_start3A_173 = arith.constant 0 : i32
      %dma_start3A_174 = arith.constant 0 : i32
      %dma_start3A_175 = tpu.memref_slice %arg3[%dma_start3A_173, %dma_start3A_174] : memref<200000x16xf32, #tpu.memory_space<hbm>> -> memref<200000x16xf32, #tpu.memory_space<hbm>>
      tpu.enqueue_indirect_dma source(%dma_start3A_175 : memref<200000x16xf32, #tpu.memory_space<hbm>>) target(%dma_start3A_169 : memref<128x16xf32, #tpu.memory_space<vmem>>) offsets(%dma_start3A_172 : memref<128xi32, #tpu.memory_space<vmem>>) semaphore(%arg9 : memref<!tpu.dma_semaphore, #tpu.memory_space<semaphore_mem>>)
      %dma_start3A_176 = arith.constant 3 : i32
      %dma_start3A_177 = arith.constant 0 : i32
      %dma_start3A_178 = arith.constant 3 : i32
      %dma_start3A_179 = arith.constant 0 : i32
      %dma_start3A_180 = arith.constant 0 : i32
      %dma_start3A_181 = tpu.memref_slice %arg7[%rem3A_133, %dma_start3A_178, %dma_start3A_179, %dma_start3A_180] : memref<2x4x128x16xf32, #tpu.memory_space<vmem>> -> memref<1x1x128x16xf32, #tpu.memory_space<vmem>>
      %dma_start3A_182 = tpu.memref_squeeze %dma_start3A_181 : memref<1x1x128x16xf32, #tpu.memory_space<vmem>> -> memref<128x16xf32, #tpu.memory_space<vmem>>
      %dma_start3A_183 = arith.constant 0 : i32
      %dma_start3A_184 = tpu.memref_slice %arg6[%rem3A_133, %dma_start3A_176, %dma_start3A_177, %dma_start3A_183] : memref<2x4x2x128xi32, #tpu.memory_space<vmem>> -> memref<1x1x1x128xi32, #tpu.memory_space<vmem>>
      %dma_start3A_185 = tpu.memref_squeeze %dma_start3A_184 : memref<1x1x1x128xi32, #tpu.memory_space<vmem>> -> memref<128xi32, #tpu.memory_space<vmem>>
      %dma_start3A_186 = arith.constant 0 : i32
      %dma_start3A_187 = arith.constant 0 : i32
      %dma_start3A_188 = tpu.memref_slice %arg3[%dma_start3A_186, %dma_start3A_187] : memref<200000x16xf32, #tpu.memory_space<hbm>> -> memref<200000x16xf32, #tpu.memory_space<hbm>>
      tpu.enqueue_indirect_dma source(%dma_start3A_188 : memref<200000x16xf32, #tpu.memory_space<hbm>>) target(%dma_start3A_182 : memref<128x16xf32, #tpu.memory_space<vmem>>) offsets(%dma_start3A_185 : memref<128xi32, #tpu.memory_space<vmem>>) semaphore(%arg9 : memref<!tpu.dma_semaphore, #tpu.memory_space<semaphore_mem>>)
      %dma_wait3A_189 = arith.constant 0 : i32
      %dma_wait3A_190 = arith.constant 0 : i32
      %dma_wait3A_191 = arith.constant 0 : i32
      %dma_wait3A_192 = arith.constant 0 : i32
      %dma_wait3A_193 = arith.constant 0 : i32
      %dma_wait3A_194 = tpu.memref_slice %arg7[%rem3A_133, %dma_wait3A_191, %dma_wait3A_192, %dma_wait3A_193] : memref<2x4x128x16xf32, #tpu.memory_space<vmem>> -> memref<1x1x128x16xf32, #tpu.memory_space<vmem>>
      %dma_wait3A_195 = tpu.memref_squeeze %dma_wait3A_194 : memref<1x1x128x16xf32, #tpu.memory_space<vmem>> -> memref<128x16xf32, #tpu.memory_space<vmem>>
      %dma_wait3A_196 = arith.constant 0 : i32
      %dma_wait3A_197 = tpu.memref_slice %arg6[%rem3A_133, %dma_wait3A_189, %dma_wait3A_190, %dma_wait3A_196] : memref<2x4x2x128xi32, #tpu.memory_space<vmem>> -> memref<1x1x1x128xi32, #tpu.memory_space<vmem>>
      %dma_wait3A_198 = tpu.memref_squeeze %dma_wait3A_197 : memref<1x1x1x128xi32, #tpu.memory_space<vmem>> -> memref<128xi32, #tpu.memory_space<vmem>>
      %dma_wait3A_199 = arith.constant 0 : i32
      %dma_wait3A_200 = arith.constant 0 : i32
      %dma_wait3A_201 = tpu.memref_slice %arg3[%dma_wait3A_199, %dma_wait3A_200] : memref<200000x16xf32, #tpu.memory_space<hbm>> -> memref<200000x16xf32, #tpu.memory_space<hbm>>
      tpu.wait_indirect_dma semaphore(%arg9 : memref<!tpu.dma_semaphore, #tpu.memory_space<semaphore_mem>>) src(%dma_wait3A_201 : memref<200000x16xf32, #tpu.memory_space<hbm>>) dst(%dma_wait3A_195 : memref<128x16xf32, #tpu.memory_space<vmem>>)
      %dma_wait3A_202 = arith.constant 1 : i32
      %dma_wait3A_203 = arith.constant 0 : i32
      %dma_wait3A_204 = arith.constant 1 : i32
      %dma_wait3A_205 = arith.constant 0 : i32
      %dma_wait3A_206 = arith.constant 0 : i32
      %dma_wait3A_207 = tpu.memref_slice %arg7[%rem3A_133, %dma_wait3A_204, %dma_wait3A_205, %dma_wait3A_206] : memref<2x4x128x16xf32, #tpu.memory_space<vmem>> -> memref<1x1x128x16xf32, #tpu.memory_space<vmem>>
      %dma_wait3A_208 = tpu.memref_squeeze %dma_wait3A_207 : memref<1x1x128x16xf32, #tpu.memory_space<vmem>> -> memref<128x16xf32, #tpu.memory_space<vmem>>
      %dma_wait3A_209 = arith.constant 0 : i32
      %dma_wait3A_210 = tpu.memref_slice %arg6[%rem3A_133, %dma_wait3A_202, %dma_wait3A_203, %dma_wait3A_209] : memref<2x4x2x128xi32, #tpu.memory_space<vmem>> -> memref<1x1x1x128xi32, #tpu.memory_space<vmem>>
      %dma_wait3A_211 = tpu.memref_squeeze %dma_wait3A_210 : memref<1x1x1x128xi32, #tpu.memory_space<vmem>> -> memref<128xi32, #tpu.memory_space<vmem>>
      %dma_wait3A_212 = arith.constant 0 : i32
      %dma_wait3A_213 = arith.constant 0 : i32
      %dma_wait3A_214 = tpu.memref_slice %arg3[%dma_wait3A_212, %dma_wait3A_213] : memref<200000x16xf32, #tpu.memory_space<hbm>> -> memref<200000x16xf32, #tpu.memory_space<hbm>>
      tpu.wait_indirect_dma semaphore(%arg9 : memref<!tpu.dma_semaphore, #tpu.memory_space<semaphore_mem>>) src(%dma_wait3A_214 : memref<200000x16xf32, #tpu.memory_space<hbm>>) dst(%dma_wait3A_208 : memref<128x16xf32, #tpu.memory_space<vmem>>)
      %dma_wait3A_215 = arith.constant 2 : i32
      %dma_wait3A_216 = arith.constant 0 : i32
      %dma_wait3A_217 = arith.constant 2 : i32
      %dma_wait3A_218 = arith.constant 0 : i32
      %dma_wait3A_219 = arith.constant 0 : i32
      %dma_wait3A_220 = tpu.memref_slice %arg7[%rem3A_133, %dma_wait3A_217, %dma_wait3A_218, %dma_wait3A_219] : memref<2x4x128x16xf32, #tpu.memory_space<vmem>> -> memref<1x1x128x16xf32, #tpu.memory_space<vmem>>
      %dma_wait3A_221 = tpu.memref_squeeze %dma_wait3A_220 : memref<1x1x128x16xf32, #tpu.memory_space<vmem>> -> memref<128x16xf32, #tpu.memory_space<vmem>>
      %dma_wait3A_222 = arith.constant 0 : i32
      %dma_wait3A_223 = tpu.memref_slice %arg6[%rem3A_133, %dma_wait3A_215, %dma_wait3A_216, %dma_wait3A_222] : memref<2x4x2x128xi32, #tpu.memory_space<vmem>> -> memref<1x1x1x128xi32, #tpu.memory_space<vmem>>
      %dma_wait3A_224 = tpu.memref_squeeze %dma_wait3A_223 : memref<1x1x1x128xi32, #tpu.memory_space<vmem>> -> memref<128xi32, #tpu.memory_space<vmem>>
      %dma_wait3A_225 = arith.constant 0 : i32
      %dma_wait3A_226 = arith.constant 0 : i32
      %dma_wait3A_227 = tpu.memref_slice %arg3[%dma_wait3A_225, %dma_wait3A_226] : memref<200000x16xf32, #tpu.memory_space<hbm>> -> memref<200000x16xf32, #tpu.memory_space<hbm>>
      tpu.wait_indirect_dma semaphore(%arg9 : memref<!tpu.dma_semaphore, #tpu.memory_space<semaphore_mem>>) src(%dma_wait3A_227 : memref<200000x16xf32, #tpu.memory_space<hbm>>) dst(%dma_wait3A_221 : memref<128x16xf32, #tpu.memory_space<vmem>>)
      %dma_wait3A_228 = arith.constant 3 : i32
      %dma_wait3A_229 = arith.constant 0 : i32
      %dma_wait3A_230 = arith.constant 3 : i32
      %dma_wait3A_231 = arith.constant 0 : i32
      %dma_wait3A_232 = arith.constant 0 : i32
      %dma_wait3A_233 = tpu.memref_slice %arg7[%rem3A_133, %dma_wait3A_230, %dma_wait3A_231, %dma_wait3A_232] : memref<2x4x128x16xf32, #tpu.memory_space<vmem>> -> memref<1x1x128x16xf32, #tpu.memory_space<vmem>>
      %dma_wait3A_234 = tpu.memref_squeeze %dma_wait3A_233 : memref<1x1x128x16xf32, #tpu.memory_space<vmem>> -> memref<128x16xf32, #tpu.memory_space<vmem>>
      %dma_wait3A_235 = arith.constant 0 : i32
      %dma_wait3A_236 = tpu.memref_slice %arg6[%rem3A_133, %dma_wait3A_228, %dma_wait3A_229, %dma_wait3A_235] : memref<2x4x2x128xi32, #tpu.memory_space<vmem>> -> memref<1x1x1x128xi32, #tpu.memory_space<vmem>>
      %dma_wait3A_237 = tpu.memref_squeeze %dma_wait3A_236 : memref<1x1x1x128xi32, #tpu.memory_space<vmem>> -> memref<128xi32, #tpu.memory_space<vmem>>
      %dma_wait3A_238 = arith.constant 0 : i32
      %dma_wait3A_239 = arith.constant 0 : i32
      %dma_wait3A_240 = tpu.memref_slice %arg3[%dma_wait3A_238, %dma_wait3A_239] : memref<200000x16xf32, #tpu.memory_space<hbm>> -> memref<200000x16xf32, #tpu.memory_space<hbm>>
      tpu.wait_indirect_dma semaphore(%arg9 : memref<!tpu.dma_semaphore, #tpu.memory_space<semaphore_mem>>) src(%dma_wait3A_240 : memref<200000x16xf32, #tpu.memory_space<hbm>>) dst(%dma_wait3A_234 : memref<128x16xf32, #tpu.memory_space<vmem>>)
      %dma_start3A_241 = arith.constant 0 : i32
      %dma_start3A_242 = arith.constant 0 : i32
      %dma_start3A_243 = arith.constant 1 : i32
      %dma_start3A_244 = arith.constant 0 : i32
      %dma_start3A_245 = arith.constant 0 : i32
      %dma_start3A_246 = tpu.memref_slice %arg7[%rem3A_133, %dma_start3A_241, %dma_start3A_244, %dma_start3A_245] : memref<2x4x128x16xf32, #tpu.memory_space<vmem>> -> memref<1x1x128x16xf32, #tpu.memory_space<vmem>>
      %dma_start3A_247 = tpu.memref_squeeze %dma_start3A_246 : memref<1x1x128x16xf32, #tpu.memory_space<vmem>> -> memref<128x16xf32, #tpu.memory_space<vmem>>
      %dma_start3A_248 = arith.constant 0 : i32
      %dma_start3A_249 = tpu.memref_slice %arg6[%rem3A_133, %dma_start3A_242, %dma_start3A_243, %dma_start3A_248] : memref<2x4x2x128xi32, #tpu.memory_space<vmem>> -> memref<1x1x1x128xi32, #tpu.memory_space<vmem>>
      %dma_start3A_250 = tpu.memref_squeeze %dma_start3A_249 : memref<1x1x1x128xi32, #tpu.memory_space<vmem>> -> memref<128xi32, #tpu.memory_space<vmem>>
      %dma_start3A_251 = arith.constant 0 : i32
      %dma_start3A_252 = arith.constant 0 : i32
      %dma_start3A_253 = tpu.memref_slice %arg8[%dma_start3A_251, %dma_start3A_252] : memref<100096x16xf32, #tpu.memory_space<vmem_shared>> -> memref<100096x16xf32, #tpu.memory_space<vmem_shared>>
      tpu.enqueue_indirect_dma source(%dma_start3A_247 : memref<128x16xf32, #tpu.memory_space<vmem>>) target(%dma_start3A_253 : memref<100096x16xf32, #tpu.memory_space<vmem_shared>>) offsets(%dma_start3A_250 : memref<128xi32, #tpu.memory_space<vmem>>) semaphore(%arg10 : memref<!tpu.dma_semaphore, #tpu.memory_space<semaphore_mem>>) {add = true}
      %dma_start3A_254 = arith.constant 1 : i32
      %dma_start3A_255 = arith.constant 1 : i32
      %dma_start3A_256 = arith.constant 1 : i32
      %dma_start3A_257 = arith.constant 0 : i32
      %dma_start3A_258 = arith.constant 0 : i32
      %dma_start3A_259 = tpu.memref_slice %arg7[%rem3A_133, %dma_start3A_254, %dma_start3A_257, %dma_start3A_258] : memref<2x4x128x16xf32, #tpu.memory_space<vmem>> -> memref<1x1x128x16xf32, #tpu.memory_space<vmem>>
      %dma_start3A_260 = tpu.memref_squeeze %dma_start3A_259 : memref<1x1x128x16xf32, #tpu.memory_space<vmem>> -> memref<128x16xf32, #tpu.memory_space<vmem>>
      %dma_start3A_261 = arith.constant 0 : i32
      %dma_start3A_262 = tpu.memref_slice %arg6[%rem3A_133, %dma_start3A_255, %dma_start3A_256, %dma_start3A_261] : memref<2x4x2x128xi32, #tpu.memory_space<vmem>> -> memref<1x1x1x128xi32, #tpu.memory_space<vmem>>
      %dma_start3A_263 = tpu.memref_squeeze %dma_start3A_262 : memref<1x1x1x128xi32, #tpu.memory_space<vmem>> -> memref<128xi32, #tpu.memory_space<vmem>>
      %dma_start3A_264 = arith.constant 0 : i32
      %dma_start3A_265 = arith.constant 0 : i32
      %dma_start3A_266 = tpu.memref_slice %arg8[%dma_start3A_264, %dma_start3A_265] : memref<100096x16xf32, #tpu.memory_space<vmem_shared>> -> memref<100096x16xf32, #tpu.memory_space<vmem_shared>>
      tpu.enqueue_indirect_dma source(%dma_start3A_260 : memref<128x16xf32, #tpu.memory_space<vmem>>) target(%dma_start3A_266 : memref<100096x16xf32, #tpu.memory_space<vmem_shared>>) offsets(%dma_start3A_263 : memref<128xi32, #tpu.memory_space<vmem>>) semaphore(%arg10 : memref<!tpu.dma_semaphore, #tpu.memory_space<semaphore_mem>>) {add = true}
      %dma_start3A_267 = arith.constant 2 : i32
      %dma_start3A_268 = arith.constant 2 : i32
      %dma_start3A_269 = arith.constant 1 : i32
      %dma_start3A_270 = arith.constant 0 : i32
      %dma_start3A_271 = arith.constant 0 : i32
      %dma_start3A_272 = tpu.memref_slice %arg7[%rem3A_133, %dma_start3A_267, %dma_start3A_270, %dma_start3A_271] : memref<2x4x128x16xf32, #tpu.memory_space<vmem>> -> memref<1x1x128x16xf32, #tpu.memory_space<vmem>>
      %dma_start3A_273 = tpu.memref_squeeze %dma_start3A_272 : memref<1x1x128x16xf32, #tpu.memory_space<vmem>> -> memref<128x16xf32, #tpu.memory_space<vmem>>
      %dma_start3A_274 = arith.constant 0 : i32
      %dma_start3A_275 = tpu.memref_slice %arg6[%rem3A_133, %dma_start3A_268, %dma_start3A_269, %dma_start3A_274] : memref<2x4x2x128xi32, #tpu.memory_space<vmem>> -> memref<1x1x1x128xi32, #tpu.memory_space<vmem>>
      %dma_start3A_276 = tpu.memref_squeeze %dma_start3A_275 : memref<1x1x1x128xi32, #tpu.memory_space<vmem>> -> memref<128xi32, #tpu.memory_space<vmem>>
      %dma_start3A_277 = arith.constant 0 : i32
      %dma_start3A_278 = arith.constant 0 : i32
      %dma_start3A_279 = tpu.memref_slice %arg8[%dma_start3A_277, %dma_start3A_278] : memref<100096x16xf32, #tpu.memory_space<vmem_shared>> -> memref<100096x16xf32, #tpu.memory_space<vmem_shared>>
      tpu.enqueue_indirect_dma source(%dma_start3A_273 : memref<128x16xf32, #tpu.memory_space<vmem>>) target(%dma_start3A_279 : memref<100096x16xf32, #tpu.memory_space<vmem_shared>>) offsets(%dma_start3A_276 : memref<128xi32, #tpu.memory_space<vmem>>) semaphore(%arg10 : memref<!tpu.dma_semaphore, #tpu.memory_space<semaphore_mem>>) {add = true}
      %dma_start3A_280 = arith.constant 3 : i32
      %dma_start3A_281 = arith.constant 3 : i32
      %dma_start3A_282 = arith.constant 1 : i32
      %dma_start3A_283 = arith.constant 0 : i32
      %dma_start3A_284 = arith.constant 0 : i32
      %dma_start3A_285 = tpu.memref_slice %arg7[%rem3A_133, %dma_start3A_280, %dma_start3A_283, %dma_start3A_284] : memref<2x4x128x16xf32, #tpu.memory_space<vmem>> -> memref<1x1x128x16xf32, #tpu.memory_space<vmem>>
      %dma_start3A_286 = tpu.memref_squeeze %dma_start3A_285 : memref<1x1x128x16xf32, #tpu.memory_space<vmem>> -> memref<128x16xf32, #tpu.memory_space<vmem>>
      %dma_start3A_287 = arith.constant 0 : i32
      %dma_start3A_288 = tpu.memref_slice %arg6[%rem3A_133, %dma_start3A_281, %dma_start3A_282, %dma_start3A_287] : memref<2x4x2x128xi32, #tpu.memory_space<vmem>> -> memref<1x1x1x128xi32, #tpu.memory_space<vmem>>
      %dma_start3A_289 = tpu.memref_squeeze %dma_start3A_288 : memref<1x1x1x128xi32, #tpu.memory_space<vmem>> -> memref<128xi32, #tpu.memory_space<vmem>>
      %dma_start3A_290 = arith.constant 0 : i32
      %dma_start3A_291 = arith.constant 0 : i32
      %dma_start3A_292 = tpu.memref_slice %arg8[%dma_start3A_290, %dma_start3A_291] : memref<100096x16xf32, #tpu.memory_space<vmem_shared>> -> memref<100096x16xf32, #tpu.memory_space<vmem_shared>>
      tpu.enqueue_indirect_dma source(%dma_start3A_286 : memref<128x16xf32, #tpu.memory_space<vmem>>) target(%dma_start3A_292 : memref<100096x16xf32, #tpu.memory_space<vmem_shared>>) offsets(%dma_start3A_289 : memref<128xi32, #tpu.memory_space<vmem>>) semaphore(%arg10 : memref<!tpu.dma_semaphore, #tpu.memory_space<semaphore_mem>>) {add = true}
    }
    %scan3A_7 = arith.constant 196 : i32
    %dma_wait3A = arith.constant 0 : i32
    %dma_wait3A_8 = arith.constant 0 : i32
    %dma_wait3A_9 = arith.constant 0 : i32
    %dma_wait3A_10 = arith.constant 0 : i32
    %dma_wait3A_11 = arith.constant 1 : i32
    %dma_wait3A_12 = arith.constant 0 : i32
    %dma_wait3A_13 = arith.constant 0 : i32
    %dma_wait3A_14 = tpu.memref_slice %arg7[%dma_wait3A, %dma_wait3A_8, %dma_wait3A_12, %dma_wait3A_13] : memref<2x4x128x16xf32, #tpu.memory_space<vmem>> -> memref<1x1x128x16xf32, #tpu.memory_space<vmem>>
    %dma_wait3A_15 = tpu.memref_squeeze %dma_wait3A_14 : memref<1x1x128x16xf32, #tpu.memory_space<vmem>> -> memref<128x16xf32, #tpu.memory_space<vmem>>
    %dma_wait3A_16 = arith.constant 0 : i32
    %dma_wait3A_17 = tpu.memref_slice %arg6[%dma_wait3A_9, %dma_wait3A_10, %dma_wait3A_11, %dma_wait3A_16] : memref<2x4x2x128xi32, #tpu.memory_space<vmem>> -> memref<1x1x1x128xi32, #tpu.memory_space<vmem>>
    %dma_wait3A_18 = tpu.memref_squeeze %dma_wait3A_17 : memref<1x1x1x128xi32, #tpu.memory_space<vmem>> -> memref<128xi32, #tpu.memory_space<vmem>>
    %dma_wait3A_19 = arith.constant 0 : i32
    %dma_wait3A_20 = arith.constant 0 : i32
    %dma_wait3A_21 = tpu.memref_slice %arg8[%dma_wait3A_19, %dma_wait3A_20] : memref<100096x16xf32, #tpu.memory_space<vmem_shared>> -> memref<100096x16xf32, #tpu.memory_space<vmem_shared>>
    tpu.wait_indirect_dma semaphore(%arg10 : memref<!tpu.dma_semaphore, #tpu.memory_space<semaphore_mem>>) src(%dma_wait3A_15 : memref<128x16xf32, #tpu.memory_space<vmem>>) dst(%dma_wait3A_21 : memref<100096x16xf32, #tpu.memory_space<vmem_shared>>)
    %dma_wait3A_22 = arith.constant 0 : i32
    %dma_wait3A_23 = arith.constant 1 : i32
    %dma_wait3A_24 = arith.constant 0 : i32
    %dma_wait3A_25 = arith.constant 1 : i32
    %dma_wait3A_26 = arith.constant 1 : i32
    %dma_wait3A_27 = arith.constant 0 : i32
    %dma_wait3A_28 = arith.constant 0 : i32
    %dma_wait3A_29 = tpu.memref_slice %arg7[%dma_wait3A_22, %dma_wait3A_23, %dma_wait3A_27, %dma_wait3A_28] : memref<2x4x128x16xf32, #tpu.memory_space<vmem>> -> memref<1x1x128x16xf32, #tpu.memory_space<vmem>>
    %dma_wait3A_30 = tpu.memref_squeeze %dma_wait3A_29 : memref<1x1x128x16xf32, #tpu.memory_space<vmem>> -> memref<128x16xf32, #tpu.memory_space<vmem>>
    %dma_wait3A_31 = arith.constant 0 : i32
    %dma_wait3A_32 = tpu.memref_slice %arg6[%dma_wait3A_24, %dma_wait3A_25, %dma_wait3A_26, %dma_wait3A_31] : memref<2x4x2x128xi32, #tpu.memory_space<vmem>> -> memref<1x1x1x128xi32, #tpu.memory_space<vmem>>
    %dma_wait3A_33 = tpu.memref_squeeze %dma_wait3A_32 : memref<1x1x1x128xi32, #tpu.memory_space<vmem>> -> memref<128xi32, #tpu.memory_space<vmem>>
    %dma_wait3A_34 = arith.constant 0 : i32
    %dma_wait3A_35 = arith.constant 0 : i32
    %dma_wait3A_36 = tpu.memref_slice %arg8[%dma_wait3A_34, %dma_wait3A_35] : memref<100096x16xf32, #tpu.memory_space<vmem_shared>> -> memref<100096x16xf32, #tpu.memory_space<vmem_shared>>
    tpu.wait_indirect_dma semaphore(%arg10 : memref<!tpu.dma_semaphore, #tpu.memory_space<semaphore_mem>>) src(%dma_wait3A_30 : memref<128x16xf32, #tpu.memory_space<vmem>>) dst(%dma_wait3A_36 : memref<100096x16xf32, #tpu.memory_space<vmem_shared>>)
    %dma_wait3A_37 = arith.constant 0 : i32
    %dma_wait3A_38 = arith.constant 2 : i32
    %dma_wait3A_39 = arith.constant 0 : i32
    %dma_wait3A_40 = arith.constant 2 : i32
    %dma_wait3A_41 = arith.constant 1 : i32
    %dma_wait3A_42 = arith.constant 0 : i32
    %dma_wait3A_43 = arith.constant 0 : i32
    %dma_wait3A_44 = tpu.memref_slice %arg7[%dma_wait3A_37, %dma_wait3A_38, %dma_wait3A_42, %dma_wait3A_43] : memref<2x4x128x16xf32, #tpu.memory_space<vmem>> -> memref<1x1x128x16xf32, #tpu.memory_space<vmem>>
    %dma_wait3A_45 = tpu.memref_squeeze %dma_wait3A_44 : memref<1x1x128x16xf32, #tpu.memory_space<vmem>> -> memref<128x16xf32, #tpu.memory_space<vmem>>
    %dma_wait3A_46 = arith.constant 0 : i32
    %dma_wait3A_47 = tpu.memref_slice %arg6[%dma_wait3A_39, %dma_wait3A_40, %dma_wait3A_41, %dma_wait3A_46] : memref<2x4x2x128xi32, #tpu.memory_space<vmem>> -> memref<1x1x1x128xi32, #tpu.memory_space<vmem>>
    %dma_wait3A_48 = tpu.memref_squeeze %dma_wait3A_47 : memref<1x1x1x128xi32, #tpu.memory_space<vmem>> -> memref<128xi32, #tpu.memory_space<vmem>>
    %dma_wait3A_49 = arith.constant 0 : i32
    %dma_wait3A_50 = arith.constant 0 : i32
    %dma_wait3A_51 = tpu.memref_slice %arg8[%dma_wait3A_49, %dma_wait3A_50] : memref<100096x16xf32, #tpu.memory_space<vmem_shared>> -> memref<100096x16xf32, #tpu.memory_space<vmem_shared>>
    tpu.wait_indirect_dma semaphore(%arg10 : memref<!tpu.dma_semaphore, #tpu.memory_space<semaphore_mem>>) src(%dma_wait3A_45 : memref<128x16xf32, #tpu.memory_space<vmem>>) dst(%dma_wait3A_51 : memref<100096x16xf32, #tpu.memory_space<vmem_shared>>)
    %dma_wait3A_52 = arith.constant 0 : i32
    %dma_wait3A_53 = arith.constant 3 : i32
    %dma_wait3A_54 = arith.constant 0 : i32
    %dma_wait3A_55 = arith.constant 3 : i32
    %dma_wait3A_56 = arith.constant 1 : i32
    %dma_wait3A_57 = arith.constant 0 : i32
    %dma_wait3A_58 = arith.constant 0 : i32
    %dma_wait3A_59 = tpu.memref_slice %arg7[%dma_wait3A_52, %dma_wait3A_53, %dma_wait3A_57, %dma_wait3A_58] : memref<2x4x128x16xf32, #tpu.memory_space<vmem>> -> memref<1x1x128x16xf32, #tpu.memory_space<vmem>>
    %dma_wait3A_60 = tpu.memref_squeeze %dma_wait3A_59 : memref<1x1x128x16xf32, #tpu.memory_space<vmem>> -> memref<128x16xf32, #tpu.memory_space<vmem>>
    %dma_wait3A_61 = arith.constant 0 : i32
    %dma_wait3A_62 = tpu.memref_slice %arg6[%dma_wait3A_54, %dma_wait3A_55, %dma_wait3A_56, %dma_wait3A_61] : memref<2x4x2x128xi32, #tpu.memory_space<vmem>> -> memref<1x1x1x128xi32, #tpu.memory_space<vmem>>
    %dma_wait3A_63 = tpu.memref_squeeze %dma_wait3A_62 : memref<1x1x1x128xi32, #tpu.memory_space<vmem>> -> memref<128xi32, #tpu.memory_space<vmem>>
    %dma_wait3A_64 = arith.constant 0 : i32
    %dma_wait3A_65 = arith.constant 0 : i32
    %dma_wait3A_66 = tpu.memref_slice %arg8[%dma_wait3A_64, %dma_wait3A_65] : memref<100096x16xf32, #tpu.memory_space<vmem_shared>> -> memref<100096x16xf32, #tpu.memory_space<vmem_shared>>
    tpu.wait_indirect_dma semaphore(%arg10 : memref<!tpu.dma_semaphore, #tpu.memory_space<semaphore_mem>>) src(%dma_wait3A_60 : memref<128x16xf32, #tpu.memory_space<vmem>>) dst(%dma_wait3A_66 : memref<100096x16xf32, #tpu.memory_space<vmem_shared>>)
    %dma_wait3A_67 = arith.constant 1 : i32
    %dma_wait3A_68 = arith.constant 0 : i32
    %dma_wait3A_69 = arith.constant 1 : i32
    %dma_wait3A_70 = arith.constant 0 : i32
    %dma_wait3A_71 = arith.constant 1 : i32
    %dma_wait3A_72 = arith.constant 0 : i32
    %dma_wait3A_73 = arith.constant 0 : i32
    %dma_wait3A_74 = tpu.memref_slice %arg7[%dma_wait3A_67, %dma_wait3A_68, %dma_wait3A_72, %dma_wait3A_73] : memref<2x4x128x16xf32, #tpu.memory_space<vmem>> -> memref<1x1x128x16xf32, #tpu.memory_space<vmem>>
    %dma_wait3A_75 = tpu.memref_squeeze %dma_wait3A_74 : memref<1x1x128x16xf32, #tpu.memory_space<vmem>> -> memref<128x16xf32, #tpu.memory_space<vmem>>
    %dma_wait3A_76 = arith.constant 0 : i32
    %dma_wait3A_77 = tpu.memref_slice %arg6[%dma_wait3A_69, %dma_wait3A_70, %dma_wait3A_71, %dma_wait3A_76] : memref<2x4x2x128xi32, #tpu.memory_space<vmem>> -> memref<1x1x1x128xi32, #tpu.memory_space<vmem>>
    %dma_wait3A_78 = tpu.memref_squeeze %dma_wait3A_77 : memref<1x1x1x128xi32, #tpu.memory_space<vmem>> -> memref<128xi32, #tpu.memory_space<vmem>>
    %dma_wait3A_79 = arith.constant 0 : i32
    %dma_wait3A_80 = arith.constant 0 : i32
    %dma_wait3A_81 = tpu.memref_slice %arg8[%dma_wait3A_79, %dma_wait3A_80] : memref<100096x16xf32, #tpu.memory_space<vmem_shared>> -> memref<100096x16xf32, #tpu.memory_space<vmem_shared>>
    tpu.wait_indirect_dma semaphore(%arg10 : memref<!tpu.dma_semaphore, #tpu.memory_space<semaphore_mem>>) src(%dma_wait3A_75 : memref<128x16xf32, #tpu.memory_space<vmem>>) dst(%dma_wait3A_81 : memref<100096x16xf32, #tpu.memory_space<vmem_shared>>)
    %dma_wait3A_82 = arith.constant 1 : i32
    %dma_wait3A_83 = arith.constant 1 : i32
    %dma_wait3A_84 = arith.constant 1 : i32
    %dma_wait3A_85 = arith.constant 1 : i32
    %dma_wait3A_86 = arith.constant 1 : i32
    %dma_wait3A_87 = arith.constant 0 : i32
    %dma_wait3A_88 = arith.constant 0 : i32
    %dma_wait3A_89 = tpu.memref_slice %arg7[%dma_wait3A_82, %dma_wait3A_83, %dma_wait3A_87, %dma_wait3A_88] : memref<2x4x128x16xf32, #tpu.memory_space<vmem>> -> memref<1x1x128x16xf32, #tpu.memory_space<vmem>>
    %dma_wait3A_90 = tpu.memref_squeeze %dma_wait3A_89 : memref<1x1x128x16xf32, #tpu.memory_space<vmem>> -> memref<128x16xf32, #tpu.memory_space<vmem>>
    %dma_wait3A_91 = arith.constant 0 : i32
    %dma_wait3A_92 = tpu.memref_slice %arg6[%dma_wait3A_84, %dma_wait3A_85, %dma_wait3A_86, %dma_wait3A_91] : memref<2x4x2x128xi32, #tpu.memory_space<vmem>> -> memref<1x1x1x128xi32, #tpu.memory_space<vmem>>
    %dma_wait3A_93 = tpu.memref_squeeze %dma_wait3A_92 : memref<1x1x1x128xi32, #tpu.memory_space<vmem>> -> memref<128xi32, #tpu.memory_space<vmem>>
    %dma_wait3A_94 = arith.constant 0 : i32
    %dma_wait3A_95 = arith.constant 0 : i32
    %dma_wait3A_96 = tpu.memref_slice %arg8[%dma_wait3A_94, %dma_wait3A_95] : memref<100096x16xf32, #tpu.memory_space<vmem_shared>> -> memref<100096x16xf32, #tpu.memory_space<vmem_shared>>
    tpu.wait_indirect_dma semaphore(%arg10 : memref<!tpu.dma_semaphore, #tpu.memory_space<semaphore_mem>>) src(%dma_wait3A_90 : memref<128x16xf32, #tpu.memory_space<vmem>>) dst(%dma_wait3A_96 : memref<100096x16xf32, #tpu.memory_space<vmem_shared>>)
    %dma_wait3A_97 = arith.constant 1 : i32
    %dma_wait3A_98 = arith.constant 2 : i32
    %dma_wait3A_99 = arith.constant 1 : i32
    %dma_wait3A_100 = arith.constant 2 : i32
    %dma_wait3A_101 = arith.constant 1 : i32
    %dma_wait3A_102 = arith.constant 0 : i32
    %dma_wait3A_103 = arith.constant 0 : i32
    %dma_wait3A_104 = tpu.memref_slice %arg7[%dma_wait3A_97, %dma_wait3A_98, %dma_wait3A_102, %dma_wait3A_103] : memref<2x4x128x16xf32, #tpu.memory_space<vmem>> -> memref<1x1x128x16xf32, #tpu.memory_space<vmem>>
    %dma_wait3A_105 = tpu.memref_squeeze %dma_wait3A_104 : memref<1x1x128x16xf32, #tpu.memory_space<vmem>> -> memref<128x16xf32, #tpu.memory_space<vmem>>
    %dma_wait3A_106 = arith.constant 0 : i32
    %dma_wait3A_107 = tpu.memref_slice %arg6[%dma_wait3A_99, %dma_wait3A_100, %dma_wait3A_101, %dma_wait3A_106] : memref<2x4x2x128xi32, #tpu.memory_space<vmem>> -> memref<1x1x1x128xi32, #tpu.memory_space<vmem>>
    %dma_wait3A_108 = tpu.memref_squeeze %dma_wait3A_107 : memref<1x1x1x128xi32, #tpu.memory_space<vmem>> -> memref<128xi32, #tpu.memory_space<vmem>>
    %dma_wait3A_109 = arith.constant 0 : i32
    %dma_wait3A_110 = arith.constant 0 : i32
    %dma_wait3A_111 = tpu.memref_slice %arg8[%dma_wait3A_109, %dma_wait3A_110] : memref<100096x16xf32, #tpu.memory_space<vmem_shared>> -> memref<100096x16xf32, #tpu.memory_space<vmem_shared>>
    tpu.wait_indirect_dma semaphore(%arg10 : memref<!tpu.dma_semaphore, #tpu.memory_space<semaphore_mem>>) src(%dma_wait3A_105 : memref<128x16xf32, #tpu.memory_space<vmem>>) dst(%dma_wait3A_111 : memref<100096x16xf32, #tpu.memory_space<vmem_shared>>)
    %dma_wait3A_112 = arith.constant 1 : i32
    %dma_wait3A_113 = arith.constant 3 : i32
    %dma_wait3A_114 = arith.constant 1 : i32
    %dma_wait3A_115 = arith.constant 3 : i32
    %dma_wait3A_116 = arith.constant 1 : i32
    %dma_wait3A_117 = arith.constant 0 : i32
    %dma_wait3A_118 = arith.constant 0 : i32
    %dma_wait3A_119 = tpu.memref_slice %arg7[%dma_wait3A_112, %dma_wait3A_113, %dma_wait3A_117, %dma_wait3A_118] : memref<2x4x128x16xf32, #tpu.memory_space<vmem>> -> memref<1x1x128x16xf32, #tpu.memory_space<vmem>>
    %dma_wait3A_120 = tpu.memref_squeeze %dma_wait3A_119 : memref<1x1x128x16xf32, #tpu.memory_space<vmem>> -> memref<128x16xf32, #tpu.memory_space<vmem>>
    %dma_wait3A_121 = arith.constant 0 : i32
    %dma_wait3A_122 = tpu.memref_slice %arg6[%dma_wait3A_114, %dma_wait3A_115, %dma_wait3A_116, %dma_wait3A_121] : memref<2x4x2x128xi32, #tpu.memory_space<vmem>> -> memref<1x1x1x128xi32, #tpu.memory_space<vmem>>
    %dma_wait3A_123 = tpu.memref_squeeze %dma_wait3A_122 : memref<1x1x1x128xi32, #tpu.memory_space<vmem>> -> memref<128xi32, #tpu.memory_space<vmem>>
    %dma_wait3A_124 = arith.constant 0 : i32
    %dma_wait3A_125 = arith.constant 0 : i32
    %dma_wait3A_126 = tpu.memref_slice %arg8[%dma_wait3A_124, %dma_wait3A_125] : memref<100096x16xf32, #tpu.memory_space<vmem_shared>> -> memref<100096x16xf32, #tpu.memory_space<vmem_shared>>
    tpu.wait_indirect_dma semaphore(%arg10 : memref<!tpu.dma_semaphore, #tpu.memory_space<semaphore_mem>>) src(%dma_wait3A_120 : memref<128x16xf32, #tpu.memory_space<vmem>>) dst(%dma_wait3A_126 : memref<100096x16xf32, #tpu.memory_space<vmem_shared>>)
    %barrier3A_127 = arith.constant 0 : index
    tpu.barrier barrier_id(%barrier3A_127)
    %mul3A_128 = arith.constant 6256 : i32
    %mul3A_129 = arith.muli %arg1, %mul3A_128 : i32
    %mul3A_130 = arith.constant 6256 : i32
    %mul3A_131 = arith.muli %arg1, %mul3A_130 : i32
    "tpu.region"() ({
      %run_scoped3A = tpu.sem_alloc : memref<!tpu.dma_semaphore, #tpu.memory_space<semaphore_mem>>
      %dma_start3A = arith.constant 0 : i32
      %dma_start3A_132 = tpu.memref_slice %arg5[%arg0, %mul3A_131, %dma_start3A] : memref<2x100096x16xf32, #tpu.memory_space<hbm>> -> memref<1x6256x16xf32, #tpu.memory_space<hbm>>
      %dma_start3A_133 = tpu.memref_squeeze %dma_start3A_132 : memref<1x6256x16xf32, #tpu.memory_space<hbm>> -> memref<6256x16xf32, #tpu.memory_space<hbm>>
      %dma_start3A_134 = arith.constant 0 : i32
      %dma_start3A_135 = tpu.memref_slice %arg8[%mul3A_129, %dma_start3A_134] : memref<100096x16xf32, #tpu.memory_space<vmem_shared>> -> memref<6256x16xf32, #tpu.memory_space<vmem_shared>>
      tpu.enqueue_dma source(%dma_start3A_135 : memref<6256x16xf32, #tpu.memory_space<vmem_shared>>) target(%dma_start3A_133 : memref<6256x16xf32, #tpu.memory_space<hbm>>) target_semaphore(%run_scoped3A : memref<!tpu.dma_semaphore, #tpu.memory_space<semaphore_mem>>)
      %dma_wait3A_136 = arith.constant 0 : i32
      %dma_wait3A_137 = tpu.memref_slice %arg5[%arg0, %mul3A_131, %dma_wait3A_136] : memref<2x100096x16xf32, #tpu.memory_space<hbm>> -> memref<1x6256x16xf32, #tpu.memory_space<hbm>>
      %dma_wait3A_138 = tpu.memref_squeeze %dma_wait3A_137 : memref<1x6256x16xf32, #tpu.memory_space<hbm>> -> memref<6256x16xf32, #tpu.memory_space<hbm>>
      %dma_wait3A_139 = arith.constant 0 : i32
      %dma_wait3A_140 = tpu.memref_slice %arg8[%mul3A_129, %dma_wait3A_139] : memref<100096x16xf32, #tpu.memory_space<vmem_shared>> -> memref<6256x16xf32, #tpu.memory_space<vmem_shared>>
      tpu.wait_dma2 semaphore(%run_scoped3A : memref<!tpu.dma_semaphore, #tpu.memory_space<semaphore_mem>>) src(%dma_wait3A_140 : memref<6256x16xf32, #tpu.memory_space<vmem_shared>>) dst(%dma_wait3A_138 : memref<6256x16xf32, #tpu.memory_space<hbm>>)
      tpu.yield
    }) : () -> ()
    return
  }
}

#map = affine_map<(d0, d1) -> (0, 0, 0)>
#map1 = affine_map<(d0, d1) -> (0, 0)>
module attributes {stable_mosaic.version = 14 : i64} {
  func.func @body(%arg0: i32, %arg1: i32, %arg2: memref<12544x2x128xi32, #tpu.memory_space<hbm>>, %arg3: memref<100000x16xf32, #tpu.memory_space<hbm>>, %arg4: memref<6256x16xf32, #tpu.memory_space<hbm>>, %arg5: memref<2x100096x16xf32, #tpu.memory_space<hbm>>, %arg6: memref<2x4x2x128xi32, #tpu.memory_space<vmem>>, %arg7: memref<2x4x128x16xf32, #tpu.memory_space<vmem>>, %arg8: memref<100096x16xf32, #tpu.memory_space<vmem_shared>>, %arg9: memref<!tpu.dma_semaphore, #tpu.memory_space<semaphore_mem>>, %arg10: memref<!tpu.dma_semaphore, #tpu.memory_space<semaphore_mem>>) attributes {dimension_semantics = [#tpu.dimension_semantics<core_parallel>, #tpu.dimension_semantics<subcore_parallel>], iteration_bounds = array<i64: 2, 16>, scalar_prefetch = 0 : i64, scratch_operands = 5 : i64, tpu.core_type = #tpu.core_type<sc_vector_subcore>, window_params = [{transform_indices = #map}, {transform_indices = #map1}, {transform_indices = #map1}, {transform_indices = #map}]} {
    %mul3A = arith.constant 6256 : i32
    %mul3A_0 = arith.muli %arg1, %mul3A : i32
    "tpu.region"() ({
      %run_scoped3A = tpu.sem_alloc : memref<!tpu.dma_semaphore, #tpu.memory_space<semaphore_mem>>
      %dma_start3A = arith.constant 0 : i32
      %dma_start3A_134 = tpu.memref_slice %arg8[%mul3A_0, %dma_start3A] : memref<100096x16xf32, #tpu.memory_space<vmem_shared>> -> memref<6256x16xf32, #tpu.memory_space<vmem_shared>>
      tpu.enqueue_dma source(%arg4 : memref<6256x16xf32, #tpu.memory_space<hbm>>) target(%dma_start3A_134 : memref<6256x16xf32, #tpu.memory_space<vmem_shared>>) target_semaphore(%run_scoped3A : memref<!tpu.dma_semaphore, #tpu.memory_space<semaphore_mem>>)
      %dma_wait3A_135 = arith.constant 0 : i32
      %dma_wait3A_136 = tpu.memref_slice %arg8[%mul3A_0, %dma_wait3A_135] : memref<100096x16xf32, #tpu.memory_space<vmem_shared>> -> memref<6256x16xf32, #tpu.memory_space<vmem_shared>>
      tpu.wait_dma2 semaphore(%run_scoped3A : memref<!tpu.dma_semaphore, #tpu.memory_space<semaphore_mem>>) src(%arg4 : memref<6256x16xf32, #tpu.memory_space<hbm>>) dst(%dma_wait3A_136 : memref<6256x16xf32, #tpu.memory_space<vmem_shared>>)
      tpu.yield
    }) : () -> ()
    %barrier3A = arith.constant 0 : index
    tpu.barrier barrier_id(%barrier3A)
    %mul3A_1 = arith.constant 16 : i32
    %mul3A_2 = arith.muli %arg0, %mul3A_1 : i32
    %add3A = arith.addi %mul3A_2, %arg1 : i32
    %mul3A_3 = arith.constant 392 : i32
    %mul3A_4 = arith.muli %add3A, %mul3A_3 : i32
    %scan3A = arith.constant 0 : i32
    %scan3A_5 = arith.constant 0 : i32
    %scan3A_6 = arith.constant 98 : i32
    %scan3A_7 = arith.addi %scan3A_5, %scan3A_6 : i32
    %scan3A_8 = arith.constant 1 : i32
    scf.for %scan3A_134 = %scan3A_5 to %scan3A_7 step %scan3A_8  : i32 {
      %rem3A = arith.constant 2 : i32
      %rem3A_135 = arith.remsi %scan3A_134, %rem3A : i32
      %mul3A_136 = arith.constant 4 : i32
      %mul3A_137 = arith.muli %scan3A_134, %mul3A_136 : i32
      %add3A_138 = arith.addi %mul3A_4, %mul3A_137 : i32
      %ge3A = arith.constant 2 : i32
      %ge3A_139 = arith.cmpi sge, %scan3A_134, %ge3A : i32
      %convert_element_type3A = arith.extui %ge3A_139 : i1 to i32
      %cond3A = arith.constant 0 : i32
      %cond3A_140 = arith.cmpi ne, %convert_element_type3A, %cond3A : i32
      scf.if %cond3A_140 {
        %dma_wait3A_296 = arith.constant 0 : i32
        %dma_wait3A_297 = arith.constant 0 : i32
        %dma_wait3A_298 = arith.constant 1 : i32
        %dma_wait3A_299 = arith.constant 0 : i32
        %dma_wait3A_300 = arith.constant 0 : i32
        %dma_wait3A_301 = tpu.memref_slice %arg7[%rem3A_135, %dma_wait3A_296, %dma_wait3A_299, %dma_wait3A_300] : memref<2x4x128x16xf32, #tpu.memory_space<vmem>> -> memref<1x1x128x16xf32, #tpu.memory_space<vmem>>
        %dma_wait3A_302 = tpu.memref_squeeze %dma_wait3A_301 : memref<1x1x128x16xf32, #tpu.memory_space<vmem>> -> memref<128x16xf32, #tpu.memory_space<vmem>>
        %dma_wait3A_303 = arith.constant 0 : i32
        %dma_wait3A_304 = tpu.memref_slice %arg6[%rem3A_135, %dma_wait3A_297, %dma_wait3A_298, %dma_wait3A_303] : memref<2x4x2x128xi32, #tpu.memory_space<vmem>> -> memref<1x1x1x128xi32, #tpu.memory_space<vmem>>
        %dma_wait3A_305 = tpu.memref_squeeze %dma_wait3A_304 : memref<1x1x1x128xi32, #tpu.memory_space<vmem>> -> memref<128xi32, #tpu.memory_space<vmem>>
        %dma_wait3A_306 = arith.constant 0 : i32
        %dma_wait3A_307 = arith.constant 0 : i32
        %dma_wait3A_308 = tpu.memref_slice %arg8[%dma_wait3A_306, %dma_wait3A_307] : memref<100096x16xf32, #tpu.memory_space<vmem_shared>> -> memref<100096x16xf32, #tpu.memory_space<vmem_shared>>
        tpu.wait_indirect_dma semaphore(%arg10 : memref<!tpu.dma_semaphore, #tpu.memory_space<semaphore_mem>>) src(%dma_wait3A_302 : memref<128x16xf32, #tpu.memory_space<vmem>>) dst(%dma_wait3A_308 : memref<100096x16xf32, #tpu.memory_space<vmem_shared>>)
        %dma_wait3A_309 = arith.constant 1 : i32
        %dma_wait3A_310 = arith.constant 1 : i32
        %dma_wait3A_311 = arith.constant 1 : i32
        %dma_wait3A_312 = arith.constant 0 : i32
        %dma_wait3A_313 = arith.constant 0 : i32
        %dma_wait3A_314 = tpu.memref_slice %arg7[%rem3A_135, %dma_wait3A_309, %dma_wait3A_312, %dma_wait3A_313] : memref<2x4x128x16xf32, #tpu.memory_space<vmem>> -> memref<1x1x128x16xf32, #tpu.memory_space<vmem>>
        %dma_wait3A_315 = tpu.memref_squeeze %dma_wait3A_314 : memref<1x1x128x16xf32, #tpu.memory_space<vmem>> -> memref<128x16xf32, #tpu.memory_space<vmem>>
        %dma_wait3A_316 = arith.constant 0 : i32
        %dma_wait3A_317 = tpu.memref_slice %arg6[%rem3A_135, %dma_wait3A_310, %dma_wait3A_311, %dma_wait3A_316] : memref<2x4x2x128xi32, #tpu.memory_space<vmem>> -> memref<1x1x1x128xi32, #tpu.memory_space<vmem>>
        %dma_wait3A_318 = tpu.memref_squeeze %dma_wait3A_317 : memref<1x1x1x128xi32, #tpu.memory_space<vmem>> -> memref<128xi32, #tpu.memory_space<vmem>>
        %dma_wait3A_319 = arith.constant 0 : i32
        %dma_wait3A_320 = arith.constant 0 : i32
        %dma_wait3A_321 = tpu.memref_slice %arg8[%dma_wait3A_319, %dma_wait3A_320] : memref<100096x16xf32, #tpu.memory_space<vmem_shared>> -> memref<100096x16xf32, #tpu.memory_space<vmem_shared>>
        tpu.wait_indirect_dma semaphore(%arg10 : memref<!tpu.dma_semaphore, #tpu.memory_space<semaphore_mem>>) src(%dma_wait3A_315 : memref<128x16xf32, #tpu.memory_space<vmem>>) dst(%dma_wait3A_321 : memref<100096x16xf32, #tpu.memory_space<vmem_shared>>)
        %dma_wait3A_322 = arith.constant 2 : i32
        %dma_wait3A_323 = arith.constant 2 : i32
        %dma_wait3A_324 = arith.constant 1 : i32
        %dma_wait3A_325 = arith.constant 0 : i32
        %dma_wait3A_326 = arith.constant 0 : i32
        %dma_wait3A_327 = tpu.memref_slice %arg7[%rem3A_135, %dma_wait3A_322, %dma_wait3A_325, %dma_wait3A_326] : memref<2x4x128x16xf32, #tpu.memory_space<vmem>> -> memref<1x1x128x16xf32, #tpu.memory_space<vmem>>
        %dma_wait3A_328 = tpu.memref_squeeze %dma_wait3A_327 : memref<1x1x128x16xf32, #tpu.memory_space<vmem>> -> memref<128x16xf32, #tpu.memory_space<vmem>>
        %dma_wait3A_329 = arith.constant 0 : i32
        %dma_wait3A_330 = tpu.memref_slice %arg6[%rem3A_135, %dma_wait3A_323, %dma_wait3A_324, %dma_wait3A_329] : memref<2x4x2x128xi32, #tpu.memory_space<vmem>> -> memref<1x1x1x128xi32, #tpu.memory_space<vmem>>
        %dma_wait3A_331 = tpu.memref_squeeze %dma_wait3A_330 : memref<1x1x1x128xi32, #tpu.memory_space<vmem>> -> memref<128xi32, #tpu.memory_space<vmem>>
        %dma_wait3A_332 = arith.constant 0 : i32
        %dma_wait3A_333 = arith.constant 0 : i32
        %dma_wait3A_334 = tpu.memref_slice %arg8[%dma_wait3A_332, %dma_wait3A_333] : memref<100096x16xf32, #tpu.memory_space<vmem_shared>> -> memref<100096x16xf32, #tpu.memory_space<vmem_shared>>
        tpu.wait_indirect_dma semaphore(%arg10 : memref<!tpu.dma_semaphore, #tpu.memory_space<semaphore_mem>>) src(%dma_wait3A_328 : memref<128x16xf32, #tpu.memory_space<vmem>>) dst(%dma_wait3A_334 : memref<100096x16xf32, #tpu.memory_space<vmem_shared>>)
        %dma_wait3A_335 = arith.constant 3 : i32
        %dma_wait3A_336 = arith.constant 3 : i32
        %dma_wait3A_337 = arith.constant 1 : i32
        %dma_wait3A_338 = arith.constant 0 : i32
        %dma_wait3A_339 = arith.constant 0 : i32
        %dma_wait3A_340 = tpu.memref_slice %arg7[%rem3A_135, %dma_wait3A_335, %dma_wait3A_338, %dma_wait3A_339] : memref<2x4x128x16xf32, #tpu.memory_space<vmem>> -> memref<1x1x128x16xf32, #tpu.memory_space<vmem>>
        %dma_wait3A_341 = tpu.memref_squeeze %dma_wait3A_340 : memref<1x1x128x16xf32, #tpu.memory_space<vmem>> -> memref<128x16xf32, #tpu.memory_space<vmem>>
        %dma_wait3A_342 = arith.constant 0 : i32
        %dma_wait3A_343 = tpu.memref_slice %arg6[%rem3A_135, %dma_wait3A_336, %dma_wait3A_337, %dma_wait3A_342] : memref<2x4x2x128xi32, #tpu.memory_space<vmem>> -> memref<1x1x1x128xi32, #tpu.memory_space<vmem>>
        %dma_wait3A_344 = tpu.memref_squeeze %dma_wait3A_343 : memref<1x1x1x128xi32, #tpu.memory_space<vmem>> -> memref<128xi32, #tpu.memory_space<vmem>>
        %dma_wait3A_345 = arith.constant 0 : i32
        %dma_wait3A_346 = arith.constant 0 : i32
        %dma_wait3A_347 = tpu.memref_slice %arg8[%dma_wait3A_345, %dma_wait3A_346] : memref<100096x16xf32, #tpu.memory_space<vmem_shared>> -> memref<100096x16xf32, #tpu.memory_space<vmem_shared>>
        tpu.wait_indirect_dma semaphore(%arg10 : memref<!tpu.dma_semaphore, #tpu.memory_space<semaphore_mem>>) src(%dma_wait3A_341 : memref<128x16xf32, #tpu.memory_space<vmem>>) dst(%dma_wait3A_347 : memref<100096x16xf32, #tpu.memory_space<vmem_shared>>)
      } else {
      }
      "tpu.region"() ({
        %run_scoped3A = tpu.sem_alloc : memref<!tpu.dma_semaphore, #tpu.memory_space<semaphore_mem>>
        %dma_start3A_296 = arith.constant 0 : i32
        %dma_start3A_297 = arith.constant 0 : i32
        %dma_start3A_298 = arith.constant 0 : i32
        %dma_start3A_299 = tpu.memref_slice %arg6[%rem3A_135, %dma_start3A_296, %dma_start3A_297, %dma_start3A_298] : memref<2x4x2x128xi32, #tpu.memory_space<vmem>> -> memref<1x4x2x128xi32, #tpu.memory_space<vmem>>
        %dma_start3A_300 = tpu.memref_squeeze %dma_start3A_299 : memref<1x4x2x128xi32, #tpu.memory_space<vmem>> -> memref<4x2x128xi32, #tpu.memory_space<vmem>>
        %dma_start3A_301 = arith.constant 0 : i32
        %dma_start3A_302 = arith.constant 0 : i32
        %dma_start3A_303 = tpu.memref_slice %arg2[%add3A_138, %dma_start3A_301, %dma_start3A_302] : memref<12544x2x128xi32, #tpu.memory_space<hbm>> -> memref<4x2x128xi32, #tpu.memory_space<hbm>>
        %dma_start3A_304 = arith.constant 0 : i32
        %dma_start3A_305 = arith.constant 0 : i32
        %dma_start3A_306 = arith.constant 0 : i32
        %dma_start3A_307 = tpu.memref_slice %arg6[%rem3A_135, %dma_start3A_304, %dma_start3A_305, %dma_start3A_306] : memref<2x4x2x128xi32, #tpu.memory_space<vmem>> -> memref<1x4x2x128xi32, #tpu.memory_space<vmem>>
        %dma_start3A_308 = tpu.memref_squeeze %dma_start3A_307 : memref<1x4x2x128xi32, #tpu.memory_space<vmem>> -> memref<4x2x128xi32, #tpu.memory_space<vmem>>
        %dma_start3A_309 = arith.constant 0 : i32
        %dma_start3A_310 = arith.constant 0 : i32
        %dma_start3A_311 = tpu.memref_slice %arg2[%add3A_138, %dma_start3A_309, %dma_start3A_310] : memref<12544x2x128xi32, #tpu.memory_space<hbm>> -> memref<4x2x128xi32, #tpu.memory_space<hbm>>
        tpu.enqueue_dma source(%dma_start3A_311 : memref<4x2x128xi32, #tpu.memory_space<hbm>>) target(%dma_start3A_308 : memref<4x2x128xi32, #tpu.memory_space<vmem>>) target_semaphore(%run_scoped3A : memref<!tpu.dma_semaphore, #tpu.memory_space<semaphore_mem>>)
        %dma_wait3A_312 = arith.constant 0 : i32
        %dma_wait3A_313 = arith.constant 0 : i32
        %dma_wait3A_314 = arith.constant 0 : i32
        %dma_wait3A_315 = tpu.memref_slice %arg6[%rem3A_135, %dma_wait3A_312, %dma_wait3A_313, %dma_wait3A_314] : memref<2x4x2x128xi32, #tpu.memory_space<vmem>> -> memref<1x4x2x128xi32, #tpu.memory_space<vmem>>
        %dma_wait3A_316 = tpu.memref_squeeze %dma_wait3A_315 : memref<1x4x2x128xi32, #tpu.memory_space<vmem>> -> memref<4x2x128xi32, #tpu.memory_space<vmem>>
        %dma_wait3A_317 = arith.constant 0 : i32
        %dma_wait3A_318 = arith.constant 0 : i32
        %dma_wait3A_319 = tpu.memref_slice %arg2[%add3A_138, %dma_wait3A_317, %dma_wait3A_318] : memref<12544x2x128xi32, #tpu.memory_space<hbm>> -> memref<4x2x128xi32, #tpu.memory_space<hbm>>
        %dma_wait3A_320 = arith.constant 0 : i32
        %dma_wait3A_321 = arith.constant 0 : i32
        %dma_wait3A_322 = arith.constant 0 : i32
        %dma_wait3A_323 = tpu.memref_slice %arg6[%rem3A_135, %dma_wait3A_320, %dma_wait3A_321, %dma_wait3A_322] : memref<2x4x2x128xi32, #tpu.memory_space<vmem>> -> memref<1x4x2x128xi32, #tpu.memory_space<vmem>>
        %dma_wait3A_324 = tpu.memref_squeeze %dma_wait3A_323 : memref<1x4x2x128xi32, #tpu.memory_space<vmem>> -> memref<4x2x128xi32, #tpu.memory_space<vmem>>
        %dma_wait3A_325 = arith.constant 0 : i32
        %dma_wait3A_326 = arith.constant 0 : i32
        %dma_wait3A_327 = tpu.memref_slice %arg2[%add3A_138, %dma_wait3A_325, %dma_wait3A_326] : memref<12544x2x128xi32, #tpu.memory_space<hbm>> -> memref<4x2x128xi32, #tpu.memory_space<hbm>>
        tpu.wait_dma2 semaphore(%run_scoped3A : memref<!tpu.dma_semaphore, #tpu.memory_space<semaphore_mem>>) src(%dma_wait3A_327 : memref<4x2x128xi32, #tpu.memory_space<hbm>>) dst(%dma_wait3A_324 : memref<4x2x128xi32, #tpu.memory_space<vmem>>)
        tpu.yield
      }) : () -> ()
      %dma_start3A = arith.constant 0 : i32
      %dma_start3A_141 = arith.constant 0 : i32
      %dma_start3A_142 = arith.constant 0 : i32
      %dma_start3A_143 = arith.constant 0 : i32
      %dma_start3A_144 = arith.constant 0 : i32
      %dma_start3A_145 = tpu.memref_slice %arg7[%rem3A_135, %dma_start3A_142, %dma_start3A_143, %dma_start3A_144] : memref<2x4x128x16xf32, #tpu.memory_space<vmem>> -> memref<1x1x128x16xf32, #tpu.memory_space<vmem>>
      %dma_start3A_146 = tpu.memref_squeeze %dma_start3A_145 : memref<1x1x128x16xf32, #tpu.memory_space<vmem>> -> memref<128x16xf32, #tpu.memory_space<vmem>>
      %dma_start3A_147 = arith.constant 0 : i32
      %dma_start3A_148 = tpu.memref_slice %arg6[%rem3A_135, %dma_start3A, %dma_start3A_141, %dma_start3A_147] : memref<2x4x2x128xi32, #tpu.memory_space<vmem>> -> memref<1x1x1x128xi32, #tpu.memory_space<vmem>>
      %dma_start3A_149 = tpu.memref_squeeze %dma_start3A_148 : memref<1x1x1x128xi32, #tpu.memory_space<vmem>> -> memref<128xi32, #tpu.memory_space<vmem>>
      %dma_start3A_150 = arith.constant 0 : i32
      %dma_start3A_151 = arith.constant 0 : i32
      %dma_start3A_152 = tpu.memref_slice %arg3[%dma_start3A_150, %dma_start3A_151] : memref<100000x16xf32, #tpu.memory_space<hbm>> -> memref<100000x16xf32, #tpu.memory_space<hbm>>
      tpu.enqueue_indirect_dma source(%dma_start3A_152 : memref<100000x16xf32, #tpu.memory_space<hbm>>) target(%dma_start3A_146 : memref<128x16xf32, #tpu.memory_space<vmem>>) offsets(%dma_start3A_149 : memref<128xi32, #tpu.memory_space<vmem>>) semaphore(%arg9 : memref<!tpu.dma_semaphore, #tpu.memory_space<semaphore_mem>>)
      %dma_start3A_153 = arith.constant 1 : i32
      %dma_start3A_154 = arith.constant 0 : i32
      %dma_start3A_155 = arith.constant 1 : i32
      %dma_start3A_156 = arith.constant 0 : i32
      %dma_start3A_157 = arith.constant 0 : i32
      %dma_start3A_158 = tpu.memref_slice %arg7[%rem3A_135, %dma_start3A_155, %dma_start3A_156, %dma_start3A_157] : memref<2x4x128x16xf32, #tpu.memory_space<vmem>> -> memref<1x1x128x16xf32, #tpu.memory_space<vmem>>
      %dma_start3A_159 = tpu.memref_squeeze %dma_start3A_158 : memref<1x1x128x16xf32, #tpu.memory_space<vmem>> -> memref<128x16xf32, #tpu.memory_space<vmem>>
      %dma_start3A_160 = arith.constant 0 : i32
      %dma_start3A_161 = tpu.memref_slice %arg6[%rem3A_135, %dma_start3A_153, %dma_start3A_154, %dma_start3A_160] : memref<2x4x2x128xi32, #tpu.memory_space<vmem>> -> memref<1x1x1x128xi32, #tpu.memory_space<vmem>>
      %dma_start3A_162 = tpu.memref_squeeze %dma_start3A_161 : memref<1x1x1x128xi32, #tpu.memory_space<vmem>> -> memref<128xi32, #tpu.memory_space<vmem>>
      %dma_start3A_163 = arith.constant 0 : i32
      %dma_start3A_164 = arith.constant 0 : i32
      %dma_start3A_165 = tpu.memref_slice %arg3[%dma_start3A_163, %dma_start3A_164] : memref<100000x16xf32, #tpu.memory_space<hbm>> -> memref<100000x16xf32, #tpu.memory_space<hbm>>
      tpu.enqueue_indirect_dma source(%dma_start3A_165 : memref<100000x16xf32, #tpu.memory_space<hbm>>) target(%dma_start3A_159 : memref<128x16xf32, #tpu.memory_space<vmem>>) offsets(%dma_start3A_162 : memref<128xi32, #tpu.memory_space<vmem>>) semaphore(%arg9 : memref<!tpu.dma_semaphore, #tpu.memory_space<semaphore_mem>>)
      %dma_start3A_166 = arith.constant 2 : i32
      %dma_start3A_167 = arith.constant 0 : i32
      %dma_start3A_168 = arith.constant 2 : i32
      %dma_start3A_169 = arith.constant 0 : i32
      %dma_start3A_170 = arith.constant 0 : i32
      %dma_start3A_171 = tpu.memref_slice %arg7[%rem3A_135, %dma_start3A_168, %dma_start3A_169, %dma_start3A_170] : memref<2x4x128x16xf32, #tpu.memory_space<vmem>> -> memref<1x1x128x16xf32, #tpu.memory_space<vmem>>
      %dma_start3A_172 = tpu.memref_squeeze %dma_start3A_171 : memref<1x1x128x16xf32, #tpu.memory_space<vmem>> -> memref<128x16xf32, #tpu.memory_space<vmem>>
      %dma_start3A_173 = arith.constant 0 : i32
      %dma_start3A_174 = tpu.memref_slice %arg6[%rem3A_135, %dma_start3A_166, %dma_start3A_167, %dma_start3A_173] : memref<2x4x2x128xi32, #tpu.memory_space<vmem>> -> memref<1x1x1x128xi32, #tpu.memory_space<vmem>>
      %dma_start3A_175 = tpu.memref_squeeze %dma_start3A_174 : memref<1x1x1x128xi32, #tpu.memory_space<vmem>> -> memref<128xi32, #tpu.memory_space<vmem>>
      %dma_start3A_176 = arith.constant 0 : i32
      %dma_start3A_177 = arith.constant 0 : i32
      %dma_start3A_178 = tpu.memref_slice %arg3[%dma_start3A_176, %dma_start3A_177] : memref<100000x16xf32, #tpu.memory_space<hbm>> -> memref<100000x16xf32, #tpu.memory_space<hbm>>
      tpu.enqueue_indirect_dma source(%dma_start3A_178 : memref<100000x16xf32, #tpu.memory_space<hbm>>) target(%dma_start3A_172 : memref<128x16xf32, #tpu.memory_space<vmem>>) offsets(%dma_start3A_175 : memref<128xi32, #tpu.memory_space<vmem>>) semaphore(%arg9 : memref<!tpu.dma_semaphore, #tpu.memory_space<semaphore_mem>>)
      %dma_start3A_179 = arith.constant 3 : i32
      %dma_start3A_180 = arith.constant 0 : i32
      %dma_start3A_181 = arith.constant 3 : i32
      %dma_start3A_182 = arith.constant 0 : i32
      %dma_start3A_183 = arith.constant 0 : i32
      %dma_start3A_184 = tpu.memref_slice %arg7[%rem3A_135, %dma_start3A_181, %dma_start3A_182, %dma_start3A_183] : memref<2x4x128x16xf32, #tpu.memory_space<vmem>> -> memref<1x1x128x16xf32, #tpu.memory_space<vmem>>
      %dma_start3A_185 = tpu.memref_squeeze %dma_start3A_184 : memref<1x1x128x16xf32, #tpu.memory_space<vmem>> -> memref<128x16xf32, #tpu.memory_space<vmem>>
      %dma_start3A_186 = arith.constant 0 : i32
      %dma_start3A_187 = tpu.memref_slice %arg6[%rem3A_135, %dma_start3A_179, %dma_start3A_180, %dma_start3A_186] : memref<2x4x2x128xi32, #tpu.memory_space<vmem>> -> memref<1x1x1x128xi32, #tpu.memory_space<vmem>>
      %dma_start3A_188 = tpu.memref_squeeze %dma_start3A_187 : memref<1x1x1x128xi32, #tpu.memory_space<vmem>> -> memref<128xi32, #tpu.memory_space<vmem>>
      %dma_start3A_189 = arith.constant 0 : i32
      %dma_start3A_190 = arith.constant 0 : i32
      %dma_start3A_191 = tpu.memref_slice %arg3[%dma_start3A_189, %dma_start3A_190] : memref<100000x16xf32, #tpu.memory_space<hbm>> -> memref<100000x16xf32, #tpu.memory_space<hbm>>
      tpu.enqueue_indirect_dma source(%dma_start3A_191 : memref<100000x16xf32, #tpu.memory_space<hbm>>) target(%dma_start3A_185 : memref<128x16xf32, #tpu.memory_space<vmem>>) offsets(%dma_start3A_188 : memref<128xi32, #tpu.memory_space<vmem>>) semaphore(%arg9 : memref<!tpu.dma_semaphore, #tpu.memory_space<semaphore_mem>>)
      %dma_wait3A_192 = arith.constant 0 : i32
      %dma_wait3A_193 = arith.constant 0 : i32
      %dma_wait3A_194 = arith.constant 0 : i32
      %dma_wait3A_195 = arith.constant 0 : i32
      %dma_wait3A_196 = arith.constant 0 : i32
      %dma_wait3A_197 = tpu.memref_slice %arg7[%rem3A_135, %dma_wait3A_194, %dma_wait3A_195, %dma_wait3A_196] : memref<2x4x128x16xf32, #tpu.memory_space<vmem>> -> memref<1x1x128x16xf32, #tpu.memory_space<vmem>>
      %dma_wait3A_198 = tpu.memref_squeeze %dma_wait3A_197 : memref<1x1x128x16xf32, #tpu.memory_space<vmem>> -> memref<128x16xf32, #tpu.memory_space<vmem>>
      %dma_wait3A_199 = arith.constant 0 : i32
      %dma_wait3A_200 = tpu.memref_slice %arg6[%rem3A_135, %dma_wait3A_192, %dma_wait3A_193, %dma_wait3A_199] : memref<2x4x2x128xi32, #tpu.memory_space<vmem>> -> memref<1x1x1x128xi32, #tpu.memory_space<vmem>>
      %dma_wait3A_201 = tpu.memref_squeeze %dma_wait3A_200 : memref<1x1x1x128xi32, #tpu.memory_space<vmem>> -> memref<128xi32, #tpu.memory_space<vmem>>
      %dma_wait3A_202 = arith.constant 0 : i32
      %dma_wait3A_203 = arith.constant 0 : i32
      %dma_wait3A_204 = tpu.memref_slice %arg3[%dma_wait3A_202, %dma_wait3A_203] : memref<100000x16xf32, #tpu.memory_space<hbm>> -> memref<100000x16xf32, #tpu.memory_space<hbm>>
      tpu.wait_indirect_dma semaphore(%arg9 : memref<!tpu.dma_semaphore, #tpu.memory_space<semaphore_mem>>) src(%dma_wait3A_204 : memref<100000x16xf32, #tpu.memory_space<hbm>>) dst(%dma_wait3A_198 : memref<128x16xf32, #tpu.memory_space<vmem>>)
      %dma_wait3A_205 = arith.constant 1 : i32
      %dma_wait3A_206 = arith.constant 0 : i32
      %dma_wait3A_207 = arith.constant 1 : i32
      %dma_wait3A_208 = arith.constant 0 : i32
      %dma_wait3A_209 = arith.constant 0 : i32
      %dma_wait3A_210 = tpu.memref_slice %arg7[%rem3A_135, %dma_wait3A_207, %dma_wait3A_208, %dma_wait3A_209] : memref<2x4x128x16xf32, #tpu.memory_space<vmem>> -> memref<1x1x128x16xf32, #tpu.memory_space<vmem>>
      %dma_wait3A_211 = tpu.memref_squeeze %dma_wait3A_210 : memref<1x1x128x16xf32, #tpu.memory_space<vmem>> -> memref<128x16xf32, #tpu.memory_space<vmem>>
      %dma_wait3A_212 = arith.constant 0 : i32
      %dma_wait3A_213 = tpu.memref_slice %arg6[%rem3A_135, %dma_wait3A_205, %dma_wait3A_206, %dma_wait3A_212] : memref<2x4x2x128xi32, #tpu.memory_space<vmem>> -> memref<1x1x1x128xi32, #tpu.memory_space<vmem>>
      %dma_wait3A_214 = tpu.memref_squeeze %dma_wait3A_213 : memref<1x1x1x128xi32, #tpu.memory_space<vmem>> -> memref<128xi32, #tpu.memory_space<vmem>>
      %dma_wait3A_215 = arith.constant 0 : i32
      %dma_wait3A_216 = arith.constant 0 : i32
      %dma_wait3A_217 = tpu.memref_slice %arg3[%dma_wait3A_215, %dma_wait3A_216] : memref<100000x16xf32, #tpu.memory_space<hbm>> -> memref<100000x16xf32, #tpu.memory_space<hbm>>
      tpu.wait_indirect_dma semaphore(%arg9 : memref<!tpu.dma_semaphore, #tpu.memory_space<semaphore_mem>>) src(%dma_wait3A_217 : memref<100000x16xf32, #tpu.memory_space<hbm>>) dst(%dma_wait3A_211 : memref<128x16xf32, #tpu.memory_space<vmem>>)
      %dma_wait3A_218 = arith.constant 2 : i32
      %dma_wait3A_219 = arith.constant 0 : i32
      %dma_wait3A_220 = arith.constant 2 : i32
      %dma_wait3A_221 = arith.constant 0 : i32
      %dma_wait3A_222 = arith.constant 0 : i32
      %dma_wait3A_223 = tpu.memref_slice %arg7[%rem3A_135, %dma_wait3A_220, %dma_wait3A_221, %dma_wait3A_222] : memref<2x4x128x16xf32, #tpu.memory_space<vmem>> -> memref<1x1x128x16xf32, #tpu.memory_space<vmem>>
      %dma_wait3A_224 = tpu.memref_squeeze %dma_wait3A_223 : memref<1x1x128x16xf32, #tpu.memory_space<vmem>> -> memref<128x16xf32, #tpu.memory_space<vmem>>
      %dma_wait3A_225 = arith.constant 0 : i32
      %dma_wait3A_226 = tpu.memref_slice %arg6[%rem3A_135, %dma_wait3A_218, %dma_wait3A_219, %dma_wait3A_225] : memref<2x4x2x128xi32, #tpu.memory_space<vmem>> -> memref<1x1x1x128xi32, #tpu.memory_space<vmem>>
      %dma_wait3A_227 = tpu.memref_squeeze %dma_wait3A_226 : memref<1x1x1x128xi32, #tpu.memory_space<vmem>> -> memref<128xi32, #tpu.memory_space<vmem>>
      %dma_wait3A_228 = arith.constant 0 : i32
      %dma_wait3A_229 = arith.constant 0 : i32
      %dma_wait3A_230 = tpu.memref_slice %arg3[%dma_wait3A_228, %dma_wait3A_229] : memref<100000x16xf32, #tpu.memory_space<hbm>> -> memref<100000x16xf32, #tpu.memory_space<hbm>>
      tpu.wait_indirect_dma semaphore(%arg9 : memref<!tpu.dma_semaphore, #tpu.memory_space<semaphore_mem>>) src(%dma_wait3A_230 : memref<100000x16xf32, #tpu.memory_space<hbm>>) dst(%dma_wait3A_224 : memref<128x16xf32, #tpu.memory_space<vmem>>)
      %dma_wait3A_231 = arith.constant 3 : i32
      %dma_wait3A_232 = arith.constant 0 : i32
      %dma_wait3A_233 = arith.constant 3 : i32
      %dma_wait3A_234 = arith.constant 0 : i32
      %dma_wait3A_235 = arith.constant 0 : i32
      %dma_wait3A_236 = tpu.memref_slice %arg7[%rem3A_135, %dma_wait3A_233, %dma_wait3A_234, %dma_wait3A_235] : memref<2x4x128x16xf32, #tpu.memory_space<vmem>> -> memref<1x1x128x16xf32, #tpu.memory_space<vmem>>
      %dma_wait3A_237 = tpu.memref_squeeze %dma_wait3A_236 : memref<1x1x128x16xf32, #tpu.memory_space<vmem>> -> memref<128x16xf32, #tpu.memory_space<vmem>>
      %dma_wait3A_238 = arith.constant 0 : i32
      %dma_wait3A_239 = tpu.memref_slice %arg6[%rem3A_135, %dma_wait3A_231, %dma_wait3A_232, %dma_wait3A_238] : memref<2x4x2x128xi32, #tpu.memory_space<vmem>> -> memref<1x1x1x128xi32, #tpu.memory_space<vmem>>
      %dma_wait3A_240 = tpu.memref_squeeze %dma_wait3A_239 : memref<1x1x1x128xi32, #tpu.memory_space<vmem>> -> memref<128xi32, #tpu.memory_space<vmem>>
      %dma_wait3A_241 = arith.constant 0 : i32
      %dma_wait3A_242 = arith.constant 0 : i32
      %dma_wait3A_243 = tpu.memref_slice %arg3[%dma_wait3A_241, %dma_wait3A_242] : memref<100000x16xf32, #tpu.memory_space<hbm>> -> memref<100000x16xf32, #tpu.memory_space<hbm>>
      tpu.wait_indirect_dma semaphore(%arg9 : memref<!tpu.dma_semaphore, #tpu.memory_space<semaphore_mem>>) src(%dma_wait3A_243 : memref<100000x16xf32, #tpu.memory_space<hbm>>) dst(%dma_wait3A_237 : memref<128x16xf32, #tpu.memory_space<vmem>>)
      %dma_start3A_244 = arith.constant 0 : i32
      %dma_start3A_245 = arith.constant 0 : i32
      %dma_start3A_246 = arith.constant 1 : i32
      %dma_start3A_247 = arith.constant 0 : i32
      %dma_start3A_248 = arith.constant 0 : i32
      %dma_start3A_249 = tpu.memref_slice %arg7[%rem3A_135, %dma_start3A_244, %dma_start3A_247, %dma_start3A_248] : memref<2x4x128x16xf32, #tpu.memory_space<vmem>> -> memref<1x1x128x16xf32, #tpu.memory_space<vmem>>
      %dma_start3A_250 = tpu.memref_squeeze %dma_start3A_249 : memref<1x1x128x16xf32, #tpu.memory_space<vmem>> -> memref<128x16xf32, #tpu.memory_space<vmem>>
      %dma_start3A_251 = arith.constant 0 : i32
      %dma_start3A_252 = tpu.memref_slice %arg6[%rem3A_135, %dma_start3A_245, %dma_start3A_246, %dma_start3A_251] : memref<2x4x2x128xi32, #tpu.memory_space<vmem>> -> memref<1x1x1x128xi32, #tpu.memory_space<vmem>>
      %dma_start3A_253 = tpu.memref_squeeze %dma_start3A_252 : memref<1x1x1x128xi32, #tpu.memory_space<vmem>> -> memref<128xi32, #tpu.memory_space<vmem>>
      %dma_start3A_254 = arith.constant 0 : i32
      %dma_start3A_255 = arith.constant 0 : i32
      %dma_start3A_256 = tpu.memref_slice %arg8[%dma_start3A_254, %dma_start3A_255] : memref<100096x16xf32, #tpu.memory_space<vmem_shared>> -> memref<100096x16xf32, #tpu.memory_space<vmem_shared>>
      tpu.enqueue_indirect_dma source(%dma_start3A_250 : memref<128x16xf32, #tpu.memory_space<vmem>>) target(%dma_start3A_256 : memref<100096x16xf32, #tpu.memory_space<vmem_shared>>) offsets(%dma_start3A_253 : memref<128xi32, #tpu.memory_space<vmem>>) semaphore(%arg10 : memref<!tpu.dma_semaphore, #tpu.memory_space<semaphore_mem>>) {add = true}
      %dma_start3A_257 = arith.constant 1 : i32
      %dma_start3A_258 = arith.constant 1 : i32
      %dma_start3A_259 = arith.constant 1 : i32
      %dma_start3A_260 = arith.constant 0 : i32
      %dma_start3A_261 = arith.constant 0 : i32
      %dma_start3A_262 = tpu.memref_slice %arg7[%rem3A_135, %dma_start3A_257, %dma_start3A_260, %dma_start3A_261] : memref<2x4x128x16xf32, #tpu.memory_space<vmem>> -> memref<1x1x128x16xf32, #tpu.memory_space<vmem>>
      %dma_start3A_263 = tpu.memref_squeeze %dma_start3A_262 : memref<1x1x128x16xf32, #tpu.memory_space<vmem>> -> memref<128x16xf32, #tpu.memory_space<vmem>>
      %dma_start3A_264 = arith.constant 0 : i32
      %dma_start3A_265 = tpu.memref_slice %arg6[%rem3A_135, %dma_start3A_258, %dma_start3A_259, %dma_start3A_264] : memref<2x4x2x128xi32, #tpu.memory_space<vmem>> -> memref<1x1x1x128xi32, #tpu.memory_space<vmem>>
      %dma_start3A_266 = tpu.memref_squeeze %dma_start3A_265 : memref<1x1x1x128xi32, #tpu.memory_space<vmem>> -> memref<128xi32, #tpu.memory_space<vmem>>
      %dma_start3A_267 = arith.constant 0 : i32
      %dma_start3A_268 = arith.constant 0 : i32
      %dma_start3A_269 = tpu.memref_slice %arg8[%dma_start3A_267, %dma_start3A_268] : memref<100096x16xf32, #tpu.memory_space<vmem_shared>> -> memref<100096x16xf32, #tpu.memory_space<vmem_shared>>
      tpu.enqueue_indirect_dma source(%dma_start3A_263 : memref<128x16xf32, #tpu.memory_space<vmem>>) target(%dma_start3A_269 : memref<100096x16xf32, #tpu.memory_space<vmem_shared>>) offsets(%dma_start3A_266 : memref<128xi32, #tpu.memory_space<vmem>>) semaphore(%arg10 : memref<!tpu.dma_semaphore, #tpu.memory_space<semaphore_mem>>) {add = true}
      %dma_start3A_270 = arith.constant 2 : i32
      %dma_start3A_271 = arith.constant 2 : i32
      %dma_start3A_272 = arith.constant 1 : i32
      %dma_start3A_273 = arith.constant 0 : i32
      %dma_start3A_274 = arith.constant 0 : i32
      %dma_start3A_275 = tpu.memref_slice %arg7[%rem3A_135, %dma_start3A_270, %dma_start3A_273, %dma_start3A_274] : memref<2x4x128x16xf32, #tpu.memory_space<vmem>> -> memref<1x1x128x16xf32, #tpu.memory_space<vmem>>
      %dma_start3A_276 = tpu.memref_squeeze %dma_start3A_275 : memref<1x1x128x16xf32, #tpu.memory_space<vmem>> -> memref<128x16xf32, #tpu.memory_space<vmem>>
      %dma_start3A_277 = arith.constant 0 : i32
      %dma_start3A_278 = tpu.memref_slice %arg6[%rem3A_135, %dma_start3A_271, %dma_start3A_272, %dma_start3A_277] : memref<2x4x2x128xi32, #tpu.memory_space<vmem>> -> memref<1x1x1x128xi32, #tpu.memory_space<vmem>>
      %dma_start3A_279 = tpu.memref_squeeze %dma_start3A_278 : memref<1x1x1x128xi32, #tpu.memory_space<vmem>> -> memref<128xi32, #tpu.memory_space<vmem>>
      %dma_start3A_280 = arith.constant 0 : i32
      %dma_start3A_281 = arith.constant 0 : i32
      %dma_start3A_282 = tpu.memref_slice %arg8[%dma_start3A_280, %dma_start3A_281] : memref<100096x16xf32, #tpu.memory_space<vmem_shared>> -> memref<100096x16xf32, #tpu.memory_space<vmem_shared>>
      tpu.enqueue_indirect_dma source(%dma_start3A_276 : memref<128x16xf32, #tpu.memory_space<vmem>>) target(%dma_start3A_282 : memref<100096x16xf32, #tpu.memory_space<vmem_shared>>) offsets(%dma_start3A_279 : memref<128xi32, #tpu.memory_space<vmem>>) semaphore(%arg10 : memref<!tpu.dma_semaphore, #tpu.memory_space<semaphore_mem>>) {add = true}
      %dma_start3A_283 = arith.constant 3 : i32
      %dma_start3A_284 = arith.constant 3 : i32
      %dma_start3A_285 = arith.constant 1 : i32
      %dma_start3A_286 = arith.constant 0 : i32
      %dma_start3A_287 = arith.constant 0 : i32
      %dma_start3A_288 = tpu.memref_slice %arg7[%rem3A_135, %dma_start3A_283, %dma_start3A_286, %dma_start3A_287] : memref<2x4x128x16xf32, #tpu.memory_space<vmem>> -> memref<1x1x128x16xf32, #tpu.memory_space<vmem>>
      %dma_start3A_289 = tpu.memref_squeeze %dma_start3A_288 : memref<1x1x128x16xf32, #tpu.memory_space<vmem>> -> memref<128x16xf32, #tpu.memory_space<vmem>>
      %dma_start3A_290 = arith.constant 0 : i32
      %dma_start3A_291 = tpu.memref_slice %arg6[%rem3A_135, %dma_start3A_284, %dma_start3A_285, %dma_start3A_290] : memref<2x4x2x128xi32, #tpu.memory_space<vmem>> -> memref<1x1x1x128xi32, #tpu.memory_space<vmem>>
      %dma_start3A_292 = tpu.memref_squeeze %dma_start3A_291 : memref<1x1x1x128xi32, #tpu.memory_space<vmem>> -> memref<128xi32, #tpu.memory_space<vmem>>
      %dma_start3A_293 = arith.constant 0 : i32
      %dma_start3A_294 = arith.constant 0 : i32
      %dma_start3A_295 = tpu.memref_slice %arg8[%dma_start3A_293, %dma_start3A_294] : memref<100096x16xf32, #tpu.memory_space<vmem_shared>> -> memref<100096x16xf32, #tpu.memory_space<vmem_shared>>
      tpu.enqueue_indirect_dma source(%dma_start3A_289 : memref<128x16xf32, #tpu.memory_space<vmem>>) target(%dma_start3A_295 : memref<100096x16xf32, #tpu.memory_space<vmem_shared>>) offsets(%dma_start3A_292 : memref<128xi32, #tpu.memory_space<vmem>>) semaphore(%arg10 : memref<!tpu.dma_semaphore, #tpu.memory_space<semaphore_mem>>) {add = true}
    }
    %scan3A_9 = arith.constant 98 : i32
    %dma_wait3A = arith.constant 0 : i32
    %dma_wait3A_10 = arith.constant 0 : i32
    %dma_wait3A_11 = arith.constant 0 : i32
    %dma_wait3A_12 = arith.constant 0 : i32
    %dma_wait3A_13 = arith.constant 1 : i32
    %dma_wait3A_14 = arith.constant 0 : i32
    %dma_wait3A_15 = arith.constant 0 : i32
    %dma_wait3A_16 = tpu.memref_slice %arg7[%dma_wait3A, %dma_wait3A_10, %dma_wait3A_14, %dma_wait3A_15] : memref<2x4x128x16xf32, #tpu.memory_space<vmem>> -> memref<1x1x128x16xf32, #tpu.memory_space<vmem>>
    %dma_wait3A_17 = tpu.memref_squeeze %dma_wait3A_16 : memref<1x1x128x16xf32, #tpu.memory_space<vmem>> -> memref<128x16xf32, #tpu.memory_space<vmem>>
    %dma_wait3A_18 = arith.constant 0 : i32
    %dma_wait3A_19 = tpu.memref_slice %arg6[%dma_wait3A_11, %dma_wait3A_12, %dma_wait3A_13, %dma_wait3A_18] : memref<2x4x2x128xi32, #tpu.memory_space<vmem>> -> memref<1x1x1x128xi32, #tpu.memory_space<vmem>>
    %dma_wait3A_20 = tpu.memref_squeeze %dma_wait3A_19 : memref<1x1x1x128xi32, #tpu.memory_space<vmem>> -> memref<128xi32, #tpu.memory_space<vmem>>
    %dma_wait3A_21 = arith.constant 0 : i32
    %dma_wait3A_22 = arith.constant 0 : i32
    %dma_wait3A_23 = tpu.memref_slice %arg8[%dma_wait3A_21, %dma_wait3A_22] : memref<100096x16xf32, #tpu.memory_space<vmem_shared>> -> memref<100096x16xf32, #tpu.memory_space<vmem_shared>>
    tpu.wait_indirect_dma semaphore(%arg10 : memref<!tpu.dma_semaphore, #tpu.memory_space<semaphore_mem>>) src(%dma_wait3A_17 : memref<128x16xf32, #tpu.memory_space<vmem>>) dst(%dma_wait3A_23 : memref<100096x16xf32, #tpu.memory_space<vmem_shared>>)
    %dma_wait3A_24 = arith.constant 0 : i32
    %dma_wait3A_25 = arith.constant 1 : i32
    %dma_wait3A_26 = arith.constant 0 : i32
    %dma_wait3A_27 = arith.constant 1 : i32
    %dma_wait3A_28 = arith.constant 1 : i32
    %dma_wait3A_29 = arith.constant 0 : i32
    %dma_wait3A_30 = arith.constant 0 : i32
    %dma_wait3A_31 = tpu.memref_slice %arg7[%dma_wait3A_24, %dma_wait3A_25, %dma_wait3A_29, %dma_wait3A_30] : memref<2x4x128x16xf32, #tpu.memory_space<vmem>> -> memref<1x1x128x16xf32, #tpu.memory_space<vmem>>
    %dma_wait3A_32 = tpu.memref_squeeze %dma_wait3A_31 : memref<1x1x128x16xf32, #tpu.memory_space<vmem>> -> memref<128x16xf32, #tpu.memory_space<vmem>>
    %dma_wait3A_33 = arith.constant 0 : i32
    %dma_wait3A_34 = tpu.memref_slice %arg6[%dma_wait3A_26, %dma_wait3A_27, %dma_wait3A_28, %dma_wait3A_33] : memref<2x4x2x128xi32, #tpu.memory_space<vmem>> -> memref<1x1x1x128xi32, #tpu.memory_space<vmem>>
    %dma_wait3A_35 = tpu.memref_squeeze %dma_wait3A_34 : memref<1x1x1x128xi32, #tpu.memory_space<vmem>> -> memref<128xi32, #tpu.memory_space<vmem>>
    %dma_wait3A_36 = arith.constant 0 : i32
    %dma_wait3A_37 = arith.constant 0 : i32
    %dma_wait3A_38 = tpu.memref_slice %arg8[%dma_wait3A_36, %dma_wait3A_37] : memref<100096x16xf32, #tpu.memory_space<vmem_shared>> -> memref<100096x16xf32, #tpu.memory_space<vmem_shared>>
    tpu.wait_indirect_dma semaphore(%arg10 : memref<!tpu.dma_semaphore, #tpu.memory_space<semaphore_mem>>) src(%dma_wait3A_32 : memref<128x16xf32, #tpu.memory_space<vmem>>) dst(%dma_wait3A_38 : memref<100096x16xf32, #tpu.memory_space<vmem_shared>>)
    %dma_wait3A_39 = arith.constant 0 : i32
    %dma_wait3A_40 = arith.constant 2 : i32
    %dma_wait3A_41 = arith.constant 0 : i32
    %dma_wait3A_42 = arith.constant 2 : i32
    %dma_wait3A_43 = arith.constant 1 : i32
    %dma_wait3A_44 = arith.constant 0 : i32
    %dma_wait3A_45 = arith.constant 0 : i32
    %dma_wait3A_46 = tpu.memref_slice %arg7[%dma_wait3A_39, %dma_wait3A_40, %dma_wait3A_44, %dma_wait3A_45] : memref<2x4x128x16xf32, #tpu.memory_space<vmem>> -> memref<1x1x128x16xf32, #tpu.memory_space<vmem>>
    %dma_wait3A_47 = tpu.memref_squeeze %dma_wait3A_46 : memref<1x1x128x16xf32, #tpu.memory_space<vmem>> -> memref<128x16xf32, #tpu.memory_space<vmem>>
    %dma_wait3A_48 = arith.constant 0 : i32
    %dma_wait3A_49 = tpu.memref_slice %arg6[%dma_wait3A_41, %dma_wait3A_42, %dma_wait3A_43, %dma_wait3A_48] : memref<2x4x2x128xi32, #tpu.memory_space<vmem>> -> memref<1x1x1x128xi32, #tpu.memory_space<vmem>>
    %dma_wait3A_50 = tpu.memref_squeeze %dma_wait3A_49 : memref<1x1x1x128xi32, #tpu.memory_space<vmem>> -> memref<128xi32, #tpu.memory_space<vmem>>
    %dma_wait3A_51 = arith.constant 0 : i32
    %dma_wait3A_52 = arith.constant 0 : i32
    %dma_wait3A_53 = tpu.memref_slice %arg8[%dma_wait3A_51, %dma_wait3A_52] : memref<100096x16xf32, #tpu.memory_space<vmem_shared>> -> memref<100096x16xf32, #tpu.memory_space<vmem_shared>>
    tpu.wait_indirect_dma semaphore(%arg10 : memref<!tpu.dma_semaphore, #tpu.memory_space<semaphore_mem>>) src(%dma_wait3A_47 : memref<128x16xf32, #tpu.memory_space<vmem>>) dst(%dma_wait3A_53 : memref<100096x16xf32, #tpu.memory_space<vmem_shared>>)
    %dma_wait3A_54 = arith.constant 0 : i32
    %dma_wait3A_55 = arith.constant 3 : i32
    %dma_wait3A_56 = arith.constant 0 : i32
    %dma_wait3A_57 = arith.constant 3 : i32
    %dma_wait3A_58 = arith.constant 1 : i32
    %dma_wait3A_59 = arith.constant 0 : i32
    %dma_wait3A_60 = arith.constant 0 : i32
    %dma_wait3A_61 = tpu.memref_slice %arg7[%dma_wait3A_54, %dma_wait3A_55, %dma_wait3A_59, %dma_wait3A_60] : memref<2x4x128x16xf32, #tpu.memory_space<vmem>> -> memref<1x1x128x16xf32, #tpu.memory_space<vmem>>
    %dma_wait3A_62 = tpu.memref_squeeze %dma_wait3A_61 : memref<1x1x128x16xf32, #tpu.memory_space<vmem>> -> memref<128x16xf32, #tpu.memory_space<vmem>>
    %dma_wait3A_63 = arith.constant 0 : i32
    %dma_wait3A_64 = tpu.memref_slice %arg6[%dma_wait3A_56, %dma_wait3A_57, %dma_wait3A_58, %dma_wait3A_63] : memref<2x4x2x128xi32, #tpu.memory_space<vmem>> -> memref<1x1x1x128xi32, #tpu.memory_space<vmem>>
    %dma_wait3A_65 = tpu.memref_squeeze %dma_wait3A_64 : memref<1x1x1x128xi32, #tpu.memory_space<vmem>> -> memref<128xi32, #tpu.memory_space<vmem>>
    %dma_wait3A_66 = arith.constant 0 : i32
    %dma_wait3A_67 = arith.constant 0 : i32
    %dma_wait3A_68 = tpu.memref_slice %arg8[%dma_wait3A_66, %dma_wait3A_67] : memref<100096x16xf32, #tpu.memory_space<vmem_shared>> -> memref<100096x16xf32, #tpu.memory_space<vmem_shared>>
    tpu.wait_indirect_dma semaphore(%arg10 : memref<!tpu.dma_semaphore, #tpu.memory_space<semaphore_mem>>) src(%dma_wait3A_62 : memref<128x16xf32, #tpu.memory_space<vmem>>) dst(%dma_wait3A_68 : memref<100096x16xf32, #tpu.memory_space<vmem_shared>>)
    %dma_wait3A_69 = arith.constant 1 : i32
    %dma_wait3A_70 = arith.constant 0 : i32
    %dma_wait3A_71 = arith.constant 1 : i32
    %dma_wait3A_72 = arith.constant 0 : i32
    %dma_wait3A_73 = arith.constant 1 : i32
    %dma_wait3A_74 = arith.constant 0 : i32
    %dma_wait3A_75 = arith.constant 0 : i32
    %dma_wait3A_76 = tpu.memref_slice %arg7[%dma_wait3A_69, %dma_wait3A_70, %dma_wait3A_74, %dma_wait3A_75] : memref<2x4x128x16xf32, #tpu.memory_space<vmem>> -> memref<1x1x128x16xf32, #tpu.memory_space<vmem>>
    %dma_wait3A_77 = tpu.memref_squeeze %dma_wait3A_76 : memref<1x1x128x16xf32, #tpu.memory_space<vmem>> -> memref<128x16xf32, #tpu.memory_space<vmem>>
    %dma_wait3A_78 = arith.constant 0 : i32
    %dma_wait3A_79 = tpu.memref_slice %arg6[%dma_wait3A_71, %dma_wait3A_72, %dma_wait3A_73, %dma_wait3A_78] : memref<2x4x2x128xi32, #tpu.memory_space<vmem>> -> memref<1x1x1x128xi32, #tpu.memory_space<vmem>>
    %dma_wait3A_80 = tpu.memref_squeeze %dma_wait3A_79 : memref<1x1x1x128xi32, #tpu.memory_space<vmem>> -> memref<128xi32, #tpu.memory_space<vmem>>
    %dma_wait3A_81 = arith.constant 0 : i32
    %dma_wait3A_82 = arith.constant 0 : i32
    %dma_wait3A_83 = tpu.memref_slice %arg8[%dma_wait3A_81, %dma_wait3A_82] : memref<100096x16xf32, #tpu.memory_space<vmem_shared>> -> memref<100096x16xf32, #tpu.memory_space<vmem_shared>>
    tpu.wait_indirect_dma semaphore(%arg10 : memref<!tpu.dma_semaphore, #tpu.memory_space<semaphore_mem>>) src(%dma_wait3A_77 : memref<128x16xf32, #tpu.memory_space<vmem>>) dst(%dma_wait3A_83 : memref<100096x16xf32, #tpu.memory_space<vmem_shared>>)
    %dma_wait3A_84 = arith.constant 1 : i32
    %dma_wait3A_85 = arith.constant 1 : i32
    %dma_wait3A_86 = arith.constant 1 : i32
    %dma_wait3A_87 = arith.constant 1 : i32
    %dma_wait3A_88 = arith.constant 1 : i32
    %dma_wait3A_89 = arith.constant 0 : i32
    %dma_wait3A_90 = arith.constant 0 : i32
    %dma_wait3A_91 = tpu.memref_slice %arg7[%dma_wait3A_84, %dma_wait3A_85, %dma_wait3A_89, %dma_wait3A_90] : memref<2x4x128x16xf32, #tpu.memory_space<vmem>> -> memref<1x1x128x16xf32, #tpu.memory_space<vmem>>
    %dma_wait3A_92 = tpu.memref_squeeze %dma_wait3A_91 : memref<1x1x128x16xf32, #tpu.memory_space<vmem>> -> memref<128x16xf32, #tpu.memory_space<vmem>>
    %dma_wait3A_93 = arith.constant 0 : i32
    %dma_wait3A_94 = tpu.memref_slice %arg6[%dma_wait3A_86, %dma_wait3A_87, %dma_wait3A_88, %dma_wait3A_93] : memref<2x4x2x128xi32, #tpu.memory_space<vmem>> -> memref<1x1x1x128xi32, #tpu.memory_space<vmem>>
    %dma_wait3A_95 = tpu.memref_squeeze %dma_wait3A_94 : memref<1x1x1x128xi32, #tpu.memory_space<vmem>> -> memref<128xi32, #tpu.memory_space<vmem>>
    %dma_wait3A_96 = arith.constant 0 : i32
    %dma_wait3A_97 = arith.constant 0 : i32
    %dma_wait3A_98 = tpu.memref_slice %arg8[%dma_wait3A_96, %dma_wait3A_97] : memref<100096x16xf32, #tpu.memory_space<vmem_shared>> -> memref<100096x16xf32, #tpu.memory_space<vmem_shared>>
    tpu.wait_indirect_dma semaphore(%arg10 : memref<!tpu.dma_semaphore, #tpu.memory_space<semaphore_mem>>) src(%dma_wait3A_92 : memref<128x16xf32, #tpu.memory_space<vmem>>) dst(%dma_wait3A_98 : memref<100096x16xf32, #tpu.memory_space<vmem_shared>>)
    %dma_wait3A_99 = arith.constant 1 : i32
    %dma_wait3A_100 = arith.constant 2 : i32
    %dma_wait3A_101 = arith.constant 1 : i32
    %dma_wait3A_102 = arith.constant 2 : i32
    %dma_wait3A_103 = arith.constant 1 : i32
    %dma_wait3A_104 = arith.constant 0 : i32
    %dma_wait3A_105 = arith.constant 0 : i32
    %dma_wait3A_106 = tpu.memref_slice %arg7[%dma_wait3A_99, %dma_wait3A_100, %dma_wait3A_104, %dma_wait3A_105] : memref<2x4x128x16xf32, #tpu.memory_space<vmem>> -> memref<1x1x128x16xf32, #tpu.memory_space<vmem>>
    %dma_wait3A_107 = tpu.memref_squeeze %dma_wait3A_106 : memref<1x1x128x16xf32, #tpu.memory_space<vmem>> -> memref<128x16xf32, #tpu.memory_space<vmem>>
    %dma_wait3A_108 = arith.constant 0 : i32
    %dma_wait3A_109 = tpu.memref_slice %arg6[%dma_wait3A_101, %dma_wait3A_102, %dma_wait3A_103, %dma_wait3A_108] : memref<2x4x2x128xi32, #tpu.memory_space<vmem>> -> memref<1x1x1x128xi32, #tpu.memory_space<vmem>>
    %dma_wait3A_110 = tpu.memref_squeeze %dma_wait3A_109 : memref<1x1x1x128xi32, #tpu.memory_space<vmem>> -> memref<128xi32, #tpu.memory_space<vmem>>
    %dma_wait3A_111 = arith.constant 0 : i32
    %dma_wait3A_112 = arith.constant 0 : i32
    %dma_wait3A_113 = tpu.memref_slice %arg8[%dma_wait3A_111, %dma_wait3A_112] : memref<100096x16xf32, #tpu.memory_space<vmem_shared>> -> memref<100096x16xf32, #tpu.memory_space<vmem_shared>>
    tpu.wait_indirect_dma semaphore(%arg10 : memref<!tpu.dma_semaphore, #tpu.memory_space<semaphore_mem>>) src(%dma_wait3A_107 : memref<128x16xf32, #tpu.memory_space<vmem>>) dst(%dma_wait3A_113 : memref<100096x16xf32, #tpu.memory_space<vmem_shared>>)
    %dma_wait3A_114 = arith.constant 1 : i32
    %dma_wait3A_115 = arith.constant 3 : i32
    %dma_wait3A_116 = arith.constant 1 : i32
    %dma_wait3A_117 = arith.constant 3 : i32
    %dma_wait3A_118 = arith.constant 1 : i32
    %dma_wait3A_119 = arith.constant 0 : i32
    %dma_wait3A_120 = arith.constant 0 : i32
    %dma_wait3A_121 = tpu.memref_slice %arg7[%dma_wait3A_114, %dma_wait3A_115, %dma_wait3A_119, %dma_wait3A_120] : memref<2x4x128x16xf32, #tpu.memory_space<vmem>> -> memref<1x1x128x16xf32, #tpu.memory_space<vmem>>
    %dma_wait3A_122 = tpu.memref_squeeze %dma_wait3A_121 : memref<1x1x128x16xf32, #tpu.memory_space<vmem>> -> memref<128x16xf32, #tpu.memory_space<vmem>>
    %dma_wait3A_123 = arith.constant 0 : i32
    %dma_wait3A_124 = tpu.memref_slice %arg6[%dma_wait3A_116, %dma_wait3A_117, %dma_wait3A_118, %dma_wait3A_123] : memref<2x4x2x128xi32, #tpu.memory_space<vmem>> -> memref<1x1x1x128xi32, #tpu.memory_space<vmem>>
    %dma_wait3A_125 = tpu.memref_squeeze %dma_wait3A_124 : memref<1x1x1x128xi32, #tpu.memory_space<vmem>> -> memref<128xi32, #tpu.memory_space<vmem>>
    %dma_wait3A_126 = arith.constant 0 : i32
    %dma_wait3A_127 = arith.constant 0 : i32
    %dma_wait3A_128 = tpu.memref_slice %arg8[%dma_wait3A_126, %dma_wait3A_127] : memref<100096x16xf32, #tpu.memory_space<vmem_shared>> -> memref<100096x16xf32, #tpu.memory_space<vmem_shared>>
    tpu.wait_indirect_dma semaphore(%arg10 : memref<!tpu.dma_semaphore, #tpu.memory_space<semaphore_mem>>) src(%dma_wait3A_122 : memref<128x16xf32, #tpu.memory_space<vmem>>) dst(%dma_wait3A_128 : memref<100096x16xf32, #tpu.memory_space<vmem_shared>>)
    %barrier3A_129 = arith.constant 0 : index
    tpu.barrier barrier_id(%barrier3A_129)
    %mul3A_130 = arith.constant 6256 : i32
    %mul3A_131 = arith.muli %arg1, %mul3A_130 : i32
    %mul3A_132 = arith.constant 6256 : i32
    %mul3A_133 = arith.muli %arg1, %mul3A_132 : i32
    "tpu.region"() ({
      %run_scoped3A = tpu.sem_alloc : memref<!tpu.dma_semaphore, #tpu.memory_space<semaphore_mem>>
      %dma_start3A = arith.constant 0 : i32
      %dma_start3A_134 = tpu.memref_slice %arg5[%arg0, %mul3A_133, %dma_start3A] : memref<2x100096x16xf32, #tpu.memory_space<hbm>> -> memref<1x6256x16xf32, #tpu.memory_space<hbm>>
      %dma_start3A_135 = tpu.memref_squeeze %dma_start3A_134 : memref<1x6256x16xf32, #tpu.memory_space<hbm>> -> memref<6256x16xf32, #tpu.memory_space<hbm>>
      %dma_start3A_136 = arith.constant 0 : i32
      %dma_start3A_137 = tpu.memref_slice %arg8[%mul3A_131, %dma_start3A_136] : memref<100096x16xf32, #tpu.memory_space<vmem_shared>> -> memref<6256x16xf32, #tpu.memory_space<vmem_shared>>
      tpu.enqueue_dma source(%dma_start3A_137 : memref<6256x16xf32, #tpu.memory_space<vmem_shared>>) target(%dma_start3A_135 : memref<6256x16xf32, #tpu.memory_space<hbm>>) target_semaphore(%run_scoped3A : memref<!tpu.dma_semaphore, #tpu.memory_space<semaphore_mem>>)
      %dma_wait3A_138 = arith.constant 0 : i32
      %dma_wait3A_139 = tpu.memref_slice %arg5[%arg0, %mul3A_133, %dma_wait3A_138] : memref<2x100096x16xf32, #tpu.memory_space<hbm>> -> memref<1x6256x16xf32, #tpu.memory_space<hbm>>
      %dma_wait3A_140 = tpu.memref_squeeze %dma_wait3A_139 : memref<1x6256x16xf32, #tpu.memory_space<hbm>> -> memref<6256x16xf32, #tpu.memory_space<hbm>>
      %dma_wait3A_141 = arith.constant 0 : i32
      %dma_wait3A_142 = tpu.memref_slice %arg8[%mul3A_131, %dma_wait3A_141] : memref<100096x16xf32, #tpu.memory_space<vmem_shared>> -> memref<6256x16xf32, #tpu.memory_space<vmem_shared>>
      tpu.wait_dma2 semaphore(%run_scoped3A : memref<!tpu.dma_semaphore, #tpu.memory_space<semaphore_mem>>) src(%dma_wait3A_142 : memref<6256x16xf32, #tpu.memory_space<vmem_shared>>) dst(%dma_wait3A_140 : memref<6256x16xf32, #tpu.memory_space<hbm>>)
      tpu.yield
    }) : () -> ()
    return
  }
}

module attributes {stable_mosaic.version = 14 : i64} {
  func.func @_t0_body(%arg0: i32, %arg1: memref<2x2000x8xf32, #tpu.memory_space<vmem>>, %arg2: memref<2000x2xf32, #tpu.memory_space<vmem>>, %arg3: memref<2000x1xf32, #tpu.memory_space<vmem>>, %arg4: memref<2000x8xf32, #tpu.memory_space<vmem>>) attributes {dimension_semantics = [#tpu.dimension_semantics<arbitrary>], iteration_bounds = array<i64: 50>, scalar_prefetch = 0 : i64, scratch_operands = 0 : i64, tpu.core_type = #tpu.core_type<tc>, window_params = [{transform_indices = @transform_0, window_bounds = array<i64: 2, 2000, 8>}, {transform_indices = @transform_1, window_bounds = array<i64: 2000, 2>}, {transform_indices = @transform_2, window_bounds = array<i64: 2000, 1>}, {transform_indices = @transform_3, window_bounds = array<i64: 2000, 8>}]} {
    %get3A = arith.constant 0 : index
    %get3A_0 = arith.constant 0 : index
    %get3A_1 = arith.constant 0 : index
    %get3A_2 = vector.load %arg1[%get3A, %get3A_0, %get3A_1] : memref<2x2000x8xf32, #tpu.memory_space<vmem>>, vector<1x2000x1xf32>
    %get3A_3 = vector.shape_cast %get3A_2 : vector<1x2000x1xf32> to vector<2000x1xf32>
    %get3A_4 = arith.constant 1 : index
    %get3A_5 = arith.constant 0 : index
    %get3A_6 = arith.constant 0 : index
    %get3A_7 = vector.load %arg1[%get3A_4, %get3A_5, %get3A_6] : memref<2x2000x8xf32, #tpu.memory_space<vmem>>, vector<1x2000x1xf32>
    %get3A_8 = vector.shape_cast %get3A_7 : vector<1x2000x1xf32> to vector<2000x1xf32>
    %add3A = arith.addf %get3A_3, %get3A_8 : vector<2000x1xf32>
    %add3A_9 = arith.constant 1.000000e+00 : f32
    %add3A_10 = vector.broadcast %add3A_9 : f32 to vector<2000x1xf32>
    %add3A_11 = arith.addf %add3A, %add3A_10 : vector<2000x1xf32>
    %rsqrt3A = math.rsqrt %add3A_11 : vector<2000x1xf32>
    %swap3A = arith.constant 0 : index
    %swap3A_12 = arith.constant 0 : index
    %swap3A_13 = vector.load %arg3[%swap3A, %swap3A_12] : memref<2000x1xf32, #tpu.memory_space<vmem>>, vector<2000x1xf32>
    tpu.vector_store %arg3[%swap3A, %swap3A_12], %rsqrt3A {strides = array<i32>} : memref<2000x1xf32, #tpu.memory_space<vmem>>, vector<2000x1xf32>,
    %get3A_14 = arith.constant 0 : index
    %get3A_15 = arith.constant 0 : index
    %get3A_16 = vector.load %arg2[%get3A_14, %get3A_15] : memref<2000x2xf32, #tpu.memory_space<vmem>>, vector<2000x2xf32>
    %mul3A = vector.broadcast %rsqrt3A : vector<2000x1xf32> to vector<2000x2xf32>
    %mul3A_17 = arith.mulf %get3A_16, %mul3A : vector<2000x2xf32>
    %broadcast_in_dim3A = arith.constant 0.000000e+00 : f32
    %broadcast_in_dim3A_18 = vector.broadcast %broadcast_in_dim3A : f32 to vector<2000x6xf32>
    %concatenate3A = tpu.concatenate %mul3A_17, %broadcast_in_dim3A_18 in 1 : vector<2000x2xf32>, vector<2000x6xf32> -> vector<2000x8xf32>
    %swap3A_19 = arith.constant 0 : index
    %swap3A_20 = arith.constant 0 : index
    %swap3A_21 = vector.load %arg4[%swap3A_19, %swap3A_20] : memref<2000x8xf32, #tpu.memory_space<vmem>>, vector<2000x8xf32>
    tpu.vector_store %arg4[%swap3A_19, %swap3A_20], %concatenate3A {strides = array<i32>} : memref<2000x8xf32, #tpu.memory_space<vmem>>, vector<2000x8xf32>,
    return
  }
  func.func @transform_0(%arg0: i32) -> (i32, i32, i32) {
    %c0_i32 = arith.constant 0 : i32
    %c0_i32_0 = arith.constant 0 : i32
    %c0_i32_1 = arith.constant 0 : i32
    return %c0_i32, %arg0, %c0_i32_0 : i32, i32, i32
  }
  func.func @transform_1(%arg0: i32) -> (i32, i32) {
    %c0_i32 = arith.constant 0 : i32
    %c0_i32_0 = arith.constant 0 : i32
    return %arg0, %c0_i32 : i32, i32
  }
  func.func @transform_2(%arg0: i32) -> (i32, i32) {
    %c0_i32 = arith.constant 0 : i32
    %c0_i32_0 = arith.constant 0 : i32
    return %arg0, %c0_i32 : i32, i32
  }
  func.func @transform_3(%arg0: i32) -> (i32, i32) {
    %c0_i32 = arith.constant 0 : i32
    %c0_i32_0 = arith.constant 0 : i32
    return %arg0, %c0_i32 : i32, i32
  }
}

module attributes {stable_mosaic.version = 14 : i64} {
  func.func @_layer_body_single(%arg0: i32, %arg1: memref<2x2000x8xf32, #tpu.memory_space<vmem>>, %arg2: memref<2000x8xf32, #tpu.memory_space<vmem>>, %arg3: memref<2000x1xf32, #tpu.memory_space<vmem>>, %arg4: memref<8x16xf32, #tpu.memory_space<vmem>>, %arg5: memref<1x16xf32, #tpu.memory_space<vmem>>, %arg6: memref<2000x16xf32, #tpu.memory_space<vmem>>) attributes {dimension_semantics = [#tpu.dimension_semantics<arbitrary>], iteration_bounds = array<i64: 50>, scalar_prefetch = 0 : i64, scratch_operands = 0 : i64, tpu.core_type = #tpu.core_type<tc>, window_params = [{transform_indices = @transform_0, window_bounds = array<i64: 2, 2000, 8>}, {transform_indices = @transform_1, window_bounds = array<i64: 2000, 8>}, {transform_indices = @transform_2, window_bounds = array<i64: 2000, 1>}, {pipeline_mode = #tpu.pipeline_mode<synchronous>, transform_indices = @transform_3, window_bounds = array<i64: 8, 16>}, {pipeline_mode = #tpu.pipeline_mode<synchronous>, transform_indices = @transform_4, window_bounds = array<i64: 1, 16>}, {transform_indices = @transform_5, window_bounds = array<i64: 2000, 16>}]} {
    %get3A = arith.constant 0 : index
    %get3A_0 = arith.constant 0 : index
    %get3A_1 = vector.load %arg3[%get3A, %get3A_0] : memref<2000x1xf32, #tpu.memory_space<vmem>>, vector<2000x1xf32>
    %get3A_2 = arith.constant 0 : index
    %get3A_3 = arith.constant 0 : index
    %get3A_4 = arith.constant 0 : index
    %get3A_5 = vector.load %arg1[%get3A_2, %get3A_3, %get3A_4] : memref<2x2000x8xf32, #tpu.memory_space<vmem>>, vector<1x2000x8xf32>
    %get3A_6 = vector.shape_cast %get3A_5 : vector<1x2000x8xf32> to vector<2000x8xf32>
    %get3A_7 = arith.constant 1 : index
    %get3A_8 = arith.constant 0 : index
    %get3A_9 = arith.constant 0 : index
    %get3A_10 = vector.load %arg1[%get3A_7, %get3A_8, %get3A_9] : memref<2x2000x8xf32, #tpu.memory_space<vmem>>, vector<1x2000x8xf32>
    %get3A_11 = vector.shape_cast %get3A_10 : vector<1x2000x8xf32> to vector<2000x8xf32>
    %add3A = arith.addf %get3A_6, %get3A_11 : vector<2000x8xf32>
    %get3A_12 = arith.constant 0 : index
    %get3A_13 = arith.constant 0 : index
    %get3A_14 = vector.load %arg2[%get3A_12, %get3A_13] : memref<2000x8xf32, #tpu.memory_space<vmem>>, vector<2000x8xf32>
    %add3A_15 = arith.addf %add3A, %get3A_14 : vector<2000x8xf32>
    %mul3A = vector.broadcast %get3A_1 : vector<2000x1xf32> to vector<2000x8xf32>
    %mul3A_16 = arith.mulf %add3A_15, %mul3A : vector<2000x8xf32>
    %get3A_17 = arith.constant 0 : index
    %get3A_18 = arith.constant 0 : index
    %get3A_19 = vector.load %arg4[%get3A_17, %get3A_18] : memref<8x16xf32, #tpu.memory_space<vmem>>, vector<8x16xf32>
    %dot_general3A = arith.constant dense<0.000000e+00> : vector<2000x16xf32>
    %dot_general3A_20 = tpu.matmul %mul3A_16, %get3A_19, %dot_general3A {dimension_numbers = #tpu.dot_dimension_numbers<[1], [0], [0], [1], [0, 0, 1, 1], [], []>, transpose_lhs_hint = false} : vector<2000x8xf32>, vector<8x16xf32>, vector<2000x16xf32> -> vector<2000x16xf32>
    %get3A_21 = arith.constant 0 : index
    %get3A_22 = arith.constant 0 : index
    %get3A_23 = vector.load %arg5[%get3A_21, %get3A_22] : memref<1x16xf32, #tpu.memory_space<vmem>>, vector<1x16xf32>
    %add3A_24 = vector.broadcast %get3A_23 : vector<1x16xf32> to vector<2000x16xf32>
    %add3A_25 = arith.addf %dot_general3A_20, %add3A_24 : vector<2000x16xf32>
    %max3A = arith.constant 0.000000e+00 : f32
    %max3A_26 = vector.broadcast %max3A : f32 to vector<2000x16xf32>
    %max3A_27 = arith.maximumf %add3A_25, %max3A_26 : vector<2000x16xf32>
    %mul3A_28 = vector.broadcast %get3A_1 : vector<2000x1xf32> to vector<2000x16xf32>
    %mul3A_29 = arith.mulf %max3A_27, %mul3A_28 : vector<2000x16xf32>
    %swap3A = arith.constant 0 : index
    %swap3A_30 = arith.constant 0 : index
    %swap3A_31 = vector.load %arg6[%swap3A, %swap3A_30] : memref<2000x16xf32, #tpu.memory_space<vmem>>, vector<2000x16xf32>
    tpu.vector_store %arg6[%swap3A, %swap3A_30], %mul3A_29 {strides = array<i32>} : memref<2000x16xf32, #tpu.memory_space<vmem>>, vector<2000x16xf32>,
    return
  }
  func.func @transform_0(%arg0: i32) -> (i32, i32, i32) {
    %c0_i32 = arith.constant 0 : i32
    %c0_i32_0 = arith.constant 0 : i32
    %c0_i32_1 = arith.constant 0 : i32
    return %c0_i32, %arg0, %c0_i32_0 : i32, i32, i32
  }
  func.func @transform_1(%arg0: i32) -> (i32, i32) {
    %c0_i32 = arith.constant 0 : i32
    %c0_i32_0 = arith.constant 0 : i32
    return %arg0, %c0_i32 : i32, i32
  }
  func.func @transform_2(%arg0: i32) -> (i32, i32) {
    %c0_i32 = arith.constant 0 : i32
    %c0_i32_0 = arith.constant 0 : i32
    return %arg0, %c0_i32 : i32, i32
  }
  func.func @transform_3(%arg0: i32) -> (i32, i32) {
    %c0_i32 = arith.constant 0 : i32
    %c0_i32_0 = arith.constant 0 : i32
    %c0_i32_1 = arith.constant 0 : i32
    return %c0_i32, %c0_i32_0 : i32, i32
  }
  func.func @transform_4(%arg0: i32) -> (i32, i32) {
    %c0_i32 = arith.constant 0 : i32
    %c0_i32_0 = arith.constant 0 : i32
    %c0_i32_1 = arith.constant 0 : i32
    return %c0_i32, %c0_i32_0 : i32, i32
  }
  func.func @transform_5(%arg0: i32) -> (i32, i32) {
    %c0_i32 = arith.constant 0 : i32
    %c0_i32_0 = arith.constant 0 : i32
    return %arg0, %c0_i32 : i32, i32
  }
}

module attributes {stable_mosaic.version = 14 : i64} {
  func.func @_layer_body_halves(%arg0: i32, %arg1: memref<2x2000x16xf32, #tpu.memory_space<vmem>>, %arg2: memref<2000x16xf32, #tpu.memory_space<vmem>>, %arg3: memref<2000x1xf32, #tpu.memory_space<vmem>>, %arg4: memref<16x32xf32, #tpu.memory_space<vmem>>, %arg5: memref<1x32xf32, #tpu.memory_space<vmem>>, %arg6: memref<2x2000x16xf32, #tpu.memory_space<vmem>>) attributes {dimension_semantics = [#tpu.dimension_semantics<arbitrary>], iteration_bounds = array<i64: 50>, scalar_prefetch = 0 : i64, scratch_operands = 0 : i64, tpu.core_type = #tpu.core_type<tc>, window_params = [{transform_indices = @transform_0, window_bounds = array<i64: 2, 2000, 16>}, {transform_indices = @transform_1, window_bounds = array<i64: 2000, 16>}, {transform_indices = @transform_2, window_bounds = array<i64: 2000, 1>}, {pipeline_mode = #tpu.pipeline_mode<synchronous>, transform_indices = @transform_3, window_bounds = array<i64: 16, 32>}, {pipeline_mode = #tpu.pipeline_mode<synchronous>, transform_indices = @transform_4, window_bounds = array<i64: 1, 32>}, {transform_indices = @transform_5, window_bounds = array<i64: 2, 2000, 16>}]} {
    %get3A = arith.constant 0 : index
    %get3A_0 = arith.constant 0 : index
    %get3A_1 = vector.load %arg3[%get3A, %get3A_0] : memref<2000x1xf32, #tpu.memory_space<vmem>>, vector<2000x1xf32>
    %get3A_2 = arith.constant 0 : index
    %get3A_3 = arith.constant 0 : index
    %get3A_4 = arith.constant 0 : index
    %get3A_5 = vector.load %arg1[%get3A_2, %get3A_3, %get3A_4] : memref<2x2000x16xf32, #tpu.memory_space<vmem>>, vector<1x2000x16xf32>
    %get3A_6 = vector.shape_cast %get3A_5 : vector<1x2000x16xf32> to vector<2000x16xf32>
    %get3A_7 = arith.constant 1 : index
    %get3A_8 = arith.constant 0 : index
    %get3A_9 = arith.constant 0 : index
    %get3A_10 = vector.load %arg1[%get3A_7, %get3A_8, %get3A_9] : memref<2x2000x16xf32, #tpu.memory_space<vmem>>, vector<1x2000x16xf32>
    %get3A_11 = vector.shape_cast %get3A_10 : vector<1x2000x16xf32> to vector<2000x16xf32>
    %add3A = arith.addf %get3A_6, %get3A_11 : vector<2000x16xf32>
    %get3A_12 = arith.constant 0 : index
    %get3A_13 = arith.constant 0 : index
    %get3A_14 = vector.load %arg2[%get3A_12, %get3A_13] : memref<2000x16xf32, #tpu.memory_space<vmem>>, vector<2000x16xf32>
    %add3A_15 = arith.addf %add3A, %get3A_14 : vector<2000x16xf32>
    %mul3A = vector.broadcast %get3A_1 : vector<2000x1xf32> to vector<2000x16xf32>
    %mul3A_16 = arith.mulf %add3A_15, %mul3A : vector<2000x16xf32>
    %get3A_17 = arith.constant 0 : index
    %get3A_18 = arith.constant 0 : index
    %get3A_19 = vector.load %arg4[%get3A_17, %get3A_18] : memref<16x32xf32, #tpu.memory_space<vmem>>, vector<16x32xf32>
    %dot_general3A = arith.constant dense<0.000000e+00> : vector<2000x32xf32>
    %dot_general3A_20 = tpu.matmul %mul3A_16, %get3A_19, %dot_general3A {dimension_numbers = #tpu.dot_dimension_numbers<[1], [0], [0], [1], [0, 0, 1, 1], [], []>, transpose_lhs_hint = false} : vector<2000x16xf32>, vector<16x32xf32>, vector<2000x32xf32> -> vector<2000x32xf32>
    %get3A_21 = arith.constant 0 : index
    %get3A_22 = arith.constant 0 : index
    %get3A_23 = vector.load %arg5[%get3A_21, %get3A_22] : memref<1x32xf32, #tpu.memory_space<vmem>>, vector<1x32xf32>
    %add3A_24 = vector.broadcast %get3A_23 : vector<1x32xf32> to vector<2000x32xf32>
    %add3A_25 = arith.addf %dot_general3A_20, %add3A_24 : vector<2000x32xf32>
    %max3A = arith.constant 0.000000e+00 : f32
    %max3A_26 = vector.broadcast %max3A : f32 to vector<2000x32xf32>
    %max3A_27 = arith.maximumf %add3A_25, %max3A_26 : vector<2000x32xf32>
    %mul3A_28 = vector.broadcast %get3A_1 : vector<2000x1xf32> to vector<2000x32xf32>
    %mul3A_29 = arith.mulf %max3A_27, %mul3A_28 : vector<2000x32xf32>
    %slice3A = vector.extract_strided_slice %mul3A_29 {offsets = [0, 0], sizes = [2000, 16], strides = [1, 1]} : vector<2000x32xf32> to vector<2000x16xf32>
    %swap3A = arith.constant 0 : index
    %swap3A_30 = arith.constant 0 : index
    %swap3A_31 = arith.constant 0 : index
    %swap3A_32 = vector.load %arg6[%swap3A, %swap3A_30, %swap3A_31] : memref<2x2000x16xf32, #tpu.memory_space<vmem>>, vector<1x2000x16xf32>
    %swap3A_33 = vector.shape_cast %swap3A_32 : vector<1x2000x16xf32> to vector<2000x16xf32>
    %swap3A_34 = vector.shape_cast %slice3A : vector<2000x16xf32> to vector<1x2000x16xf32>
    tpu.vector_store %arg6[%swap3A, %swap3A_30, %swap3A_31], %swap3A_34 {strides = array<i32>} : memref<2x2000x16xf32, #tpu.memory_space<vmem>>, vector<1x2000x16xf32>,
    %slice3A_35 = vector.extract_strided_slice %mul3A_29 {offsets = [0, 16], sizes = [2000, 16], strides = [1, 1]} : vector<2000x32xf32> to vector<2000x16xf32>
    %swap3A_36 = arith.constant 1 : index
    %swap3A_37 = arith.constant 0 : index
    %swap3A_38 = arith.constant 0 : index
    %swap3A_39 = vector.load %arg6[%swap3A_36, %swap3A_37, %swap3A_38] : memref<2x2000x16xf32, #tpu.memory_space<vmem>>, vector<1x2000x16xf32>
    %swap3A_40 = vector.shape_cast %swap3A_39 : vector<1x2000x16xf32> to vector<2000x16xf32>
    %swap3A_41 = vector.shape_cast %slice3A_35 : vector<2000x16xf32> to vector<1x2000x16xf32>
    tpu.vector_store %arg6[%swap3A_36, %swap3A_37, %swap3A_38], %swap3A_41 {strides = array<i32>} : memref<2x2000x16xf32, #tpu.memory_space<vmem>>, vector<1x2000x16xf32>,
    return
  }
  func.func @transform_0(%arg0: i32) -> (i32, i32, i32) {
    %c0_i32 = arith.constant 0 : i32
    %c0_i32_0 = arith.constant 0 : i32
    %c0_i32_1 = arith.constant 0 : i32
    return %c0_i32, %arg0, %c0_i32_0 : i32, i32, i32
  }
  func.func @transform_1(%arg0: i32) -> (i32, i32) {
    %c0_i32 = arith.constant 0 : i32
    %c0_i32_0 = arith.constant 0 : i32
    return %arg0, %c0_i32 : i32, i32
  }
  func.func @transform_2(%arg0: i32) -> (i32, i32) {
    %c0_i32 = arith.constant 0 : i32
    %c0_i32_0 = arith.constant 0 : i32
    return %arg0, %c0_i32 : i32, i32
  }
  func.func @transform_3(%arg0: i32) -> (i32, i32) {
    %c0_i32 = arith.constant 0 : i32
    %c0_i32_0 = arith.constant 0 : i32
    %c0_i32_1 = arith.constant 0 : i32
    return %c0_i32, %c0_i32_0 : i32, i32
  }
  func.func @transform_4(%arg0: i32) -> (i32, i32) {
    %c0_i32 = arith.constant 0 : i32
    %c0_i32_0 = arith.constant 0 : i32
    %c0_i32_1 = arith.constant 0 : i32
    return %c0_i32, %c0_i32_0 : i32, i32
  }
  func.func @transform_5(%arg0: i32) -> (i32, i32, i32) {
    %c0_i32 = arith.constant 0 : i32
    %c0_i32_0 = arith.constant 0 : i32
    %c0_i32_1 = arith.constant 0 : i32
    return %c0_i32, %arg0, %c0_i32_0 : i32, i32, i32
  }
}

module attributes {stable_mosaic.version = 14 : i64} {
  func.func @_t3_body(%arg0: i32, %arg1: memref<2x2000x16xf32, #tpu.memory_space<vmem>>, %arg2: memref<2x2000x16xf32, #tpu.memory_space<vmem>>, %arg3: memref<2000x1xf32, #tpu.memory_space<vmem>>, %arg4: memref<32x64xf32, #tpu.memory_space<vmem>>, %arg5: memref<1x64xf32, #tpu.memory_space<vmem>>, %arg6: memref<2000x70xf32, #tpu.memory_space<vmem>>, %arg7: memref<2000x70xf32, #tpu.memory_space<vmem>>, %arg8: memref<70x64xf32, #tpu.memory_space<vmem>>) attributes {dimension_semantics = [#tpu.dimension_semantics<arbitrary>], iteration_bounds = array<i64: 50>, scalar_prefetch = 0 : i64, scratch_operands = 0 : i64, tpu.core_type = #tpu.core_type<tc>, window_params = [{transform_indices = @transform_0, window_bounds = array<i64: 2, 2000, 16>}, {transform_indices = @transform_1, window_bounds = array<i64: 2, 2000, 16>}, {transform_indices = @transform_2, window_bounds = array<i64: 2000, 1>}, {pipeline_mode = #tpu.pipeline_mode<synchronous>, transform_indices = @transform_3, window_bounds = array<i64: 32, 64>}, {pipeline_mode = #tpu.pipeline_mode<synchronous>, transform_indices = @transform_4, window_bounds = array<i64: 1, 64>}, {transform_indices = @transform_5, window_bounds = array<i64: 2000, 70>}, {transform_indices = @transform_6, window_bounds = array<i64: 2000, 70>}, {pipeline_mode = #tpu.pipeline_mode<synchronous>, transform_indices = @transform_7, window_bounds = array<i64: 70, 64>}]} {
    %get3A = arith.constant 0 : index
    %get3A_0 = arith.constant 0 : index
    %get3A_1 = vector.load %arg3[%get3A, %get3A_0] : memref<2000x1xf32, #tpu.memory_space<vmem>>, vector<2000x1xf32>
    %get3A_2 = arith.constant 0 : index
    %get3A_3 = arith.constant 0 : index
    %get3A_4 = arith.constant 0 : index
    %get3A_5 = vector.load %arg1[%get3A_2, %get3A_3, %get3A_4] : memref<2x2000x16xf32, #tpu.memory_space<vmem>>, vector<1x2000x16xf32>
    %get3A_6 = vector.shape_cast %get3A_5 : vector<1x2000x16xf32> to vector<2000x16xf32>
    %get3A_7 = arith.constant 0 : index
    %get3A_8 = arith.constant 0 : index
    %get3A_9 = arith.constant 0 : index
    %get3A_10 = vector.load %arg2[%get3A_7, %get3A_8, %get3A_9] : memref<2x2000x16xf32, #tpu.memory_space<vmem>>, vector<1x2000x16xf32>
    %get3A_11 = vector.shape_cast %get3A_10 : vector<1x2000x16xf32> to vector<2000x16xf32>
    %add3A = arith.addf %get3A_6, %get3A_11 : vector<2000x16xf32>
    %mul3A = vector.broadcast %get3A_1 : vector<2000x1xf32> to vector<2000x16xf32>
    %mul3A_12 = arith.mulf %add3A, %mul3A : vector<2000x16xf32>
    %get3A_13 = arith.constant 1 : index
    %get3A_14 = arith.constant 0 : index
    %get3A_15 = arith.constant 0 : index
    %get3A_16 = vector.load %arg1[%get3A_13, %get3A_14, %get3A_15] : memref<2x2000x16xf32, #tpu.memory_space<vmem>>, vector<1x2000x16xf32>
    %get3A_17 = vector.shape_cast %get3A_16 : vector<1x2000x16xf32> to vector<2000x16xf32>
    %get3A_18 = arith.constant 1 : index
    %get3A_19 = arith.constant 0 : index
    %get3A_20 = arith.constant 0 : index
    %get3A_21 = vector.load %arg2[%get3A_18, %get3A_19, %get3A_20] : memref<2x2000x16xf32, #tpu.memory_space<vmem>>, vector<1x2000x16xf32>
    %get3A_22 = vector.shape_cast %get3A_21 : vector<1x2000x16xf32> to vector<2000x16xf32>
    %add3A_23 = arith.addf %get3A_17, %get3A_22 : vector<2000x16xf32>
    %mul3A_24 = vector.broadcast %get3A_1 : vector<2000x1xf32> to vector<2000x16xf32>
    %mul3A_25 = arith.mulf %add3A_23, %mul3A_24 : vector<2000x16xf32>
    %get3A_26 = arith.constant 0 : index
    %get3A_27 = arith.constant 0 : index
    %get3A_28 = vector.load %arg4[%get3A_26, %get3A_27] : memref<32x64xf32, #tpu.memory_space<vmem>>, vector<16x64xf32>
    %dot_general3A = arith.constant dense<0.000000e+00> : vector<2000x64xf32>
    %dot_general3A_29 = tpu.matmul %mul3A_12, %get3A_28, %dot_general3A {dimension_numbers = #tpu.dot_dimension_numbers<[1], [0], [0], [1], [0, 0, 1, 1], [], []>, transpose_lhs_hint = false} : vector<2000x16xf32>, vector<16x64xf32>, vector<2000x64xf32> -> vector<2000x64xf32>
    %get3A_30 = arith.constant 16 : index
    %get3A_31 = arith.constant 0 : index
    %get3A_32 = vector.load %arg4[%get3A_30, %get3A_31] : memref<32x64xf32, #tpu.memory_space<vmem>>, vector<16x64xf32>
    %dot_general3A_33 = arith.constant dense<0.000000e+00> : vector<2000x64xf32>
    %dot_general3A_34 = tpu.matmul %mul3A_25, %get3A_32, %dot_general3A_33 {dimension_numbers = #tpu.dot_dimension_numbers<[1], [0], [0], [1], [0, 0, 1, 1], [], []>, transpose_lhs_hint = false} : vector<2000x16xf32>, vector<16x64xf32>, vector<2000x64xf32> -> vector<2000x64xf32>
    %add3A_35 = arith.addf %dot_general3A_29, %dot_general3A_34 : vector<2000x64xf32>
    %get3A_36 = arith.constant 0 : index
    %get3A_37 = arith.constant 0 : index
    %get3A_38 = vector.load %arg5[%get3A_36, %get3A_37] : memref<1x64xf32, #tpu.memory_space<vmem>>, vector<1x64xf32>
    %add3A_39 = vector.broadcast %get3A_38 : vector<1x64xf32> to vector<2000x64xf32>
    %add3A_40 = arith.addf %add3A_35, %add3A_39 : vector<2000x64xf32>
    %max3A = arith.constant 0.000000e+00 : f32
    %max3A_41 = vector.broadcast %max3A : f32 to vector<2000x64xf32>
    %max3A_42 = arith.maximumf %add3A_40, %max3A_41 : vector<2000x64xf32>
    %get3A_43 = arith.constant 0 : index
    %get3A_44 = arith.constant 0 : index
    %get3A_45 = vector.load %arg6[%get3A_43, %get3A_44] : memref<2000x70xf32, #tpu.memory_space<vmem>>, vector<2000x70xf32>
    %get3A_46 = arith.constant 0 : index
    %get3A_47 = arith.constant 0 : index
    %get3A_48 = vector.load %arg7[%get3A_46, %get3A_47] : memref<2000x70xf32, #tpu.memory_space<vmem>>, vector<2000x70xf32>
    %add3A_49 = arith.addf %get3A_45, %get3A_48 : vector<2000x70xf32>
    %mul3A_50 = arith.constant 2.000000e+00 : f32
    %mul3A_51 = vector.broadcast %mul3A_50 : f32 to vector<2000x70xf32>
    %mul3A_52 = arith.mulf %add3A_49, %mul3A_51 : vector<2000x70xf32>
    %reduce_max3A = arith.constant dense<0xFF800000> : vector<2000xf32>
    %reduce_max3A_53 = vector.multi_reduction <maximumf>, %mul3A_52, %reduce_max3A [1] : vector<2000x70xf32> to vector<2000xf32>
    %broadcast_in_dim3A = vector.shape_cast %reduce_max3A_53 : vector<2000xf32> to vector<2000x1xf32>
    %sub3A = vector.broadcast %broadcast_in_dim3A : vector<2000x1xf32> to vector<2000x70xf32>
    %sub3A_54 = arith.subf %mul3A_52, %sub3A : vector<2000x70xf32>
    %exp3A = math.exp %sub3A_54 : vector<2000x70xf32>
    %reduce_sum3A = arith.constant dense<0.000000e+00> : vector<2000xf32>
    %reduce_sum3A_55 = vector.multi_reduction <add>, %exp3A, %reduce_sum3A [1] : vector<2000x70xf32> to vector<2000xf32>
    %broadcast_in_dim3A_56 = vector.shape_cast %reduce_sum3A_55 : vector<2000xf32> to vector<2000x1xf32>
    %div3A = vector.broadcast %broadcast_in_dim3A_56 : vector<2000x1xf32> to vector<2000x70xf32>
    %div3A_57 = arith.divf %exp3A, %div3A : vector<2000x70xf32>
    %dot_general3A_58 = arith.constant dense<0.000000e+00> : vector<70x64xf32>
    %dot_general3A_59 = tpu.matmul %div3A_57, %max3A_42, %dot_general3A_58 {dimension_numbers = #tpu.dot_dimension_numbers<[0], [0], [1], [1], [0, 1, 1, 1], [], []>, transpose_lhs_hint = false} : vector<2000x70xf32>, vector<2000x64xf32>, vector<70x64xf32> -> vector<70x64xf32>
    %eq3A = arith.constant 0 : i32
    %eq3A_60 = arith.cmpi eq, %arg0, %eq3A : i32
    %convert_element_type3A = arith.extui %eq3A_60 : i1 to i32
    %cond3A = arith.constant 0 : i32
    %cond3A_61 = arith.cmpi ne, %convert_element_type3A, %cond3A : i32
    scf.if %cond3A_61 {
      %swap3A = arith.constant 0 : index
      %swap3A_66 = arith.constant 0 : index
      %swap3A_67 = vector.load %arg8[%swap3A, %swap3A_66] : memref<70x64xf32, #tpu.memory_space<vmem>>, vector<70x64xf32>
      tpu.vector_store %arg8[%swap3A, %swap3A_66], %dot_general3A_59 {strides = array<i32>} : memref<70x64xf32, #tpu.memory_space<vmem>>, vector<70x64xf32>,
    } else {
    }
    %gt3A = arith.constant 0 : i32
    %gt3A_62 = arith.cmpi sgt, %arg0, %gt3A : i32
    %convert_element_type3A_63 = arith.extui %gt3A_62 : i1 to i32
    %cond3A_64 = arith.constant 0 : i32
    %cond3A_65 = arith.cmpi ne, %convert_element_type3A_63, %cond3A_64 : i32
    scf.if %cond3A_65 {
      %get3A_66 = arith.constant 0 : index
      %get3A_67 = arith.constant 0 : index
      %get3A_68 = vector.load %arg8[%get3A_66, %get3A_67] : memref<70x64xf32, #tpu.memory_space<vmem>>, vector<70x64xf32>
      %add3A_69 = arith.addf %get3A_68, %dot_general3A_59 : vector<70x64xf32>
      %swap3A = arith.constant 0 : index
      %swap3A_70 = arith.constant 0 : index
      %swap3A_71 = vector.load %arg8[%swap3A, %swap3A_70] : memref<70x64xf32, #tpu.memory_space<vmem>>, vector<70x64xf32>
      tpu.vector_store %arg8[%swap3A, %swap3A_70], %add3A_69 {strides = array<i32>} : memref<70x64xf32, #tpu.memory_space<vmem>>, vector<70x64xf32>,
    } else {
    }
    return
  }
  func.func @transform_0(%arg0: i32) -> (i32, i32, i32) {
    %c0_i32 = arith.constant 0 : i32
    %c0_i32_0 = arith.constant 0 : i32
    %c0_i32_1 = arith.constant 0 : i32
    return %c0_i32, %arg0, %c0_i32_0 : i32, i32, i32
  }
  func.func @transform_1(%arg0: i32) -> (i32, i32, i32) {
    %c0_i32 = arith.constant 0 : i32
    %c0_i32_0 = arith.constant 0 : i32
    %c0_i32_1 = arith.constant 0 : i32
    return %c0_i32, %arg0, %c0_i32_0 : i32, i32, i32
  }
  func.func @transform_2(%arg0: i32) -> (i32, i32) {
    %c0_i32 = arith.constant 0 : i32
    %c0_i32_0 = arith.constant 0 : i32
    return %arg0, %c0_i32 : i32, i32
  }
  func.func @transform_3(%arg0: i32) -> (i32, i32) {
    %c0_i32 = arith.constant 0 : i32
    %c0_i32_0 = arith.constant 0 : i32
    %c0_i32_1 = arith.constant 0 : i32
    return %c0_i32, %c0_i32_0 : i32, i32
  }
  func.func @transform_4(%arg0: i32) -> (i32, i32) {
    %c0_i32 = arith.constant 0 : i32
    %c0_i32_0 = arith.constant 0 : i32
    %c0_i32_1 = arith.constant 0 : i32
    return %c0_i32, %c0_i32_0 : i32, i32
  }
  func.func @transform_5(%arg0: i32) -> (i32, i32) {
    %c0_i32 = arith.constant 0 : i32
    %c0_i32_0 = arith.constant 0 : i32
    return %arg0, %c0_i32 : i32, i32
  }
  func.func @transform_6(%arg0: i32) -> (i32, i32) {
    %c0_i32 = arith.constant 0 : i32
    %c0_i32_0 = arith.constant 0 : i32
    return %arg0, %c0_i32 : i32, i32
  }
  func.func @transform_7(%arg0: i32) -> (i32, i32) {
    %c0_i32 = arith.constant 0 : i32
    %c0_i32_0 = arith.constant 0 : i32
    %c0_i32_1 = arith.constant 0 : i32
    return %c0_i32, %c0_i32_0 : i32, i32
  }
}

</mosaic_0001>

<sc_bundles>
// kernel: kernel.10.cloned.1.call-start
scs
__scs_entry_jumppad:
0x0: {  	(pc) =	sbr.rel $0x88, $3  }
0x1: {  	(tag) =	ssettag $0x0;
	lr =	simm.s32 $0x1  }
0x2: {  	[smem:$0x3F97] =	sst lr;
	_ =	strace $0xD0000000  }
0x3: {  	_ = 	snop  }
0x4: {  	_ = 	snop  }
0x5: {  	_ = 	snop  }
0x6: {  	_ = 	snop  }
0x7: {  	_ = 	snop  }
__scs_overlays_trampoline_lowered:
0x8: {  	[smem:$0x3FA6] =	sst s0  }
0x9: {  	[smem:$0x3FA7] =	sst s1  }
0xa: {  	[smem:$0x3FA8] =	sst s2  }
0xb: {  	[smem:$0x3FA9] =	sst s3  }
0xc: {  	[smem:$0x3FAA] =	sst s4  }
0xd: {  	[smem:$0x3FAB] =	sst s5  }
0xe: {  	[smem:$0x3FAC] =	sst s6  }
0xf: {  	[smem:$0x3FAD] =	sst s7  }
0x10: {  	[smem:$0x3FAE] =	sst s8  }
0x11: {  	[smem:$0x3FAF] =	sst s9;
	s0 =	simm.s32 @!p0 $0x0  }
0x12: {  	s1 =	sld [smem:$0x3F95];
	s0 =	simm.s32 @p0 $0x1  }
0x13: {  	[smem:$0x3FB0] =	sst s0;
	s0 =	simm.s32 @!p1 $0x0  }
0x14: {  	s2 =	sld [smem:$0x3F94];
	s0 =	simm.s32 @p1 $0x1  }
0x15: {  	[smem:$0x3FB1] =	sst s0;
	s0 =	simm.s32 @!p2 $0x0  }
0x16: {  	s3 =	sld [smem:$0x3FDB];
	s0 =	simm.s32 @p2 $0x1  }
0x17: {  	s4 =	simm.s32 $0x1BF5;
	[smem:$0x3FB3] =	sst s0  }
0x18: {  	s0 =	sld [smem:$0x3F96];
	_ =	swait.ge [sflag:s4], $0x0  }
0x19: {  	s7 =	sld [smem:$0x3F97]  }
0x1a: {  	s8 =	sadd.s32 $0xFFFFE003, lr  }
0x1b: {  	s9 =	sadd.s32 $0xFFFFFEF7, lr;
	s5 =	simm.s32 $0xFFFFFFFF;
	p2 =	slt.u32 s8, $0xFFFFF086  }
0x1c: {  	p1 =	slt.u32 s9, $0xF7A;
	s5 =	simm.s32 @!p2 $0x0  }
0x1d: {  	s5 =	simm.s32 @p1 $0x1;
	p0 =	seq.s32 s7, s2  }
0x1e: {  	s7 =	smul.u32 @!p0 $0xF7A, s2;
	p2 =	seq.s32 @!p0 s5, $0x0  }
0x1f: {  	s9 =	smul.u32 $0xF7A, s1;
	s8 =	simm.s32 @!p0 $0x1BF5;
	p2 =	por !p2, p0  }
0x20: {  	[sflag:s8] =	ssyncset.s32 @!p0 $0xFFFFF086;
	s6 =	sadd.s32 @!p0 s3, s7;
	s7 =	simm.s32 @!p0 $0x108  }
0x21: {  	s3 =	sadd.s32 s3, s9;
	s6 =	sadd.s32 @!p0 $0x88, s6;
	s7 =	simm.s32 @p2 $0x1082  }
0x22: {  	[simem:s7], [sflag:s8] =	dma.local @!p0 [hbm:s6], $0xF7A  }
0x23: {  	s9 =	sor.u32 $0xD0000000, s2;
	s6 =	simm.s32 $0x108;
	_ =	swait.ge @!p0 [sflag:s8], $0x0  }
0x24: {  	s3 =	sadd.s32 $0x88, s3;
	s6 =	simm.s32 @!p1 $0x1082;
	[sflag:s4] =	ssyncset.s32 $0xFFFFF086  }
0x25: {  	[simem:s6], [sflag:s4] =	dma.local [hbm:s3], $0xF7A  }
0x26: {  	[smem:$0x3F97] =	sst s1;
	(tag) =	ssettag s2;
	_ =	strace s9  }
0x27: {  	s1 =	sld [smem:$0x3FA7]  }
0x28: {  	s2 =	sld [smem:$0x3FA8]  }
0x29: {  	s4 =	sld [smem:$0x3FAA]  }
0x2a: {  	p0 =	seq.s32 s5, $0x0;
	s5 =	sld [smem:$0x3FAB]  }
0x2b: {  	s6 =	sld [smem:$0x3FAC]  }
0x2c: {  	s7 =	sld [smem:$0x3FAD]  }
0x2d: {  	s3 =	simm.s32 $0x108;
	s8 =	sld [smem:$0x3FAE]  }
0x2e: {  	s3 =	simm.s32 @!p0 $0x1082;
	s9 =	sld [smem:$0x3FAF]  }
0x2f: {  	lr =	sadd.s32 s0, s3;
	s0 =	sld [smem:$0x3FA6]  }
0x30: {  	s3 =	sld [smem:$0x3FA9]  }
0x31: {  	[smem:$0x3FB2] =	sst s10  }
0x32: {  	s10 =	sld [smem:$0x3FB0];
	_ =	sdelay $0x3  }
0x33: {  	p0 =	seq.s32 s10, $0x1;
	s10 =	sld [smem:$0x3FB2];
	_ =	sdelay $0x3  }
0x34: {  	[smem:$0x3FB2] =	sst s10  }
0x35: {  	s10 =	sld [smem:$0x3FB1];
	_ =	sdelay $0x3  }
0x36: {  	p1 =	seq.s32 s10, $0x1;
	s10 =	sld [smem:$0x3FB2];
	_ =	sdelay $0x3  }
0x37: {  	[smem:$0x3FB2] =	sst s10  }
0x38: {  	s10 =	sld [smem:$0x3FB3]  }
0x39: {  	_ = 	snop;
	(pc) =	sbr.ind lr, $3  }
0x3a: {  	_ = 	snop  }
0x3b: {  	_ = 	snop  }
0x3c: {  	p2 =	seq.s32 s10, $0x1;
	s10 =	sld [smem:$0x3FB2]  }
0x3d: {  	_ =	shalt  }
0x3e: {  	_ =	shalt  }
0x3f: {  	_ =	shalt  }
0x40: {  	_ =	shalt  }
0x41: {  	_ =	shalt  }
0x42: {  	_ =	shalt  }
0x43: {  	_ =	shalt  }
0x44: {  	_ =	shalt  }
0x45: {  	_ =	shalt  }
0x46: {  	_ =	shalt  }
0x47: {  	_ =	shalt  }
0x48: {  	_ =	shalt  }
0x49: {  	_ =	shalt  }
0x4a: {  	_ =	shalt  }
0x4b: {  	_ =	shalt  }
0x4c: {  	_ =	shalt  }
0x4d: {  	_ =	shalt  }
0x4e: {  	_ =	shalt  }
0x4f: {  	_ =	shalt  }
0x50: {  	_ =	shalt  }
0x51: {  	_ =	shalt  }
0x52: {  	_ =	shalt  }
0x53: {  	_ =	shalt  }
0x54: {  	_ =	shalt  }
0x55: {  	_ =	shalt  }
0x56: {  	_ =	shalt  }
0x57: {  	_ =	shalt  }
0x58: {  	_ =	shalt  }
0x59: {  	_ =	shalt  }
0x5a: {  	_ =	shalt  }
0x5b: {  	_ =	shalt  }
0x5c: {  	_ =	shalt  }
0x5d: {  	_ =	shalt  }
0x5e: {  	_ =	shalt  }
0x5f: {  	_ =	shalt  }
0x60: {  	_ =	shalt  }
0x61: {  	_ =	shalt  }
0x62: {  	_ =	shalt  }
0x63: {  	_ =	shalt  }
0x64: {  	_ =	shalt  }
0x65: {  	_ =	shalt  }
0x66: {  	_ =	shalt  }
0x67: {  	_ =	shalt  }
0x68: {  	_ =	shalt  }
0x69: {  	_ =	shalt  }
0x6a: {  	_ =	shalt  }
0x6b: {  	_ =	shalt  }
0x6c: {  	_ =	shalt  }
0x6d: {  	_ =	shalt  }
0x6e: {  	_ =	shalt  }
0x6f: {  	_ =	shalt  }
0x70: {  	_ =	shalt  }
0x71: {  	_ =	shalt  }
0x72: {  	_ =	shalt  }
0x73: {  	_ =	shalt  }
0x74: {  	_ =	shalt  }
0x75: {  	_ =	shalt  }
0x76: {  	_ =	shalt  }
0x77: {  	_ =	shalt  }
0x78: {  	_ =	shalt  }
0x79: {  	_ =	shalt  }
0x7a: {  	_ =	shalt  }
0x7b: {  	_ =	shalt  }
0x7c: {  	_ =	shalt  }
0x7d: {  	_ =	shalt  }
0x7e: {  	_ =	shalt  }
0x7f: {  	_ =	shalt  }
0x80: {  	_ =	shalt  }
0x81: {  	_ =	shalt  }
0x82: {  	_ =	shalt  }
0x83: {  	_ =	shalt  }
0x84: {  	_ =	shalt  }
0x85: {  	_ =	shalt  }
0x86: {  	_ =	shalt  }
0x87: {  	_ =	shalt  }
.Lfunc_end0:
.L_simem_size_0:
called_computation_lowered:
.L_overlay_start_0:
0x88: {  	s2 =	sld [smem:$0x3FD9]  }
0x89: {  	s3 =	sld [smem:$0x3FFE];
	_ =	sdelay $0x1  }
0x8a: {  	s1 =	srdreg.scid  }
0x8b: {  	s0 =	sand.u32 $0x1, s1  }
0x8c: {  	s17 =	sshll.u32 s0, $0xA;
	s2 =	sadd.s32 s3, s2  }
0x8d: {  	s2 =	sadd.s32 s2, s17  }
0x8e: {  	[smem:$0x3FBE] =	sst s2  }
0x8f: {  	_ = 	snop  }
0x90: {  	s2 =	sld [smem:$0x3FD0];
	(tm) =	ssettm $0x1  }
0x91: {  	s18 =	sld [smem:$0x3FFB];
	_ =	sdelay $0x3  }
0x92: {  	_ =	strace s18  }
0x93: {  	s3 =	sld [smem:$0x3FFC];
	_ =	sdelay $0x3  }
0x94: {  	_ =	strace s3  }
0x95: {  	s3 =	sld [smem:$0x3FFD];
	_ =	sdelay $0x3  }
0x96: {  	_ =	strace s3  }
0x97: {  	_ =	strace $0x8FFFFFFF  }
0x98: {  	s19 =	sld [smem:$0x3FDB];
	_ =	sdelay $0x1  }
0x99: {  	s4 =	simm.s32 $_scs_section_size  }
0x9a: {  	s5 =	simm.s32 $_size__tile_overlayer_lowered;
	s6 =	simm.s32 $_tile_overlayer_lowered  }
0x9b: {  	s22 =	simm.s32 $0x1BFF;
	s21 =	sshll.u32 s6, $0x1;
	s3 =	sadd.s32 s4, s19  }
0x9c: {  	s7 =	simm.s32 $0x0;
	s20 =	sshll.u32 s5, $0x1;
	s5 =	sadd.s32 s21, s3  }
0x9d: {  	[timem:s7], [sflag:s22] =	dma.local [hbm:s5], s20  }
0x9e: {  	_ =	swait.ge [sflag:s22], s20  }
0x9f: {  	s4 =	ssub.s32 $0x0, s20;
	[sflag:s22] =	ssyncset.done $0x0  }
0xa0: {  	[sflag:s22] =	ssyncadd.s32 s4;
	_ =	sdelay $0x1  }
0xa1: {  	s23 =	simm.s32 $0x1B8B  }
0xa2: {  	_ =	swait.ge [sflag:s23], $0x1  }
0xa3: {  	[sflag:s23] =	ssyncset.done $0x0  }
0xa4: {  	s25 =	simm.s32 $0x1B8E;
	s24 =	sld [smem:$0x3FFE];
	[sflag:s23] =	ssyncadd.s32 $0xFFFFFFFF  }
0xa5: {  	s26 =	simm.s32 $execute0_lowered;
	[smem:$0x3FD2] =	sst s25  }
0xa6: {  	s5 =	sshll.u32 s26, $0x1;
	_ =	strace $0x80000046;
	[dreg:$0x1] =	wrdreg $0xFFFFFFFF  }
0xa7: {  	s28 =	simm.s32 $_size_execute0_lowered;
	s3 =	sadd.s32 s3, s5;
	[dreg:$0x0] =	wrdreg $0x0  }
0xa8: {  	s5 =	sshll.u32 s28, $0x1;
	[dreg:$0x2] =	wrdreg s3  }
0xa9: {  	[dreg:$0x3] =	wrdreg s5  }
0xaa: {  	[dreg:$0x4] =	wrdreg $0xC0  }
0xab: {  	_ =	task [dreg:s7], $0x5FFFF  }
0xac: {  	[dreg:$0x1] =	wrdreg $0xFFFFFFFF  }
0xad: {  	[dreg:$0x0] =	wrdreg $0x60  }
0xae: {  	[dreg:$0x2] =	wrdreg s24  }
0xaf: {  	[dreg:$0x3] =	wrdreg s2  }
0xb0: {  	[dreg:$0x4] =	wrdreg $0xC000  }
0xb1: {  	[dreg:$0x5] =	wrdreg $0x9  }
0xb2: {  	_ =	task.clear_ibuf [dreg:s7], $0x6FFFF;
	_ =	strace $0x90000046  }
0xb3: {  	s29 =	simm.s32 $0x9;
	_ =	strace $0x80000048  }
0xb4: {  	_ =	swait.ge [sflag:s29], $0x1  }
0xb5: {  	[sflag:s29] =	ssyncadd.s32 $0xFFFFFFFF  }
0xb6: {  	_ =	strace $0x90000048  }
0xb7: {  	_ =	sfence  }
0xb8: {  	s30 =	sld [smem:$0x0];
	_ =	sdelay $0x2  }
0xb9: {  	s31 =	sshll.u32 s1, $0xD;
	s1 =	sshrl.u32 s1, $0x2  }
0xba: {  	s3 =	sand.u32 $0x4000, s31;
	s1 =	sadd.s32 s1, s30  }
0xbb: {  	s0 =	sor.u32 s3, s0;
	s1 =	sshll.u32 s1, $0x11  }
0xbc: {  	s0 =	sor.u32 s1, s0  }
0xbd: {  	s0 =	sadd.s32 $0x8F2B, s0  }
0xbe: {  	[sflag:s0] =	ssyncadd.remote.s32 $0x1  }
0xbf: {  	_ =	sfence.sel $0xFFFF  }
0xc0: {  	[dreg:$0x0] =	wrdreg $0xFFFFFFFF;
	(pc) =	sbr.abs _section_cstart, $3  }
0xc1: {  	[dreg:$0x1] =	wrdreg $0xFFFFFFFF  }
0xc2: {  	_ =	task.clear_ibuf [dreg:s7], $0x2FFFF;
	_ =	strace $0x9FFFFFFF  }
0xc3: {  	(tm) =	ssettm $0x7FFFFFFF  }
tec
execute0_lowered:
.L_overlay_start_1:
0x0: {  	(tag) =	ssettag $0x1  }
0x1: {  	s6 =	rddreg [dreg:$0x0]  }
0x2: {  	s0 =	srdreg.scid;
	s2 =	rddreg [dreg:$0x1]  }
0x3: {  	s3 =	rddreg [dreg:$0x2];
	s7 =	sand.u32 $0x1, s0  }
0x4: {  	s0 =	stileid.u32;
	s5 =	smul.u32 $0xC4000, s7  }
0x5: {  	s1 =	rddreg [dreg:$0x3];
	s8 =	smul.u32 $0xC400, s0  }
0x6: {  	s4 =	simm.s32 $0x0;
	s14 =	simm.s32 $0x1;
	s9 =	smul.u32 $0xC380, s0  }
0x7: {  	s15 =	simm.s32 $0x0;
	[smem:$0x7FF] =	sst s4;
	s30 =	smul.u32 $0xC3800, s7  }
0x8: {  	_ =	strace $0x80000047;
	s7 =	ssub.s32 $0x2, s7;
	s11 =	sshll.u32 s0, $0x6  }
0x9: {  	s31 =	sshrl.u32 s7, $0x1;
	s5 =	sadd.s32 s8, s5;
	s8 =	sadd.s32 s9, s30  }
0xa: {  	s12 =	ssub.s32 s7, s31;
	s13 =	sadd.s32 s9, s3;
	s5 =	sshrl.u32 s5, $0x3  }
0xb: {  	s8 =	sshrl.u32 s8, $0x3;
	s10 =	sadd.s32 s5, s6;
	s5 =	sadd.s32 $0x36E00, s6  }
0xc: {  	s8 =	sadd.s32 s8, s6;
	s6 =	sor.u32 $0x1C02, s11;
	s11 =	simm.s32 $0x2  }
0xd: {  	s7 =	sadd.s32 $0x38800, s8;
	s8 =	smax.u32 s12, $0x1;
	s9 =	sadd.s32 $0x5E00, s10  }
0xe: {  	s10 =	sshrl.u32 s13, $0x3;
	s12 =	simm.s32 $0x800;
	s13 =	simm.s32 $0x80  }
.LBB2_1:
0xf: {  	[spmem:s10], [sflag:s6] =	dma.local [hbm:s5], $0x1870  }
0x10: {  	_ =	swait.ge [sflag:s11], $0x1870  }
0x11: {  	[sflag:s11] =	ssyncset.done $0x0  }
0x12: {  	[sflag:s11] =	ssyncadd.s32 $0xFFFFE790  }
0x13: {  	[tilespmem:s12], [sflag:$0x2] =	stream.linear.gather [hbm4b:s2+s4], $0x400, $0x38;
	[tilespmem:$0xCF80] =	vst v63  }
0x14: {  	_ =	swait.ge [sflag:s11], $0x400  }
0x15: {  	p0 =	por $0x1, $0x1;
	[sflag:s11] =	ssyncset.done $0x0  }
0x16: {  	p0 =	por p0, p0;
	[sflag:s11] =	ssyncadd.s32 $0xFFFFFC00  }
0x17: {  	s16 =	simm.s32 @!p0 $0x1;
	[bflag:$0x0] =	sbarrier.arrive $0xFFFF  }
0x18: {  	_ =	swait.ge @!p0 [sflag:s16], $0x400  }
0x19: {  	[sflag:s16] =	ssyncset.done @!p0 $0x0  }
0x1a: {  	[sflag:s16] =	ssyncadd.s32 @!p0 $0xFFFFFC00  }
0x1b: {  	_ =	swait.ge @!p0 [sflag:s16], $0x400  }
0x1c: {  	[sflag:s16] =	ssyncset.done @!p0 $0x0  }
0x1d: {  	[sflag:s16] =	ssyncadd.s32 @!p0 $0xFFFFFC00  }
0x1e: {  	_ =	swait.ge @!p0 [sflag:s16], $0x400  }
0x1f: {  	[sflag:s16] =	ssyncset.done @!p0 $0x0  }
0x20: {  	[sflag:s16] =	ssyncadd.s32 @!p0 $0xFFFFFC00  }
0x21: {  	_ =	swait.ge @!p0 [sflag:s16], $0x400  }
0x22: {  	[sflag:s16] =	ssyncset.done @!p0 $0x0  }
0x23: {  	[sflag:s16] =	ssyncadd.s32 @!p0 $0xFFFFFC00  }
0x24: {  	_ =	swait.ge @!p0 [sflag:s16], $0x400  }
0x25: {  	[sflag:s16] =	ssyncset.done @!p0 $0x0  }
0x26: {  	[sflag:s16] =	ssyncadd.s32 @!p0 $0xFFFFFC00  }
0x27: {  	_ =	swait.ge @!p0 [sflag:s16], $0x400  }
0x28: {  	[sflag:s16] =	ssyncset.done @!p0 $0x0  }
0x29: {  	[sflag:s16] =	ssyncadd.s32 @!p0 $0xFFFFFC00  }
0x2a: {  	_ =	swait.ge @!p0 [sflag:s16], $0x400  }
0x2b: {  	[sflag:s16] =	ssyncset.done @!p0 $0x0  }
0x2c: {  	[sflag:s16] =	ssyncadd.s32 @!p0 $0xFFFFFC00  }
0x2d: {  	_ =	swait.ge @!p0 [sflag:s16], $0x400  }
0x2e: {  	[sflag:s16] =	ssyncset.done @!p0 $0x0  }
0x2f: {  	s25 =	sand.u32 $0x400, s4;
	[sflag:s16] =	ssyncadd.s32 @!p0 $0xFFFFFC00  }
0x30: {  	[tilespmem:s25], [sflag:$0x2] =	stream.linear.gather [hbm4b:s9+s4], $0x400, $0x38;
	[tilespmem:$0xCF80] =	vst v63  }
0x31: {  	_ =	swait.ge [sflag:s11], $0x400  }
0x32: {  	[sflag:s11] =	ssyncset.done $0x0  }
0x33: {  	[sflag:s11] =	ssyncadd.s32 $0xFFFFFC00  }
0x34: {  	[spmem:s3] =	stream.indirect.scatter.add.f32 [tilespmem:s12], [sflag:$0x1], $0x8, s25, s13, $0xb8;
	[tilespmem:$0xCF80] =	vst v63  }
0x35: {  	s17 =	sor.u32 $0x80, s25  }
0x36: {  	[spmem:s3] =	stream.indirect.scatter.add.f32 [tilespmem:s12], [sflag:$0x1], $0x8, s17, s13, $0xb8;
	[tilespmem:$0xCF80] =	vst v63  }
0x37: {  	s26 =	sor.u32 $0x100, s25  }
0x38: {  	[spmem:s3] =	stream.indirect.scatter.add.f32 [tilespmem:s12], [sflag:$0x1], $0x8, s26, s13, $0xb8;
	[tilespmem:$0xCF80] =	vst v63  }
0x39: {  	s28 =	sor.u32 $0x180, s25  }
0x3a: {  	[spmem:s3] =	stream.indirect.scatter.add.f32 [tilespmem:s12], [sflag:$0x1], $0x8, s28, s13, $0xb8;
	[tilespmem:$0xCF80] =	vst v63  }
0x3b: {  	p6 =	por $0x1, $0x1;
	s18 =	simm.s32 $0x2;
	s29 =	sor.u32 $0x200, s25  }
0x3c: {  	[spmem:s3] =	stream.indirect.scatter.add.f32 [tilespmem:s12], [sflag:$0x1], $0x8, s29, s13, $0xb8;
	[tilespmem:$0xCF80] =	vst v63  }
0x3d: {  	s30 =	sor.u32 $0x280, s25;
	s31 =	sor.u32 $0x300, s25;
	s19 =	sor.u32 $0x380, s25  }
0x3e: {  	[spmem:s3] =	stream.indirect.scatter.add.f32 [tilespmem:s12], [sflag:$0x1], $0x8, s30, s13, $0xb8;
	[tilespmem:$0xCF80] =	vst v63  }
0x3f: {  	p0 =	por p6, p6;
	s16 =	simm.s32 $0x400;
	s17 =	sadd.s32 $0x80, s9  }
0x40: {  	[spmem:s3] =	stream.indirect.scatter.add.f32 [tilespmem:s12], [sflag:$0x1], $0x8, s31, s13, $0xb8;
	[tilespmem:$0xCF80] =	vst v63  }
.LBB2_2:
0x41: {  	[spmem:s3] =	stream.indirect.scatter.add.f32 [tilespmem:s12], [sflag:$0x1], $0x8, s19, s13, $0xb8;
	[tilespmem:$0xCF80] =	vst v63  }
0x42: {  	p2 =	slt.u32 s18, $0x2;
	s18 =	sadd.s32 $0x1, s18;
	s19 =	simm.s32 @!p0 $0x1  }
0x43: {  	p1 =	sne.s32 s18, $0x31;
	_ =	swait.ge @!p0 [sflag:s19], $0x400  }
0x44: {  	[sflag:s19] =	ssyncset.done @!p0 $0x0  }
0x45: {  	[sflag:s19] =	ssyncadd.s32 @!p0 $0xFFFFFC00  }
0x46: {  	_ =	swait.ge @!p0 [sflag:s19], $0x400  }
0x47: {  	[sflag:s19] =	ssyncset.done @!p0 $0x0  }
0x48: {  	[sflag:s19] =	ssyncadd.s32 @!p0 $0xFFFFFC00  }
0x49: {  	_ =	swait.ge @!p0 [sflag:s19], $0x400  }
0x4a: {  	[sflag:s19] =	ssyncset.done @!p0 $0x0  }
0x4b: {  	[sflag:s19] =	ssyncadd.s32 @!p0 $0xFFFFFC00  }
0x4c: {  	_ =	swait.ge @!p0 [sflag:s19], $0x400  }
0x4d: {  	[sflag:s19] =	ssyncset.done @!p0 $0x0  }
0x4e: {  	[sflag:s19] =	ssyncadd.s32 @!p0 $0xFFFFFC00  }
0x4f: {  	_ =	swait.ge @!p0 [sflag:s19], $0x400  }
0x50: {  	[sflag:s19] =	ssyncset.done @!p0 $0x0  }
0x51: {  	[sflag:s19] =	ssyncadd.s32 @!p0 $0xFFFFFC00  }
0x52: {  	_ =	swait.ge @!p0 [sflag:s19], $0x400  }
0x53: {  	[sflag:s19] =	ssyncset.done @!p0 $0x0  }
0x54: {  	[sflag:s19] =	ssyncadd.s32 @!p0 $0xFFFFFC00  }
0x55: {  	_ =	swait.ge @!p0 [sflag:s19], $0x400  }
0x56: {  	[sflag:s19] =	ssyncset.done @!p0 $0x0  }
0x57: {  	[sflag:s19] =	ssyncadd.s32 @!p0 $0xFFFFFC00  }
0x58: {  	_ =	swait.ge @!p0 [sflag:s19], $0x400  }
0x59: {  	[sflag:s19] =	ssyncset.done @!p0 $0x0  }
0x5a: {  	[sflag:s19] =	ssyncadd.s32 @!p0 $0xFFFFFC00;
	s19 =	sand.u32 $0x400, s16;
	p0 =	por p2, p2  }
0x5b: {  	[tilespmem:s19], [sflag:$0x2] =	stream.linear.gather [hbm4b:s17+s4], $0x400, $0x38;
	[tilespmem:$0xCF80] =	vst v63  }
0x5c: {  	_ =	swait.ge [sflag:s11], $0x400  }
0x5d: {  	[sflag:s11] =	ssyncset.done $0x0  }
0x5e: {  	[sflag:s11] =	ssyncadd.s32 $0xFFFFFC00  }
0x5f: {  	[spmem:s3] =	stream.indirect.scatter.add.f32 [tilespmem:s12], [sflag:$0x1], $0x8, s19, s13, $0xb8;
	[tilespmem:$0xCF80] =	vst v63  }
0x60: {  	s20 =	sor.u32 $0x80, s19  }
0x61: {  	[spmem:s3] =	stream.indirect.scatter.add.f32 [tilespmem:s12], [sflag:$0x1], $0x8, s20, s13, $0xb8;
	[tilespmem:$0xCF80] =	vst v63  }
0x62: {  	s20 =	sor.u32 $0x100, s19  }
0x63: {  	[spmem:s3] =	stream.indirect.scatter.add.f32 [tilespmem:s12], [sflag:$0x1], $0x8, s20, s13, $0xb8;
	[tilespmem:$0xCF80] =	vst v63  }
0x64: {  	s20 =	sor.u32 $0x180, s19  }
0x65: {  	[spmem:s3] =	stream.indirect.scatter.add.f32 [tilespmem:s12], [sflag:$0x1], $0x8, s20, s13, $0xb8;
	[tilespmem:$0xCF80] =	vst v63  }
0x66: {  	s20 =	sor.u32 $0x200, s19  }
0x67: {  	[spmem:s3] =	stream.indirect.scatter.add.f32 [tilespmem:s12], [sflag:$0x1], $0x8, s20, s13, $0xb8;
	[tilespmem:$0xCF80] =	vst v63  }
.Ltmp0:
0x68: {  	s20 =	sor.u32 $0x280, s19;
	(pc) =	sbr.rel @p1 .LBB2_2-.Ltmp0, $4  }
0x69: {  	[spmem:s3] =	stream.indirect.scatter.add.f32 [tilespmem:s12], [sflag:$0x1], $0x8, s20, s13, $0xb8;
	[tilespmem:$0xCF80] =	vst v63  }
0x6a: {  	s20 =	sor.u32 $0x300, s19  }
0x6b: {  	[spmem:s3] =	stream.indirect.scatter.add.f32 [tilespmem:s12], [sflag:$0x1], $0x8, s20, s13, $0xb8;
	[tilespmem:$0xCF80] =	vst v63  }
0x6c: {  	s16 =	sadd.s32 $0x400, s16;
	s17 =	sadd.s32 $0x80, s17;
	s19 =	sor.u32 $0x380, s19  }
0x6d: {  	[spmem:s3] =	stream.indirect.scatter.add.f32 [tilespmem:s12], [sflag:$0x1], $0x8, s19, s13, $0xb8;
	[tilespmem:$0xCF80] =	vst v63  }
0x6e: {  	s18 =	simm.s32 @!p0 $0x1  }
0x6f: {  	_ =	swait.ge @!p0 [sflag:s18], $0x400  }
0x70: {  	[sflag:s18] =	ssyncset.done @!p0 $0x0  }
0x71: {  	[sflag:s18] =	ssyncadd.s32 @!p0 $0xFFFFFC00  }
0x72: {  	_ =	swait.ge @!p0 [sflag:s18], $0x400  }
0x73: {  	[sflag:s18] =	ssyncset.done @!p0 $0x0  }
0x74: {  	[sflag:s18] =	ssyncadd.s32 @!p0 $0xFFFFFC00  }
0x75: {  	_ =	swait.ge @!p0 [sflag:s18], $0x400  }
0x76: {  	[sflag:s18] =	ssyncset.done @!p0 $0x0  }
0x77: {  	[sflag:s18] =	ssyncadd.s32 @!p0 $0xFFFFFC00  }
0x78: {  	_ =	swait.ge @!p0 [sflag:s18], $0x400  }
0x79: {  	[sflag:s18] =	ssyncset.done @!p0 $0x0  }
0x7a: {  	[sflag:s18] =	ssyncadd.s32 @!p0 $0xFFFFFC00  }
0x7b: {  	_ =	swait.ge @!p0 [sflag:s18], $0x400  }
0x7c: {  	[sflag:s18] =	ssyncset.done @!p0 $0x0  }
0x7d: {  	[sflag:s18] =	ssyncadd.s32 @!p0 $0xFFFFFC00  }
0x7e: {  	_ =	swait.ge @!p0 [sflag:s18], $0x400  }
0x7f: {  	[sflag:s18] =	ssyncset.done @!p0 $0x0  }
0x80: {  	[sflag:s18] =	ssyncadd.s32 @!p0 $0xFFFFFC00  }
0x81: {  	_ =	swait.ge @!p0 [sflag:s18], $0x400  }
0x82: {  	[sflag:s18] =	ssyncset.done @!p0 $0x0  }
0x83: {  	[sflag:s18] =	ssyncadd.s32 @!p0 $0xFFFFFC00  }
0x84: {  	_ =	swait.ge @!p0 [sflag:s18], $0x400  }
0x85: {  	[sflag:s18] =	ssyncset.done @!p0 $0x0  }
0x86: {  	s16 =	sand.u32 $0x400, s16;
	[sflag:s18] =	ssyncadd.s32 @!p0 $0xFFFFFC00  }
0x87: {  	[tilespmem:s16], [sflag:$0x2] =	stream.linear.gather [hbm4b:s17+s4], $0x400, $0x38;
	[tilespmem:$0xCF80] =	vst v63  }
0x88: {  	_ =	swait.ge [sflag:s11], $0x400  }
0x89: {  	[sflag:s11] =	ssyncset.done $0x0  }
0x8a: {  	[sflag:s11] =	ssyncadd.s32 $0xFFFFFC00  }
0x8b: {  	[spmem:s3] =	stream.indirect.scatter.add.f32 [tilespmem:s12], [sflag:$0x1], $0x8, s16, s13, $0xb8;
	[tilespmem:$0xCF80] =	vst v63  }
0x8c: {  	s25 =	sor.u32 $0x80, s16  }
0x8d: {  	[spmem:s3] =	stream.indirect.scatter.add.f32 [tilespmem:s12], [sflag:$0x1], $0x8, s25, s13, $0xb8;
	[tilespmem:$0xCF80] =	vst v63  }
0x8e: {  	s26 =	sor.u32 $0x100, s16  }
0x8f: {  	[spmem:s3] =	stream.indirect.scatter.add.f32 [tilespmem:s12], [sflag:$0x1], $0x8, s26, s13, $0xb8;
	[tilespmem:$0xCF80] =	vst v63  }
0x90: {  	s28 =	sor.u32 $0x180, s16  }
0x91: {  	[spmem:s3] =	stream.indirect.scatter.add.f32 [tilespmem:s12], [sflag:$0x1], $0x8, s28, s13, $0xb8;
	[tilespmem:$0xCF80] =	vst v63  }
0x92: {  	s29 =	sor.u32 $0x200, s16  }
0x93: {  	[spmem:s3] =	stream.indirect.scatter.add.f32 [tilespmem:s12], [sflag:$0x1], $0x8, s29, s13, $0xb8;
	[tilespmem:$0xCF80] =	vst v63  }
0x94: {  	s30 =	sor.u32 $0x280, s16  }
0x95: {  	[spmem:s3] =	stream.indirect.scatter.add.f32 [tilespmem:s12], [sflag:$0x1], $0x8, s30, s13, $0xb8;
	[tilespmem:$0xCF80] =	vst v63  }
0x96: {  	s31 =	sor.u32 $0x300, s16  }
0x97: {  	[spmem:s3] =	stream.indirect.scatter.add.f32 [tilespmem:s12], [sflag:$0x1], $0x8, s31, s13, $0xb8;
	[tilespmem:$0xCF80] =	vst v63  }
0x98: {  	s16 =	sor.u32 $0x380, s16  }
0x99: {  	[spmem:s3] =	stream.indirect.scatter.add.f32 [tilespmem:s12], [sflag:$0x1], $0x8, s16, s13, $0xb8;
	[tilespmem:$0xCF80] =	vst v63  }
0x9a: {  	_ =	swait.ge [sflag:s14], $0x400  }
0x9b: {  	[sflag:s14] =	ssyncset.done $0x0  }
0x9c: {  	[sflag:s14] =	ssyncadd.s32 $0xFFFFFC00  }
0x9d: {  	_ =	swait.ge [sflag:s14], $0x400  }
0x9e: {  	[sflag:s14] =	ssyncset.done $0x0  }
0x9f: {  	[sflag:s14] =	ssyncadd.s32 $0xFFFFFC00  }
0xa0: {  	_ =	swait.ge [sflag:s14], $0x400  }
0xa1: {  	[sflag:s14] =	ssyncset.done $0x0  }
0xa2: {  	[sflag:s14] =	ssyncadd.s32 $0xFFFFFC00  }
0xa3: {  	_ =	swait.ge [sflag:s14], $0x400  }
0xa4: {  	[sflag:s14] =	ssyncset.done $0x0  }
0xa5: {  	[sflag:s14] =	ssyncadd.s32 $0xFFFFFC00  }
0xa6: {  	_ =	swait.ge [sflag:s14], $0x400  }
0xa7: {  	[sflag:s14] =	ssyncset.done $0x0  }
0xa8: {  	[sflag:s14] =	ssyncadd.s32 $0xFFFFFC00  }
0xa9: {  	_ =	swait.ge [sflag:s14], $0x400  }
0xaa: {  	[sflag:s14] =	ssyncset.done $0x0  }
0xab: {  	[sflag:s14] =	ssyncadd.s32 $0xFFFFFC00  }
0xac: {  	_ =	swait.ge [sflag:s14], $0x400  }
0xad: {  	[sflag:s14] =	ssyncset.done $0x0  }
0xae: {  	[sflag:s14] =	ssyncadd.s32 $0xFFFFFC00  }
0xaf: {  	_ =	swait.ge [sflag:s14], $0x400  }
0xb0: {  	[sflag:s14] =	ssyncset.done $0x0  }
0xb1: {  	[sflag:s14] =	ssyncadd.s32 $0xFFFFFC00  }
0xb2: {  	_ =	swait.ge [sflag:s14], $0x400  }
0xb3: {  	[sflag:s14] =	ssyncset.done $0x0  }
0xb4: {  	[sflag:s14] =	ssyncadd.s32 $0xFFFFFC00  }
0xb5: {  	_ =	swait.ge [sflag:s14], $0x400  }
0xb6: {  	[sflag:s14] =	ssyncset.done $0x0  }
0xb7: {  	[sflag:s14] =	ssyncadd.s32 $0xFFFFFC00  }
0xb8: {  	_ =	swait.ge [sflag:s14], $0x400  }
0xb9: {  	[sflag:s14] =	ssyncset.done $0x0  }
0xba: {  	[sflag:s14] =	ssyncadd.s32 $0xFFFFFC00  }
0xbb: {  	_ =	swait.ge [sflag:s14], $0x400  }
0xbc: {  	[sflag:s14] =	ssyncset.done $0x0  }
0xbd: {  	[sflag:s14] =	ssyncadd.s32 $0xFFFFFC00  }
0xbe: {  	_ =	swait.ge [sflag:s14], $0x400  }
0xbf: {  	[sflag:s14] =	ssyncset.done $0x0  }
0xc0: {  	[sflag:s14] =	ssyncadd.s32 $0xFFFFFC00  }
0xc1: {  	_ =	swait.ge [sflag:s14], $0x400  }
0xc2: {  	[sflag:s14] =	ssyncset.done $0x0  }
0xc3: {  	[sflag:s14] =	ssyncadd.s32 $0xFFFFFC00  }
0xc4: {  	_ =	swait.ge [sflag:s14], $0x400  }
0xc5: {  	[sflag:s14] =	ssyncset.done $0x0  }
0xc6: {  	[sflag:s14] =	ssyncadd.s32 $0xFFFFFC00  }
0xc7: {  	_ =	swait.ge [sflag:s14], $0x400  }
0xc8: {  	s15 =	sadd.s32 $0x1, s15;
	[sflag:s14] =	ssyncset.done $0x0  }
0xc9: {  	p0 =	sne.s32 s15, s8;
	[sflag:s14] =	ssyncadd.s32 $0xFFFFFC00  }
.Ltmp1:
0xca: {  	[bflag:$0x0] =	sbarrier.arrive $0xFFFF;
	(pc) =	sbr.rel @p0 .LBB2_1-.Ltmp1, $4  }
0xcb: {  	[hbm:s7], [sflag:s6] =	dma.local [spmem:s10], $0x1870  }
0xcc: {  	_ =	swait.ge [sflag:s11], $0x1870  }
0xcd: {  	[sflag:s11] =	ssyncset.done $0x0  }
0xce: {  	[sflag:s11] =	ssyncadd.s32 $0xFFFFE790  }
0xcf: {  	_ =	sfence.sel $0x180000  }
0xd0: {  	[bflag:$0x0] =	sbarrier.arrive $0xFFFF  }
0xd1: {  	p0 =	sne.s32 s0, $0x0;
	_ =	strace $0x90000047  }
0xd2: {  	s0 =	sadd.s32 @!p0 $0x100000, s1;
	[bflag:$0x2] =	sbarrier.arrive $0xFFFF  }
0xd3: {  	[sflag:s0] =	ssyncadd.tile.s32 @!p0 $0x1;
	_ =	shalt  }
.Lfunc_end2:
_tile_overlayer_lowered:
.L_overlay_start_2:
0xd4: {  	(tag) =	ssettag $0x2  }
0xd5: {  	s0 =	rddreg [dreg:$0x0];
	s2 =	stileid.u32  }
0xd6: {  	s1 =	rddreg [dreg:$0x1];
	p0 =	sne.s32 s2, $0x0  }
0xd7: {  	s3 =	rddreg [dreg:$0x2];
	[bflag:$0x3] =	sbarrier.arrive $0xFFFF;
	s2 =	simm.s32 @!p0 $0x1C02  }
0xd8: {  	[timem:s3], [sflag:s2] =	dma.local @!p0 [hbm:s0], s1  }
0xd9: {  	s0 =	simm.s32 @!p0 $0x2  }
0xda: {  	_ =	swait.ge @!p0 [sflag:s0], s1  }
0xdb: {  	s1 =	ssub.s32 @!p0 $0x0, s1;
	[sflag:s0] =	ssyncset.done @!p0 $0x0  }
0xdc: {  	[sflag:s0] =	ssyncadd.s32 @!p0 s1  }
0xdd: {  	[bflag:$0x3] =	sbarrier.arrive $0xFFFF  }
0xde: {  	_ =	shalt  }

// kernel: kernel.13.cloned.1.call-start
scs
__scs_entry_jumppad:
0x0: {  	(pc) =	sbr.rel $0x88, $3  }
0x1: {  	(tag) =	ssettag $0x0;
	lr =	simm.s32 $0x1  }
0x2: {  	[smem:$0x3F97] =	sst lr;
	_ =	strace $0xD0000000  }
0x3: {  	_ = 	snop  }
0x4: {  	_ = 	snop  }
0x5: {  	_ = 	snop  }
0x6: {  	_ = 	snop  }
0x7: {  	_ = 	snop  }
__scs_overlays_trampoline_lowered:
0x8: {  	[smem:$0x3FA6] =	sst s0  }
0x9: {  	[smem:$0x3FA7] =	sst s1  }
0xa: {  	[smem:$0x3FA8] =	sst s2  }
0xb: {  	[smem:$0x3FA9] =	sst s3  }
0xc: {  	[smem:$0x3FAA] =	sst s4  }
0xd: {  	[smem:$0x3FAB] =	sst s5  }
0xe: {  	[smem:$0x3FAC] =	sst s6  }
0xf: {  	[smem:$0x3FAD] =	sst s7  }
0x10: {  	[smem:$0x3FAE] =	sst s8  }
0x11: {  	[smem:$0x3FAF] =	sst s9;
	s0 =	simm.s32 @!p0 $0x0  }
0x12: {  	s1 =	sld [smem:$0x3F95];
	s0 =	simm.s32 @p0 $0x1  }
0x13: {  	[smem:$0x3FB0] =	sst s0;
	s0 =	simm.s32 @!p1 $0x0  }
0x14: {  	s2 =	sld [smem:$0x3F94];
	s0 =	simm.s32 @p1 $0x1  }
0x15: {  	[smem:$0x3FB1] =	sst s0;
	s0 =	simm.s32 @!p2 $0x0  }
0x16: {  	s3 =	sld [smem:$0x3FDB];
	s0 =	simm.s32 @p2 $0x1  }
0x17: {  	s4 =	simm.s32 $0x1BF5;
	[smem:$0x3FB3] =	sst s0  }
0x18: {  	s0 =	sld [smem:$0x3F96];
	_ =	swait.ge [sflag:s4], $0x0  }
0x19: {  	s7 =	sld [smem:$0x3F97]  }
0x1a: {  	s8 =	sadd.s32 $0xFFFFE003, lr  }
0x1b: {  	s9 =	sadd.s32 $0xFFFFFEF7, lr;
	s5 =	simm.s32 $0xFFFFFFFF;
	p2 =	slt.u32 s8, $0xFFFFF086  }
0x1c: {  	p1 =	slt.u32 s9, $0xF7A;
	s5 =	simm.s32 @!p2 $0x0  }
0x1d: {  	s5 =	simm.s32 @p1 $0x1;
	p0 =	seq.s32 s7, s2  }
0x1e: {  	s7 =	smul.u32 @!p0 $0xF7A, s2;
	p2 =	seq.s32 @!p0 s5, $0x0  }
0x1f: {  	s9 =	smul.u32 $0xF7A, s1;
	s8 =	simm.s32 @!p0 $0x1BF5;
	p2 =	por !p2, p0  }
0x20: {  	[sflag:s8] =	ssyncset.s32 @!p0 $0xFFFFF086;
	s6 =	sadd.s32 @!p0 s3, s7;
	s7 =	simm.s32 @!p0 $0x108  }
0x21: {  	s3 =	sadd.s32 s3, s9;
	s6 =	sadd.s32 @!p0 $0x88, s6;
	s7 =	simm.s32 @p2 $0x1082  }
0x22: {  	[simem:s7], [sflag:s8] =	dma.local @!p0 [hbm:s6], $0xF7A  }
0x23: {  	s9 =	sor.u32 $0xD0000000, s2;
	s6 =	simm.s32 $0x108;
	_ =	swait.ge @!p0 [sflag:s8], $0x0  }
0x24: {  	s3 =	sadd.s32 $0x88, s3;
	s6 =	simm.s32 @!p1 $0x1082;
	[sflag:s4] =	ssyncset.s32 $0xFFFFF086  }
0x25: {  	[simem:s6], [sflag:s4] =	dma.local [hbm:s3], $0xF7A  }
0x26: {  	[smem:$0x3F97] =	sst s1;
	(tag) =	ssettag s2;
	_ =	strace s9  }
0x27: {  	s1 =	sld [smem:$0x3FA7]  }
0x28: {  	s2 =	sld [smem:$0x3FA8]  }
0x29: {  	s4 =	sld [smem:$0x3FAA]  }
0x2a: {  	p0 =	seq.s32 s5, $0x0;
	s5 =	sld [smem:$0x3FAB]  }
0x2b: {  	s6 =	sld [smem:$0x3FAC]  }
0x2c: {  	s7 =	sld [smem:$0x3FAD]  }
0x2d: {  	s3 =	simm.s32 $0x108;
	s8 =	sld [smem:$0x3FAE]  }
0x2e: {  	s3 =	simm.s32 @!p0 $0x1082;
	s9 =	sld [smem:$0x3FAF]  }
0x2f: {  	lr =	sadd.s32 s0, s3;
	s0 =	sld [smem:$0x3FA6]  }
0x30: {  	s3 =	sld [smem:$0x3FA9]  }
0x31: {  	[smem:$0x3FB2] =	sst s10  }
0x32: {  	s10 =	sld [smem:$0x3FB0];
	_ =	sdelay $0x3  }
0x33: {  	p0 =	seq.s32 s10, $0x1;
	s10 =	sld [smem:$0x3FB2];
	_ =	sdelay $0x3  }
0x34: {  	[smem:$0x3FB2] =	sst s10  }
0x35: {  	s10 =	sld [smem:$0x3FB1];
	_ =	sdelay $0x3  }
0x36: {  	p1 =	seq.s32 s10, $0x1;
	s10 =	sld [smem:$0x3FB2];
	_ =	sdelay $0x3  }
0x37: {  	[smem:$0x3FB2] =	sst s10  }
0x38: {  	s10 =	sld [smem:$0x3FB3]  }
0x39: {  	_ = 	snop;
	(pc) =	sbr.ind lr, $3  }
0x3a: {  	_ = 	snop  }
0x3b: {  	_ = 	snop  }
0x3c: {  	p2 =	seq.s32 s10, $0x1;
	s10 =	sld [smem:$0x3FB2]  }
0x3d: {  	_ =	shalt  }
0x3e: {  	_ =	shalt  }
0x3f: {  	_ =	shalt  }
0x40: {  	_ =	shalt  }
0x41: {  	_ =	shalt  }
0x42: {  	_ =	shalt  }
0x43: {  	_ =	shalt  }
0x44: {  	_ =	shalt  }
0x45: {  	_ =	shalt  }
0x46: {  	_ =	shalt  }
0x47: {  	_ =	shalt  }
0x48: {  	_ =	shalt  }
0x49: {  	_ =	shalt  }
0x4a: {  	_ =	shalt  }
0x4b: {  	_ =	shalt  }
0x4c: {  	_ =	shalt  }
0x4d: {  	_ =	shalt  }
0x4e: {  	_ =	shalt  }
0x4f: {  	_ =	shalt  }
0x50: {  	_ =	shalt  }
0x51: {  	_ =	shalt  }
0x52: {  	_ =	shalt  }
0x53: {  	_ =	shalt  }
0x54: {  	_ =	shalt  }
0x55: {  	_ =	shalt  }
0x56: {  	_ =	shalt  }
0x57: {  	_ =	shalt  }
0x58: {  	_ =	shalt  }
0x59: {  	_ =	shalt  }
0x5a: {  	_ =	shalt  }
0x5b: {  	_ =	shalt  }
0x5c: {  	_ =	shalt  }
0x5d: {  	_ =	shalt  }
0x5e: {  	_ =	shalt  }
0x5f: {  	_ =	shalt  }
0x60: {  	_ =	shalt  }
0x61: {  	_ =	shalt  }
0x62: {  	_ =	shalt  }
0x63: {  	_ =	shalt  }
0x64: {  	_ =	shalt  }
0x65: {  	_ =	shalt  }
0x66: {  	_ =	shalt  }
0x67: {  	_ =	shalt  }
0x68: {  	_ =	shalt  }
0x69: {  	_ =	shalt  }
0x6a: {  	_ =	shalt  }
0x6b: {  	_ =	shalt  }
0x6c: {  	_ =	shalt  }
0x6d: {  	_ =	shalt  }
0x6e: {  	_ =	shalt  }
0x6f: {  	_ =	shalt  }
0x70: {  	_ =	shalt  }
0x71: {  	_ =	shalt  }
0x72: {  	_ =	shalt  }
0x73: {  	_ =	shalt  }
0x74: {  	_ =	shalt  }
0x75: {  	_ =	shalt  }
0x76: {  	_ =	shalt  }
0x77: {  	_ =	shalt  }
0x78: {  	_ =	shalt  }
0x79: {  	_ =	shalt  }
0x7a: {  	_ =	shalt  }
0x7b: {  	_ =	shalt  }
0x7c: {  	_ =	shalt  }
0x7d: {  	_ =	shalt  }
0x7e: {  	_ =	shalt  }
0x7f: {  	_ =	shalt  }
0x80: {  	_ =	shalt  }
0x81: {  	_ =	shalt  }
0x82: {  	_ =	shalt  }
0x83: {  	_ =	shalt  }
0x84: {  	_ =	shalt  }
0x85: {  	_ =	shalt  }
0x86: {  	_ =	shalt  }
0x87: {  	_ =	shalt  }
.Lfunc_end0:
.L_simem_size_0:
called_computation.1_lowered:
.L_overlay_start_0:
0x88: {  	s2 =	sld [smem:$0x3FD9]  }
0x89: {  	s3 =	sld [smem:$0x3FFE];
	_ =	sdelay $0x1  }
0x8a: {  	s1 =	srdreg.scid  }
0x8b: {  	s0 =	sand.u32 $0x1, s1  }
0x8c: {  	s16 =	sshll.u32 s0, $0xA;
	s2 =	sadd.s32 s3, s2  }
0x8d: {  	s2 =	sadd.s32 s2, s16  }
0x8e: {  	[smem:$0x3FBE] =	sst s2  }
0x8f: {  	_ = 	snop  }
0x90: {  	(tm) =	ssettm $0x1  }
0x91: {  	s17 =	sld [smem:$0x3FFB];
	_ =	sdelay $0x3  }
0x92: {  	_ =	strace s17  }
0x93: {  	s2 =	sld [smem:$0x3FFC];
	_ =	sdelay $0x3  }
0x94: {  	_ =	strace s2  }
0x95: {  	s2 =	sld [smem:$0x3FFD];
	_ =	sdelay $0x3  }
0x96: {  	_ =	strace s2  }
0x97: {  	_ =	strace $0x8FFFFFFF  }
0x98: {  	s18 =	sld [smem:$0x3FDB];
	_ =	sdelay $0x1  }
0x99: {  	s19 =	simm.s32 $_scs_section_size  }
0x9a: {  	s4 =	simm.s32 $_size__tile_overlayer_lowered;
	s5 =	simm.s32 $_tile_overlayer_lowered  }
0x9b: {  	s22 =	simm.s32 $0x1BFF;
	s21 =	sshll.u32 s5, $0x1;
	s2 =	sadd.s32 s19, s18  }
0x9c: {  	s6 =	simm.s32 $0x0;
	s20 =	sshll.u32 s4, $0x1;
	s4 =	sadd.s32 s21, s2  }
0x9d: {  	[timem:s6], [sflag:s22] =	dma.local [hbm:s4], s20  }
0x9e: {  	_ =	swait.ge [sflag:s22], s20  }
0x9f: {  	s3 =	ssub.s32 $0x0, s20;
	[sflag:s22] =	ssyncset.done $0x0  }
0xa0: {  	[sflag:s22] =	ssyncadd.s32 s3;
	_ =	sdelay $0x1  }
0xa1: {  	s23 =	simm.s32 $0x1B8B  }
0xa2: {  	_ =	swait.ge [sflag:s23], $0x1  }
0xa3: {  	[sflag:s23] =	ssyncset.done $0x0  }
0xa4: {  	s25 =	simm.s32 $0x1B8E;
	s24 =	sld [smem:$0x3FFE];
	[sflag:s23] =	ssyncadd.s32 $0xFFFFFFFF  }
0xa5: {  	s26 =	simm.s32 $execute0_lowered;
	[smem:$0x3FD2] =	sst s25  }
0xa6: {  	s4 =	sshll.u32 s26, $0x1;
	_ =	strace $0x80000049;
	[dreg:$0x1] =	wrdreg $0xFFFFFFFF  }
0xa7: {  	s28 =	simm.s32 $_size_execute0_lowered;
	s2 =	sadd.s32 s2, s4;
	[dreg:$0x0] =	wrdreg $0x0  }
0xa8: {  	s4 =	sshll.u32 s28, $0x1;
	[dreg:$0x2] =	wrdreg s2  }
0xa9: {  	[dreg:$0x3] =	wrdreg s4  }
0xaa: {  	[dreg:$0x4] =	wrdreg $0xC0  }
0xab: {  	_ =	task [dreg:s6], $0x5FFFF  }
0xac: {  	[dreg:$0x1] =	wrdreg $0xFFFFFFFF  }
0xad: {  	[dreg:$0x0] =	wrdreg $0x60  }
0xae: {  	[dreg:$0x2] =	wrdreg s24  }
0xaf: {  	[dreg:$0x3] =	wrdreg $0x50000  }
0xb0: {  	[dreg:$0x4] =	wrdreg $0x9  }
0xb1: {  	_ =	task.clear_ibuf [dreg:s6], $0x5FFFF;
	_ =	strace $0x90000049  }
0xb2: {  	s29 =	simm.s32 $0x9;
	_ =	strace $0x8000004B  }
0xb3: {  	_ =	swait.ge [sflag:s29], $0x1  }
0xb4: {  	[sflag:s29] =	ssyncadd.s32 $0xFFFFFFFF  }
0xb5: {  	_ =	strace $0x9000004B  }
0xb6: {  	_ =	sfence  }
0xb7: {  	s30 =	sld [smem:$0x0];
	_ =	sdelay $0x2  }
0xb8: {  	s31 =	sshll.u32 s1, $0xD;
	s1 =	sshrl.u32 s1, $0x2  }
0xb9: {  	s3 =	sand.u32 $0x4000, s31;
	s1 =	sadd.s32 s1, s30  }
0xba: {  	s0 =	sor.u32 s3, s0;
	s1 =	sshll.u32 s1, $0x11  }
0xbb: {  	s0 =	sor.u32 s1, s0  }
0xbc: {  	s0 =	sadd.s32 $0x8F2B, s0  }
0xbd: {  	[sflag:s0] =	ssyncadd.remote.s32 $0x1  }
0xbe: {  	_ =	sfence.sel $0xFFFF  }
0xbf: {  	[dreg:$0x0] =	wrdreg $0xFFFFFFFF;
	(pc) =	sbr.abs _section_cstart, $3  }
0xc0: {  	[dreg:$0x1] =	wrdreg $0xFFFFFFFF  }
0xc1: {  	_ =	task.clear_ibuf [dreg:s6], $0x2FFFF;
	_ =	strace $0x9FFFFFFF  }
0xc2: {  	(tm) =	ssettm $0x7FFFFFFF  }
0xc3: {  	_ =	shalt  }
tec
execute0_lowered:
.L_overlay_start_1:
0x0: {  	(tag) =	ssettag $0x1  }
0x1: {  	s0 =	srdreg.scid;
	s6 =	rddreg [dreg:$0x0]  }
0x2: {  	s2 =	rddreg [dreg:$0x1];
	s7 =	sand.u32 $0x1, s0  }
0x3: {  	s0 =	stileid.u32;
	s4 =	smul.u32 $0x188000, s7  }
0x4: {  	s1 =	rddreg [dreg:$0x2];
	s3 =	simm.s32 $0x0;
	s5 =	smul.u32 $0x18800, s0  }
0x5: {  	s14 =	simm.s32 $0x2;
	s15 =	simm.s32 $0x0;
	s8 =	smul.u32 $0xC380, s0  }
0x6: {  	[smem:$0x7FF] =	sst s3;
	s30 =	smul.u32 $0xC3800, s7;
	s7 =	ssub.s32 $0x2, s7  }
0x7: {  	_ =	strace $0x8000004A;
	s11 =	sshll.u32 s0, $0x6;
	s31 =	sshrl.u32 s7, $0x1  }
0x8: {  	s4 =	sadd.s32 s5, s4;
	s10 =	sadd.s32 s8, s30;
	s5 =	sadd.s32 $0x36E00, s6  }
0x9: {  	s12 =	ssub.s32 s7, s31;
	s13 =	sadd.s32 s8, s2;
	s4 =	sshrl.u32 s4, $0x3  }
0xa: {  	s10 =	sshrl.u32 s10, $0x3;
	s8 =	smax.u32 s12, $0x1;
	s12 =	simm.s32 $0x80  }
0xb: {  	s9 =	sadd.s32 s4, s6;
	s4 =	sadd.s32 $0x5E00, s6;
	s10 =	sadd.s32 s10, s6  }
0xc: {  	s6 =	sor.u32 $0x1C03, s11;
	s11 =	simm.s32 $0x3;
	s7 =	sadd.s32 $0x38800, s10  }
0xd: {  	s9 =	sadd.s32 $0x2B4000, s9;
	s10 =	sshrl.u32 s13, $0x3;
	s13 =	simm.s32 $0x1  }
.LBB2_1:
0xe: {  	[spmem:s10], [sflag:s6] =	dma.local [hbm:s5], $0x1870  }
0xf: {  	_ =	swait.ge [sflag:s11], $0x1870  }
0x10: {  	p0 =	por $0x1, $0x1;
	[sflag:s11] =	ssyncset.done $0x0  }
0x11: {  	p0 =	por p0, p0;
	[sflag:s11] =	ssyncadd.s32 $0xFFFFE790  }
0x12: {  	s16 =	simm.s32 @!p0 $0x2;
	[bflag:$0x0] =	sbarrier.arrive $0xFFFF  }
0x13: {  	_ =	swait.ge @!p0 [sflag:s16], $0x400  }
0x14: {  	[sflag:s16] =	ssyncset.done @!p0 $0x0  }
0x15: {  	[sflag:s16] =	ssyncadd.s32 @!p0 $0xFFFFFC00  }
0x16: {  	_ =	swait.ge @!p0 [sflag:s16], $0x400  }
0x17: {  	[sflag:s16] =	ssyncset.done @!p0 $0x0  }
0x18: {  	[sflag:s16] =	ssyncadd.s32 @!p0 $0xFFFFFC00  }
0x19: {  	_ =	swait.ge @!p0 [sflag:s16], $0x400  }
0x1a: {  	[sflag:s16] =	ssyncset.done @!p0 $0x0  }
0x1b: {  	[sflag:s16] =	ssyncadd.s32 @!p0 $0xFFFFFC00  }
0x1c: {  	_ =	swait.ge @!p0 [sflag:s16], $0x400  }
0x1d: {  	[sflag:s16] =	ssyncset.done @!p0 $0x0  }
0x1e: {  	[sflag:s16] =	ssyncadd.s32 @!p0 $0xFFFFFC00  }
0x1f: {  	_ =	swait.ge @!p0 [sflag:s16], $0x400  }
0x20: {  	[sflag:s16] =	ssyncset.done @!p0 $0x0  }
0x21: {  	[sflag:s16] =	ssyncadd.s32 @!p0 $0xFFFFFC00  }
0x22: {  	_ =	swait.ge @!p0 [sflag:s16], $0x400  }
0x23: {  	[sflag:s16] =	ssyncset.done @!p0 $0x0  }
0x24: {  	[sflag:s16] =	ssyncadd.s32 @!p0 $0xFFFFFC00  }
0x25: {  	_ =	swait.ge @!p0 [sflag:s16], $0x400  }
0x26: {  	[sflag:s16] =	ssyncset.done @!p0 $0x0  }
0x27: {  	[sflag:s16] =	ssyncadd.s32 @!p0 $0xFFFFFC00  }
0x28: {  	_ =	swait.ge @!p0 [sflag:s16], $0x400  }
0x29: {  	s17 =	sand.u32 $0x1, s3;
	[sflag:s16] =	ssyncset.done @!p0 $0x0  }
0x2a: {  	[sflag:s16] =	ssyncadd.s32 @!p0 $0xFFFFFC00;
	s16 =	sshll.u32 s17, $0xB  }
0x2b: {  	[tilespmem:s16], [sflag:$0x3] =	stream.linear.gather [hbm4b:s9+s3], $0x800, $0x38;
	[tilespmem:$0x11380] =	vst v63  }
0x2c: {  	_ =	swait.ge [sflag:s11], $0x800  }
0x2d: {  	s17 =	sshll.u32 s17, $0xD;
	[sflag:s11] =	ssyncset.done $0x0  }
0x2e: {  	s18 =	sor.u32 $0x1000, s17;
	[sflag:s11] =	ssyncadd.s32 $0xFFFFF800  }
0x2f: {  	[tilespmem:s18], [sflag:$0x1] =	stream.indirect.gather [hbm4b:s4+s12], $0x8, s16, s12, $0xb8;
	[tilespmem:$0x11380] =	vst v63  }
0x30: {  	s20 =	sor.u32 $0x1400, s17;
	s19 =	sor.u32 $0x100, s16  }
0x31: {  	[tilespmem:s20], [sflag:$0x1] =	stream.indirect.gather [hbm4b:s4+s12], $0x8, s19, s12, $0xb8;
	[tilespmem:$0x11380] =	vst v63  }
0x32: {  	s21 =	sor.u32 $0x1800, s17;
	s24 =	sor.u32 $0x200, s16  }
0x33: {  	[tilespmem:s21], [sflag:$0x1] =	stream.indirect.gather [hbm4b:s4+s12], $0x8, s24, s12, $0xb8;
	[tilespmem:$0x11380] =	vst v63  }
0x34: {  	s22 =	sor.u32 $0x1C00, s17;
	s25 =	sor.u32 $0x300, s16  }
0x35: {  	[tilespmem:s22], [sflag:$0x1] =	stream.indirect.gather [hbm4b:s4+s12], $0x8, s25, s12, $0xb8;
	[tilespmem:$0x11380] =	vst v63  }
0x36: {  	s23 =	sadd.s32 $0x2000, s17;
	s26 =	sor.u32 $0x400, s16  }
0x37: {  	[tilespmem:s23], [sflag:$0x1] =	stream.indirect.gather [hbm4b:s4+s12], $0x8, s26, s12, $0xb8;
	[tilespmem:$0x11380] =	vst v63  }
0x38: {  	s28 =	sor.u32 $0x500, s16;
	s24 =	sadd.s32 $0x2400, s17  }
0x39: {  	[tilespmem:s24], [sflag:$0x1] =	stream.indirect.gather [hbm4b:s4+s12], $0x8, s28, s12, $0xb8;
	[tilespmem:$0x11380] =	vst v63  }
0x3a: {  	s29 =	sor.u32 $0x600, s16;
	s25 =	sadd.s32 $0x2800, s17  }
0x3b: {  	[tilespmem:s25], [sflag:$0x1] =	stream.indirect.gather [hbm4b:s4+s12], $0x8, s29, s12, $0xb8;
	[tilespmem:$0x11380] =	vst v63  }
0x3c: {  	s30 =	sor.u32 $0x700, s16;
	s19 =	sadd.s32 $0x2C00, s17  }
0x3d: {  	[tilespmem:s19], [sflag:$0x1] =	stream.indirect.gather [hbm4b:s4+s12], $0x8, s30, s12, $0xb8;
	[tilespmem:$0x11380] =	vst v63  }
0x3e: {  	_ =	swait.ge [sflag:s13], $0x400  }
0x3f: {  	[sflag:s13] =	ssyncset.done $0x0  }
0x40: {  	[sflag:s13] =	ssyncadd.s32 $0xFFFFFC00  }
0x41: {  	_ =	swait.ge [sflag:s13], $0x400  }
0x42: {  	[sflag:s13] =	ssyncset.done $0x0  }
0x43: {  	[sflag:s13] =	ssyncadd.s32 $0xFFFFFC00  }
0x44: {  	_ =	swait.ge [sflag:s13], $0x400  }
0x45: {  	[sflag:s13] =	ssyncset.done $0x0  }
0x46: {  	[sflag:s13] =	ssyncadd.s32 $0xFFFFFC00  }
0x47: {  	_ =	swait.ge [sflag:s13], $0x400  }
0x48: {  	[sflag:s13] =	ssyncset.done $0x0  }
0x49: {  	[sflag:s13] =	ssyncadd.s32 $0xFFFFFC00  }
0x4a: {  	_ =	swait.ge [sflag:s13], $0x400  }
0x4b: {  	[sflag:s13] =	ssyncset.done $0x0  }
0x4c: {  	[sflag:s13] =	ssyncadd.s32 $0xFFFFFC00  }
0x4d: {  	_ =	swait.ge [sflag:s13], $0x400  }
0x4e: {  	[sflag:s13] =	ssyncset.done $0x0  }
0x4f: {  	[sflag:s13] =	ssyncadd.s32 $0xFFFFFC00  }
0x50: {  	_ =	swait.ge [sflag:s13], $0x400  }
0x51: {  	[sflag:s13] =	ssyncset.done $0x0  }
0x52: {  	[sflag:s13] =	ssyncadd.s32 $0xFFFFFC00  }
0x53: {  	_ =	swait.ge [sflag:s13], $0x400  }
0x54: {  	[sflag:s13] =	ssyncset.done $0x0  }
0x55: {  	s31 =	sor.u32 $0x80, s16;
	[sflag:s13] =	ssyncadd.s32 $0xFFFFFC00  }
0x56: {  	[spmem:s2] =	stream.indirect.scatter.add.f32 [tilespmem:s18], [sflag:$0x2], $0x8, s31, s12, $0xb8;
	[tilespmem:$0x11380] =	vst v63  }
0x57: {  	s18 =	sor.u32 $0x180, s16  }
0x58: {  	[spmem:s2] =	stream.indirect.scatter.add.f32 [tilespmem:s20], [sflag:$0x2], $0x8, s18, s12, $0xb8;
	[tilespmem:$0x11380] =	vst v63  }
0x59: {  	s26 =	sor.u32 $0x280, s16  }
0x5a: {  	[spmem:s2] =	stream.indirect.scatter.add.f32 [tilespmem:s21], [sflag:$0x2], $0x8, s26, s12, $0xb8;
	[tilespmem:$0x11380] =	vst v63  }
0x5b: {  	p6 =	por $0x1, $0x1;
	s28 =	sor.u32 $0x380, s16  }
0x5c: {  	[spmem:s2] =	stream.indirect.scatter.add.f32 [tilespmem:s22], [sflag:$0x2], $0x8, s28, s12, $0xb8;
	[tilespmem:$0x11380] =	vst v63  }
0x5d: {  	p0 =	por p6, p6;
	s29 =	sor.u32 $0x480, s16  }
0x5e: {  	[spmem:s2] =	stream.indirect.scatter.add.f32 [tilespmem:s23], [sflag:$0x2], $0x8, s29, s12, $0xb8;
	[tilespmem:$0x11380] =	vst v63  }
0x5f: {  	s17 =	simm.s32 $0x1;
	s30 =	sor.u32 $0x580, s16;
	s31 =	sor.u32 $0x680, s16  }
0x60: {  	[spmem:s2] =	stream.indirect.scatter.add.f32 [tilespmem:s24], [sflag:$0x2], $0x8, s30, s12, $0xb8;
	[tilespmem:$0x11380] =	vst v63  }
0x61: {  	s18 =	simm.s32 $0x2;
	s20 =	sor.u32 $0x780, s16;
	s16 =	sadd.s32 $0x100, s9  }
0x62: {  	[spmem:s2] =	stream.indirect.scatter.add.f32 [tilespmem:s25], [sflag:$0x2], $0x8, s31, s12, $0xb8;
	[tilespmem:$0x11380] =	vst v63  }
.LBB2_2:
0x63: {  	[spmem:s2] =	stream.indirect.scatter.add.f32 [tilespmem:s19], [sflag:$0x2], $0x8, s20, s12, $0xb8;
	[tilespmem:$0x11380] =	vst v63  }
0x64: {  	s19 =	smov.u32 s18  }
0x65: {  	s18 =	sadd.s32 $0x1, s18;
	s20 =	simm.s32 @!p0 $0x2;
	p2 =	slt.u32 s19, $0x2  }
0x66: {  	p1 =	sne.s32 s18, $0x31;
	_ =	swait.ge @!p0 [sflag:s20], $0x400  }
0x67: {  	[sflag:s20] =	ssyncset.done @!p0 $0x0  }
0x68: {  	[sflag:s20] =	ssyncadd.s32 @!p0 $0xFFFFFC00  }
0x69: {  	_ =	swait.ge @!p0 [sflag:s20], $0x400  }
0x6a: {  	[sflag:s20] =	ssyncset.done @!p0 $0x0  }
0x6b: {  	[sflag:s20] =	ssyncadd.s32 @!p0 $0xFFFFFC00  }
0x6c: {  	_ =	swait.ge @!p0 [sflag:s20], $0x400  }
0x6d: {  	[sflag:s20] =	ssyncset.done @!p0 $0x0  }
0x6e: {  	[sflag:s20] =	ssyncadd.s32 @!p0 $0xFFFFFC00  }
0x6f: {  	_ =	swait.ge @!p0 [sflag:s20], $0x400  }
0x70: {  	[sflag:s20] =	ssyncset.done @!p0 $0x0  }
0x71: {  	[sflag:s20] =	ssyncadd.s32 @!p0 $0xFFFFFC00  }
0x72: {  	_ =	swait.ge @!p0 [sflag:s20], $0x400  }
0x73: {  	[sflag:s20] =	ssyncset.done @!p0 $0x0  }
0x74: {  	[sflag:s20] =	ssyncadd.s32 @!p0 $0xFFFFFC00  }
0x75: {  	_ =	swait.ge @!p0 [sflag:s20], $0x400  }
0x76: {  	[sflag:s20] =	ssyncset.done @!p0 $0x0  }
0x77: {  	[sflag:s20] =	ssyncadd.s32 @!p0 $0xFFFFFC00  }
0x78: {  	_ =	swait.ge @!p0 [sflag:s20], $0x400  }
0x79: {  	[sflag:s20] =	ssyncset.done @!p0 $0x0  }
0x7a: {  	[sflag:s20] =	ssyncadd.s32 @!p0 $0xFFFFFC00  }
0x7b: {  	_ =	swait.ge @!p0 [sflag:s20], $0x400  }
0x7c: {  	s21 =	sand.u32 $0x1, s17;
	s17 =	smov.u32 s19;
	[sflag:s20] =	ssyncset.done @!p0 $0x0  }
0x7d: {  	s19 =	sshll.u32 s21, $0xD;
	[sflag:s20] =	ssyncadd.s32 @!p0 $0xFFFFFC00;
	s20 =	sshll.u32 s21, $0xB  }
0x7e: {  	[tilespmem:s20], [sflag:$0x3] =	stream.linear.gather [hbm4b:s16+s3], $0x800, $0x38;
	[tilespmem:$0x11380] =	vst v63  }
0x7f: {  	p0 =	por p2, p2;
	_ =	swait.ge [sflag:s11], $0x800  }
0x80: {  	[sflag:s11] =	ssyncset.done $0x0  }
0x81: {  	s21 =	sor.u32 $0x1000, s19;
	[sflag:s11] =	ssyncadd.s32 $0xFFFFF800  }
0x82: {  	[tilespmem:s21], [sflag:$0x1] =	stream.indirect.gather [hbm4b:s4+s12], $0x8, s20, s12, $0xb8;
	[tilespmem:$0x11380] =	vst v63  }
0x83: {  	s22 =	sor.u32 $0x1400, s19;
	s23 =	sor.u32 $0x100, s20  }
0x84: {  	[tilespmem:s22], [sflag:$0x1] =	stream.indirect.gather [hbm4b:s4+s12], $0x8, s23, s12, $0xb8;
	[tilespmem:$0x11380] =	vst v63  }
0x85: {  	s24 =	sor.u32 $0x200, s20;
	s23 =	sor.u32 $0x1800, s19  }
0x86: {  	[tilespmem:s23], [sflag:$0x1] =	stream.indirect.gather [hbm4b:s4+s12], $0x8, s24, s12, $0xb8;
	[tilespmem:$0x11380] =	vst v63  }
0x87: {  	s25 =	sor.u32 $0x300, s20;
	s24 =	sor.u32 $0x1C00, s19  }
0x88: {  	[tilespmem:s24], [sflag:$0x1] =	stream.indirect.gather [hbm4b:s4+s12], $0x8, s25, s12, $0xb8;
	[tilespmem:$0x11380] =	vst v63  }
0x89: {  	s26 =	sor.u32 $0x400, s20;
	s25 =	sadd.s32 $0x2000, s19  }
0x8a: {  	[tilespmem:s25], [sflag:$0x1] =	stream.indirect.gather [hbm4b:s4+s12], $0x8, s26, s12, $0xb8;
	[tilespmem:$0x11380] =	vst v63  }
0x8b: {  	s28 =	sor.u32 $0x500, s20;
	s26 =	sadd.s32 $0x2400, s19  }
0x8c: {  	[tilespmem:s26], [sflag:$0x1] =	stream.indirect.gather [hbm4b:s4+s12], $0x8, s28, s12, $0xb8;
	[tilespmem:$0x11380] =	vst v63  }
0x8d: {  	s29 =	sor.u32 $0x600, s20;
	s28 =	sadd.s32 $0x2800, s19  }
0x8e: {  	[tilespmem:s28], [sflag:$0x1] =	stream.indirect.gather [hbm4b:s4+s12], $0x8, s29, s12, $0xb8;
	[tilespmem:$0x11380] =	vst v63  }
0x8f: {  	s19 =	sadd.s32 $0x2C00, s19;
	s29 =	sor.u32 $0x700, s20  }
0x90: {  	[tilespmem:s19], [sflag:$0x1] =	stream.indirect.gather [hbm4b:s4+s12], $0x8, s29, s12, $0xb8;
	[tilespmem:$0x11380] =	vst v63  }
0x91: {  	_ =	swait.ge [sflag:s13], $0x400  }
0x92: {  	[sflag:s13] =	ssyncset.done $0x0  }
0x93: {  	[sflag:s13] =	ssyncadd.s32 $0xFFFFFC00  }
0x94: {  	_ =	swait.ge [sflag:s13], $0x400  }
0x95: {  	[sflag:s13] =	ssyncset.done $0x0  }
0x96: {  	[sflag:s13] =	ssyncadd.s32 $0xFFFFFC00  }
0x97: {  	_ =	swait.ge [sflag:s13], $0x400  }
0x98: {  	[sflag:s13] =	ssyncset.done $0x0  }
0x99: {  	[sflag:s13] =	ssyncadd.s32 $0xFFFFFC00  }
0x9a: {  	_ =	swait.ge [sflag:s13], $0x400  }
0x9b: {  	[sflag:s13] =	ssyncset.done $0x0  }
0x9c: {  	[sflag:s13] =	ssyncadd.s32 $0xFFFFFC00  }
0x9d: {  	_ =	swait.ge [sflag:s13], $0x400  }
0x9e: {  	[sflag:s13] =	ssyncset.done $0x0  }
0x9f: {  	[sflag:s13] =	ssyncadd.s32 $0xFFFFFC00  }
0xa0: {  	_ =	swait.ge [sflag:s13], $0x400  }
0xa1: {  	[sflag:s13] =	ssyncset.done $0x0  }
0xa2: {  	[sflag:s13] =	ssyncadd.s32 $0xFFFFFC00  }
0xa3: {  	_ =	swait.ge [sflag:s13], $0x400  }
0xa4: {  	[sflag:s13] =	ssyncset.done $0x0  }
0xa5: {  	[sflag:s13] =	ssyncadd.s32 $0xFFFFFC00  }
0xa6: {  	_ =	swait.ge [sflag:s13], $0x400  }
0xa7: {  	[sflag:s13] =	ssyncset.done $0x0  }
0xa8: {  	s29 =	sor.u32 $0x80, s20;
	[sflag:s13] =	ssyncadd.s32 $0xFFFFFC00  }
0xa9: {  	[spmem:s2] =	stream.indirect.scatter.add.f32 [tilespmem:s21], [sflag:$0x2], $0x8, s29, s12, $0xb8;
	[tilespmem:$0x11380] =	vst v63  }
0xaa: {  	s21 =	sor.u32 $0x180, s20  }
0xab: {  	[spmem:s2] =	stream.indirect.scatter.add.f32 [tilespmem:s22], [sflag:$0x2], $0x8, s21, s12, $0xb8;
	[tilespmem:$0x11380] =	vst v63  }
0xac: {  	s21 =	sor.u32 $0x280, s20  }
0xad: {  	[spmem:s2] =	stream.indirect.scatter.add.f32 [tilespmem:s23], [sflag:$0x2], $0x8, s21, s12, $0xb8;
	[tilespmem:$0x11380] =	vst v63  }
0xae: {  	s21 =	sor.u32 $0x380, s20  }
0xaf: {  	[spmem:s2] =	stream.indirect.scatter.add.f32 [tilespmem:s24], [sflag:$0x2], $0x8, s21, s12, $0xb8;
	[tilespmem:$0x11380] =	vst v63  }
0xb0: {  	s21 =	sor.u32 $0x480, s20  }
0xb1: {  	[spmem:s2] =	stream.indirect.scatter.add.f32 [tilespmem:s25], [sflag:$0x2], $0x8, s21, s12, $0xb8;
	[tilespmem:$0x11380] =	vst v63  }
.Ltmp0:
0xb2: {  	s21 =	sor.u32 $0x580, s20;
	(pc) =	sbr.rel @p1 .LBB2_2-.Ltmp0, $4  }
0xb3: {  	[spmem:s2] =	stream.indirect.scatter.add.f32 [tilespmem:s26], [sflag:$0x2], $0x8, s21, s12, $0xb8;
	[tilespmem:$0x11380] =	vst v63  }
0xb4: {  	s21 =	sor.u32 $0x680, s20  }
0xb5: {  	[spmem:s2] =	stream.indirect.scatter.add.f32 [tilespmem:s28], [sflag:$0x2], $0x8, s21, s12, $0xb8;
	[tilespmem:$0x11380] =	vst v63  }
0xb6: {  	s16 =	sadd.s32 $0x100, s16;
	s20 =	sor.u32 $0x780, s20  }
0xb7: {  	[spmem:s2] =	stream.indirect.scatter.add.f32 [tilespmem:s19], [sflag:$0x2], $0x8, s20, s12, $0xb8;
	[tilespmem:$0x11380] =	vst v63  }
0xb8: {  	s18 =	simm.s32 @!p0 $0x2  }
0xb9: {  	_ =	swait.ge @!p0 [sflag:s18], $0x400  }
0xba: {  	[sflag:s18] =	ssyncset.done @!p0 $0x0  }
0xbb: {  	[sflag:s18] =	ssyncadd.s32 @!p0 $0xFFFFFC00  }
0xbc: {  	_ =	swait.ge @!p0 [sflag:s18], $0x400  }
0xbd: {  	[sflag:s18] =	ssyncset.done @!p0 $0x0  }
0xbe: {  	[sflag:s18] =	ssyncadd.s32 @!p0 $0xFFFFFC00  }
0xbf: {  	_ =	swait.ge @!p0 [sflag:s18], $0x400  }
0xc0: {  	[sflag:s18] =	ssyncset.done @!p0 $0x0  }
0xc1: {  	[sflag:s18] =	ssyncadd.s32 @!p0 $0xFFFFFC00  }
0xc2: {  	_ =	swait.ge @!p0 [sflag:s18], $0x400  }
0xc3: {  	[sflag:s18] =	ssyncset.done @!p0 $0x0  }
0xc4: {  	[sflag:s18] =	ssyncadd.s32 @!p0 $0xFFFFFC00  }
0xc5: {  	_ =	swait.ge @!p0 [sflag:s18], $0x400  }
0xc6: {  	[sflag:s18] =	ssyncset.done @!p0 $0x0  }
0xc7: {  	[sflag:s18] =	ssyncadd.s32 @!p0 $0xFFFFFC00  }
0xc8: {  	_ =	swait.ge @!p0 [sflag:s18], $0x400  }
0xc9: {  	[sflag:s18] =	ssyncset.done @!p0 $0x0  }
0xca: {  	[sflag:s18] =	ssyncadd.s32 @!p0 $0xFFFFFC00  }
0xcb: {  	_ =	swait.ge @!p0 [sflag:s18], $0x400  }
0xcc: {  	[sflag:s18] =	ssyncset.done @!p0 $0x0  }
0xcd: {  	[sflag:s18] =	ssyncadd.s32 @!p0 $0xFFFFFC00  }
0xce: {  	_ =	swait.ge @!p0 [sflag:s18], $0x400  }
0xcf: {  	s30 =	sand.u32 $0x1, s17;
	[sflag:s18] =	ssyncset.done @!p0 $0x0  }
0xd0: {  	s17 =	sshll.u32 s30, $0xB;
	[sflag:s18] =	ssyncadd.s32 @!p0 $0xFFFFFC00  }
0xd1: {  	[tilespmem:s17], [sflag:$0x3] =	stream.linear.gather [hbm4b:s16+s3], $0x800, $0x38;
	[tilespmem:$0x11380] =	vst v63  }
0xd2: {  	_ =	swait.ge [sflag:s11], $0x800  }
0xd3: {  	s31 =	sshll.u32 s30, $0xD;
	[sflag:s11] =	ssyncset.done $0x0  }
0xd4: {  	s18 =	sor.u32 $0x1000, s31;
	[sflag:s11] =	ssyncadd.s32 $0xFFFFF800  }
0xd5: {  	[tilespmem:s18], [sflag:$0x1] =	stream.indirect.gather [hbm4b:s4+s12], $0x8, s17, s12, $0xb8;
	[tilespmem:$0x11380] =	vst v63  }
0xd6: {  	s19 =	sor.u32 $0x1400, s31;
	s26 =	sor.u32 $0x100, s17  }
0xd7: {  	[tilespmem:s19], [sflag:$0x1] =	stream.indirect.gather [hbm4b:s4+s12], $0x8, s26, s12, $0xb8;
	[tilespmem:$0x11380] =	vst v63  }
0xd8: {  	s28 =	sor.u32 $0x1800, s31;
	s21 =	sor.u32 $0x200, s17  }
0xd9: {  	[tilespmem:s28], [sflag:$0x1] =	stream.indirect.gather [hbm4b:s4+s12], $0x8, s21, s12, $0xb8;
	[tilespmem:$0x11380] =	vst v63  }
0xda: {  	s29 =	sor.u32 $0x1C00, s31;
	s22 =	sor.u32 $0x300, s17  }
0xdb: {  	[tilespmem:s29], [sflag:$0x1] =	stream.indirect.gather [hbm4b:s4+s12], $0x8, s22, s12, $0xb8;
	[tilespmem:$0x11380] =	vst v63  }
0xdc: {  	s23 =	sor.u32 $0x400, s17;
	s22 =	sadd.s32 $0x2000, s31  }
0xdd: {  	[tilespmem:s22], [sflag:$0x1] =	stream.indirect.gather [hbm4b:s4+s12], $0x8, s23, s12, $0xb8;
	[tilespmem:$0x11380] =	vst v63  }
0xde: {  	s24 =	sor.u32 $0x500, s17;
	s23 =	sadd.s32 $0x2400, s31  }
0xdf: {  	[tilespmem:s23], [sflag:$0x1] =	stream.indirect.gather [hbm4b:s4+s12], $0x8, s24, s12, $0xb8;
	[tilespmem:$0x11380] =	vst v63  }
0xe0: {  	s25 =	sor.u32 $0x600, s17;
	s24 =	sadd.s32 $0x2800, s31  }
0xe1: {  	[tilespmem:s24], [sflag:$0x1] =	stream.indirect.gather [hbm4b:s4+s12], $0x8, s25, s12, $0xb8;
	[tilespmem:$0x11380] =	vst v63  }
0xe2: {  	s30 =	sor.u32 $0x700, s17;
	s16 =	sadd.s32 $0x2C00, s31  }
0xe3: {  	[tilespmem:s16], [sflag:$0x1] =	stream.indirect.gather [hbm4b:s4+s12], $0x8, s30, s12, $0xb8;
	[tilespmem:$0x11380] =	vst v63  }
0xe4: {  	_ =	swait.ge [sflag:s13], $0x400  }
0xe5: {  	[sflag:s13] =	ssyncset.done $0x0  }
0xe6: {  	[sflag:s13] =	ssyncadd.s32 $0xFFFFFC00  }
0xe7: {  	_ =	swait.ge [sflag:s13], $0x400  }
0xe8: {  	[sflag:s13] =	ssyncset.done $0x0  }
0xe9: {  	[sflag:s13] =	ssyncadd.s32 $0xFFFFFC00  }
0xea: {  	_ =	swait.ge [sflag:s13], $0x400  }
0xeb: {  	[sflag:s13] =	ssyncset.done $0x0  }
0xec: {  	[sflag:s13] =	ssyncadd.s32 $0xFFFFFC00  }
0xed: {  	_ =	swait.ge [sflag:s13], $0x400  }
0xee: {  	[sflag:s13] =	ssyncset.done $0x0  }
0xef: {  	[sflag:s13] =	ssyncadd.s32 $0xFFFFFC00  }
0xf0: {  	_ =	swait.ge [sflag:s13], $0x400  }
0xf1: {  	[sflag:s13] =	ssyncset.done $0x0  }
0xf2: {  	[sflag:s13] =	ssyncadd.s32 $0xFFFFFC00  }
0xf3: {  	_ =	swait.ge [sflag:s13], $0x400  }
0xf4: {  	[sflag:s13] =	ssyncset.done $0x0  }
0xf5: {  	[sflag:s13] =	ssyncadd.s32 $0xFFFFFC00  }
0xf6: {  	_ =	swait.ge [sflag:s13], $0x400  }
0xf7: {  	[sflag:s13] =	ssyncset.done $0x0  }
0xf8: {  	[sflag:s13] =	ssyncadd.s32 $0xFFFFFC00  }
0xf9: {  	_ =	swait.ge [sflag:s13], $0x400  }
0xfa: {  	[sflag:s13] =	ssyncset.done $0x0  }
0xfb: {  	s31 =	sor.u32 $0x80, s17;
	[sflag:s13] =	ssyncadd.s32 $0xFFFFFC00  }
0xfc: {  	[spmem:s2] =	stream.indirect.scatter.add.f32 [tilespmem:s18], [sflag:$0x2], $0x8, s31, s12, $0xb8;
	[tilespmem:$0x11380] =	vst v63  }
0xfd: {  	s25 =	sor.u32 $0x180, s17  }
0xfe: {  	[spmem:s2] =	stream.indirect.scatter.add.f32 [tilespmem:s19], [sflag:$0x2], $0x8, s25, s12, $0xb8;
	[tilespmem:$0x11380] =	vst v63  }
0xff: {  	s26 =	sor.u32 $0x280, s17  }
0x100: {  	[spmem:s2] =	stream.indirect.scatter.add.f32 [tilespmem:s28], [sflag:$0x2], $0x8, s26, s12, $0xb8;
	[tilespmem:$0x11380] =	vst v63  }
0x101: {  	s28 =	sor.u32 $0x380, s17  }
0x102: {  	[spmem:s2] =	stream.indirect.scatter.add.f32 [tilespmem:s29], [sflag:$0x2], $0x8, s28, s12, $0xb8;
	[tilespmem:$0x11380] =	vst v63  }
0x103: {  	s29 =	sor.u32 $0x480, s17  }
0x104: {  	[spmem:s2] =	stream.indirect.scatter.add.f32 [tilespmem:s22], [sflag:$0x2], $0x8, s29, s12, $0xb8;
	[tilespmem:$0x11380] =	vst v63  }
0x105: {  	s30 =	sor.u32 $0x580, s17  }
0x106: {  	[spmem:s2] =	stream.indirect.scatter.add.f32 [tilespmem:s23], [sflag:$0x2], $0x8, s30, s12, $0xb8;
	[tilespmem:$0x11380] =	vst v63  }
0x107: {  	s31 =	sor.u32 $0x680, s17  }
0x108: {  	[spmem:s2] =	stream.indirect.scatter.add.f32 [tilespmem:s24], [sflag:$0x2], $0x8, s31, s12, $0xb8;
	[tilespmem:$0x11380] =	vst v63  }
0x109: {  	s17 =	sor.u32 $0x780, s17  }
0x10a: {  	[spmem:s2] =	stream.indirect.scatter.add.f32 [tilespmem:s16], [sflag:$0x2], $0x8, s17, s12, $0xb8;
	[tilespmem:$0x11380] =	vst v63  }
0x10b: {  	_ =	swait.ge [sflag:s14], $0x400  }
0x10c: {  	[sflag:s14] =	ssyncset.done $0x0  }
0x10d: {  	[sflag:s14] =	ssyncadd.s32 $0xFFFFFC00  }
0x10e: {  	_ =	swait.ge [sflag:s14], $0x400  }
0x10f: {  	[sflag:s14] =	ssyncset.done $0x0  }
0x110: {  	[sflag:s14] =	ssyncadd.s32 $0xFFFFFC00  }
0x111: {  	_ =	swait.ge [sflag:s14], $0x400  }
0x112: {  	[sflag:s14] =	ssyncset.done $0x0  }
0x113: {  	[sflag:s14] =	ssyncadd.s32 $0xFFFFFC00  }
0x114: {  	_ =	swait.ge [sflag:s14], $0x400  }
0x115: {  	[sflag:s14] =	ssyncset.done $0x0  }
0x116: {  	[sflag:s14] =	ssyncadd.s32 $0xFFFFFC00  }
0x117: {  	_ =	swait.ge [sflag:s14], $0x400  }
0x118: {  	[sflag:s14] =	ssyncset.done $0x0  }
0x119: {  	[sflag:s14] =	ssyncadd.s32 $0xFFFFFC00  }
0x11a: {  	_ =	swait.ge [sflag:s14], $0x400  }
0x11b: {  	[sflag:s14] =	ssyncset.done $0x0  }
0x11c: {  	[sflag:s14] =	ssyncadd.s32 $0xFFFFFC00  }
0x11d: {  	_ =	swait.ge [sflag:s14], $0x400  }
0x11e: {  	[sflag:s14] =	ssyncset.done $0x0  }
0x11f: {  	[sflag:s14] =	ssyncadd.s32 $0xFFFFFC00  }
0x120: {  	_ =	swait.ge [sflag:s14], $0x400  }
0x121: {  	[sflag:s14] =	ssyncset.done $0x0  }
0x122: {  	[sflag:s14] =	ssyncadd.s32 $0xFFFFFC00  }
0x123: {  	_ =	swait.ge [sflag:s14], $0x400  }
0x124: {  	[sflag:s14] =	ssyncset.done $0x0  }
0x125: {  	[sflag:s14] =	ssyncadd.s32 $0xFFFFFC00  }
0x126: {  	_ =	swait.ge [sflag:s14], $0x400  }
0x127: {  	[sflag:s14] =	ssyncset.done $0x0  }
0x128: {  	[sflag:s14] =	ssyncadd.s32 $0xFFFFFC00  }
0x129: {  	_ =	swait.ge [sflag:s14], $0x400  }
0x12a: {  	[sflag:s14] =	ssyncset.done $0x0  }
0x12b: {  	[sflag:s14] =	ssyncadd.s32 $0xFFFFFC00  }
0x12c: {  	_ =	swait.ge [sflag:s14], $0x400  }
0x12d: {  	[sflag:s14] =	ssyncset.done $0x0  }
0x12e: {  	[sflag:s14] =	ssyncadd.s32 $0xFFFFFC00  }
0x12f: {  	_ =	swait.ge [sflag:s14], $0x400  }
0x130: {  	[sflag:s14] =	ssyncset.done $0x0  }
0x131: {  	[sflag:s14] =	ssyncadd.s32 $0xFFFFFC00  }
0x132: {  	_ =	swait.ge [sflag:s14], $0x400  }
0x133: {  	[sflag:s14] =	ssyncset.done $0x0  }
0x134: {  	[sflag:s14] =	ssyncadd.s32 $0xFFFFFC00  }
0x135: {  	_ =	swait.ge [sflag:s14], $0x400  }
0x136: {  	[sflag:s14] =	ssyncset.done $0x0  }
0x137: {  	[sflag:s14] =	ssyncadd.s32 $0xFFFFFC00  }
0x138: {  	_ =	swait.ge [sflag:s14], $0x400  }
0x139: {  	s15 =	sadd.s32 $0x1, s15;
	[sflag:s14] =	ssyncset.done $0x0  }
0x13a: {  	p0 =	sne.s32 s15, s8;
	[sflag:s14] =	ssyncadd.s32 $0xFFFFFC00  }
.Ltmp1:
0x13b: {  	[bflag:$0x0] =	sbarrier.arrive $0xFFFF;
	(pc) =	sbr.rel @p0 .LBB2_1-.Ltmp1, $4  }
0x13c: {  	[hbm:s7], [sflag:s6] =	dma.local [spmem:s10], $0x1870  }
0x13d: {  	_ =	swait.ge [sflag:s11], $0x1870  }
0x13e: {  	[sflag:s11] =	ssyncset.done $0x0  }
0x13f: {  	[sflag:s11] =	ssyncadd.s32 $0xFFFFE790  }
0x140: {  	_ =	sfence.sel $0x180000  }
0x141: {  	[bflag:$0x0] =	sbarrier.arrive $0xFFFF  }
0x142: {  	p0 =	sne.s32 s0, $0x0;
	_ =	strace $0x9000004A  }
0x143: {  	s0 =	sadd.s32 @!p0 $0x100000, s1;
	[bflag:$0x2] =	sbarrier.arrive $0xFFFF  }
0x144: {  	[sflag:s0] =	ssyncadd.tile.s32 @!p0 $0x1;
	_ =	shalt  }
.Lfunc_end2:
_tile_overlayer_lowered:
.L_overlay_start_2:
0x145: {  	(tag) =	ssettag $0x2  }
0x146: {  	s0 =	rddreg [dreg:$0x0];
	s2 =	stileid.u32  }
0x147: {  	s1 =	rddreg [dreg:$0x1];
	p0 =	sne.s32 s2, $0x0  }
0x148: {  	s3 =	rddreg [dreg:$0x2];
	[bflag:$0x3] =	sbarrier.arrive $0xFFFF;
	s2 =	simm.s32 @!p0 $0x1C03  }
0x149: {  	[timem:s3], [sflag:s2] =	dma.local @!p0 [hbm:s0], s1  }
0x14a: {  	s0 =	simm.s32 @!p0 $0x3  }
0x14b: {  	_ =	swait.ge @!p0 [sflag:s0], s1  }
0x14c: {  	s1 =	ssub.s32 @!p0 $0x0, s1;
	[sflag:s0] =	ssyncset.done @!p0 $0x0  }
0x14d: {  	[sflag:s0] =	ssyncadd.s32 @!p0 s1  }
0x14e: {  	[bflag:$0x3] =	sbarrier.arrive $0xFFFF  }
0x14f: {  	_ =	shalt  }

// kernel: kernel.16.cloned.1.call-start
scs
__scs_entry_jumppad:
0x0: {  	(pc) =	sbr.rel $0x88, $3  }
0x1: {  	(tag) =	ssettag $0x0;
	lr =	simm.s32 $0x1  }
0x2: {  	[smem:$0x3F97] =	sst lr;
	_ =	strace $0xD0000000  }
0x3: {  	_ = 	snop  }
0x4: {  	_ = 	snop  }
0x5: {  	_ = 	snop  }
0x6: {  	_ = 	snop  }
0x7: {  	_ = 	snop  }
__scs_overlays_trampoline_lowered:
0x8: {  	[smem:$0x3FA6] =	sst s0  }
0x9: {  	[smem:$0x3FA7] =	sst s1  }
0xa: {  	[smem:$0x3FA8] =	sst s2  }
0xb: {  	[smem:$0x3FA9] =	sst s3  }
0xc: {  	[smem:$0x3FAA] =	sst s4  }
0xd: {  	[smem:$0x3FAB] =	sst s5  }
0xe: {  	[smem:$0x3FAC] =	sst s6  }
0xf: {  	[smem:$0x3FAD] =	sst s7  }
0x10: {  	[smem:$0x3FAE] =	sst s8  }
0x11: {  	[smem:$0x3FAF] =	sst s9;
	s0 =	simm.s32 @!p0 $0x0  }
0x12: {  	s1 =	sld [smem:$0x3F95];
	s0 =	simm.s32 @p0 $0x1  }
0x13: {  	[smem:$0x3FB0] =	sst s0;
	s0 =	simm.s32 @!p1 $0x0  }
0x14: {  	s2 =	sld [smem:$0x3F94];
	s0 =	simm.s32 @p1 $0x1  }
0x15: {  	[smem:$0x3FB1] =	sst s0;
	s0 =	simm.s32 @!p2 $0x0  }
0x16: {  	s3 =	sld [smem:$0x3FDB];
	s0 =	simm.s32 @p2 $0x1  }
0x17: {  	s4 =	simm.s32 $0x1BF5;
	[smem:$0x3FB3] =	sst s0  }
0x18: {  	s0 =	sld [smem:$0x3F96];
	_ =	swait.ge [sflag:s4], $0x0  }
0x19: {  	s7 =	sld [smem:$0x3F97]  }
0x1a: {  	s8 =	sadd.s32 $0xFFFFE003, lr  }
0x1b: {  	s9 =	sadd.s32 $0xFFFFFEF7, lr;
	s5 =	simm.s32 $0xFFFFFFFF;
	p2 =	slt.u32 s8, $0xFFFFF086  }
0x1c: {  	p1 =	slt.u32 s9, $0xF7A;
	s5 =	simm.s32 @!p2 $0x0  }
0x1d: {  	s5 =	simm.s32 @p1 $0x1;
	p0 =	seq.s32 s7, s2  }
0x1e: {  	s7 =	smul.u32 @!p0 $0xF7A, s2;
	p2 =	seq.s32 @!p0 s5, $0x0  }
0x1f: {  	s9 =	smul.u32 $0xF7A, s1;
	s8 =	simm.s32 @!p0 $0x1BF5;
	p2 =	por !p2, p0  }
0x20: {  	[sflag:s8] =	ssyncset.s32 @!p0 $0xFFFFF086;
	s6 =	sadd.s32 @!p0 s3, s7;
	s7 =	simm.s32 @!p0 $0x108  }
0x21: {  	s3 =	sadd.s32 s3, s9;
	s6 =	sadd.s32 @!p0 $0x88, s6;
	s7 =	simm.s32 @p2 $0x1082  }
0x22: {  	[simem:s7], [sflag:s8] =	dma.local @!p0 [hbm:s6], $0xF7A  }
0x23: {  	s9 =	sor.u32 $0xD0000000, s2;
	s6 =	simm.s32 $0x108;
	_ =	swait.ge @!p0 [sflag:s8], $0x0  }
0x24: {  	s3 =	sadd.s32 $0x88, s3;
	s6 =	simm.s32 @!p1 $0x1082;
	[sflag:s4] =	ssyncset.s32 $0xFFFFF086  }
0x25: {  	[simem:s6], [sflag:s4] =	dma.local [hbm:s3], $0xF7A  }
0x26: {  	[smem:$0x3F97] =	sst s1;
	(tag) =	ssettag s2;
	_ =	strace s9  }
0x27: {  	s1 =	sld [smem:$0x3FA7]  }
0x28: {  	s2 =	sld [smem:$0x3FA8]  }
0x29: {  	s4 =	sld [smem:$0x3FAA]  }
0x2a: {  	p0 =	seq.s32 s5, $0x0;
	s5 =	sld [smem:$0x3FAB]  }
0x2b: {  	s6 =	sld [smem:$0x3FAC]  }
0x2c: {  	s7 =	sld [smem:$0x3FAD]  }
0x2d: {  	s3 =	simm.s32 $0x108;
	s8 =	sld [smem:$0x3FAE]  }
0x2e: {  	s3 =	simm.s32 @!p0 $0x1082;
	s9 =	sld [smem:$0x3FAF]  }
0x2f: {  	lr =	sadd.s32 s0, s3;
	s0 =	sld [smem:$0x3FA6]  }
0x30: {  	s3 =	sld [smem:$0x3FA9]  }
0x31: {  	[smem:$0x3FB2] =	sst s10  }
0x32: {  	s10 =	sld [smem:$0x3FB0];
	_ =	sdelay $0x3  }
0x33: {  	p0 =	seq.s32 s10, $0x1;
	s10 =	sld [smem:$0x3FB2];
	_ =	sdelay $0x3  }
0x34: {  	[smem:$0x3FB2] =	sst s10  }
0x35: {  	s10 =	sld [smem:$0x3FB1];
	_ =	sdelay $0x3  }
0x36: {  	p1 =	seq.s32 s10, $0x1;
	s10 =	sld [smem:$0x3FB2];
	_ =	sdelay $0x3  }
0x37: {  	[smem:$0x3FB2] =	sst s10  }
0x38: {  	s10 =	sld [smem:$0x3FB3]  }
0x39: {  	_ = 	snop;
	(pc) =	sbr.ind lr, $3  }
0x3a: {  	_ = 	snop  }
0x3b: {  	_ = 	snop  }
0x3c: {  	p2 =	seq.s32 s10, $0x1;
	s10 =	sld [smem:$0x3FB2]  }
0x3d: {  	_ =	shalt  }
0x3e: {  	_ =	shalt  }
0x3f: {  	_ =	shalt  }
0x40: {  	_ =	shalt  }
0x41: {  	_ =	shalt  }
0x42: {  	_ =	shalt  }
0x43: {  	_ =	shalt  }
0x44: {  	_ =	shalt  }
0x45: {  	_ =	shalt  }
0x46: {  	_ =	shalt  }
0x47: {  	_ =	shalt  }
0x48: {  	_ =	shalt  }
0x49: {  	_ =	shalt  }
0x4a: {  	_ =	shalt  }
0x4b: {  	_ =	shalt  }
0x4c: {  	_ =	shalt  }
0x4d: {  	_ =	shalt  }
0x4e: {  	_ =	shalt  }
0x4f: {  	_ =	shalt  }
0x50: {  	_ =	shalt  }
0x51: {  	_ =	shalt  }
0x52: {  	_ =	shalt  }
0x53: {  	_ =	shalt  }
0x54: {  	_ =	shalt  }
0x55: {  	_ =	shalt  }
0x56: {  	_ =	shalt  }
0x57: {  	_ =	shalt  }
0x58: {  	_ =	shalt  }
0x59: {  	_ =	shalt  }
0x5a: {  	_ =	shalt  }
0x5b: {  	_ =	shalt  }
0x5c: {  	_ =	shalt  }
0x5d: {  	_ =	shalt  }
0x5e: {  	_ =	shalt  }
0x5f: {  	_ =	shalt  }
0x60: {  	_ =	shalt  }
0x61: {  	_ =	shalt  }
0x62: {  	_ =	shalt  }
0x63: {  	_ =	shalt  }
0x64: {  	_ =	shalt  }
0x65: {  	_ =	shalt  }
0x66: {  	_ =	shalt  }
0x67: {  	_ =	shalt  }
0x68: {  	_ =	shalt  }
0x69: {  	_ =	shalt  }
0x6a: {  	_ =	shalt  }
0x6b: {  	_ =	shalt  }
0x6c: {  	_ =	shalt  }
0x6d: {  	_ =	shalt  }
0x6e: {  	_ =	shalt  }
0x6f: {  	_ =	shalt  }
0x70: {  	_ =	shalt  }
0x71: {  	_ =	shalt  }
0x72: {  	_ =	shalt  }
0x73: {  	_ =	shalt  }
0x74: {  	_ =	shalt  }
0x75: {  	_ =	shalt  }
0x76: {  	_ =	shalt  }
0x77: {  	_ =	shalt  }
0x78: {  	_ =	shalt  }
0x79: {  	_ =	shalt  }
0x7a: {  	_ =	shalt  }
0x7b: {  	_ =	shalt  }
0x7c: {  	_ =	shalt  }
0x7d: {  	_ =	shalt  }
0x7e: {  	_ =	shalt  }
0x7f: {  	_ =	shalt  }
0x80: {  	_ =	shalt  }
0x81: {  	_ =	shalt  }
0x82: {  	_ =	shalt  }
0x83: {  	_ =	shalt  }
0x84: {  	_ =	shalt  }
0x85: {  	_ =	shalt  }
0x86: {  	_ =	shalt  }
0x87: {  	_ =	shalt  }
.Lfunc_end0:
.L_simem_size_0:
called_computation.2_lowered:
.L_overlay_start_0:
0x88: {  	s2 =	sld [smem:$0x3FD9]  }
0x89: {  	s3 =	sld [smem:$0x3FFE];
	_ =	sdelay $0x1  }
0x8a: {  	s1 =	srdreg.scid  }
0x8b: {  	s0 =	sand.u32 $0x1, s1  }
0x8c: {  	s16 =	sshll.u32 s0, $0xA;
	s2 =	sadd.s32 s3, s2  }
0x8d: {  	s2 =	sadd.s32 s2, s16  }
0x8e: {  	[smem:$0x3FBE] =	sst s2  }
0x8f: {  	_ = 	snop  }
0x90: {  	(tm) =	ssettm $0x1  }
0x91: {  	s17 =	sld [smem:$0x3FFB];
	_ =	sdelay $0x3  }
0x92: {  	_ =	strace s17  }
0x93: {  	s2 =	sld [smem:$0x3FFC];
	_ =	sdelay $0x3  }
0x94: {  	_ =	strace s2  }
0x95: {  	s2 =	sld [smem:$0x3FFD];
	_ =	sdelay $0x3  }
0x96: {  	_ =	strace s2  }
0x97: {  	_ =	strace $0x8FFFFFFF  }
0x98: {  	s18 =	sld [smem:$0x3FDB];
	_ =	sdelay $0x1  }
0x99: {  	s19 =	simm.s32 $_scs_section_size  }
0x9a: {  	s4 =	simm.s32 $_size__tile_overlayer_lowered;
	s5 =	simm.s32 $_tile_overlayer_lowered  }
0x9b: {  	s22 =	simm.s32 $0x1BFF;
	s21 =	sshll.u32 s5, $0x1;
	s2 =	sadd.s32 s19, s18  }
0x9c: {  	s6 =	simm.s32 $0x0;
	s20 =	sshll.u32 s4, $0x1;
	s4 =	sadd.s32 s21, s2  }
0x9d: {  	[timem:s6], [sflag:s22] =	dma.local [hbm:s4], s20  }
0x9e: {  	_ =	swait.ge [sflag:s22], s20  }
0x9f: {  	s3 =	ssub.s32 $0x0, s20;
	[sflag:s22] =	ssyncset.done $0x0  }
0xa0: {  	[sflag:s22] =	ssyncadd.s32 s3;
	_ =	sdelay $0x1  }
0xa1: {  	s23 =	simm.s32 $0x1B8B  }
0xa2: {  	_ =	swait.ge [sflag:s23], $0x1  }
0xa3: {  	[sflag:s23] =	ssyncset.done $0x0  }
0xa4: {  	s25 =	simm.s32 $0x1B8E;
	s24 =	sld [smem:$0x3FFE];
	[sflag:s23] =	ssyncadd.s32 $0xFFFFFFFF  }
0xa5: {  	s26 =	simm.s32 $execute0_lowered;
	[smem:$0x3FD2] =	sst s25  }
0xa6: {  	s4 =	sshll.u32 s26, $0x1;
	_ =	strace $0x8000004C;
	[dreg:$0x1] =	wrdreg $0xFFFFFFFF  }
0xa7: {  	s28 =	simm.s32 $_size_execute0_lowered;
	s2 =	sadd.s32 s2, s4;
	[dreg:$0x0] =	wrdreg $0x0  }
0xa8: {  	s4 =	sshll.u32 s28, $0x1;
	[dreg:$0x2] =	wrdreg s2  }
0xa9: {  	[dreg:$0x3] =	wrdreg s4  }
0xaa: {  	[dreg:$0x4] =	wrdreg $0xC0  }
0xab: {  	_ =	task [dreg:s6], $0x5FFFF  }
0xac: {  	[dreg:$0x1] =	wrdreg $0xFFFFFFFF  }
0xad: {  	[dreg:$0x0] =	wrdreg $0x60  }
0xae: {  	[dreg:$0x2] =	wrdreg s24  }
0xaf: {  	[dreg:$0x3] =	wrdreg $0x48000  }
0xb0: {  	[dreg:$0x4] =	wrdreg $0x9  }
0xb1: {  	_ =	task.clear_ibuf [dreg:s6], $0x5FFFF;
	_ =	strace $0x9000004C  }
0xb2: {  	s29 =	simm.s32 $0x9;
	_ =	strace $0x8000004E  }
0xb3: {  	_ =	swait.ge [sflag:s29], $0x1  }
0xb4: {  	[sflag:s29] =	ssyncadd.s32 $0xFFFFFFFF  }
0xb5: {  	_ =	strace $0x9000004E  }
0xb6: {  	_ =	sfence  }
0xb7: {  	s30 =	sld [smem:$0x0];
	_ =	sdelay $0x2  }
0xb8: {  	s31 =	sshll.u32 s1, $0xD;
	s1 =	sshrl.u32 s1, $0x2  }
0xb9: {  	s3 =	sand.u32 $0x4000, s31;
	s1 =	sadd.s32 s1, s30  }
0xba: {  	s0 =	sor.u32 s3, s0;
	s1 =	sshll.u32 s1, $0x11  }
0xbb: {  	s0 =	sor.u32 s1, s0  }
0xbc: {  	s0 =	sadd.s32 $0x8F2B, s0  }
0xbd: {  	[sflag:s0] =	ssyncadd.remote.s32 $0x1  }
0xbe: {  	_ =	sfence.sel $0xFFFF  }
0xbf: {  	[dreg:$0x0] =	wrdreg $0xFFFFFFFF;
	(pc) =	sbr.abs _section_cstart, $3  }
0xc0: {  	[dreg:$0x1] =	wrdreg $0xFFFFFFFF  }
0xc1: {  	_ =	task.clear_ibuf [dreg:s6], $0x2FFFF;
	_ =	strace $0x9FFFFFFF  }
0xc2: {  	(tm) =	ssettm $0x7FFFFFFF  }
0xc3: {  	_ =	shalt  }
tec
execute0_lowered:
.L_overlay_start_1:
0x0: {  	(tag) =	ssettag $0x1  }
0x1: {  	s0 =	srdreg.scid;
	s6 =	rddreg [dreg:$0x0]  }
0x2: {  	s2 =	rddreg [dreg:$0x1];
	s7 =	sand.u32 $0x1, s0  }
0x3: {  	s0 =	stileid.u32;
	s4 =	smul.u32 $0x188000, s7  }
0x4: {  	s1 =	rddreg [dreg:$0x2];
	s3 =	simm.s32 $0x0;
	s5 =	smul.u32 $0x18800, s0  }
0x5: {  	s14 =	simm.s32 $0x2;
	s15 =	simm.s32 $0x0;
	s8 =	smul.u32 $0x18700, s0  }
0x6: {  	[smem:$0x7FF] =	sst s3;
	s30 =	smul.u32 $0x187000, s7;
	s7 =	ssub.s32 $0x2, s7  }
0x7: {  	_ =	strace $0x8000004D;
	s11 =	sshll.u32 s0, $0x6;
	s31 =	sshrl.u32 s7, $0x1  }
0x8: {  	s4 =	sadd.s32 s5, s4;
	s10 =	sadd.s32 s8, s30;
	s5 =	sadd.s32 $0x1BD600, s6  }
0x9: {  	s12 =	ssub.s32 s7, s31;
	s13 =	sadd.s32 s8, s2;
	s4 =	sshrl.u32 s4, $0x3  }
0xa: {  	s10 =	sshrl.u32 s10, $0x3;
	s8 =	smax.u32 s12, $0x1;
	s12 =	simm.s32 $0x80  }
0xb: {  	s9 =	sadd.s32 s4, s6;
	s4 =	sadd.s32 $0x18C800, s6;
	s10 =	sadd.s32 s10, s6  }
0xc: {  	s6 =	sor.u32 $0x1C03, s11;
	s11 =	simm.s32 $0x3;
	s7 =	sadd.s32 $0x316000, s10  }
0xd: {  	s9 =	sadd.s32 $0x2B4000, s9;
	s10 =	sshrl.u32 s13, $0x3;
	s13 =	simm.s32 $0x1  }
.LBB2_1:
0xe: {  	[spmem:s10], [sflag:s6] =	dma.local [hbm:s5], $0x30E0  }
0xf: {  	_ =	swait.ge [sflag:s11], $0x30E0  }
0x10: {  	p0 =	por $0x1, $0x1;
	[sflag:s11] =	ssyncset.done $0x0  }
0x11: {  	p0 =	por p0, p0;
	[sflag:s11] =	ssyncadd.s32 $0xFFFFCF20  }
0x12: {  	s16 =	simm.s32 @!p0 $0x2;
	[bflag:$0x0] =	sbarrier.arrive $0xFFFF  }
0x13: {  	_ =	swait.ge @!p0 [sflag:s16], $0x800  }
0x14: {  	[sflag:s16] =	ssyncset.done @!p0 $0x0  }
0x15: {  	[sflag:s16] =	ssyncadd.s32 @!p0 $0xFFFFF800  }
0x16: {  	_ =	swait.ge @!p0 [sflag:s16], $0x800  }
0x17: {  	[sflag:s16] =	ssyncset.done @!p0 $0x0  }
0x18: {  	[sflag:s16] =	ssyncadd.s32 @!p0 $0xFFFFF800  }
0x19: {  	_ =	swait.ge @!p0 [sflag:s16], $0x800  }
0x1a: {  	[sflag:s16] =	ssyncset.done @!p0 $0x0  }
0x1b: {  	[sflag:s16] =	ssyncadd.s32 @!p0 $0xFFFFF800  }
0x1c: {  	_ =	swait.ge @!p0 [sflag:s16], $0x800  }
0x1d: {  	s17 =	sand.u32 $0x1, s3;
	[sflag:s16] =	ssyncset.done @!p0 $0x0  }
0x1e: {  	s25 =	sshll.u32 s17, $0xA;
	[sflag:s16] =	ssyncadd.s32 @!p0 $0xFFFFF800  }
0x1f: {  	[tilespmem:s25], [sflag:$0x3] =	stream.linear.gather [hbm4b:s9+s3], $0x400, $0x38;
	[tilespmem:$0x1CF00] =	vst v63  }
0x20: {  	_ =	swait.ge [sflag:s11], $0x400  }
0x21: {  	s17 =	sshll.u32 s17, $0xD;
	[sflag:s11] =	ssyncset.done $0x0  }
0x22: {  	s18 =	sor.u32 $0x800, s17;
	[sflag:s11] =	ssyncadd.s32 $0xFFFFFC00  }
0x23: {  	[tilespmem:s18], [sflag:$0x1] =	stream.indirect.gather [hbm4b:s4+s12], $0x10, s25, s12, $0xb8;
	[tilespmem:$0x1CF00] =	vst v63  }
0x24: {  	s20 =	sor.u32 $0x1000, s17;
	s19 =	sor.u32 $0x100, s25  }
0x25: {  	[tilespmem:s20], [sflag:$0x1] =	stream.indirect.gather [hbm4b:s4+s12], $0x10, s19, s12, $0xb8;
	[tilespmem:$0x1CF00] =	vst v63  }
0x26: {  	s21 =	sor.u32 $0x1800, s17;
	s26 =	sor.u32 $0x200, s25  }
0x27: {  	[tilespmem:s21], [sflag:$0x1] =	stream.indirect.gather [hbm4b:s4+s12], $0x10, s26, s12, $0xb8;
	[tilespmem:$0x1CF00] =	vst v63  }
0x28: {  	s28 =	sor.u32 $0x300, s25;
	s19 =	sadd.s32 $0x2000, s17  }
0x29: {  	[tilespmem:s19], [sflag:$0x1] =	stream.indirect.gather [hbm4b:s4+s12], $0x10, s28, s12, $0xb8;
	[tilespmem:$0x1CF00] =	vst v63  }
0x2a: {  	_ =	swait.ge [sflag:s13], $0x800  }
0x2b: {  	[sflag:s13] =	ssyncset.done $0x0  }
0x2c: {  	[sflag:s13] =	ssyncadd.s32 $0xFFFFF800  }
0x2d: {  	_ =	swait.ge [sflag:s13], $0x800  }
0x2e: {  	[sflag:s13] =	ssyncset.done $0x0  }
0x2f: {  	[sflag:s13] =	ssyncadd.s32 $0xFFFFF800  }
0x30: {  	_ =	swait.ge [sflag:s13], $0x800  }
0x31: {  	[sflag:s13] =	ssyncset.done $0x0  }
0x32: {  	[sflag:s13] =	ssyncadd.s32 $0xFFFFF800  }
0x33: {  	_ =	swait.ge [sflag:s13], $0x800  }
0x34: {  	p6 =	por $0x1, $0x1;
	[sflag:s13] =	ssyncset.done $0x0  }
0x35: {  	s29 =	sor.u32 $0x80, s25;
	s30 =	sor.u32 $0x180, s25;
	[sflag:s13] =	ssyncadd.s32 $0xFFFFF800  }
0x36: {  	[spmem:s2] =	stream.indirect.scatter.add.f32 [tilespmem:s18], [sflag:$0x2], $0x10, s29, s12, $0xb8;
	[tilespmem:$0x1CF00] =	vst v63  }
0x37: {  	s31 =	sor.u32 $0x280, s25;
	p0 =	por p6, p6;
	s16 =	sadd.s32 $0x80, s9  }
0x38: {  	[spmem:s2] =	stream.indirect.scatter.add.f32 [tilespmem:s20], [sflag:$0x2], $0x10, s30, s12, $0xb8;
	[tilespmem:$0x1CF00] =	vst v63  }
0x39: {  	s17 =	simm.s32 $0x1;
	s18 =	simm.s32 $0x2;
	s20 =	sor.u32 $0x380, s25  }
0x3a: {  	[spmem:s2] =	stream.indirect.scatter.add.f32 [tilespmem:s21], [sflag:$0x2], $0x10, s31, s12, $0xb8;
	[tilespmem:$0x1CF00] =	vst v63  }
.LBB2_2:
0x3b: {  	[spmem:s2] =	stream.indirect.scatter.add.f32 [tilespmem:s19], [sflag:$0x2], $0x10, s20, s12, $0xb8;
	[tilespmem:$0x1CF00] =	vst v63  }
0x3c: {  	s19 =	smov.u32 s18  }
0x3d: {  	s18 =	sadd.s32 $0x1, s18;
	s20 =	simm.s32 @!p0 $0x2;
	p2 =	slt.u32 s19, $0x2  }
0x3e: {  	p1 =	sne.s32 s18, $0x62;
	_ =	swait.ge @!p0 [sflag:s20], $0x800  }
0x3f: {  	[sflag:s20] =	ssyncset.done @!p0 $0x0  }
0x40: {  	[sflag:s20] =	ssyncadd.s32 @!p0 $0xFFFFF800  }
0x41: {  	_ =	swait.ge @!p0 [sflag:s20], $0x800  }
0x42: {  	[sflag:s20] =	ssyncset.done @!p0 $0x0  }
0x43: {  	[sflag:s20] =	ssyncadd.s32 @!p0 $0xFFFFF800  }
0x44: {  	_ =	swait.ge @!p0 [sflag:s20], $0x800  }
0x45: {  	[sflag:s20] =	ssyncset.done @!p0 $0x0  }
0x46: {  	[sflag:s20] =	ssyncadd.s32 @!p0 $0xFFFFF800  }
0x47: {  	_ =	swait.ge @!p0 [sflag:s20], $0x800  }
0x48: {  	s21 =	sand.u32 $0x1, s17;
	s17 =	smov.u32 s19;
	[sflag:s20] =	ssyncset.done @!p0 $0x0  }
0x49: {  	s19 =	sshll.u32 s21, $0xD;
	[sflag:s20] =	ssyncadd.s32 @!p0 $0xFFFFF800;
	s20 =	sshll.u32 s21, $0xA  }
0x4a: {  	[tilespmem:s20], [sflag:$0x3] =	stream.linear.gather [hbm4b:s16+s3], $0x400, $0x38;
	[tilespmem:$0x1CF00] =	vst v63  }
0x4b: {  	p0 =	por p2, p2;
	_ =	swait.ge [sflag:s11], $0x400  }
0x4c: {  	[sflag:s11] =	ssyncset.done $0x0  }
0x4d: {  	s21 =	sor.u32 $0x800, s19;
	[sflag:s11] =	ssyncadd.s32 $0xFFFFFC00  }
0x4e: {  	[tilespmem:s21], [sflag:$0x1] =	stream.indirect.gather [hbm4b:s4+s12], $0x10, s20, s12, $0xb8;
	[tilespmem:$0x1CF00] =	vst v63  }
0x4f: {  	s22 =	sor.u32 $0x1000, s19;
	s23 =	sor.u32 $0x100, s20  }
0x50: {  	[tilespmem:s22], [sflag:$0x1] =	stream.indirect.gather [hbm4b:s4+s12], $0x10, s23, s12, $0xb8;
	[tilespmem:$0x1CF00] =	vst v63  }
0x51: {  	s24 =	sor.u32 $0x200, s20;
	s23 =	sor.u32 $0x1800, s19  }
0x52: {  	[tilespmem:s23], [sflag:$0x1] =	stream.indirect.gather [hbm4b:s4+s12], $0x10, s24, s12, $0xb8;
	[tilespmem:$0x1CF00] =	vst v63  }
0x53: {  	s19 =	sadd.s32 $0x2000, s19;
	s24 =	sor.u32 $0x300, s20  }
0x54: {  	[tilespmem:s19], [sflag:$0x1] =	stream.indirect.gather [hbm4b:s4+s12], $0x10, s24, s12, $0xb8;
	[tilespmem:$0x1CF00] =	vst v63  }
0x55: {  	_ =	swait.ge [sflag:s13], $0x800  }
0x56: {  	[sflag:s13] =	ssyncset.done $0x0  }
0x57: {  	[sflag:s13] =	ssyncadd.s32 $0xFFFFF800  }
0x58: {  	_ =	swait.ge [sflag:s13], $0x800  }
0x59: {  	[sflag:s13] =	ssyncset.done $0x0  }
0x5a: {  	[sflag:s13] =	ssyncadd.s32 $0xFFFFF800  }
0x5b: {  	_ =	swait.ge [sflag:s13], $0x800  }
0x5c: {  	[sflag:s13] =	ssyncset.done $0x0  }
0x5d: {  	[sflag:s13] =	ssyncadd.s32 $0xFFFFF800  }
0x5e: {  	_ =	swait.ge [sflag:s13], $0x800  }
0x5f: {  	[sflag:s13] =	ssyncset.done $0x0  }
0x60: {  	s24 =	sor.u32 $0x80, s20;
	[sflag:s13] =	ssyncadd.s32 $0xFFFFF800  }
0x61: {  	[spmem:s2] =	stream.indirect.scatter.add.f32 [tilespmem:s21], [sflag:$0x2], $0x10, s24, s12, $0xb8;
	[tilespmem:$0x1CF00] =	vst v63  }
.Ltmp0:
0x62: {  	s21 =	sor.u32 $0x180, s20;
	(pc) =	sbr.rel @p1 .LBB2_2-.Ltmp0, $4  }
0x63: {  	[spmem:s2] =	stream.indirect.scatter.add.f32 [tilespmem:s22], [sflag:$0x2], $0x10, s21, s12, $0xb8;
	[tilespmem:$0x1CF00] =	vst v63  }
0x64: {  	s21 =	sor.u32 $0x280, s20  }
0x65: {  	[spmem:s2] =	stream.indirect.scatter.add.f32 [tilespmem:s23], [sflag:$0x2], $0x10, s21, s12, $0xb8;
	[tilespmem:$0x1CF00] =	vst v63  }
0x66: {  	s16 =	sadd.s32 $0x80, s16;
	s20 =	sor.u32 $0x380, s20  }
0x67: {  	[spmem:s2] =	stream.indirect.scatter.add.f32 [tilespmem:s19], [sflag:$0x2], $0x10, s20, s12, $0xb8;
	[tilespmem:$0x1CF00] =	vst v63  }
0x68: {  	s18 =	simm.s32 @!p0 $0x2  }
0x69: {  	_ =	swait.ge @!p0 [sflag:s18], $0x800  }
0x6a: {  	[sflag:s18] =	ssyncset.done @!p0 $0x0  }
0x6b: {  	[sflag:s18] =	ssyncadd.s32 @!p0 $0xFFFFF800  }
0x6c: {  	_ =	swait.ge @!p0 [sflag:s18], $0x800  }
0x6d: {  	[sflag:s18] =	ssyncset.done @!p0 $0x0  }
0x6e: {  	[sflag:s18] =	ssyncadd.s32 @!p0 $0xFFFFF800  }
0x6f: {  	_ =	swait.ge @!p0 [sflag:s18], $0x800  }
0x70: {  	[sflag:s18] =	ssyncset.done @!p0 $0x0  }
0x71: {  	[sflag:s18] =	ssyncadd.s32 @!p0 $0xFFFFF800  }
0x72: {  	_ =	swait.ge @!p0 [sflag:s18], $0x800  }
0x73: {  	s17 =	sand.u32 $0x1, s17;
	[sflag:s18] =	ssyncset.done @!p0 $0x0  }
0x74: {  	s31 =	sshll.u32 s17, $0xA;
	[sflag:s18] =	ssyncadd.s32 @!p0 $0xFFFFF800  }
0x75: {  	[tilespmem:s31], [sflag:$0x3] =	stream.linear.gather [hbm4b:s16+s3], $0x400, $0x38;
	[tilespmem:$0x1CF00] =	vst v63  }
0x76: {  	_ =	swait.ge [sflag:s11], $0x400  }
0x77: {  	s22 =	sshll.u32 s17, $0xD;
	[sflag:s11] =	ssyncset.done $0x0  }
0x78: {  	s17 =	sor.u32 $0x800, s22;
	[sflag:s11] =	ssyncadd.s32 $0xFFFFFC00  }
0x79: {  	[tilespmem:s17], [sflag:$0x1] =	stream.indirect.gather [hbm4b:s4+s12], $0x10, s31, s12, $0xb8;
	[tilespmem:$0x1CF00] =	vst v63  }
0x7a: {  	s23 =	sor.u32 $0x1000, s22;
	s24 =	sor.u32 $0x100, s31  }
0x7b: {  	[tilespmem:s23], [sflag:$0x1] =	stream.indirect.gather [hbm4b:s4+s12], $0x10, s24, s12, $0xb8;
	[tilespmem:$0x1CF00] =	vst v63  }
0x7c: {  	s25 =	sor.u32 $0x1800, s22;
	s21 =	sor.u32 $0x200, s31  }
0x7d: {  	[tilespmem:s25], [sflag:$0x1] =	stream.indirect.gather [hbm4b:s4+s12], $0x10, s21, s12, $0xb8;
	[tilespmem:$0x1CF00] =	vst v63  }
0x7e: {  	s26 =	sor.u32 $0x300, s31;
	s16 =	sadd.s32 $0x2000, s22  }
0x7f: {  	[tilespmem:s16], [sflag:$0x1] =	stream.indirect.gather [hbm4b:s4+s12], $0x10, s26, s12, $0xb8;
	[tilespmem:$0x1CF00] =	vst v63  }
0x80: {  	_ =	swait.ge [sflag:s13], $0x800  }
0x81: {  	[sflag:s13] =	ssyncset.done $0x0  }
0x82: {  	[sflag:s13] =	ssyncadd.s32 $0xFFFFF800  }
0x83: {  	_ =	swait.ge [sflag:s13], $0x800  }
0x84: {  	[sflag:s13] =	ssyncset.done $0x0  }
0x85: {  	[sflag:s13] =	ssyncadd.s32 $0xFFFFF800  }
0x86: {  	_ =	swait.ge [sflag:s13], $0x800  }
0x87: {  	[sflag:s13] =	ssyncset.done $0x0  }
0x88: {  	[sflag:s13] =	ssyncadd.s32 $0xFFFFF800  }
0x89: {  	_ =	swait.ge [sflag:s13], $0x800  }
0x8a: {  	[sflag:s13] =	ssyncset.done $0x0  }
0x8b: {  	s28 =	sor.u32 $0x80, s31;
	[sflag:s13] =	ssyncadd.s32 $0xFFFFF800  }
0x8c: {  	[spmem:s2] =	stream.indirect.scatter.add.f32 [tilespmem:s17], [sflag:$0x2], $0x10, s28, s12, $0xb8;
	[tilespmem:$0x1CF00] =	vst v63  }
0x8d: {  	s29 =	sor.u32 $0x180, s31  }
0x8e: {  	[spmem:s2] =	stream.indirect.scatter.add.f32 [tilespmem:s23], [sflag:$0x2], $0x10, s29, s12, $0xb8;
	[tilespmem:$0x1CF00] =	vst v63  }
0x8f: {  	s30 =	sor.u32 $0x280, s31  }
0x90: {  	[spmem:s2] =	stream.indirect.scatter.add.f32 [tilespmem:s25], [sflag:$0x2], $0x10, s30, s12, $0xb8;
	[tilespmem:$0x1CF00] =	vst v63  }
0x91: {  	s31 =	sor.u32 $0x380, s31  }
0x92: {  	[spmem:s2] =	stream.indirect.scatter.add.f32 [tilespmem:s16], [sflag:$0x2], $0x10, s31, s12, $0xb8;
	[tilespmem:$0x1CF00] =	vst v63  }
0x93: {  	_ =	swait.ge [sflag:s14], $0x800  }
0x94: {  	[sflag:s14] =	ssyncset.done $0x0  }
0x95: {  	[sflag:s14] =	ssyncadd.s32 $0xFFFFF800  }
0x96: {  	_ =	swait.ge [sflag:s14], $0x800  }
0x97: {  	[sflag:s14] =	ssyncset.done $0x0  }
0x98: {  	[sflag:s14] =	ssyncadd.s32 $0xFFFFF800  }
0x99: {  	_ =	swait.ge [sflag:s14], $0x800  }
0x9a: {  	[sflag:s14] =	ssyncset.done $0x0  }
0x9b: {  	[sflag:s14] =	ssyncadd.s32 $0xFFFFF800  }
0x9c: {  	_ =	swait.ge [sflag:s14], $0x800  }
0x9d: {  	[sflag:s14] =	ssyncset.done $0x0  }
0x9e: {  	[sflag:s14] =	ssyncadd.s32 $0xFFFFF800  }
0x9f: {  	_ =	swait.ge [sflag:s14], $0x800  }
0xa0: {  	[sflag:s14] =	ssyncset.done $0x0  }
0xa1: {  	[sflag:s14] =	ssyncadd.s32 $0xFFFFF800  }
0xa2: {  	_ =	swait.ge [sflag:s14], $0x800  }
0xa3: {  	[sflag:s14] =	ssyncset.done $0x0  }
0xa4: {  	[sflag:s14] =	ssyncadd.s32 $0xFFFFF800  }
0xa5: {  	_ =	swait.ge [sflag:s14], $0x800  }
0xa6: {  	[sflag:s14] =	ssyncset.done $0x0  }
0xa7: {  	[sflag:s14] =	ssyncadd.s32 $0xFFFFF800  }
0xa8: {  	_ =	swait.ge [sflag:s14], $0x800  }
0xa9: {  	s15 =	sadd.s32 $0x1, s15;
	[sflag:s14] =	ssyncset.done $0x0  }
0xaa: {  	p0 =	sne.s32 s15, s8;
	[sflag:s14] =	ssyncadd.s32 $0xFFFFF800  }
.Ltmp1:
0xab: {  	[bflag:$0x0] =	sbarrier.arrive $0xFFFF;
	(pc) =	sbr.rel @p0 .LBB2_1-.Ltmp1, $4  }
0xac: {  	[hbm:s7], [sflag:s6] =	dma.local [spmem:s10], $0x30E0  }
0xad: {  	_ =	swait.ge [sflag:s11], $0x30E0  }
0xae: {  	[sflag:s11] =	ssyncset.done $0x0  }
0xaf: {  	[sflag:s11] =	ssyncadd.s32 $0xFFFFCF20  }
0xb0: {  	_ =	sfence.sel $0x180000  }
0xb1: {  	[bflag:$0x0] =	sbarrier.arrive $0xFFFF  }
0xb2: {  	p0 =	sne.s32 s0, $0x0;
	_ =	strace $0x9000004D  }
0xb3: {  	s0 =	sadd.s32 @!p0 $0x100000, s1;
	[bflag:$0x2] =	sbarrier.arrive $0xFFFF  }
0xb4: {  	[sflag:s0] =	ssyncadd.tile.s32 @!p0 $0x1;
	_ =	shalt  }
.Lfunc_end2:
_tile_overlayer_lowered:
.L_overlay_start_2:
0xb5: {  	(tag) =	ssettag $0x2  }
0xb6: {  	s0 =	rddreg [dreg:$0x0];
	s2 =	stileid.u32  }
0xb7: {  	s1 =	rddreg [dreg:$0x1];
	p0 =	sne.s32 s2, $0x0  }
0xb8: {  	s3 =	rddreg [dreg:$0x2];
	[bflag:$0x3] =	sbarrier.arrive $0xFFFF;
	s2 =	simm.s32 @!p0 $0x1C03  }
0xb9: {  	[timem:s3], [sflag:s2] =	dma.local @!p0 [hbm:s0], s1  }
0xba: {  	s0 =	simm.s32 @!p0 $0x3  }
0xbb: {  	_ =	swait.ge @!p0 [sflag:s0], s1  }
0xbc: {  	s1 =	ssub.s32 @!p0 $0x0, s1;
	[sflag:s0] =	ssyncset.done @!p0 $0x0  }
0xbd: {  	[sflag:s0] =	ssyncadd.s32 @!p0 s1  }
0xbe: {  	[bflag:$0x3] =	sbarrier.arrive $0xFFFF  }
0xbf: {  	_ =	shalt  }

// kernel: kernel.19.cloned.1.call-start
scs
__scs_entry_jumppad:
0x0: {  	(pc) =	sbr.rel $0x88, $3  }
0x1: {  	(tag) =	ssettag $0x0;
	lr =	simm.s32 $0x1  }
0x2: {  	[smem:$0x3F97] =	sst lr;
	_ =	strace $0xD0000000  }
0x3: {  	_ = 	snop  }
0x4: {  	_ = 	snop  }
0x5: {  	_ = 	snop  }
0x6: {  	_ = 	snop  }
0x7: {  	_ = 	snop  }
__scs_overlays_trampoline_lowered:
0x8: {  	[smem:$0x3FA6] =	sst s0  }
0x9: {  	[smem:$0x3FA7] =	sst s1  }
0xa: {  	[smem:$0x3FA8] =	sst s2  }
0xb: {  	[smem:$0x3FA9] =	sst s3  }
0xc: {  	[smem:$0x3FAA] =	sst s4  }
0xd: {  	[smem:$0x3FAB] =	sst s5  }
0xe: {  	[smem:$0x3FAC] =	sst s6  }
0xf: {  	[smem:$0x3FAD] =	sst s7  }
0x10: {  	[smem:$0x3FAE] =	sst s8  }
0x11: {  	[smem:$0x3FAF] =	sst s9;
	s0 =	simm.s32 @!p0 $0x0  }
0x12: {  	s1 =	sld [smem:$0x3F95];
	s0 =	simm.s32 @p0 $0x1  }
0x13: {  	[smem:$0x3FB0] =	sst s0;
	s0 =	simm.s32 @!p1 $0x0  }
0x14: {  	s2 =	sld [smem:$0x3F94];
	s0 =	simm.s32 @p1 $0x1  }
0x15: {  	[smem:$0x3FB1] =	sst s0;
	s0 =	simm.s32 @!p2 $0x0  }
0x16: {  	s3 =	sld [smem:$0x3FDB];
	s0 =	simm.s32 @p2 $0x1  }
0x17: {  	s4 =	simm.s32 $0x1BF5;
	[smem:$0x3FB3] =	sst s0  }
0x18: {  	s0 =	sld [smem:$0x3F96];
	_ =	swait.ge [sflag:s4], $0x0  }
0x19: {  	s7 =	sld [smem:$0x3F97]  }
0x1a: {  	s8 =	sadd.s32 $0xFFFFE003, lr  }
0x1b: {  	s9 =	sadd.s32 $0xFFFFFEF7, lr;
	s5 =	simm.s32 $0xFFFFFFFF;
	p2 =	slt.u32 s8, $0xFFFFF086  }
0x1c: {  	p1 =	slt.u32 s9, $0xF7A;
	s5 =	simm.s32 @!p2 $0x0  }
0x1d: {  	s5 =	simm.s32 @p1 $0x1;
	p0 =	seq.s32 s7, s2  }
0x1e: {  	s7 =	smul.u32 @!p0 $0xF7A, s2;
	p2 =	seq.s32 @!p0 s5, $0x0  }
0x1f: {  	s9 =	smul.u32 $0xF7A, s1;
	s8 =	simm.s32 @!p0 $0x1BF5;
	p2 =	por !p2, p0  }
0x20: {  	[sflag:s8] =	ssyncset.s32 @!p0 $0xFFFFF086;
	s6 =	sadd.s32 @!p0 s3, s7;
	s7 =	simm.s32 @!p0 $0x108  }
0x21: {  	s3 =	sadd.s32 s3, s9;
	s6 =	sadd.s32 @!p0 $0x88, s6;
	s7 =	simm.s32 @p2 $0x1082  }
0x22: {  	[simem:s7], [sflag:s8] =	dma.local @!p0 [hbm:s6], $0xF7A  }
0x23: {  	s9 =	sor.u32 $0xD0000000, s2;
	s6 =	simm.s32 $0x108;
	_ =	swait.ge @!p0 [sflag:s8], $0x0  }
0x24: {  	s3 =	sadd.s32 $0x88, s3;
	s6 =	simm.s32 @!p1 $0x1082;
	[sflag:s4] =	ssyncset.s32 $0xFFFFF086  }
0x25: {  	[simem:s6], [sflag:s4] =	dma.local [hbm:s3], $0xF7A  }
0x26: {  	[smem:$0x3F97] =	sst s1;
	(tag) =	ssettag s2;
	_ =	strace s9  }
0x27: {  	s1 =	sld [smem:$0x3FA7]  }
0x28: {  	s2 =	sld [smem:$0x3FA8]  }
0x29: {  	s4 =	sld [smem:$0x3FAA]  }
0x2a: {  	p0 =	seq.s32 s5, $0x0;
	s5 =	sld [smem:$0x3FAB]  }
0x2b: {  	s6 =	sld [smem:$0x3FAC]  }
0x2c: {  	s7 =	sld [smem:$0x3FAD]  }
0x2d: {  	s3 =	simm.s32 $0x108;
	s8 =	sld [smem:$0x3FAE]  }
0x2e: {  	s3 =	simm.s32 @!p0 $0x1082;
	s9 =	sld [smem:$0x3FAF]  }
0x2f: {  	lr =	sadd.s32 s0, s3;
	s0 =	sld [smem:$0x3FA6]  }
0x30: {  	s3 =	sld [smem:$0x3FA9]  }
0x31: {  	[smem:$0x3FB2] =	sst s10  }
0x32: {  	s10 =	sld [smem:$0x3FB0];
	_ =	sdelay $0x3  }
0x33: {  	p0 =	seq.s32 s10, $0x1;
	s10 =	sld [smem:$0x3FB2];
	_ =	sdelay $0x3  }
0x34: {  	[smem:$0x3FB2] =	sst s10  }
0x35: {  	s10 =	sld [smem:$0x3FB1];
	_ =	sdelay $0x3  }
0x36: {  	p1 =	seq.s32 s10, $0x1;
	s10 =	sld [smem:$0x3FB2];
	_ =	sdelay $0x3  }
0x37: {  	[smem:$0x3FB2] =	sst s10  }
0x38: {  	s10 =	sld [smem:$0x3FB3]  }
0x39: {  	_ = 	snop;
	(pc) =	sbr.ind lr, $3  }
0x3a: {  	_ = 	snop  }
0x3b: {  	_ = 	snop  }
0x3c: {  	p2 =	seq.s32 s10, $0x1;
	s10 =	sld [smem:$0x3FB2]  }
0x3d: {  	_ =	shalt  }
0x3e: {  	_ =	shalt  }
0x3f: {  	_ =	shalt  }
0x40: {  	_ =	shalt  }
0x41: {  	_ =	shalt  }
0x42: {  	_ =	shalt  }
0x43: {  	_ =	shalt  }
0x44: {  	_ =	shalt  }
0x45: {  	_ =	shalt  }
0x46: {  	_ =	shalt  }
0x47: {  	_ =	shalt  }
0x48: {  	_ =	shalt  }
0x49: {  	_ =	shalt  }
0x4a: {  	_ =	shalt  }
0x4b: {  	_ =	shalt  }
0x4c: {  	_ =	shalt  }
0x4d: {  	_ =	shalt  }
0x4e: {  	_ =	shalt  }
0x4f: {  	_ =	shalt  }
0x50: {  	_ =	shalt  }
0x51: {  	_ =	shalt  }
0x52: {  	_ =	shalt  }
0x53: {  	_ =	shalt  }
0x54: {  	_ =	shalt  }
0x55: {  	_ =	shalt  }
0x56: {  	_ =	shalt  }
0x57: {  	_ =	shalt  }
0x58: {  	_ =	shalt  }
0x59: {  	_ =	shalt  }
0x5a: {  	_ =	shalt  }
0x5b: {  	_ =	shalt  }
0x5c: {  	_ =	shalt  }
0x5d: {  	_ =	shalt  }
0x5e: {  	_ =	shalt  }
0x5f: {  	_ =	shalt  }
0x60: {  	_ =	shalt  }
0x61: {  	_ =	shalt  }
0x62: {  	_ =	shalt  }
0x63: {  	_ =	shalt  }
0x64: {  	_ =	shalt  }
0x65: {  	_ =	shalt  }
0x66: {  	_ =	shalt  }
0x67: {  	_ =	shalt  }
0x68: {  	_ =	shalt  }
0x69: {  	_ =	shalt  }
0x6a: {  	_ =	shalt  }
0x6b: {  	_ =	shalt  }
0x6c: {  	_ =	shalt  }
0x6d: {  	_ =	shalt  }
0x6e: {  	_ =	shalt  }
0x6f: {  	_ =	shalt  }
0x70: {  	_ =	shalt  }
0x71: {  	_ =	shalt  }
0x72: {  	_ =	shalt  }
0x73: {  	_ =	shalt  }
0x74: {  	_ =	shalt  }
0x75: {  	_ =	shalt  }
0x76: {  	_ =	shalt  }
0x77: {  	_ =	shalt  }
0x78: {  	_ =	shalt  }
0x79: {  	_ =	shalt  }
0x7a: {  	_ =	shalt  }
0x7b: {  	_ =	shalt  }
0x7c: {  	_ =	shalt  }
0x7d: {  	_ =	shalt  }
0x7e: {  	_ =	shalt  }
0x7f: {  	_ =	shalt  }
0x80: {  	_ =	shalt  }
0x81: {  	_ =	shalt  }
0x82: {  	_ =	shalt  }
0x83: {  	_ =	shalt  }
0x84: {  	_ =	shalt  }
0x85: {  	_ =	shalt  }
0x86: {  	_ =	shalt  }
0x87: {  	_ =	shalt  }
.Lfunc_end0:
.L_simem_size_0:
called_computation.3_lowered:
.L_overlay_start_0:
0x88: {  	s2 =	sld [smem:$0x3FD9]  }
0x89: {  	s3 =	sld [smem:$0x3FFE];
	_ =	sdelay $0x1  }
0x8a: {  	s1 =	srdreg.scid  }
0x8b: {  	s0 =	sand.u32 $0x1, s1  }
0x8c: {  	s16 =	sshll.u32 s0, $0xA;
	s2 =	sadd.s32 s3, s2  }
0x8d: {  	s2 =	sadd.s32 s2, s16  }
0x8e: {  	[smem:$0x3FBE] =	sst s2  }
0x8f: {  	_ = 	snop  }
0x90: {  	(tm) =	ssettm $0x1  }
0x91: {  	s17 =	sld [smem:$0x3FFB];
	_ =	sdelay $0x3  }
0x92: {  	_ =	strace s17  }
0x93: {  	s2 =	sld [smem:$0x3FFC];
	_ =	sdelay $0x3  }
0x94: {  	_ =	strace s2  }
0x95: {  	s2 =	sld [smem:$0x3FFD];
	_ =	sdelay $0x3  }
0x96: {  	_ =	strace s2  }
0x97: {  	_ =	strace $0x8FFFFFFF  }
0x98: {  	s18 =	sld [smem:$0x3FDB];
	_ =	sdelay $0x1  }
0x99: {  	s19 =	simm.s32 $_scs_section_size  }
0x9a: {  	s4 =	simm.s32 $_size__tile_overlayer_lowered;
	s5 =	simm.s32 $_tile_overlayer_lowered  }
0x9b: {  	s22 =	simm.s32 $0x1BFF;
	s21 =	sshll.u32 s5, $0x1;
	s2 =	sadd.s32 s19, s18  }
0x9c: {  	s6 =	simm.s32 $0x0;
	s20 =	sshll.u32 s4, $0x1;
	s4 =	sadd.s32 s21, s2  }
0x9d: {  	[timem:s6], [sflag:s22] =	dma.local [hbm:s4], s20  }
0x9e: {  	_ =	swait.ge [sflag:s22], s20  }
0x9f: {  	s3 =	ssub.s32 $0x0, s20;
	[sflag:s22] =	ssyncset.done $0x0  }
0xa0: {  	[sflag:s22] =	ssyncadd.s32 s3;
	_ =	sdelay $0x1  }
0xa1: {  	s23 =	simm.s32 $0x1B8B  }
0xa2: {  	_ =	swait.ge [sflag:s23], $0x1  }
0xa3: {  	[sflag:s23] =	ssyncset.done $0x0  }
0xa4: {  	s25 =	simm.s32 $0x1B8E;
	s24 =	sld [smem:$0x3FFE];
	[sflag:s23] =	ssyncadd.s32 $0xFFFFFFFF  }
0xa5: {  	s26 =	simm.s32 $execute0_lowered;
	[smem:$0x3FD2] =	sst s25  }
0xa6: {  	s4 =	sshll.u32 s26, $0x1;
	_ =	strace $0x8000004F;
	[dreg:$0x1] =	wrdreg $0xFFFFFFFF  }
0xa7: {  	s28 =	simm.s32 $_size_execute0_lowered;
	s2 =	sadd.s32 s2, s4;
	[dreg:$0x0] =	wrdreg $0x0  }
0xa8: {  	s4 =	sshll.u32 s28, $0x1;
	[dreg:$0x2] =	wrdreg s2  }
0xa9: {  	[dreg:$0x3] =	wrdreg s4  }
0xaa: {  	[dreg:$0x4] =	wrdreg $0xC0  }
0xab: {  	_ =	task [dreg:s6], $0x5FFFF  }
0xac: {  	[dreg:$0x1] =	wrdreg $0xFFFFFFFF  }
0xad: {  	[dreg:$0x0] =	wrdreg $0x60  }
0xae: {  	[dreg:$0x2] =	wrdreg s24  }
0xaf: {  	[dreg:$0x3] =	wrdreg $0x48000  }
0xb0: {  	[dreg:$0x4] =	wrdreg $0x9  }
0xb1: {  	_ =	task.clear_ibuf [dreg:s6], $0x5FFFF;
	_ =	strace $0x9000004F  }
0xb2: {  	s29 =	simm.s32 $0x9;
	_ =	strace $0x80000051  }
0xb3: {  	_ =	swait.ge [sflag:s29], $0x1  }
0xb4: {  	[sflag:s29] =	ssyncadd.s32 $0xFFFFFFFF  }
0xb5: {  	_ =	strace $0x90000051  }
0xb6: {  	_ =	sfence  }
0xb7: {  	s30 =	sld [smem:$0x0];
	_ =	sdelay $0x2  }
0xb8: {  	s31 =	sshll.u32 s1, $0xD;
	s1 =	sshrl.u32 s1, $0x2  }
0xb9: {  	s3 =	sand.u32 $0x4000, s31;
	s1 =	sadd.s32 s1, s30  }
0xba: {  	s0 =	sor.u32 s3, s0;
	s1 =	sshll.u32 s1, $0x11  }
0xbb: {  	s0 =	sor.u32 s1, s0  }
0xbc: {  	s0 =	sadd.s32 $0x8F2B, s0  }
0xbd: {  	[sflag:s0] =	ssyncadd.remote.s32 $0x1  }
0xbe: {  	_ =	sfence.sel $0xFFFF  }
0xbf: {  	[dreg:$0x0] =	wrdreg $0xFFFFFFFF;
	(pc) =	sbr.abs _section_cstart, $3  }
0xc0: {  	[dreg:$0x1] =	wrdreg $0xFFFFFFFF  }
0xc1: {  	_ =	task.clear_ibuf [dreg:s6], $0x2FFFF;
	_ =	strace $0x9FFFFFFF  }
0xc2: {  	(tm) =	ssettm $0x7FFFFFFF  }
0xc3: {  	_ =	shalt  }
tec
execute0_lowered:
.L_overlay_start_1:
0x0: {  	(tag) =	ssettag $0x1  }
0x1: {  	s0 =	srdreg.scid;
	s6 =	rddreg [dreg:$0x0]  }
0x2: {  	s2 =	rddreg [dreg:$0x1];
	s7 =	sand.u32 $0x1, s0  }
0x3: {  	s0 =	stileid.u32;
	s4 =	smul.u32 $0x310000, s7  }
0x4: {  	s1 =	rddreg [dreg:$0x2];
	s3 =	simm.s32 $0x0;
	s5 =	smul.u32 $0x31000, s0  }
0x5: {  	s14 =	simm.s32 $0x2;
	s15 =	simm.s32 $0x0;
	s8 =	smul.u32 $0x18700, s0  }
0x6: {  	[smem:$0x7FF] =	sst s3;
	s30 =	smul.u32 $0x187000, s7;
	s7 =	ssub.s32 $0x2, s7  }
0x7: {  	_ =	strace $0x80000050;
	s11 =	sshll.u32 s0, $0x6;
	s31 =	sshrl.u32 s7, $0x1  }
0x8: {  	s4 =	sadd.s32 s5, s4;
	s10 =	sadd.s32 s8, s30;
	s5 =	sadd.s32 $0x1BD600, s6  }
0x9: {  	s12 =	ssub.s32 s7, s31;
	s13 =	sadd.s32 s8, s2;
	s4 =	sshrl.u32 s4, $0x3  }
0xa: {  	s10 =	sshrl.u32 s10, $0x3;
	s8 =	smax.u32 s12, $0x1;
	s12 =	simm.s32 $0x80  }
0xb: {  	s9 =	sadd.s32 s4, s6;
	s4 =	sadd.s32 $0x5E00, s6;
	s10 =	sadd.s32 s10, s6  }
0xc: {  	s6 =	sor.u32 $0x1C03, s11;
	s11 =	simm.s32 $0x3;
	s7 =	sadd.s32 $0x67A00, s10  }
0xd: {  	s9 =	sadd.s32 $0x1C0800, s9;
	s10 =	sshrl.u32 s13, $0x3;
	s13 =	simm.s32 $0x1  }
.LBB2_1:
0xe: {  	[spmem:s10], [sflag:s6] =	dma.local [hbm:s5], $0x30E0  }
0xf: {  	_ =	swait.ge [sflag:s11], $0x30E0  }
0x10: {  	p0 =	por $0x1, $0x1;
	[sflag:s11] =	ssyncset.done $0x0  }
0x11: {  	p0 =	por p0, p0;
	[sflag:s11] =	ssyncadd.s32 $0xFFFFCF20  }
0x12: {  	s16 =	simm.s32 @!p0 $0x2;
	[bflag:$0x0] =	sbarrier.arrive $0xFFFF  }
0x13: {  	_ =	swait.ge @!p0 [sflag:s16], $0x800  }
0x14: {  	[sflag:s16] =	ssyncset.done @!p0 $0x0  }
0x15: {  	[sflag:s16] =	ssyncadd.s32 @!p0 $0xFFFFF800  }
0x16: {  	_ =	swait.ge @!p0 [sflag:s16], $0x800  }
0x17: {  	[sflag:s16] =	ssyncset.done @!p0 $0x0  }
0x18: {  	[sflag:s16] =	ssyncadd.s32 @!p0 $0xFFFFF800  }
0x19: {  	_ =	swait.ge @!p0 [sflag:s16], $0x800  }
0x1a: {  	[sflag:s16] =	ssyncset.done @!p0 $0x0  }
0x1b: {  	[sflag:s16] =	ssyncadd.s32 @!p0 $0xFFFFF800  }
0x1c: {  	_ =	swait.ge @!p0 [sflag:s16], $0x800  }
0x1d: {  	s17 =	sand.u32 $0x1, s3;
	[sflag:s16] =	ssyncset.done @!p0 $0x0  }
0x1e: {  	s25 =	sshll.u32 s17, $0xA;
	[sflag:s16] =	ssyncadd.s32 @!p0 $0xFFFFF800  }
0x1f: {  	[tilespmem:s25], [sflag:$0x3] =	stream.linear.gather [hbm4b:s9+s3], $0x400, $0x38;
	[tilespmem:$0x1CF00] =	vst v63  }
0x20: {  	_ =	swait.ge [sflag:s11], $0x400  }
0x21: {  	s17 =	sshll.u32 s17, $0xD;
	[sflag:s11] =	ssyncset.done $0x0  }
0x22: {  	s18 =	sor.u32 $0x800, s17;
	[sflag:s11] =	ssyncadd.s32 $0xFFFFFC00  }
0x23: {  	[tilespmem:s18], [sflag:$0x1] =	stream.indirect.gather [hbm4b:s4+s12], $0x10, s25, s12, $0xb8;
	[tilespmem:$0x1CF00] =	vst v63  }
0x24: {  	s20 =	sor.u32 $0x1000, s17;
	s19 =	sor.u32 $0x100, s25  }
0x25: {  	[tilespmem:s20], [sflag:$0x1] =	stream.indirect.gather [hbm4b:s4+s12], $0x10, s19, s12, $0xb8;
	[tilespmem:$0x1CF00] =	vst v63  }
0x26: {  	s21 =	sor.u32 $0x1800, s17;
	s26 =	sor.u32 $0x200, s25  }
0x27: {  	[tilespmem:s21], [sflag:$0x1] =	stream.indirect.gather [hbm4b:s4+s12], $0x10, s26, s12, $0xb8;
	[tilespmem:$0x1CF00] =	vst v63  }
0x28: {  	s28 =	sor.u32 $0x300, s25;
	s19 =	sadd.s32 $0x2000, s17  }
0x29: {  	[tilespmem:s19], [sflag:$0x1] =	stream.indirect.gather [hbm4b:s4+s12], $0x10, s28, s12, $0xb8;
	[tilespmem:$0x1CF00] =	vst v63  }
0x2a: {  	_ =	swait.ge [sflag:s13], $0x800  }
0x2b: {  	[sflag:s13] =	ssyncset.done $0x0  }
0x2c: {  	[sflag:s13] =	ssyncadd.s32 $0xFFFFF800  }
0x2d: {  	_ =	swait.ge [sflag:s13], $0x800  }
0x2e: {  	[sflag:s13] =	ssyncset.done $0x0  }
0x2f: {  	[sflag:s13] =	ssyncadd.s32 $0xFFFFF800  }
0x30: {  	_ =	swait.ge [sflag:s13], $0x800  }
0x31: {  	[sflag:s13] =	ssyncset.done $0x0  }
0x32: {  	[sflag:s13] =	ssyncadd.s32 $0xFFFFF800  }
0x33: {  	_ =	swait.ge [sflag:s13], $0x800  }
0x34: {  	p6 =	por $0x1, $0x1;
	[sflag:s13] =	ssyncset.done $0x0  }
0x35: {  	s29 =	sor.u32 $0x80, s25;
	s30 =	sor.u32 $0x180, s25;
	[sflag:s13] =	ssyncadd.s32 $0xFFFFF800  }
0x36: {  	[spmem:s2] =	stream.indirect.scatter.add.f32 [tilespmem:s18], [sflag:$0x2], $0x10, s29, s12, $0xb8;
	[tilespmem:$0x1CF00] =	vst v63  }
0x37: {  	s31 =	sor.u32 $0x280, s25;
	p0 =	por p6, p6;
	s16 =	sadd.s32 $0x80, s9  }
0x38: {  	[spmem:s2] =	stream.indirect.scatter.add.f32 [tilespmem:s20], [sflag:$0x2], $0x10, s30, s12, $0xb8;
	[tilespmem:$0x1CF00] =	vst v63  }
0x39: {  	s17 =	simm.s32 $0x1;
	s18 =	simm.s32 $0x2;
	s20 =	sor.u32 $0x380, s25  }
0x3a: {  	[spmem:s2] =	stream.indirect.scatter.add.f32 [tilespmem:s21], [sflag:$0x2], $0x10, s31, s12, $0xb8;
	[tilespmem:$0x1CF00] =	vst v63  }
.LBB2_2:
0x3b: {  	[spmem:s2] =	stream.indirect.scatter.add.f32 [tilespmem:s19], [sflag:$0x2], $0x10, s20, s12, $0xb8;
	[tilespmem:$0x1CF00] =	vst v63  }
0x3c: {  	s19 =	smov.u32 s18  }
0x3d: {  	s18 =	sadd.s32 $0x1, s18;
	s20 =	simm.s32 @!p0 $0x2;
	p2 =	slt.u32 s19, $0x2  }
0x3e: {  	p1 =	sne.s32 s18, $0xC4;
	_ =	swait.ge @!p0 [sflag:s20], $0x800  }
0x3f: {  	[sflag:s20] =	ssyncset.done @!p0 $0x0  }
0x40: {  	[sflag:s20] =	ssyncadd.s32 @!p0 $0xFFFFF800  }
0x41: {  	_ =	swait.ge @!p0 [sflag:s20], $0x800  }
0x42: {  	[sflag:s20] =	ssyncset.done @!p0 $0x0  }
0x43: {  	[sflag:s20] =	ssyncadd.s32 @!p0 $0xFFFFF800  }
0x44: {  	_ =	swait.ge @!p0 [sflag:s20], $0x800  }
0x45: {  	[sflag:s20] =	ssyncset.done @!p0 $0x0  }
0x46: {  	[sflag:s20] =	ssyncadd.s32 @!p0 $0xFFFFF800  }
0x47: {  	_ =	swait.ge @!p0 [sflag:s20], $0x800  }
0x48: {  	s21 =	sand.u32 $0x1, s17;
	s17 =	smov.u32 s19;
	[sflag:s20] =	ssyncset.done @!p0 $0x0  }
0x49: {  	s19 =	sshll.u32 s21, $0xD;
	[sflag:s20] =	ssyncadd.s32 @!p0 $0xFFFFF800;
	s20 =	sshll.u32 s21, $0xA  }
0x4a: {  	[tilespmem:s20], [sflag:$0x3] =	stream.linear.gather [hbm4b:s16+s3], $0x400, $0x38;
	[tilespmem:$0x1CF00] =	vst v63  }
0x4b: {  	p0 =	por p2, p2;
	_ =	swait.ge [sflag:s11], $0x400  }
0x4c: {  	[sflag:s11] =	ssyncset.done $0x0  }
0x4d: {  	s21 =	sor.u32 $0x800, s19;
	[sflag:s11] =	ssyncadd.s32 $0xFFFFFC00  }
0x4e: {  	[tilespmem:s21], [sflag:$0x1] =	stream.indirect.gather [hbm4b:s4+s12], $0x10, s20, s12, $0xb8;
	[tilespmem:$0x1CF00] =	vst v63  }
0x4f: {  	s22 =	sor.u32 $0x1000, s19;
	s23 =	sor.u32 $0x100, s20  }
0x50: {  	[tilespmem:s22], [sflag:$0x1] =	stream.indirect.gather [hbm4b:s4+s12], $0x10, s23, s12, $0xb8;
	[tilespmem:$0x1CF00] =	vst v63  }
0x51: {  	s24 =	sor.u32 $0x200, s20;
	s23 =	sor.u32 $0x1800, s19  }
0x52: {  	[tilespmem:s23], [sflag:$0x1] =	stream.indirect.gather [hbm4b:s4+s12], $0x10, s24, s12, $0xb8;
	[tilespmem:$0x1CF00] =	vst v63  }
0x53: {  	s19 =	sadd.s32 $0x2000, s19;
	s24 =	sor.u32 $0x300, s20  }
0x54: {  	[tilespmem:s19], [sflag:$0x1] =	stream.indirect.gather [hbm4b:s4+s12], $0x10, s24, s12, $0xb8;
	[tilespmem:$0x1CF00] =	vst v63  }
0x55: {  	_ =	swait.ge [sflag:s13], $0x800  }
0x56: {  	[sflag:s13] =	ssyncset.done $0x0  }
0x57: {  	[sflag:s13] =	ssyncadd.s32 $0xFFFFF800  }
0x58: {  	_ =	swait.ge [sflag:s13], $0x800  }
0x59: {  	[sflag:s13] =	ssyncset.done $0x0  }
0x5a: {  	[sflag:s13] =	ssyncadd.s32 $0xFFFFF800  }
0x5b: {  	_ =	swait.ge [sflag:s13], $0x800  }
0x5c: {  	[sflag:s13] =	ssyncset.done $0x0  }
0x5d: {  	[sflag:s13] =	ssyncadd.s32 $0xFFFFF800  }
0x5e: {  	_ =	swait.ge [sflag:s13], $0x800  }
0x5f: {  	[sflag:s13] =	ssyncset.done $0x0  }
0x60: {  	s24 =	sor.u32 $0x80, s20;
	[sflag:s13] =	ssyncadd.s32 $0xFFFFF800  }
0x61: {  	[spmem:s2] =	stream.indirect.scatter.add.f32 [tilespmem:s21], [sflag:$0x2], $0x10, s24, s12, $0xb8;
	[tilespmem:$0x1CF00] =	vst v63  }
.Ltmp0:
0x62: {  	s21 =	sor.u32 $0x180, s20;
	(pc) =	sbr.rel @p1 .LBB2_2-.Ltmp0, $4  }
0x63: {  	[spmem:s2] =	stream.indirect.scatter.add.f32 [tilespmem:s22], [sflag:$0x2], $0x10, s21, s12, $0xb8;
	[tilespmem:$0x1CF00] =	vst v63  }
0x64: {  	s21 =	sor.u32 $0x280, s20  }
0x65: {  	[spmem:s2] =	stream.indirect.scatter.add.f32 [tilespmem:s23], [sflag:$0x2], $0x10, s21, s12, $0xb8;
	[tilespmem:$0x1CF00] =	vst v63  }
0x66: {  	s16 =	sadd.s32 $0x80, s16;
	s20 =	sor.u32 $0x380, s20  }
0x67: {  	[spmem:s2] =	stream.indirect.scatter.add.f32 [tilespmem:s19], [sflag:$0x2], $0x10, s20, s12, $0xb8;
	[tilespmem:$0x1CF00] =	vst v63  }
0x68: {  	s18 =	simm.s32 @!p0 $0x2  }
0x69: {  	_ =	swait.ge @!p0 [sflag:s18], $0x800  }
0x6a: {  	[sflag:s18] =	ssyncset.done @!p0 $0x0  }
0x6b: {  	[sflag:s18] =	ssyncadd.s32 @!p0 $0xFFFFF800  }
0x6c: {  	_ =	swait.ge @!p0 [sflag:s18], $0x800  }
0x6d: {  	[sflag:s18] =	ssyncset.done @!p0 $0x0  }
0x6e: {  	[sflag:s18] =	ssyncadd.s32 @!p0 $0xFFFFF800  }
0x6f: {  	_ =	swait.ge @!p0 [sflag:s18], $0x800  }
0x70: {  	[sflag:s18] =	ssyncset.done @!p0 $0x0  }
0x71: {  	[sflag:s18] =	ssyncadd.s32 @!p0 $0xFFFFF800  }
0x72: {  	_ =	swait.ge @!p0 [sflag:s18], $0x800  }
0x73: {  	s17 =	sand.u32 $0x1, s17;
	[sflag:s18] =	ssyncset.done @!p0 $0x0  }
0x74: {  	s31 =	sshll.u32 s17, $0xA;
	[sflag:s18] =	ssyncadd.s32 @!p0 $0xFFFFF800  }
0x75: {  	[tilespmem:s31], [sflag:$0x3] =	stream.linear.gather [hbm4b:s16+s3], $0x400, $0x38;
	[tilespmem:$0x1CF00] =	vst v63  }
0x76: {  	_ =	swait.ge [sflag:s11], $0x400  }
0x77: {  	s22 =	sshll.u32 s17, $0xD;
	[sflag:s11] =	ssyncset.done $0x0  }
0x78: {  	s17 =	sor.u32 $0x800, s22;
	[sflag:s11] =	ssyncadd.s32 $0xFFFFFC00  }
0x79: {  	[tilespmem:s17], [sflag:$0x1] =	stream.indirect.gather [hbm4b:s4+s12], $0x10, s31, s12, $0xb8;
	[tilespmem:$0x1CF00] =	vst v63  }
0x7a: {  	s23 =	sor.u32 $0x1000, s22;
	s24 =	sor.u32 $0x100, s31  }
0x7b: {  	[tilespmem:s23], [sflag:$0x1] =	stream.indirect.gather [hbm4b:s4+s12], $0x10, s24, s12, $0xb8;
	[tilespmem:$0x1CF00] =	vst v63  }
0x7c: {  	s25 =	sor.u32 $0x1800, s22;
	s21 =	sor.u32 $0x200, s31  }
0x7d: {  	[tilespmem:s25], [sflag:$0x1] =	stream.indirect.gather [hbm4b:s4+s12], $0x10, s21, s12, $0xb8;
	[tilespmem:$0x1CF00] =	vst v63  }
0x7e: {  	s26 =	sor.u32 $0x300, s31;
	s16 =	sadd.s32 $0x2000, s22  }
0x7f: {  	[tilespmem:s16], [sflag:$0x1] =	stream.indirect.gather [hbm4b:s4+s12], $0x10, s26, s12, $0xb8;
	[tilespmem:$0x1CF00] =	vst v63  }
0x80: {  	_ =	swait.ge [sflag:s13], $0x800  }
0x81: {  	[sflag:s13] =	ssyncset.done $0x0  }
0x82: {  	[sflag:s13] =	ssyncadd.s32 $0xFFFFF800  }
0x83: {  	_ =	swait.ge [sflag:s13], $0x800  }
0x84: {  	[sflag:s13] =	ssyncset.done $0x0  }
0x85: {  	[sflag:s13] =	ssyncadd.s32 $0xFFFFF800  }
0x86: {  	_ =	swait.ge [sflag:s13], $0x800  }
0x87: {  	[sflag:s13] =	ssyncset.done $0x0  }
0x88: {  	[sflag:s13] =	ssyncadd.s32 $0xFFFFF800  }
0x89: {  	_ =	swait.ge [sflag:s13], $0x800  }
0x8a: {  	[sflag:s13] =	ssyncset.done $0x0  }
0x8b: {  	s28 =	sor.u32 $0x80, s31;
	[sflag:s13] =	ssyncadd.s32 $0xFFFFF800  }
0x8c: {  	[spmem:s2] =	stream.indirect.scatter.add.f32 [tilespmem:s17], [sflag:$0x2], $0x10, s28, s12, $0xb8;
	[tilespmem:$0x1CF00] =	vst v63  }
0x8d: {  	s29 =	sor.u32 $0x180, s31  }
0x8e: {  	[spmem:s2] =	stream.indirect.scatter.add.f32 [tilespmem:s23], [sflag:$0x2], $0x10, s29, s12, $0xb8;
	[tilespmem:$0x1CF00] =	vst v63  }
0x8f: {  	s30 =	sor.u32 $0x280, s31  }
0x90: {  	[spmem:s2] =	stream.indirect.scatter.add.f32 [tilespmem:s25], [sflag:$0x2], $0x10, s30, s12, $0xb8;
	[tilespmem:$0x1CF00] =	vst v63  }
0x91: {  	s31 =	sor.u32 $0x380, s31  }
0x92: {  	[spmem:s2] =	stream.indirect.scatter.add.f32 [tilespmem:s16], [sflag:$0x2], $0x10, s31, s12, $0xb8;
	[tilespmem:$0x1CF00] =	vst v63  }
0x93: {  	_ =	swait.ge [sflag:s14], $0x800  }
0x94: {  	[sflag:s14] =	ssyncset.done $0x0  }
0x95: {  	[sflag:s14] =	ssyncadd.s32 $0xFFFFF800  }
0x96: {  	_ =	swait.ge [sflag:s14], $0x800  }
0x97: {  	[sflag:s14] =	ssyncset.done $0x0  }
0x98: {  	[sflag:s14] =	ssyncadd.s32 $0xFFFFF800  }
0x99: {  	_ =	swait.ge [sflag:s14], $0x800  }
0x9a: {  	[sflag:s14] =	ssyncset.done $0x0  }
0x9b: {  	[sflag:s14] =	ssyncadd.s32 $0xFFFFF800  }
0x9c: {  	_ =	swait.ge [sflag:s14], $0x800  }
0x9d: {  	[sflag:s14] =	ssyncset.done $0x0  }
0x9e: {  	[sflag:s14] =	ssyncadd.s32 $0xFFFFF800  }
0x9f: {  	_ =	swait.ge [sflag:s14], $0x800  }
0xa0: {  	[sflag:s14] =	ssyncset.done $0x0  }
0xa1: {  	[sflag:s14] =	ssyncadd.s32 $0xFFFFF800  }
0xa2: {  	_ =	swait.ge [sflag:s14], $0x800  }
0xa3: {  	[sflag:s14] =	ssyncset.done $0x0  }
0xa4: {  	[sflag:s14] =	ssyncadd.s32 $0xFFFFF800  }
0xa5: {  	_ =	swait.ge [sflag:s14], $0x800  }
0xa6: {  	[sflag:s14] =	ssyncset.done $0x0  }
0xa7: {  	[sflag:s14] =	ssyncadd.s32 $0xFFFFF800  }
0xa8: {  	_ =	swait.ge [sflag:s14], $0x800  }
0xa9: {  	s15 =	sadd.s32 $0x1, s15;
	[sflag:s14] =	ssyncset.done $0x0  }
0xaa: {  	p0 =	sne.s32 s15, s8;
	[sflag:s14] =	ssyncadd.s32 $0xFFFFF800  }
.Ltmp1:
0xab: {  	[bflag:$0x0] =	sbarrier.arrive $0xFFFF;
	(pc) =	sbr.rel @p0 .LBB2_1-.Ltmp1, $4  }
0xac: {  	[hbm:s7], [sflag:s6] =	dma.local [spmem:s10], $0x30E0  }
0xad: {  	_ =	swait.ge [sflag:s11], $0x30E0  }
0xae: {  	[sflag:s11] =	ssyncset.done $0x0  }
0xaf: {  	[sflag:s11] =	ssyncadd.s32 $0xFFFFCF20  }
0xb0: {  	_ =	sfence.sel $0x180000  }
0xb1: {  	[bflag:$0x0] =	sbarrier.arrive $0xFFFF  }
0xb2: {  	p0 =	sne.s32 s0, $0x0;
	_ =	strace $0x90000050  }
0xb3: {  	s0 =	sadd.s32 @!p0 $0x100000, s1;
	[bflag:$0x2] =	sbarrier.arrive $0xFFFF  }
0xb4: {  	[sflag:s0] =	ssyncadd.tile.s32 @!p0 $0x1;
	_ =	shalt  }
.Lfunc_end2:
_tile_overlayer_lowered:
.L_overlay_start_2:
0xb5: {  	(tag) =	ssettag $0x2  }
0xb6: {  	s0 =	rddreg [dreg:$0x0];
	s2 =	stileid.u32  }
0xb7: {  	s1 =	rddreg [dreg:$0x1];
	p0 =	sne.s32 s2, $0x0  }
0xb8: {  	s3 =	rddreg [dreg:$0x2];
	[bflag:$0x3] =	sbarrier.arrive $0xFFFF;
	s2 =	simm.s32 @!p0 $0x1C03  }
0xb9: {  	[timem:s3], [sflag:s2] =	dma.local @!p0 [hbm:s0], s1  }
0xba: {  	s0 =	simm.s32 @!p0 $0x3  }
0xbb: {  	_ =	swait.ge @!p0 [sflag:s0], s1  }
0xbc: {  	s1 =	ssub.s32 @!p0 $0x0, s1;
	[sflag:s0] =	ssyncset.done @!p0 $0x0  }
0xbd: {  	[sflag:s0] =	ssyncadd.s32 @!p0 s1  }
0xbe: {  	[bflag:$0x3] =	sbarrier.arrive $0xFFFF  }
0xbf: {  	_ =	shalt  }

</sc_bundles>
